<compile_context>
chip_gen: v7x
topology: tpu7x:2x2x1
jax: 0.10.2.dev20260603
libtpu: 0.0.44.dev20260713+nightly
codegen_flags: <defaults>
</compile_context>

<pallas_src>
import functools

import jax
import jax.numpy as jnp
from jax import lax
from jax.experimental import pallas as pl
from jax.experimental.pallas import tpu as pltpu
from jax.experimental.pallas import tpu_sc as plsc

NU = 25000
NI = 25000
K = 64
KH = 32
NE = 400000
BATCH = 16384

NC = 2
NS = 16
EPW = NE // NS
CH = 1000
NCH = EPW // CH
RPW = 1568
NPH = RPW * NS
NP = 2 * NPH
PR = NP * KH // 128

BPW = BATCH // (NC * NS)

_MESH = plsc.VectorSubcoreMesh(core_axis_name="c", subcore_axis_name="s")
_SC_PARAMS = pltpu.CompilerParams(use_tc_tiling_on_sc=False)


def _spmv_body(src_hbm, dst_hbm, xa_hbm, xb_hbm, zero_hbm, sa_hbm, sb_hbm,
               sidx, didx, rows2, s_sh, gsem2, ssem2, isem3):
    c = lax.axis_index("c")
    t = lax.axis_index("s")
    rbase = t * RPW
    ebase = c * NE + t * EPW

    def idx_load(g, slot):
        pltpu.async_copy(src_hbm.at[pl.ds(ebase + g * CH, CH)],
                         sidx.at[slot], isem3.at[slot])
        pltpu.async_copy(dst_hbm.at[pl.ds(ebase + g * CH, CH)],
                         didx.at[slot], isem3.at[slot])

    def idx_wait(g, slot):
        pltpu.make_async_copy(src_hbm.at[pl.ds(ebase + g * CH, CH)],
                              sidx.at[slot], isem3.at[slot]).wait()
        pltpu.make_async_copy(dst_hbm.at[pl.ds(ebase + g * CH, CH)],
                              didx.at[slot], isem3.at[slot]).wait()

    for xh_hbm, out_hbm in ((xa_hbm, sa_hbm), (xb_hbm, sb_hbm)):
        pltpu.sync_copy(zero_hbm, s_sh.at[pl.ds(rbase, RPW)])
        plsc.subcore_barrier()

        idx_load(0, 0)
        idx_load(1, 1)
        idx_wait(0, 0)
        pltpu.async_copy(xh_hbm.at[sidx.at[0]], rows2.at[0], gsem2.at[0])

        def chunk(g, carry):
            p = lax.rem(g, 2)
            pn = 1 - p
            r = lax.rem(g, 3)

            @pl.when(g >= 1)
            def _():
                pltpu.make_async_copy(rows2.at[pn],
                                      s_sh.at[didx.at[lax.rem(g + 2, 3)]],
                                      ssem2.at[pn]).wait()

            @pl.when(g + 1 < NCH)
            def _():
                rn = lax.rem(g + 1, 3)
                idx_wait(g + 1, rn)
                pltpu.async_copy(xh_hbm.at[sidx.at[rn]], rows2.at[pn],
                                 gsem2.at[pn])

                @pl.when(g + 2 < NCH)
                def _():
                    idx_load(g + 2, lax.rem(g + 2, 3))

            pltpu.make_async_copy(xh_hbm.at[sidx.at[r]], rows2.at[p],
                                  gsem2.at[p]).wait()
            pltpu.async_copy(rows2.at[p], s_sh.at[didx.at[r]], ssem2.at[p],
                             add=True)
            return carry

        lax.fori_loop(0, NCH, chunk, 0)
        pltpu.make_async_copy(rows2.at[(NCH - 1) % 2],
                              s_sh.at[didx.at[(NCH - 1) % 3]],
                              ssem2.at[(NCH - 1) % 2]).wait()
        plsc.subcore_barrier()

        pltpu.sync_copy(s_sh.at[pl.ds(rbase, RPW)],
                        out_hbm.at[pl.ds(c * NPH + rbase, RPW)])


_spmv = functools.partial(
    pl.kernel,
    out_type=(jax.ShapeDtypeStruct((NP, KH), jnp.float32),
              jax.ShapeDtypeStruct((NP, KH), jnp.float32)),
    mesh=_MESH,
    compiler_params=_SC_PARAMS,
    scratch_types=[
        pltpu.VMEM((3, CH), jnp.int32),
        pltpu.VMEM((3, CH), jnp.int32),
        pltpu.VMEM((2, CH, KH), jnp.float32),
        pltpu.VMEM_SHARED((NPH, KH), jnp.float32),
        pltpu.SemaphoreType.DMA((2,)),
        pltpu.SemaphoreType.DMA((2,)),
        pltpu.SemaphoreType.DMA((3,)),
    ],
)(_spmv_body)


def _gather_body(t0, t1, t2, t3, t4, t5, t6, t7, uid_hbm, iid_hbm,
                 gu_hbm, gi_hbm, idx2, rows2, sem2):
    c = lax.axis_index("c")
    t = lax.axis_index("s")
    wid = t * NC + c
    base = wid * BPW

    pltpu.sync_copy(uid_hbm.at[pl.ds(base, BPW)], idx2.at[0])
    pltpu.sync_copy(iid_hbm.at[pl.ds(base, BPW)], idx2.at[1])

    tabs = (t0, t1, t2, t3, t4, t5, t6, t7)
    outs = (gu_hbm, gi_hbm)
    ops = [(s, l) for s in (0, 1) for l in range(len(tabs))]

    def write(qs, ql, qp):
        pltpu.make_async_copy(tabs[ql].at[idx2.at[qs]], rows2.at[qp],
                              sem2.at[qp]).wait()
        pltpu.sync_copy(rows2.at[qp],
                        outs[qs].at[pl.ds(base, BPW), pl.ds(ql * KH, KH)])

    prev = None
    for k, (s, l) in enumerate(ops):
        p = k % 2
        pltpu.async_copy(tabs[l].at[idx2.at[s]], rows2.at[p], sem2.at[p])
        if prev is not None:
            write(*prev)
        prev = (s, l, p)
    write(*prev)


_gather = functools.partial(
    pl.kernel,
    out_type=(jax.ShapeDtypeStruct((BATCH, 8 * KH), jnp.float32),
              jax.ShapeDtypeStruct((BATCH, 8 * KH), jnp.float32)),
    mesh=_MESH,
    compiler_params=_SC_PARAMS,
    scratch_types=[
        pltpu.VMEM((2, BPW), jnp.int32),
        pltpu.VMEM((2, BPW, KH), jnp.float32),
        pltpu.SemaphoreType.DMA((2,)),
    ],
)(_gather_body)


BLKR = 3136


def _dense_body(xa_ref, xb_ref, sa_ref, sb_ref,
                w1aa, w1ba, w1ab, w1bb, w2aa, w2ba, w2ab, w2bb, onesbd,
                ha_ref, hb_ref):
    xa = xa_ref[...]
    xb = xb_ref[...]
    sa = sa_ref[...]
    sb = sb_ref[...]
    ta = xa + sa
    tb = xb + sb
    ma = xa * sa
    mb = xb * sb

    def mm(a, b):
        return jnp.dot(a, b, preferred_element_type=jnp.float32)

    ha = mm(ta, w1aa[...]) + mm(tb, w1ba[...]) + mm(ma, w2aa[...]) \
        + mm(mb, w2ba[...])
    hb = mm(ta, w1ab[...]) + mm(tb, w1bb[...]) + mm(ma, w2ab[...]) \
        + mm(mb, w2bb[...])
    ha = jnp.where(ha > 0, ha, 0.2 * ha)
    hb = jnp.where(hb > 0, hb, 0.2 * hb)
    n2 = mm(ha * ha + hb * hb, onesbd[...])
    inv = 1.0 / jnp.maximum(jnp.sqrt(n2), 1e-12)
    ha_ref[...] = ha * inv
    hb_ref[...] = hb * inv


_prow_spec = pl.BlockSpec((BLKR, 128), lambda i: (i, 0))
_w_spec = pl.BlockSpec((128, 128), lambda i: (0, 0))
_dense = pl.pallas_call(
    _dense_body,
    grid=(PR // BLKR,),
    in_specs=[_prow_spec] * 4 + [_w_spec] * 9,
    out_specs=(_prow_spec, _prow_spec),
    out_shape=(jax.ShapeDtypeStruct((PR, 128), jnp.float32),
               jax.ShapeDtypeStruct((PR, 128), jnp.float32)),
)

BBLK = 2048


def _xui_body(gu_ref, gi_ref, o_ref):
    o_ref[...] = jnp.sum(gu_ref[...] * gi_ref[...], axis=1)


_xui = pl.pallas_call(
    _xui_body,
    grid=(BATCH // BBLK,),
    in_specs=[
        pl.BlockSpec((BBLK, 8 * KH), lambda i: (i, 0)),
        pl.BlockSpec((BBLK, 8 * KH), lambda i: (i, 0)),
    ],
    out_specs=pl.BlockSpec((BBLK,), lambda i: (i,)),
    out_shape=jax.ShapeDtypeStruct((BATCH,), jnp.float32),
)


def kernel(Gu, Gi, edge_index, users, items,
           W1_0, W2_0, W1_1, W2_1, W1_2, W2_2):
    f32 = jnp.float32
    e0 = edge_index[0].astype(jnp.int32)
    e1 = edge_index[1].astype(jnp.int32)
    src2 = jnp.concatenate([e1 + NPH, e0])
    dst2 = jnp.concatenate([e0, e1])
    zeros_pad = jnp.zeros((RPW, KH), f32)

    npp = NU * KH // 128
    zp = jnp.zeros(((NPH - NU) * KH // 128, 128), f32)
    xa = jnp.concatenate([Gu[:, :KH].reshape(npp, 128), zp,
                          Gi[:, :KH].reshape(npp, 128), zp], axis=0)
    xb = jnp.concatenate([Gu[:, KH:].reshape(npp, 128), zp,
                          Gi[:, KH:].reshape(npp, 128), zp], axis=0)

    eye4 = jnp.eye(4, dtype=f32)

    def bd(m):
        return jnp.kron(eye4, m)

    onesbd = bd(jnp.ones((KH, KH), f32))

    tabs = [xa, xb]
    for (W1, W2) in ((W1_0, W2_0), (W1_1, W2_1), (W1_2, W2_2)):
        sa, sb = _spmv(src2, dst2, xa.reshape(NP, KH), xb.reshape(NP, KH),
                       zeros_pad)
        xa, xb = _dense(xa, xb, sa.reshape(PR, 128), sb.reshape(PR, 128),
                        bd(W1[:KH, :KH]), bd(W1[KH:, :KH]),
                        bd(W1[:KH, KH:]), bd(W1[KH:, KH:]),
                        bd(W2[:KH, :KH]), bd(W2[KH:, :KH]),
                        bd(W2[:KH, KH:]), bd(W2[KH:, KH:]), onesbd)
        tabs += [xa, xb]

    uid = users.astype(jnp.int32)
    iid = items.astype(jnp.int32) + NPH
    gamma_u, gamma_i = _gather(*[tb.reshape(NP, KH) for tb in tabs],
                               uid, iid)
    xui = _xui(gamma_u, gamma_i)
    return (xui, gamma_u, gamma_i)

# --- scband reference (transcript-rebuilt; emitter-appended) ---
"""Pipeline reference for scband-ngcfmodel-14766097564250 (READ-ONLY COPY).

The authoritative reference and input builder live on the scoring server;
editing this copy changes nothing except your own understanding.
"""

import jax, jax.numpy as jnp
import numpy as np

NUM_USERS = 25000
NUM_ITEMS = 25000
EMBED_K = 64
WEIGHT_SIZE = 64
N_LAYERS = 3
N_EDGES = 400000
BATCH = 16384


def setup_inputs(seed: int = 0) -> dict:
    key = jax.random.key(seed)
    ks = jax.random.split(key, 5 + 2 * N_LAYERS)
    Gu = jax.random.normal(ks[0], (NUM_USERS, EMBED_K), dtype=jnp.float32) * 0.1
    Gi = jax.random.normal(ks[1], (NUM_ITEMS, EMBED_K), dtype=jnp.float32) * 0.1
    # edge_index[0]: user ids in [0, NUM_USERS); edge_index[1]: item ids in [0, NUM_ITEMS)
    edge_index = jax.random.randint(ks[2], (2, N_EDGES), 0, NUM_USERS)
    users = jax.random.randint(ks[3], (BATCH,), 0, NUM_USERS)
    items = jax.random.randint(ks[4], (BATCH,), 0, NUM_ITEMS)
    dims = [EMBED_K] + [WEIGHT_SIZE] * N_LAYERS
    out = {"Gu": Gu, "Gi": Gi, "edge_index": edge_index, "users": users, "items": items}
    for l in range(N_LAYERS):
        out[f"W1_{l}"] = jax.random.normal(ks[5 + 2 * l], (dims[l], dims[l + 1]), dtype=jnp.float32) * (1.0 / np.sqrt(dims[l]))
        out[f"W2_{l}"] = jax.random.normal(ks[6 + 2 * l], (dims[l], dims[l + 1]), dtype=jnp.float32) * (1.0 / np.sqrt(dims[l]))
    return out


def _l2norm(x):
    n = jnp.sqrt(jnp.sum(x * x, axis=1, keepdims=True))
    return x / jnp.maximum(n, 1e-12)


def _propagate(Gu, Gi, src, dst, Ws):
    # NGCF propagation over symmetric bipartite adjacency.
    N = Gu.shape[0] + Gi.shape[0]
    x = jnp.concatenate([Gu, Gi], axis=0)
    all_emb = [x]
    for (W1, W2) in Ws:
        x_src = jnp.take(x, src, axis=0)          # gather (memory-bound)
        x_dst = jnp.take(x, dst, axis=0)          # gather (memory-bound)
        msg = x_src @ W1 + (x_src * x_dst) @ W2   # NGCF message
        agg = jax.ops.segment_sum(msg, dst, num_segments=N)  # scatter-add
        h = x @ W1 + agg                          # self + neighbor aggregation
        h = jax.nn.leaky_relu(h, 0.2)
        h = _l2norm(h)                            # F.normalize(p=2, dim=1)
        all_emb.append(h)
        x = h
    return jnp.concatenate(all_emb, axis=1)


def reference(Gu, Gi, edge_index, users, items, W1_0, W2_0, W1_1, W2_1, W1_2, W2_2):
    num_users = Gu.shape[0]
    u = edge_index[0]
    i = edge_index[1] + num_users  # offset item ids to global node ids
    src = jnp.concatenate([u, i])
    dst = jnp.concatenate([i, u])  # symmetric adjacency as in SparseTensor(row=cat([e0,e1]), col=cat([e1,e0]))
    Ws = [(W1_0, W2_0), (W1_1, W2_1), (W1_2, W2_2)]
    all_cat = _propagate(Gu, Gi, src, dst, Ws)
    gu_all = all_cat[:num_users]
    gi_all = all_cat[num_users:]
    gamma_u = jnp.take(gu_all, users, axis=0)
    gamma_i = jnp.take(gi_all, items, axis=0)
    xui = jnp.sum(gamma_u * gamma_i, axis=1)
    return (xui, gamma_u, gamma_i)

if __name__ == "__main__":
    import jax
    _d = setup_inputs()
    print(jax.jit(kernel)(*tuple(_d.values())))

</pallas_src>

<mosaic_0001>
#map = affine_map<(d0, d1) -> (0)>
#map1 = affine_map<(d0, d1) -> (0, 0)>
module attributes {stable_mosaic.version = 14 : i64} {
  func.func @_spmv_body(%arg0: i32, %arg1: i32, %arg2: memref<800000xi32, #tpu.memory_space<hbm>>, %arg3: memref<800000xi32, #tpu.memory_space<hbm>>, %arg4: memref<50176x32xf32, #tpu.memory_space<hbm>>, %arg5: memref<50176x32xf32, #tpu.memory_space<hbm>>, %arg6: memref<1568x32xf32, #tpu.memory_space<hbm>>, %arg7: memref<50176x32xf32, #tpu.memory_space<hbm>>, %arg8: memref<50176x32xf32, #tpu.memory_space<hbm>>, %arg9: memref<3x1000xi32, #tpu.memory_space<vmem>>, %arg10: memref<3x1000xi32, #tpu.memory_space<vmem>>, %arg11: memref<2x1000x32xf32, #tpu.memory_space<vmem>>, %arg12: memref<25088x32xf32, #tpu.memory_space<vmem_shared>>, %arg13: memref<2x!tpu.dma_semaphore, #tpu.memory_space<semaphore_mem>>, %arg14: memref<2x!tpu.dma_semaphore, #tpu.memory_space<semaphore_mem>>, %arg15: memref<3x!tpu.dma_semaphore, #tpu.memory_space<semaphore_mem>>) attributes {dimension_semantics = [#tpu.dimension_semantics<core_parallel>, #tpu.dimension_semantics<subcore_parallel>], iteration_bounds = array<i64: 2, 16>, scalar_prefetch = 0 : i64, scratch_operands = 7 : i64, tpu.core_type = #tpu.core_type<sc_vector_subcore>, window_params = [{transform_indices = #map}, {transform_indices = #map}, {transform_indices = #map1}, {transform_indices = #map1}, {transform_indices = #map1}, {transform_indices = #map1}, {transform_indices = #map1}]} {
    %mul3A = arith.constant 1568 : i32
    %mul3A_0 = arith.muli %arg1, %mul3A : i32
    %mul3A_1 = arith.constant 400000 : i32
    %mul3A_2 = arith.muli %arg0, %mul3A_1 : i32
    %mul3A_3 = arith.constant 25000 : i32
    %mul3A_4 = arith.muli %arg1, %mul3A_3 : i32
    %add3A = arith.addi %mul3A_2, %mul3A_4 : i32
    "tpu.region"() ({
      %run_scoped3A = tpu.sem_alloc : memref<!tpu.dma_semaphore, #tpu.memory_space<semaphore_mem>>
      %dma_start3A_251 = arith.constant 0 : i32
      %dma_start3A_252 = tpu.memref_slice %arg12[%mul3A_0, %dma_start3A_251] : memref<25088x32xf32, #tpu.memory_space<vmem_shared>> -> memref<1568x32xf32, #tpu.memory_space<vmem_shared>>
      tpu.enqueue_dma source(%arg6 : memref<1568x32xf32, #tpu.memory_space<hbm>>) target(%dma_start3A_252 : memref<1568x32xf32, #tpu.memory_space<vmem_shared>>) target_semaphore(%run_scoped3A : memref<!tpu.dma_semaphore, #tpu.memory_space<semaphore_mem>>)
      %dma_wait3A_253 = arith.constant 0 : i32
      %dma_wait3A_254 = tpu.memref_slice %arg12[%mul3A_0, %dma_wait3A_253] : memref<25088x32xf32, #tpu.memory_space<vmem_shared>> -> memref<1568x32xf32, #tpu.memory_space<vmem_shared>>
      tpu.wait_dma2 semaphore(%run_scoped3A : memref<!tpu.dma_semaphore, #tpu.memory_space<semaphore_mem>>) src(%arg6 : memref<1568x32xf32, #tpu.memory_space<hbm>>) dst(%dma_wait3A_254 : memref<1568x32xf32, #tpu.memory_space<vmem_shared>>)
      tpu.yield
    }) : () -> ()
    %barrier3A = arith.constant 0 : index
    tpu.barrier barrier_id(%barrier3A)
    %add3A_5 = arith.constant 0 : i32
    %add3A_6 = arith.addi %add3A, %add3A_5 : i32
    %dma_start3A = arith.constant 0 : i32
    %dma_start3A_7 = arith.constant 0 : i32
    %dma_start3A_8 = arith.constant 0 : i32
    %dma_start3A_9 = tpu.memref_slice %arg9[%dma_start3A, %dma_start3A_8] : memref<3x1000xi32, #tpu.memory_space<vmem>> -> memref<1x1000xi32, #tpu.memory_space<vmem>>
    %dma_start3A_10 = tpu.memref_squeeze %dma_start3A_9 : memref<1x1000xi32, #tpu.memory_space<vmem>> -> memref<1000xi32, #tpu.memory_space<vmem>>
    %dma_start3A_11 = tpu.memref_slice %arg2[%add3A_6] : memref<800000xi32, #tpu.memory_space<hbm>> -> memref<1000xi32, #tpu.memory_space<hbm>>
    %dma_start3A_12 = tpu.memref_slice %arg15[%dma_start3A_7] : memref<3x!tpu.dma_semaphore, #tpu.memory_space<semaphore_mem>> -> memref<1x!tpu.dma_semaphore, #tpu.memory_space<semaphore_mem>>
    %dma_start3A_13 = tpu.memref_squeeze %dma_start3A_12 : memref<1x!tpu.dma_semaphore, #tpu.memory_space<semaphore_mem>> -> memref<!tpu.dma_semaphore, #tpu.memory_space<semaphore_mem>>
    %dma_start3A_14 = arith.constant 0 : i32
    %dma_start3A_15 = tpu.memref_slice %arg9[%dma_start3A, %dma_start3A_14] : memref<3x1000xi32, #tpu.memory_space<vmem>> -> memref<1x1000xi32, #tpu.memory_space<vmem>>
    %dma_start3A_16 = tpu.memref_squeeze %dma_start3A_15 : memref<1x1000xi32, #tpu.memory_space<vmem>> -> memref<1000xi32, #tpu.memory_space<vmem>>
    %dma_start3A_17 = tpu.memref_slice %arg2[%add3A_6] : memref<800000xi32, #tpu.memory_space<hbm>> -> memref<1000xi32, #tpu.memory_space<hbm>>
    tpu.enqueue_dma source(%dma_start3A_17 : memref<1000xi32, #tpu.memory_space<hbm>>) target(%dma_start3A_16 : memref<1000xi32, #tpu.memory_space<vmem>>) target_semaphore(%dma_start3A_13 : memref<!tpu.dma_semaphore, #tpu.memory_space<semaphore_mem>>)
    %add3A_18 = arith.constant 0 : i32
    %add3A_19 = arith.addi %add3A, %add3A_18 : i32
    %dma_start3A_20 = arith.constant 0 : i32
    %dma_start3A_21 = arith.constant 0 : i32
    %dma_start3A_22 = arith.constant 0 : i32
    %dma_start3A_23 = tpu.memref_slice %arg10[%dma_start3A_20, %dma_start3A_22] : memref<3x1000xi32, #tpu.memory_space<vmem>> -> memref<1x1000xi32, #tpu.memory_space<vmem>>
    %dma_start3A_24 = tpu.memref_squeeze %dma_start3A_23 : memref<1x1000xi32, #tpu.memory_space<vmem>> -> memref<1000xi32, #tpu.memory_space<vmem>>
    %dma_start3A_25 = tpu.memref_slice %arg3[%add3A_19] : memref<800000xi32, #tpu.memory_space<hbm>> -> memref<1000xi32, #tpu.memory_space<hbm>>
    %dma_start3A_26 = tpu.memref_slice %arg15[%dma_start3A_21] : memref<3x!tpu.dma_semaphore, #tpu.memory_space<semaphore_mem>> -> memref<1x!tpu.dma_semaphore, #tpu.memory_space<semaphore_mem>>
    %dma_start3A_27 = tpu.memref_squeeze %dma_start3A_26 : memref<1x!tpu.dma_semaphore, #tpu.memory_space<semaphore_mem>> -> memref<!tpu.dma_semaphore, #tpu.memory_space<semaphore_mem>>
    %dma_start3A_28 = arith.constant 0 : i32
    %dma_start3A_29 = tpu.memref_slice %arg10[%dma_start3A_20, %dma_start3A_28] : memref<3x1000xi32, #tpu.memory_space<vmem>> -> memref<1x1000xi32, #tpu.memory_space<vmem>>
    %dma_start3A_30 = tpu.memref_squeeze %dma_start3A_29 : memref<1x1000xi32, #tpu.memory_space<vmem>> -> memref<1000xi32, #tpu.memory_space<vmem>>
    %dma_start3A_31 = tpu.memref_slice %arg3[%add3A_19] : memref<800000xi32, #tpu.memory_space<hbm>> -> memref<1000xi32, #tpu.memory_space<hbm>>
    tpu.enqueue_dma source(%dma_start3A_31 : memref<1000xi32, #tpu.memory_space<hbm>>) target(%dma_start3A_30 : memref<1000xi32, #tpu.memory_space<vmem>>) target_semaphore(%dma_start3A_27 : memref<!tpu.dma_semaphore, #tpu.memory_space<semaphore_mem>>)
    %add3A_32 = arith.constant 1000 : i32
    %add3A_33 = arith.addi %add3A, %add3A_32 : i32
    %dma_start3A_34 = arith.constant 1 : i32
    %dma_start3A_35 = arith.constant 1 : i32
    %dma_start3A_36 = arith.constant 0 : i32
    %dma_start3A_37 = tpu.memref_slice %arg9[%dma_start3A_34, %dma_start3A_36] : memref<3x1000xi32, #tpu.memory_space<vmem>> -> memref<1x1000xi32, #tpu.memory_space<vmem>>
    %dma_start3A_38 = tpu.memref_squeeze %dma_start3A_37 : memref<1x1000xi32, #tpu.memory_space<vmem>> -> memref<1000xi32, #tpu.memory_space<vmem>>
    %dma_start3A_39 = tpu.memref_slice %arg2[%add3A_33] : memref<800000xi32, #tpu.memory_space<hbm>> -> memref<1000xi32, #tpu.memory_space<hbm>>
    %dma_start3A_40 = tpu.memref_slice %arg15[%dma_start3A_35] : memref<3x!tpu.dma_semaphore, #tpu.memory_space<semaphore_mem>> -> memref<1x!tpu.dma_semaphore, #tpu.memory_space<semaphore_mem>>
    %dma_start3A_41 = tpu.memref_squeeze %dma_start3A_40 : memref<1x!tpu.dma_semaphore, #tpu.memory_space<semaphore_mem>> -> memref<!tpu.dma_semaphore, #tpu.memory_space<semaphore_mem>>
    %dma_start3A_42 = arith.constant 0 : i32
    %dma_start3A_43 = tpu.memref_slice %arg9[%dma_start3A_34, %dma_start3A_42] : memref<3x1000xi32, #tpu.memory_space<vmem>> -> memref<1x1000xi32, #tpu.memory_space<vmem>>
    %dma_start3A_44 = tpu.memref_squeeze %dma_start3A_43 : memref<1x1000xi32, #tpu.memory_space<vmem>> -> memref<1000xi32, #tpu.memory_space<vmem>>
    %dma_start3A_45 = tpu.memref_slice %arg2[%add3A_33] : memref<800000xi32, #tpu.memory_space<hbm>> -> memref<1000xi32, #tpu.memory_space<hbm>>
    tpu.enqueue_dma source(%dma_start3A_45 : memref<1000xi32, #tpu.memory_space<hbm>>) target(%dma_start3A_44 : memref<1000xi32, #tpu.memory_space<vmem>>) target_semaphore(%dma_start3A_41 : memref<!tpu.dma_semaphore, #tpu.memory_space<semaphore_mem>>)
    %add3A_46 = arith.constant 1000 : i32
    %add3A_47 = arith.addi %add3A, %add3A_46 : i32
    %dma_start3A_48 = arith.constant 1 : i32
    %dma_start3A_49 = arith.constant 1 : i32
    %dma_start3A_50 = arith.constant 0 : i32
    %dma_start3A_51 = tpu.memref_slice %arg10[%dma_start3A_48, %dma_start3A_50] : memref<3x1000xi32, #tpu.memory_space<vmem>> -> memref<1x1000xi32, #tpu.memory_space<vmem>>
    %dma_start3A_52 = tpu.memref_squeeze %dma_start3A_51 : memref<1x1000xi32, #tpu.memory_space<vmem>> -> memref<1000xi32, #tpu.memory_space<vmem>>
    %dma_start3A_53 = tpu.memref_slice %arg3[%add3A_47] : memref<800000xi32, #tpu.memory_space<hbm>> -> memref<1000xi32, #tpu.memory_space<hbm>>
    %dma_start3A_54 = tpu.memref_slice %arg15[%dma_start3A_49] : memref<3x!tpu.dma_semaphore, #tpu.memory_space<semaphore_mem>> -> memref<1x!tpu.dma_semaphore, #tpu.memory_space<semaphore_mem>>
    %dma_start3A_55 = tpu.memref_squeeze %dma_start3A_54 : memref<1x!tpu.dma_semaphore, #tpu.memory_space<semaphore_mem>> -> memref<!tpu.dma_semaphore, #tpu.memory_space<semaphore_mem>>
    %dma_start3A_56 = arith.constant 0 : i32
    %dma_start3A_57 = tpu.memref_slice %arg10[%dma_start3A_48, %dma_start3A_56] : memref<3x1000xi32, #tpu.memory_space<vmem>> -> memref<1x1000xi32, #tpu.memory_space<vmem>>
    %dma_start3A_58 = tpu.memref_squeeze %dma_start3A_57 : memref<1x1000xi32, #tpu.memory_space<vmem>> -> memref<1000xi32, #tpu.memory_space<vmem>>
    %dma_start3A_59 = tpu.memref_slice %arg3[%add3A_47] : memref<800000xi32, #tpu.memory_space<hbm>> -> memref<1000xi32, #tpu.memory_space<hbm>>
    tpu.enqueue_dma source(%dma_start3A_59 : memref<1000xi32, #tpu.memory_space<hbm>>) target(%dma_start3A_58 : memref<1000xi32, #tpu.memory_space<vmem>>) target_semaphore(%dma_start3A_55 : memref<!tpu.dma_semaphore, #tpu.memory_space<semaphore_mem>>)
    %add3A_60 = arith.constant 0 : i32
    %add3A_61 = arith.addi %add3A, %add3A_60 : i32
    %dma_wait3A = arith.constant 0 : i32
    %dma_wait3A_62 = arith.constant 0 : i32
    %dma_wait3A_63 = arith.constant 0 : i32
    %dma_wait3A_64 = tpu.memref_slice %arg9[%dma_wait3A, %dma_wait3A_63] : memref<3x1000xi32, #tpu.memory_space<vmem>> -> memref<1x1000xi32, #tpu.memory_space<vmem>>
    %dma_wait3A_65 = tpu.memref_squeeze %dma_wait3A_64 : memref<1x1000xi32, #tpu.memory_space<vmem>> -> memref<1000xi32, #tpu.memory_space<vmem>>
    %dma_wait3A_66 = tpu.memref_slice %arg2[%add3A_61] : memref<800000xi32, #tpu.memory_space<hbm>> -> memref<1000xi32, #tpu.memory_space<hbm>>
    %dma_wait3A_67 = tpu.memref_slice %arg15[%dma_wait3A_62] : memref<3x!tpu.dma_semaphore, #tpu.memory_space<semaphore_mem>> -> memref<1x!tpu.dma_semaphore, #tpu.memory_space<semaphore_mem>>
    %dma_wait3A_68 = tpu.memref_squeeze %dma_wait3A_67 : memref<1x!tpu.dma_semaphore, #tpu.memory_space<semaphore_mem>> -> memref<!tpu.dma_semaphore, #tpu.memory_space<semaphore_mem>>
    %dma_wait3A_69 = arith.constant 0 : i32
    %dma_wait3A_70 = tpu.memref_slice %arg9[%dma_wait3A, %dma_wait3A_69] : memref<3x1000xi32, #tpu.memory_space<vmem>> -> memref<1x1000xi32, #tpu.memory_space<vmem>>
    %dma_wait3A_71 = tpu.memref_squeeze %dma_wait3A_70 : memref<1x1000xi32, #tpu.memory_space<vmem>> -> memref<1000xi32, #tpu.memory_space<vmem>>
    %dma_wait3A_72 = tpu.memref_slice %arg2[%add3A_61] : memref<800000xi32, #tpu.memory_space<hbm>> -> memref<1000xi32, #tpu.memory_space<hbm>>
    tpu.wait_dma2 semaphore(%dma_wait3A_68 : memref<!tpu.dma_semaphore, #tpu.memory_space<semaphore_mem>>) src(%dma_wait3A_72 : memref<1000xi32, #tpu.memory_space<hbm>>) dst(%dma_wait3A_71 : memref<1000xi32, #tpu.memory_space<vmem>>)
    %add3A_73 = arith.constant 0 : i32
    %add3A_74 = arith.addi %add3A, %add3A_73 : i32
    %dma_wait3A_75 = arith.constant 0 : i32
    %dma_wait3A_76 = arith.constant 0 : i32
    %dma_wait3A_77 = arith.constant 0 : i32
    %dma_wait3A_78 = tpu.memref_slice %arg10[%dma_wait3A_75, %dma_wait3A_77] : memref<3x1000xi32, #tpu.memory_space<vmem>> -> memref<1x1000xi32, #tpu.memory_space<vmem>>
    %dma_wait3A_79 = tpu.memref_squeeze %dma_wait3A_78 : memref<1x1000xi32, #tpu.memory_space<vmem>> -> memref<1000xi32, #tpu.memory_space<vmem>>
    %dma_wait3A_80 = tpu.memref_slice %arg3[%add3A_74] : memref<800000xi32, #tpu.memory_space<hbm>> -> memref<1000xi32, #tpu.memory_space<hbm>>
    %dma_wait3A_81 = tpu.memref_slice %arg15[%dma_wait3A_76] : memref<3x!tpu.dma_semaphore, #tpu.memory_space<semaphore_mem>> -> memref<1x!tpu.dma_semaphore, #tpu.memory_space<semaphore_mem>>
    %dma_wait3A_82 = tpu.memref_squeeze %dma_wait3A_81 : memref<1x!tpu.dma_semaphore, #tpu.memory_space<semaphore_mem>> -> memref<!tpu.dma_semaphore, #tpu.memory_space<semaphore_mem>>
    %dma_wait3A_83 = arith.constant 0 : i32
    %dma_wait3A_84 = tpu.memref_slice %arg10[%dma_wait3A_75, %dma_wait3A_83] : memref<3x1000xi32, #tpu.memory_space<vmem>> -> memref<1x1000xi32, #tpu.memory_space<vmem>>
    %dma_wait3A_85 = tpu.memref_squeeze %dma_wait3A_84 : memref<1x1000xi32, #tpu.memory_space<vmem>> -> memref<1000xi32, #tpu.memory_space<vmem>>
    %dma_wait3A_86 = tpu.memref_slice %arg3[%add3A_74] : memref<800000xi32, #tpu.memory_space<hbm>> -> memref<1000xi32, #tpu.memory_space<hbm>>
    tpu.wait_dma2 semaphore(%dma_wait3A_82 : memref<!tpu.dma_semaphore, #tpu.memory_space<semaphore_mem>>) src(%dma_wait3A_86 : memref<1000xi32, #tpu.memory_space<hbm>>) dst(%dma_wait3A_85 : memref<1000xi32, #tpu.memory_space<vmem>>)
    %dma_start3A_87 = arith.constant 0 : i32
    %dma_start3A_88 = arith.constant 0 : i32
    %dma_start3A_89 = arith.constant 0 : i32
    %dma_start3A_90 = arith.constant 0 : i32
    %dma_start3A_91 = arith.constant 0 : i32
    %dma_start3A_92 = tpu.memref_slice %arg11[%dma_start3A_88, %dma_start3A_90, %dma_start3A_91] : memref<2x1000x32xf32, #tpu.memory_space<vmem>> -> memref<1x1000x32xf32, #tpu.memory_space<vmem>>
    %dma_start3A_93 = tpu.memref_squeeze %dma_start3A_92 : memref<1x1000x32xf32, #tpu.memory_space<vmem>> -> memref<1000x32xf32, #tpu.memory_space<vmem>>
    %dma_start3A_94 = arith.constant 0 : i32
    %dma_start3A_95 = tpu.memref_slice %arg9[%dma_start3A_87, %dma_start3A_94] : memref<3x1000xi32, #tpu.memory_space<vmem>> -> memref<1x1000xi32, #tpu.memory_space<vmem>>
    %dma_start3A_96 = tpu.memref_squeeze %dma_start3A_95 : memref<1x1000xi32, #tpu.memory_space<vmem>> -> memref<1000xi32, #tpu.memory_space<vmem>>
    %dma_start3A_97 = arith.constant 0 : i32
    %dma_start3A_98 = arith.constant 0 : i32
    %dma_start3A_99 = tpu.memref_slice %arg4[%dma_start3A_97, %dma_start3A_98] : memref<50176x32xf32, #tpu.memory_space<hbm>> -> memref<50176x32xf32, #tpu.memory_space<hbm>>
    %dma_start3A_100 = tpu.memref_slice %arg13[%dma_start3A_89] : memref<2x!tpu.dma_semaphore, #tpu.memory_space<semaphore_mem>> -> memref<1x!tpu.dma_semaphore, #tpu.memory_space<semaphore_mem>>
    %dma_start3A_101 = tpu.memref_squeeze %dma_start3A_100 : memref<1x!tpu.dma_semaphore, #tpu.memory_space<semaphore_mem>> -> memref<!tpu.dma_semaphore, #tpu.memory_space<semaphore_mem>>
    tpu.enqueue_indirect_dma source(%dma_start3A_99 : memref<50176x32xf32, #tpu.memory_space<hbm>>) target(%dma_start3A_93 : memref<1000x32xf32, #tpu.memory_space<vmem>>) offsets(%dma_start3A_96 : memref<1000xi32, #tpu.memory_space<vmem>>) semaphore(%dma_start3A_101 : memref<!tpu.dma_semaphore, #tpu.memory_space<semaphore_mem>>)
    %scan3A = arith.constant 0 : i32
    %scan3A_102 = arith.constant 0 : i32
    %scan3A_103 = arith.constant 25 : i32
    %scan3A_104 = arith.addi %scan3A_102, %scan3A_103 : i32
    %scan3A_105 = arith.constant 1 : i32
    scf.for %scan3A_251 = %scan3A_102 to %scan3A_104 step %scan3A_105  : i32 {
      %rem3A = arith.constant 2 : i32
      %rem3A_252 = arith.remsi %scan3A_251, %rem3A : i32
      %sub3A = arith.constant 1 : i32
      %sub3A_253 = arith.subi %sub3A, %rem3A_252 : i32
      %rem3A_254 = arith.constant 3 : i32
      %rem3A_255 = arith.remsi %scan3A_251, %rem3A_254 : i32
      %ge3A = arith.constant 1 : i32
      %ge3A_256 = arith.cmpi sge, %scan3A_251, %ge3A : i32
      %convert_element_type3A = arith.extui %ge3A_256 : i1 to i32
      %cond3A = arith.constant 0 : i32
      %cond3A_257 = arith.cmpi ne, %convert_element_type3A, %cond3A : i32
      scf.if %cond3A_257 {
        %add3A_288 = arith.constant 2 : i32
        %add3A_289 = arith.addi %scan3A_251, %add3A_288 : i32
        %rem3A_290 = arith.constant 3 : i32
        %rem3A_291 = arith.remsi %add3A_289, %rem3A_290 : i32
        %dma_wait3A_292 = arith.constant 0 : i32
        %dma_wait3A_293 = arith.constant 0 : i32
        %dma_wait3A_294 = tpu.memref_slice %arg11[%sub3A_253, %dma_wait3A_292, %dma_wait3A_293] : memref<2x1000x32xf32, #tpu.memory_space<vmem>> -> memref<1x1000x32xf32, #tpu.memory_space<vmem>>
        %dma_wait3A_295 = tpu.memref_squeeze %dma_wait3A_294 : memref<1x1000x32xf32, #tpu.memory_space<vmem>> -> memref<1000x32xf32, #tpu.memory_space<vmem>>
        %dma_wait3A_296 = arith.constant 0 : i32
        %dma_wait3A_297 = tpu.memref_slice %arg10[%rem3A_291, %dma_wait3A_296] : memref<3x1000xi32, #tpu.memory_space<vmem>> -> memref<1x1000xi32, #tpu.memory_space<vmem>>
        %dma_wait3A_298 = tpu.memref_squeeze %dma_wait3A_297 : memref<1x1000xi32, #tpu.memory_space<vmem>> -> memref<1000xi32, #tpu.memory_space<vmem>>
        %dma_wait3A_299 = arith.constant 0 : i32
        %dma_wait3A_300 = arith.constant 0 : i32
        %dma_wait3A_301 = tpu.memref_slice %arg12[%dma_wait3A_299, %dma_wait3A_300] : memref<25088x32xf32, #tpu.memory_space<vmem_shared>> -> memref<25088x32xf32, #tpu.memory_space<vmem_shared>>
        %dma_wait3A_302 = tpu.memref_slice %arg14[%sub3A_253] : memref<2x!tpu.dma_semaphore, #tpu.memory_space<semaphore_mem>> -> memref<1x!tpu.dma_semaphore, #tpu.memory_space<semaphore_mem>>
        %dma_wait3A_303 = tpu.memref_squeeze %dma_wait3A_302 : memref<1x!tpu.dma_semaphore, #tpu.memory_space<semaphore_mem>> -> memref<!tpu.dma_semaphore, #tpu.memory_space<semaphore_mem>>
        tpu.wait_indirect_dma semaphore(%dma_wait3A_303 : memref<!tpu.dma_semaphore, #tpu.memory_space<semaphore_mem>>) src(%dma_wait3A_295 : memref<1000x32xf32, #tpu.memory_space<vmem>>) dst(%dma_wait3A_301 : memref<25088x32xf32, #tpu.memory_space<vmem_shared>>)
      } else {
      }
      %add3A_258 = arith.constant 1 : i32
      %add3A_259 = arith.addi %scan3A_251, %add3A_258 : i32
      %lt3A = arith.constant 25 : i32
      %lt3A_260 = arith.cmpi slt, %add3A_259, %lt3A : i32
      %convert_element_type3A_261 = arith.extui %lt3A_260 : i1 to i32
      %cond3A_262 = arith.constant 0 : i32
      %cond3A_263 = arith.cmpi ne, %convert_element_type3A_261, %cond3A_262 : i32
      scf.if %cond3A_263 {
        %add3A_288 = arith.constant 1 : i32
        %add3A_289 = arith.addi %scan3A_251, %add3A_288 : i32
        %rem3A_290 = arith.constant 3 : i32
        %rem3A_291 = arith.remsi %add3A_289, %rem3A_290 : i32
        %add3A_292 = arith.constant 1 : i32
        %add3A_293 = arith.addi %scan3A_251, %add3A_292 : i32
        %mul3A_294 = arith.constant 1000 : i32
        %mul3A_295 = arith.muli %add3A_293, %mul3A_294 : i32
        %add3A_296 = arith.addi %add3A, %mul3A_295 : i32
        %dma_wait3A_297 = arith.constant 0 : i32
        %dma_wait3A_298 = tpu.memref_slice %arg9[%rem3A_291, %dma_wait3A_297] : memref<3x1000xi32, #tpu.memory_space<vmem>> -> memref<1x1000xi32, #tpu.memory_space<vmem>>
        %dma_wait3A_299 = tpu.memref_squeeze %dma_wait3A_298 : memref<1x1000xi32, #tpu.memory_space<vmem>> -> memref<1000xi32, #tpu.memory_space<vmem>>
        %dma_wait3A_300 = tpu.memref_slice %arg2[%add3A_296] : memref<800000xi32, #tpu.memory_space<hbm>> -> memref<1000xi32, #tpu.memory_space<hbm>>
        %dma_wait3A_301 = tpu.memref_slice %arg15[%rem3A_291] : memref<3x!tpu.dma_semaphore, #tpu.memory_space<semaphore_mem>> -> memref<1x!tpu.dma_semaphore, #tpu.memory_space<semaphore_mem>>
        %dma_wait3A_302 = tpu.memref_squeeze %dma_wait3A_301 : memref<1x!tpu.dma_semaphore, #tpu.memory_space<semaphore_mem>> -> memref<!tpu.dma_semaphore, #tpu.memory_space<semaphore_mem>>
        %dma_wait3A_303 = arith.constant 0 : i32
        %dma_wait3A_304 = tpu.memref_slice %arg9[%rem3A_291, %dma_wait3A_303] : memref<3x1000xi32, #tpu.memory_space<vmem>> -> memref<1x1000xi32, #tpu.memory_space<vmem>>
        %dma_wait3A_305 = tpu.memref_squeeze %dma_wait3A_304 : memref<1x1000xi32, #tpu.memory_space<vmem>> -> memref<1000xi32, #tpu.memory_space<vmem>>
        %dma_wait3A_306 = tpu.memref_slice %arg2[%add3A_296] : memref<800000xi32, #tpu.memory_space<hbm>> -> memref<1000xi32, #tpu.memory_space<hbm>>
        tpu.wait_dma2 semaphore(%dma_wait3A_302 : memref<!tpu.dma_semaphore, #tpu.memory_space<semaphore_mem>>) src(%dma_wait3A_306 : memref<1000xi32, #tpu.memory_space<hbm>>) dst(%dma_wait3A_305 : memref<1000xi32, #tpu.memory_space<vmem>>)
        %mul3A_307 = arith.constant 1000 : i32
        %mul3A_308 = arith.muli %add3A_293, %mul3A_307 : i32
        %add3A_309 = arith.addi %add3A, %mul3A_308 : i32
        %dma_wait3A_310 = arith.constant 0 : i32
        %dma_wait3A_311 = tpu.memref_slice %arg10[%rem3A_291, %dma_wait3A_310] : memref<3x1000xi32, #tpu.memory_space<vmem>> -> memref<1x1000xi32, #tpu.memory_space<vmem>>
        %dma_wait3A_312 = tpu.memref_squeeze %dma_wait3A_311 : memref<1x1000xi32, #tpu.memory_space<vmem>> -> memref<1000xi32, #tpu.memory_space<vmem>>
        %dma_wait3A_313 = tpu.memref_slice %arg3[%add3A_309] : memref<800000xi32, #tpu.memory_space<hbm>> -> memref<1000xi32, #tpu.memory_space<hbm>>
        %dma_wait3A_314 = tpu.memref_slice %arg15[%rem3A_291] : memref<3x!tpu.dma_semaphore, #tpu.memory_space<semaphore_mem>> -> memref<1x!tpu.dma_semaphore, #tpu.memory_space<semaphore_mem>>
        %dma_wait3A_315 = tpu.memref_squeeze %dma_wait3A_314 : memref<1x!tpu.dma_semaphore, #tpu.memory_space<semaphore_mem>> -> memref<!tpu.dma_semaphore, #tpu.memory_space<semaphore_mem>>
        %dma_wait3A_316 = arith.constant 0 : i32
        %dma_wait3A_317 = tpu.memref_slice %arg10[%rem3A_291, %dma_wait3A_316] : memref<3x1000xi32, #tpu.memory_space<vmem>> -> memref<1x1000xi32, #tpu.memory_space<vmem>>
        %dma_wait3A_318 = tpu.memref_squeeze %dma_wait3A_317 : memref<1x1000xi32, #tpu.memory_space<vmem>> -> memref<1000xi32, #tpu.memory_space<vmem>>
        %dma_wait3A_319 = tpu.memref_slice %arg3[%add3A_309] : memref<800000xi32, #tpu.memory_space<hbm>> -> memref<1000xi32, #tpu.memory_space<hbm>>
        tpu.wait_dma2 semaphore(%dma_wait3A_315 : memref<!tpu.dma_semaphore, #tpu.memory_space<semaphore_mem>>) src(%dma_wait3A_319 : memref<1000xi32, #tpu.memory_space<hbm>>) dst(%dma_wait3A_318 : memref<1000xi32, #tpu.memory_space<vmem>>)
        %dma_start3A_320 = arith.constant 0 : i32
        %dma_start3A_321 = arith.constant 0 : i32
        %dma_start3A_322 = tpu.memref_slice %arg11[%sub3A_253, %dma_start3A_320, %dma_start3A_321] : memref<2x1000x32xf32, #tpu.memory_space<vmem>> -> memref<1x1000x32xf32, #tpu.memory_space<vmem>>
        %dma_start3A_323 = tpu.memref_squeeze %dma_start3A_322 : memref<1x1000x32xf32, #tpu.memory_space<vmem>> -> memref<1000x32xf32, #tpu.memory_space<vmem>>
        %dma_start3A_324 = arith.constant 0 : i32
        %dma_start3A_325 = tpu.memref_slice %arg9[%rem3A_291, %dma_start3A_324] : memref<3x1000xi32, #tpu.memory_space<vmem>> -> memref<1x1000xi32, #tpu.memory_space<vmem>>
        %dma_start3A_326 = tpu.memref_squeeze %dma_start3A_325 : memref<1x1000xi32, #tpu.memory_space<vmem>> -> memref<1000xi32, #tpu.memory_space<vmem>>
        %dma_start3A_327 = arith.constant 0 : i32
        %dma_start3A_328 = arith.constant 0 : i32
        %dma_start3A_329 = tpu.memref_slice %arg4[%dma_start3A_327, %dma_start3A_328] : memref<50176x32xf32, #tpu.memory_space<hbm>> -> memref<50176x32xf32, #tpu.memory_space<hbm>>
        %dma_start3A_330 = tpu.memref_slice %arg13[%sub3A_253] : memref<2x!tpu.dma_semaphore, #tpu.memory_space<semaphore_mem>> -> memref<1x!tpu.dma_semaphore, #tpu.memory_space<semaphore_mem>>
        %dma_start3A_331 = tpu.memref_squeeze %dma_start3A_330 : memref<1x!tpu.dma_semaphore, #tpu.memory_space<semaphore_mem>> -> memref<!tpu.dma_semaphore, #tpu.memory_space<semaphore_mem>>
        tpu.enqueue_indirect_dma source(%dma_start3A_329 : memref<50176x32xf32, #tpu.memory_space<hbm>>) target(%dma_start3A_323 : memref<1000x32xf32, #tpu.memory_space<vmem>>) offsets(%dma_start3A_326 : memref<1000xi32, #tpu.memory_space<vmem>>) semaphore(%dma_start3A_331 : memref<!tpu.dma_semaphore, #tpu.memory_space<semaphore_mem>>)
        %add3A_332 = arith.constant 2 : i32
        %add3A_333 = arith.addi %scan3A_251, %add3A_332 : i32
        %lt3A_334 = arith.constant 25 : i32
        %lt3A_335 = arith.cmpi slt, %add3A_333, %lt3A_334 : i32
        %convert_element_type3A_336 = arith.extui %lt3A_335 : i1 to i32
        %cond3A_337 = arith.constant 0 : i32
        %cond3A_338 = arith.cmpi ne, %convert_element_type3A_336, %cond3A_337 : i32
        scf.if %cond3A_338 {
          %add3A_339 = arith.constant 2 : i32
          %add3A_340 = arith.addi %scan3A_251, %add3A_339 : i32
          %add3A_341 = arith.constant 2 : i32
          %add3A_342 = arith.addi %scan3A_251, %add3A_341 : i32
          %rem3A_343 = arith.constant 3 : i32
          %rem3A_344 = arith.remsi %add3A_342, %rem3A_343 : i32
          %mul3A_345 = arith.constant 1000 : i32
          %mul3A_346 = arith.muli %add3A_340, %mul3A_345 : i32
          %add3A_347 = arith.addi %add3A, %mul3A_346 : i32
          %dma_start3A_348 = arith.constant 0 : i32
          %dma_start3A_349 = tpu.memref_slice %arg9[%rem3A_344, %dma_start3A_348] : memref<3x1000xi32, #tpu.memory_space<vmem>> -> memref<1x1000xi32, #tpu.memory_space<vmem>>
          %dma_start3A_350 = tpu.memref_squeeze %dma_start3A_349 : memref<1x1000xi32, #tpu.memory_space<vmem>> -> memref<1000xi32, #tpu.memory_space<vmem>>
          %dma_start3A_351 = tpu.memref_slice %arg2[%add3A_347] : memref<800000xi32, #tpu.memory_space<hbm>> -> memref<1000xi32, #tpu.memory_space<hbm>>
          %dma_start3A_352 = tpu.memref_slice %arg15[%rem3A_344] : memref<3x!tpu.dma_semaphore, #tpu.memory_space<semaphore_mem>> -> memref<1x!tpu.dma_semaphore, #tpu.memory_space<semaphore_mem>>
          %dma_start3A_353 = tpu.memref_squeeze %dma_start3A_352 : memref<1x!tpu.dma_semaphore, #tpu.memory_space<semaphore_mem>> -> memref<!tpu.dma_semaphore, #tpu.memory_space<semaphore_mem>>
          %dma_start3A_354 = arith.constant 0 : i32
          %dma_start3A_355 = tpu.memref_slice %arg9[%rem3A_344, %dma_start3A_354] : memref<3x1000xi32, #tpu.memory_space<vmem>> -> memref<1x1000xi32, #tpu.memory_space<vmem>>
          %dma_start3A_356 = tpu.memref_squeeze %dma_start3A_355 : memref<1x1000xi32, #tpu.memory_space<vmem>> -> memref<1000xi32, #tpu.memory_space<vmem>>
          %dma_start3A_357 = tpu.memref_slice %arg2[%add3A_347] : memref<800000xi32, #tpu.memory_space<hbm>> -> memref<1000xi32, #tpu.memory_space<hbm>>
          tpu.enqueue_dma source(%dma_start3A_357 : memref<1000xi32, #tpu.memory_space<hbm>>) target(%dma_start3A_356 : memref<1000xi32, #tpu.memory_space<vmem>>) target_semaphore(%dma_start3A_353 : memref<!tpu.dma_semaphore, #tpu.memory_space<semaphore_mem>>)
          %mul3A_358 = arith.constant 1000 : i32
          %mul3A_359 = arith.muli %add3A_340, %mul3A_358 : i32
          %add3A_360 = arith.addi %add3A, %mul3A_359 : i32
          %dma_start3A_361 = arith.constant 0 : i32
          %dma_start3A_362 = tpu.memref_slice %arg10[%rem3A_344, %dma_start3A_361] : memref<3x1000xi32, #tpu.memory_space<vmem>> -> memref<1x1000xi32, #tpu.memory_space<vmem>>
          %dma_start3A_363 = tpu.memref_squeeze %dma_start3A_362 : memref<1x1000xi32, #tpu.memory_space<vmem>> -> memref<1000xi32, #tpu.memory_space<vmem>>
          %dma_start3A_364 = tpu.memref_slice %arg3[%add3A_360] : memref<800000xi32, #tpu.memory_space<hbm>> -> memref<1000xi32, #tpu.memory_space<hbm>>
          %dma_start3A_365 = tpu.memref_slice %arg15[%rem3A_344] : memref<3x!tpu.dma_semaphore, #tpu.memory_space<semaphore_mem>> -> memref<1x!tpu.dma_semaphore, #tpu.memory_space<semaphore_mem>>
          %dma_start3A_366 = tpu.memref_squeeze %dma_start3A_365 : memref<1x!tpu.dma_semaphore, #tpu.memory_space<semaphore_mem>> -> memref<!tpu.dma_semaphore, #tpu.memory_space<semaphore_mem>>
          %dma_start3A_367 = arith.constant 0 : i32
          %dma_start3A_368 = tpu.memref_slice %arg10[%rem3A_344, %dma_start3A_367] : memref<3x1000xi32, #tpu.memory_space<vmem>> -> memref<1x1000xi32, #tpu.memory_space<vmem>>
          %dma_start3A_369 = tpu.memref_squeeze %dma_start3A_368 : memref<1x1000xi32, #tpu.memory_space<vmem>> -> memref<1000xi32, #tpu.memory_space<vmem>>
          %dma_start3A_370 = tpu.memref_slice %arg3[%add3A_360] : memref<800000xi32, #tpu.memory_space<hbm>> -> memref<1000xi32, #tpu.memory_space<hbm>>
          tpu.enqueue_dma source(%dma_start3A_370 : memref<1000xi32, #tpu.memory_space<hbm>>) target(%dma_start3A_369 : memref<1000xi32, #tpu.memory_space<vmem>>) target_semaphore(%dma_start3A_366 : memref<!tpu.dma_semaphore, #tpu.memory_space<semaphore_mem>>)
        } else {
        }
      } else {
      }
      %dma_wait3A_264 = arith.constant 0 : i32
      %dma_wait3A_265 = arith.constant 0 : i32
      %dma_wait3A_266 = tpu.memref_slice %arg11[%rem3A_252, %dma_wait3A_264, %dma_wait3A_265] : memref<2x1000x32xf32, #tpu.memory_space<vmem>> -> memref<1x1000x32xf32, #tpu.memory_space<vmem>>
      %dma_wait3A_267 = tpu.memref_squeeze %dma_wait3A_266 : memref<1x1000x32xf32, #tpu.memory_space<vmem>> -> memref<1000x32xf32, #tpu.memory_space<vmem>>
      %dma_wait3A_268 = arith.constant 0 : i32
      %dma_wait3A_269 = tpu.memref_slice %arg9[%rem3A_255, %dma_wait3A_268] : memref<3x1000xi32, #tpu.memory_space<vmem>> -> memref<1x1000xi32, #tpu.memory_space<vmem>>
      %dma_wait3A_270 = tpu.memref_squeeze %dma_wait3A_269 : memref<1x1000xi32, #tpu.memory_space<vmem>> -> memref<1000xi32, #tpu.memory_space<vmem>>
      %dma_wait3A_271 = arith.constant 0 : i32
      %dma_wait3A_272 = arith.constant 0 : i32
      %dma_wait3A_273 = tpu.memref_slice %arg4[%dma_wait3A_271, %dma_wait3A_272] : memref<50176x32xf32, #tpu.memory_space<hbm>> -> memref<50176x32xf32, #tpu.memory_space<hbm>>
      %dma_wait3A_274 = tpu.memref_slice %arg13[%rem3A_252] : memref<2x!tpu.dma_semaphore, #tpu.memory_space<semaphore_mem>> -> memref<1x!tpu.dma_semaphore, #tpu.memory_space<semaphore_mem>>
      %dma_wait3A_275 = tpu.memref_squeeze %dma_wait3A_274 : memref<1x!tpu.dma_semaphore, #tpu.memory_space<semaphore_mem>> -> memref<!tpu.dma_semaphore, #tpu.memory_space<semaphore_mem>>
      tpu.wait_indirect_dma semaphore(%dma_wait3A_275 : memref<!tpu.dma_semaphore, #tpu.memory_space<semaphore_mem>>) src(%dma_wait3A_273 : memref<50176x32xf32, #tpu.memory_space<hbm>>) dst(%dma_wait3A_267 : memref<1000x32xf32, #tpu.memory_space<vmem>>)
      %dma_start3A_276 = arith.constant 0 : i32
      %dma_start3A_277 = arith.constant 0 : i32
      %dma_start3A_278 = tpu.memref_slice %arg11[%rem3A_252, %dma_start3A_276, %dma_start3A_277] : memref<2x1000x32xf32, #tpu.memory_space<vmem>> -> memref<1x1000x32xf32, #tpu.memory_space<vmem>>
      %dma_start3A_279 = tpu.memref_squeeze %dma_start3A_278 : memref<1x1000x32xf32, #tpu.memory_space<vmem>> -> memref<1000x32xf32, #tpu.memory_space<vmem>>
      %dma_start3A_280 = arith.constant 0 : i32
      %dma_start3A_281 = tpu.memref_slice %arg10[%rem3A_255, %dma_start3A_280] : memref<3x1000xi32, #tpu.memory_space<vmem>> -> memref<1x1000xi32, #tpu.memory_space<vmem>>
      %dma_start3A_282 = tpu.memref_squeeze %dma_start3A_281 : memref<1x1000xi32, #tpu.memory_space<vmem>> -> memref<1000xi32, #tpu.memory_space<vmem>>
      %dma_start3A_283 = arith.constant 0 : i32
      %dma_start3A_284 = arith.constant 0 : i32
      %dma_start3A_285 = tpu.memref_slice %arg12[%dma_start3A_283, %dma_start3A_284] : memref<25088x32xf32, #tpu.memory_space<vmem_shared>> -> memref<25088x32xf32, #tpu.memory_space<vmem_shared>>
      %dma_start3A_286 = tpu.memref_slice %arg14[%rem3A_252] : memref<2x!tpu.dma_semaphore, #tpu.memory_space<semaphore_mem>> -> memref<1x!tpu.dma_semaphore, #tpu.memory_space<semaphore_mem>>
      %dma_start3A_287 = tpu.memref_squeeze %dma_start3A_286 : memref<1x!tpu.dma_semaphore, #tpu.memory_space<semaphore_mem>> -> memref<!tpu.dma_semaphore, #tpu.memory_space<semaphore_mem>>
      tpu.enqueue_indirect_dma source(%dma_start3A_279 : memref<1000x32xf32, #tpu.memory_space<vmem>>) target(%dma_start3A_285 : memref<25088x32xf32, #tpu.memory_space<vmem_shared>>) offsets(%dma_start3A_282 : memref<1000xi32, #tpu.memory_space<vmem>>) semaphore(%dma_start3A_287 : memref<!tpu.dma_semaphore, #tpu.memory_space<semaphore_mem>>) {add = true}
    }
    %scan3A_106 = arith.constant 25 : i32
    %dma_wait3A_107 = arith.constant 0 : i32
    %dma_wait3A_108 = arith.constant 0 : i32
    %dma_wait3A_109 = arith.constant 0 : i32
    %dma_wait3A_110 = arith.constant 0 : i32
    %dma_wait3A_111 = arith.constant 0 : i32
    %dma_wait3A_112 = tpu.memref_slice %arg11[%dma_wait3A_107, %dma_wait3A_110, %dma_wait3A_111] : memref<2x1000x32xf32, #tpu.memory_space<vmem>> -> memref<1x1000x32xf32, #tpu.memory_space<vmem>>
    %dma_wait3A_113 = tpu.memref_squeeze %dma_wait3A_112 : memref<1x1000x32xf32, #tpu.memory_space<vmem>> -> memref<1000x32xf32, #tpu.memory_space<vmem>>
    %dma_wait3A_114 = arith.constant 0 : i32
    %dma_wait3A_115 = tpu.memref_slice %arg10[%dma_wait3A_108, %dma_wait3A_114] : memref<3x1000xi32, #tpu.memory_space<vmem>> -> memref<1x1000xi32, #tpu.memory_space<vmem>>
    %dma_wait3A_116 = tpu.memref_squeeze %dma_wait3A_115 : memref<1x1000xi32, #tpu.memory_space<vmem>> -> memref<1000xi32, #tpu.memory_space<vmem>>
    %dma_wait3A_117 = arith.constant 0 : i32
    %dma_wait3A_118 = arith.constant 0 : i32
    %dma_wait3A_119 = tpu.memref_slice %arg12[%dma_wait3A_117, %dma_wait3A_118] : memref<25088x32xf32, #tpu.memory_space<vmem_shared>> -> memref<25088x32xf32, #tpu.memory_space<vmem_shared>>
    %dma_wait3A_120 = tpu.memref_slice %arg14[%dma_wait3A_109] : memref<2x!tpu.dma_semaphore, #tpu.memory_space<semaphore_mem>> -> memref<1x!tpu.dma_semaphore, #tpu.memory_space<semaphore_mem>>
    %dma_wait3A_121 = tpu.memref_squeeze %dma_wait3A_120 : memref<1x!tpu.dma_semaphore, #tpu.memory_space<semaphore_mem>> -> memref<!tpu.dma_semaphore, #tpu.memory_space<semaphore_mem>>
    tpu.wait_indirect_dma semaphore(%dma_wait3A_121 : memref<!tpu.dma_semaphore, #tpu.memory_space<semaphore_mem>>) src(%dma_wait3A_113 : memref<1000x32xf32, #tpu.memory_space<vmem>>) dst(%dma_wait3A_119 : memref<25088x32xf32, #tpu.memory_space<vmem_shared>>)
    %barrier3A_122 = arith.constant 0 : index
    tpu.barrier barrier_id(%barrier3A_122)
    %mul3A_123 = arith.constant 25088 : i32
    %mul3A_124 = arith.muli %arg0, %mul3A_123 : i32
    %add3A_125 = arith.addi %mul3A_124, %mul3A_0 : i32
    "tpu.region"() ({
      %run_scoped3A = tpu.sem_alloc : memref<!tpu.dma_semaphore, #tpu.memory_space<semaphore_mem>>
      %dma_start3A_251 = arith.constant 0 : i32
      %dma_start3A_252 = tpu.memref_slice %arg7[%add3A_125, %dma_start3A_251] : memref<50176x32xf32, #tpu.memory_space<hbm>> -> memref<1568x32xf32, #tpu.memory_space<hbm>>
      %dma_start3A_253 = arith.constant 0 : i32
      %dma_start3A_254 = tpu.memref_slice %arg12[%mul3A_0, %dma_start3A_253] : memref<25088x32xf32, #tpu.memory_space<vmem_shared>> -> memref<1568x32xf32, #tpu.memory_space<vmem_shared>>
      tpu.enqueue_dma source(%dma_start3A_254 : memref<1568x32xf32, #tpu.memory_space<vmem_shared>>) target(%dma_start3A_252 : memref<1568x32xf32, #tpu.memory_space<hbm>>) target_semaphore(%run_scoped3A : memref<!tpu.dma_semaphore, #tpu.memory_space<semaphore_mem>>)
      %dma_wait3A_255 = arith.constant 0 : i32
      %dma_wait3A_256 = tpu.memref_slice %arg7[%add3A_125, %dma_wait3A_255] : memref<50176x32xf32, #tpu.memory_space<hbm>> -> memref<1568x32xf32, #tpu.memory_space<hbm>>
      %dma_wait3A_257 = arith.constant 0 : i32
      %dma_wait3A_258 = tpu.memref_slice %arg12[%mul3A_0, %dma_wait3A_257] : memref<25088x32xf32, #tpu.memory_space<vmem_shared>> -> memref<1568x32xf32, #tpu.memory_space<vmem_shared>>
      tpu.wait_dma2 semaphore(%run_scoped3A : memref<!tpu.dma_semaphore, #tpu.memory_space<semaphore_mem>>) src(%dma_wait3A_258 : memref<1568x32xf32, #tpu.memory_space<vmem_shared>>) dst(%dma_wait3A_256 : memref<1568x32xf32, #tpu.memory_space<hbm>>)
      tpu.yield
    }) : () -> ()
    "tpu.region"() ({
      %run_scoped3A = tpu.sem_alloc : memref<!tpu.dma_semaphore, #tpu.memory_space<semaphore_mem>>
      %dma_start3A_251 = arith.constant 0 : i32
      %dma_start3A_252 = tpu.memref_slice %arg12[%mul3A_0, %dma_start3A_251] : memref<25088x32xf32, #tpu.memory_space<vmem_shared>> -> memref<1568x32xf32, #tpu.memory_space<vmem_shared>>
      tpu.enqueue_dma source(%arg6 : memref<1568x32xf32, #tpu.memory_space<hbm>>) target(%dma_start3A_252 : memref<1568x32xf32, #tpu.memory_space<vmem_shared>>) target_semaphore(%run_scoped3A : memref<!tpu.dma_semaphore, #tpu.memory_space<semaphore_mem>>)
      %dma_wait3A_253 = arith.constant 0 : i32
      %dma_wait3A_254 = tpu.memref_slice %arg12[%mul3A_0, %dma_wait3A_253] : memref<25088x32xf32, #tpu.memory_space<vmem_shared>> -> memref<1568x32xf32, #tpu.memory_space<vmem_shared>>
      tpu.wait_dma2 semaphore(%run_scoped3A : memref<!tpu.dma_semaphore, #tpu.memory_space<semaphore_mem>>) src(%arg6 : memref<1568x32xf32, #tpu.memory_space<hbm>>) dst(%dma_wait3A_254 : memref<1568x32xf32, #tpu.memory_space<vmem_shared>>)
      tpu.yield
    }) : () -> ()
    %barrier3A_126 = arith.constant 0 : index
    tpu.barrier barrier_id(%barrier3A_126)
    %add3A_127 = arith.constant 0 : i32
    %add3A_128 = arith.addi %add3A, %add3A_127 : i32
    %dma_start3A_129 = arith.constant 0 : i32
    %dma_start3A_130 = arith.constant 0 : i32
    %dma_start3A_131 = arith.constant 0 : i32
    %dma_start3A_132 = tpu.memref_slice %arg9[%dma_start3A_129, %dma_start3A_131] : memref<3x1000xi32, #tpu.memory_space<vmem>> -> memref<1x1000xi32, #tpu.memory_space<vmem>>
    %dma_start3A_133 = tpu.memref_squeeze %dma_start3A_132 : memref<1x1000xi32, #tpu.memory_space<vmem>> -> memref<1000xi32, #tpu.memory_space<vmem>>
    %dma_start3A_134 = tpu.memref_slice %arg2[%add3A_128] : memref<800000xi32, #tpu.memory_space<hbm>> -> memref<1000xi32, #tpu.memory_space<hbm>>
    %dma_start3A_135 = tpu.memref_slice %arg15[%dma_start3A_130] : memref<3x!tpu.dma_semaphore, #tpu.memory_space<semaphore_mem>> -> memref<1x!tpu.dma_semaphore, #tpu.memory_space<semaphore_mem>>
    %dma_start3A_136 = tpu.memref_squeeze %dma_start3A_135 : memref<1x!tpu.dma_semaphore, #tpu.memory_space<semaphore_mem>> -> memref<!tpu.dma_semaphore, #tpu.memory_space<semaphore_mem>>
    %dma_start3A_137 = arith.constant 0 : i32
    %dma_start3A_138 = tpu.memref_slice %arg9[%dma_start3A_129, %dma_start3A_137] : memref<3x1000xi32, #tpu.memory_space<vmem>> -> memref<1x1000xi32, #tpu.memory_space<vmem>>
    %dma_start3A_139 = tpu.memref_squeeze %dma_start3A_138 : memref<1x1000xi32, #tpu.memory_space<vmem>> -> memref<1000xi32, #tpu.memory_space<vmem>>
    %dma_start3A_140 = tpu.memref_slice %arg2[%add3A_128] : memref<800000xi32, #tpu.memory_space<hbm>> -> memref<1000xi32, #tpu.memory_space<hbm>>
    tpu.enqueue_dma source(%dma_start3A_140 : memref<1000xi32, #tpu.memory_space<hbm>>) target(%dma_start3A_139 : memref<1000xi32, #tpu.memory_space<vmem>>) target_semaphore(%dma_start3A_136 : memref<!tpu.dma_semaphore, #tpu.memory_space<semaphore_mem>>)
    %add3A_141 = arith.constant 0 : i32
    %add3A_142 = arith.addi %add3A, %add3A_141 : i32
    %dma_start3A_143 = arith.constant 0 : i32
    %dma_start3A_144 = arith.constant 0 : i32
    %dma_start3A_145 = arith.constant 0 : i32
    %dma_start3A_146 = tpu.memref_slice %arg10[%dma_start3A_143, %dma_start3A_145] : memref<3x1000xi32, #tpu.memory_space<vmem>> -> memref<1x1000xi32, #tpu.memory_space<vmem>>
    %dma_start3A_147 = tpu.memref_squeeze %dma_start3A_146 : memref<1x1000xi32, #tpu.memory_space<vmem>> -> memref<1000xi32, #tpu.memory_space<vmem>>
    %dma_start3A_148 = tpu.memref_slice %arg3[%add3A_142] : memref<800000xi32, #tpu.memory_space<hbm>> -> memref<1000xi32, #tpu.memory_space<hbm>>
    %dma_start3A_149 = tpu.memref_slice %arg15[%dma_start3A_144] : memref<3x!tpu.dma_semaphore, #tpu.memory_space<semaphore_mem>> -> memref<1x!tpu.dma_semaphore, #tpu.memory_space<semaphore_mem>>
    %dma_start3A_150 = tpu.memref_squeeze %dma_start3A_149 : memref<1x!tpu.dma_semaphore, #tpu.memory_space<semaphore_mem>> -> memref<!tpu.dma_semaphore, #tpu.memory_space<semaphore_mem>>
    %dma_start3A_151 = arith.constant 0 : i32
    %dma_start3A_152 = tpu.memref_slice %arg10[%dma_start3A_143, %dma_start3A_151] : memref<3x1000xi32, #tpu.memory_space<vmem>> -> memref<1x1000xi32, #tpu.memory_space<vmem>>
    %dma_start3A_153 = tpu.memref_squeeze %dma_start3A_152 : memref<1x1000xi32, #tpu.memory_space<vmem>> -> memref<1000xi32, #tpu.memory_space<vmem>>
    %dma_start3A_154 = tpu.memref_slice %arg3[%add3A_142] : memref<800000xi32, #tpu.memory_space<hbm>> -> memref<1000xi32, #tpu.memory_space<hbm>>
    tpu.enqueue_dma source(%dma_start3A_154 : memref<1000xi32, #tpu.memory_space<hbm>>) target(%dma_start3A_153 : memref<1000xi32, #tpu.memory_space<vmem>>) target_semaphore(%dma_start3A_150 : memref<!tpu.dma_semaphore, #tpu.memory_space<semaphore_mem>>)
    %add3A_155 = arith.constant 1000 : i32
    %add3A_156 = arith.addi %add3A, %add3A_155 : i32
    %dma_start3A_157 = arith.constant 1 : i32
    %dma_start3A_158 = arith.constant 1 : i32
    %dma_start3A_159 = arith.constant 0 : i32
    %dma_start3A_160 = tpu.memref_slice %arg9[%dma_start3A_157, %dma_start3A_159] : memref<3x1000xi32, #tpu.memory_space<vmem>> -> memref<1x1000xi32, #tpu.memory_space<vmem>>
    %dma_start3A_161 = tpu.memref_squeeze %dma_start3A_160 : memref<1x1000xi32, #tpu.memory_space<vmem>> -> memref<1000xi32, #tpu.memory_space<vmem>>
    %dma_start3A_162 = tpu.memref_slice %arg2[%add3A_156] : memref<800000xi32, #tpu.memory_space<hbm>> -> memref<1000xi32, #tpu.memory_space<hbm>>
    %dma_start3A_163 = tpu.memref_slice %arg15[%dma_start3A_158] : memref<3x!tpu.dma_semaphore, #tpu.memory_space<semaphore_mem>> -> memref<1x!tpu.dma_semaphore, #tpu.memory_space<semaphore_mem>>
    %dma_start3A_164 = tpu.memref_squeeze %dma_start3A_163 : memref<1x!tpu.dma_semaphore, #tpu.memory_space<semaphore_mem>> -> memref<!tpu.dma_semaphore, #tpu.memory_space<semaphore_mem>>
    %dma_start3A_165 = arith.constant 0 : i32
    %dma_start3A_166 = tpu.memref_slice %arg9[%dma_start3A_157, %dma_start3A_165] : memref<3x1000xi32, #tpu.memory_space<vmem>> -> memref<1x1000xi32, #tpu.memory_space<vmem>>
    %dma_start3A_167 = tpu.memref_squeeze %dma_start3A_166 : memref<1x1000xi32, #tpu.memory_space<vmem>> -> memref<1000xi32, #tpu.memory_space<vmem>>
    %dma_start3A_168 = tpu.memref_slice %arg2[%add3A_156] : memref<800000xi32, #tpu.memory_space<hbm>> -> memref<1000xi32, #tpu.memory_space<hbm>>
    tpu.enqueue_dma source(%dma_start3A_168 : memref<1000xi32, #tpu.memory_space<hbm>>) target(%dma_start3A_167 : memref<1000xi32, #tpu.memory_space<vmem>>) target_semaphore(%dma_start3A_164 : memref<!tpu.dma_semaphore, #tpu.memory_space<semaphore_mem>>)
    %add3A_169 = arith.constant 1000 : i32
    %add3A_170 = arith.addi %add3A, %add3A_169 : i32
    %dma_start3A_171 = arith.constant 1 : i32
    %dma_start3A_172 = arith.constant 1 : i32
    %dma_start3A_173 = arith.constant 0 : i32
    %dma_start3A_174 = tpu.memref_slice %arg10[%dma_start3A_171, %dma_start3A_173] : memref<3x1000xi32, #tpu.memory_space<vmem>> -> memref<1x1000xi32, #tpu.memory_space<vmem>>
    %dma_start3A_175 = tpu.memref_squeeze %dma_start3A_174 : memref<1x1000xi32, #tpu.memory_space<vmem>> -> memref<1000xi32, #tpu.memory_space<vmem>>
    %dma_start3A_176 = tpu.memref_slice %arg3[%add3A_170] : memref<800000xi32, #tpu.memory_space<hbm>> -> memref<1000xi32, #tpu.memory_space<hbm>>
    %dma_start3A_177 = tpu.memref_slice %arg15[%dma_start3A_172] : memref<3x!tpu.dma_semaphore, #tpu.memory_space<semaphore_mem>> -> memref<1x!tpu.dma_semaphore, #tpu.memory_space<semaphore_mem>>
    %dma_start3A_178 = tpu.memref_squeeze %dma_start3A_177 : memref<1x!tpu.dma_semaphore, #tpu.memory_space<semaphore_mem>> -> memref<!tpu.dma_semaphore, #tpu.memory_space<semaphore_mem>>
    %dma_start3A_179 = arith.constant 0 : i32
    %dma_start3A_180 = tpu.memref_slice %arg10[%dma_start3A_171, %dma_start3A_179] : memref<3x1000xi32, #tpu.memory_space<vmem>> -> memref<1x1000xi32, #tpu.memory_space<vmem>>
    %dma_start3A_181 = tpu.memref_squeeze %dma_start3A_180 : memref<1x1000xi32, #tpu.memory_space<vmem>> -> memref<1000xi32, #tpu.memory_space<vmem>>
    %dma_start3A_182 = tpu.memref_slice %arg3[%add3A_170] : memref<800000xi32, #tpu.memory_space<hbm>> -> memref<1000xi32, #tpu.memory_space<hbm>>
    tpu.enqueue_dma source(%dma_start3A_182 : memref<1000xi32, #tpu.memory_space<hbm>>) target(%dma_start3A_181 : memref<1000xi32, #tpu.memory_space<vmem>>) target_semaphore(%dma_start3A_178 : memref<!tpu.dma_semaphore, #tpu.memory_space<semaphore_mem>>)
    %add3A_183 = arith.constant 0 : i32
    %add3A_184 = arith.addi %add3A, %add3A_183 : i32
    %dma_wait3A_185 = arith.constant 0 : i32
    %dma_wait3A_186 = arith.constant 0 : i32
    %dma_wait3A_187 = arith.constant 0 : i32
    %dma_wait3A_188 = tpu.memref_slice %arg9[%dma_wait3A_185, %dma_wait3A_187] : memref<3x1000xi32, #tpu.memory_space<vmem>> -> memref<1x1000xi32, #tpu.memory_space<vmem>>
    %dma_wait3A_189 = tpu.memref_squeeze %dma_wait3A_188 : memref<1x1000xi32, #tpu.memory_space<vmem>> -> memref<1000xi32, #tpu.memory_space<vmem>>
    %dma_wait3A_190 = tpu.memref_slice %arg2[%add3A_184] : memref<800000xi32, #tpu.memory_space<hbm>> -> memref<1000xi32, #tpu.memory_space<hbm>>
    %dma_wait3A_191 = tpu.memref_slice %arg15[%dma_wait3A_186] : memref<3x!tpu.dma_semaphore, #tpu.memory_space<semaphore_mem>> -> memref<1x!tpu.dma_semaphore, #tpu.memory_space<semaphore_mem>>
    %dma_wait3A_192 = tpu.memref_squeeze %dma_wait3A_191 : memref<1x!tpu.dma_semaphore, #tpu.memory_space<semaphore_mem>> -> memref<!tpu.dma_semaphore, #tpu.memory_space<semaphore_mem>>
    %dma_wait3A_193 = arith.constant 0 : i32
    %dma_wait3A_194 = tpu.memref_slice %arg9[%dma_wait3A_185, %dma_wait3A_193] : memref<3x1000xi32, #tpu.memory_space<vmem>> -> memref<1x1000xi32, #tpu.memory_space<vmem>>
    %dma_wait3A_195 = tpu.memref_squeeze %dma_wait3A_194 : memref<1x1000xi32, #tpu.memory_space<vmem>> -> memref<1000xi32, #tpu.memory_space<vmem>>
    %dma_wait3A_196 = tpu.memref_slice %arg2[%add3A_184] : memref<800000xi32, #tpu.memory_space<hbm>> -> memref<1000xi32, #tpu.memory_space<hbm>>
    tpu.wait_dma2 semaphore(%dma_wait3A_192 : memref<!tpu.dma_semaphore, #tpu.memory_space<semaphore_mem>>) src(%dma_wait3A_196 : memref<1000xi32, #tpu.memory_space<hbm>>) dst(%dma_wait3A_195 : memref<1000xi32, #tpu.memory_space<vmem>>)
    %add3A_197 = arith.constant 0 : i32
    %add3A_198 = arith.addi %add3A, %add3A_197 : i32
    %dma_wait3A_199 = arith.constant 0 : i32
    %dma_wait3A_200 = arith.constant 0 : i32
    %dma_wait3A_201 = arith.constant 0 : i32
    %dma_wait3A_202 = tpu.memref_slice %arg10[%dma_wait3A_199, %dma_wait3A_201] : memref<3x1000xi32, #tpu.memory_space<vmem>> -> memref<1x1000xi32, #tpu.memory_space<vmem>>
    %dma_wait3A_203 = tpu.memref_squeeze %dma_wait3A_202 : memref<1x1000xi32, #tpu.memory_space<vmem>> -> memref<1000xi32, #tpu.memory_space<vmem>>
    %dma_wait3A_204 = tpu.memref_slice %arg3[%add3A_198] : memref<800000xi32, #tpu.memory_space<hbm>> -> memref<1000xi32, #tpu.memory_space<hbm>>
    %dma_wait3A_205 = tpu.memref_slice %arg15[%dma_wait3A_200] : memref<3x!tpu.dma_semaphore, #tpu.memory_space<semaphore_mem>> -> memref<1x!tpu.dma_semaphore, #tpu.memory_space<semaphore_mem>>
    %dma_wait3A_206 = tpu.memref_squeeze %dma_wait3A_205 : memref<1x!tpu.dma_semaphore, #tpu.memory_space<semaphore_mem>> -> memref<!tpu.dma_semaphore, #tpu.memory_space<semaphore_mem>>
    %dma_wait3A_207 = arith.constant 0 : i32
    %dma_wait3A_208 = tpu.memref_slice %arg10[%dma_wait3A_199, %dma_wait3A_207] : memref<3x1000xi32, #tpu.memory_space<vmem>> -> memref<1x1000xi32, #tpu.memory_space<vmem>>
    %dma_wait3A_209 = tpu.memref_squeeze %dma_wait3A_208 : memref<1x1000xi32, #tpu.memory_space<vmem>> -> memref<1000xi32, #tpu.memory_space<vmem>>
    %dma_wait3A_210 = tpu.memref_slice %arg3[%add3A_198] : memref<800000xi32, #tpu.memory_space<hbm>> -> memref<1000xi32, #tpu.memory_space<hbm>>
    tpu.wait_dma2 semaphore(%dma_wait3A_206 : memref<!tpu.dma_semaphore, #tpu.memory_space<semaphore_mem>>) src(%dma_wait3A_210 : memref<1000xi32, #tpu.memory_space<hbm>>) dst(%dma_wait3A_209 : memref<1000xi32, #tpu.memory_space<vmem>>)
    %dma_start3A_211 = arith.constant 0 : i32
    %dma_start3A_212 = arith.constant 0 : i32
    %dma_start3A_213 = arith.constant 0 : i32
    %dma_start3A_214 = arith.constant 0 : i32
    %dma_start3A_215 = arith.constant 0 : i32
    %dma_start3A_216 = tpu.memref_slice %arg11[%dma_start3A_212, %dma_start3A_214, %dma_start3A_215] : memref<2x1000x32xf32, #tpu.memory_space<vmem>> -> memref<1x1000x32xf32, #tpu.memory_space<vmem>>
    %dma_start3A_217 = tpu.memref_squeeze %dma_start3A_216 : memref<1x1000x32xf32, #tpu.memory_space<vmem>> -> memref<1000x32xf32, #tpu.memory_space<vmem>>
    %dma_start3A_218 = arith.constant 0 : i32
    %dma_start3A_219 = tpu.memref_slice %arg9[%dma_start3A_211, %dma_start3A_218] : memref<3x1000xi32, #tpu.memory_space<vmem>> -> memref<1x1000xi32, #tpu.memory_space<vmem>>
    %dma_start3A_220 = tpu.memref_squeeze %dma_start3A_219 : memref<1x1000xi32, #tpu.memory_space<vmem>> -> memref<1000xi32, #tpu.memory_space<vmem>>
    %dma_start3A_221 = arith.constant 0 : i32
    %dma_start3A_222 = arith.constant 0 : i32
    %dma_start3A_223 = tpu.memref_slice %arg5[%dma_start3A_221, %dma_start3A_222] : memref<50176x32xf32, #tpu.memory_space<hbm>> -> memref<50176x32xf32, #tpu.memory_space<hbm>>
    %dma_start3A_224 = tpu.memref_slice %arg13[%dma_start3A_213] : memref<2x!tpu.dma_semaphore, #tpu.memory_space<semaphore_mem>> -> memref<1x!tpu.dma_semaphore, #tpu.memory_space<semaphore_mem>>
    %dma_start3A_225 = tpu.memref_squeeze %dma_start3A_224 : memref<1x!tpu.dma_semaphore, #tpu.memory_space<semaphore_mem>> -> memref<!tpu.dma_semaphore, #tpu.memory_space<semaphore_mem>>
    tpu.enqueue_indirect_dma source(%dma_start3A_223 : memref<50176x32xf32, #tpu.memory_space<hbm>>) target(%dma_start3A_217 : memref<1000x32xf32, #tpu.memory_space<vmem>>) offsets(%dma_start3A_220 : memref<1000xi32, #tpu.memory_space<vmem>>) semaphore(%dma_start3A_225 : memref<!tpu.dma_semaphore, #tpu.memory_space<semaphore_mem>>)
    %scan3A_226 = arith.constant 0 : i32
    %scan3A_227 = arith.constant 0 : i32
    %scan3A_228 = arith.constant 25 : i32
    %scan3A_229 = arith.addi %scan3A_227, %scan3A_228 : i32
    %scan3A_230 = arith.constant 1 : i32
    scf.for %scan3A_251 = %scan3A_227 to %scan3A_229 step %scan3A_230  : i32 {
      %rem3A = arith.constant 2 : i32
      %rem3A_252 = arith.remsi %scan3A_251, %rem3A : i32
      %sub3A = arith.constant 1 : i32
      %sub3A_253 = arith.subi %sub3A, %rem3A_252 : i32
      %rem3A_254 = arith.constant 3 : i32
      %rem3A_255 = arith.remsi %scan3A_251, %rem3A_254 : i32
      %ge3A = arith.constant 1 : i32
      %ge3A_256 = arith.cmpi sge, %scan3A_251, %ge3A : i32
      %convert_element_type3A = arith.extui %ge3A_256 : i1 to i32
      %cond3A = arith.constant 0 : i32
      %cond3A_257 = arith.cmpi ne, %convert_element_type3A, %cond3A : i32
      scf.if %cond3A_257 {
        %add3A_288 = arith.constant 2 : i32
        %add3A_289 = arith.addi %scan3A_251, %add3A_288 : i32
        %rem3A_290 = arith.constant 3 : i32
        %rem3A_291 = arith.remsi %add3A_289, %rem3A_290 : i32
        %dma_wait3A_292 = arith.constant 0 : i32
        %dma_wait3A_293 = arith.constant 0 : i32
        %dma_wait3A_294 = tpu.memref_slice %arg11[%sub3A_253, %dma_wait3A_292, %dma_wait3A_293] : memref<2x1000x32xf32, #tpu.memory_space<vmem>> -> memref<1x1000x32xf32, #tpu.memory_space<vmem>>
        %dma_wait3A_295 = tpu.memref_squeeze %dma_wait3A_294 : memref<1x1000x32xf32, #tpu.memory_space<vmem>> -> memref<1000x32xf32, #tpu.memory_space<vmem>>
        %dma_wait3A_296 = arith.constant 0 : i32
        %dma_wait3A_297 = tpu.memref_slice %arg10[%rem3A_291, %dma_wait3A_296] : memref<3x1000xi32, #tpu.memory_space<vmem>> -> memref<1x1000xi32, #tpu.memory_space<vmem>>
        %dma_wait3A_298 = tpu.memref_squeeze %dma_wait3A_297 : memref<1x1000xi32, #tpu.memory_space<vmem>> -> memref<1000xi32, #tpu.memory_space<vmem>>
        %dma_wait3A_299 = arith.constant 0 : i32
        %dma_wait3A_300 = arith.constant 0 : i32
        %dma_wait3A_301 = tpu.memref_slice %arg12[%dma_wait3A_299, %dma_wait3A_300] : memref<25088x32xf32, #tpu.memory_space<vmem_shared>> -> memref<25088x32xf32, #tpu.memory_space<vmem_shared>>
        %dma_wait3A_302 = tpu.memref_slice %arg14[%sub3A_253] : memref<2x!tpu.dma_semaphore, #tpu.memory_space<semaphore_mem>> -> memref<1x!tpu.dma_semaphore, #tpu.memory_space<semaphore_mem>>
        %dma_wait3A_303 = tpu.memref_squeeze %dma_wait3A_302 : memref<1x!tpu.dma_semaphore, #tpu.memory_space<semaphore_mem>> -> memref<!tpu.dma_semaphore, #tpu.memory_space<semaphore_mem>>
        tpu.wait_indirect_dma semaphore(%dma_wait3A_303 : memref<!tpu.dma_semaphore, #tpu.memory_space<semaphore_mem>>) src(%dma_wait3A_295 : memref<1000x32xf32, #tpu.memory_space<vmem>>) dst(%dma_wait3A_301 : memref<25088x32xf32, #tpu.memory_space<vmem_shared>>)
      } else {
      }
      %add3A_258 = arith.constant 1 : i32
      %add3A_259 = arith.addi %scan3A_251, %add3A_258 : i32
      %lt3A = arith.constant 25 : i32
      %lt3A_260 = arith.cmpi slt, %add3A_259, %lt3A : i32
      %convert_element_type3A_261 = arith.extui %lt3A_260 : i1 to i32
      %cond3A_262 = arith.constant 0 : i32
      %cond3A_263 = arith.cmpi ne, %convert_element_type3A_261, %cond3A_262 : i32
      scf.if %cond3A_263 {
        %add3A_288 = arith.constant 1 : i32
        %add3A_289 = arith.addi %scan3A_251, %add3A_288 : i32
        %rem3A_290 = arith.constant 3 : i32
        %rem3A_291 = arith.remsi %add3A_289, %rem3A_290 : i32
        %add3A_292 = arith.constant 1 : i32
        %add3A_293 = arith.addi %scan3A_251, %add3A_292 : i32
        %mul3A_294 = arith.constant 1000 : i32
        %mul3A_295 = arith.muli %add3A_293, %mul3A_294 : i32
        %add3A_296 = arith.addi %add3A, %mul3A_295 : i32
        %dma_wait3A_297 = arith.constant 0 : i32
        %dma_wait3A_298 = tpu.memref_slice %arg9[%rem3A_291, %dma_wait3A_297] : memref<3x1000xi32, #tpu.memory_space<vmem>> -> memref<1x1000xi32, #tpu.memory_space<vmem>>
        %dma_wait3A_299 = tpu.memref_squeeze %dma_wait3A_298 : memref<1x1000xi32, #tpu.memory_space<vmem>> -> memref<1000xi32, #tpu.memory_space<vmem>>
        %dma_wait3A_300 = tpu.memref_slice %arg2[%add3A_296] : memref<800000xi32, #tpu.memory_space<hbm>> -> memref<1000xi32, #tpu.memory_space<hbm>>
        %dma_wait3A_301 = tpu.memref_slice %arg15[%rem3A_291] : memref<3x!tpu.dma_semaphore, #tpu.memory_space<semaphore_mem>> -> memref<1x!tpu.dma_semaphore, #tpu.memory_space<semaphore_mem>>
        %dma_wait3A_302 = tpu.memref_squeeze %dma_wait3A_301 : memref<1x!tpu.dma_semaphore, #tpu.memory_space<semaphore_mem>> -> memref<!tpu.dma_semaphore, #tpu.memory_space<semaphore_mem>>
        %dma_wait3A_303 = arith.constant 0 : i32
        %dma_wait3A_304 = tpu.memref_slice %arg9[%rem3A_291, %dma_wait3A_303] : memref<3x1000xi32, #tpu.memory_space<vmem>> -> memref<1x1000xi32, #tpu.memory_space<vmem>>
        %dma_wait3A_305 = tpu.memref_squeeze %dma_wait3A_304 : memref<1x1000xi32, #tpu.memory_space<vmem>> -> memref<1000xi32, #tpu.memory_space<vmem>>
        %dma_wait3A_306 = tpu.memref_slice %arg2[%add3A_296] : memref<800000xi32, #tpu.memory_space<hbm>> -> memref<1000xi32, #tpu.memory_space<hbm>>
        tpu.wait_dma2 semaphore(%dma_wait3A_302 : memref<!tpu.dma_semaphore, #tpu.memory_space<semaphore_mem>>) src(%dma_wait3A_306 : memref<1000xi32, #tpu.memory_space<hbm>>) dst(%dma_wait3A_305 : memref<1000xi32, #tpu.memory_space<vmem>>)
        %mul3A_307 = arith.constant 1000 : i32
        %mul3A_308 = arith.muli %add3A_293, %mul3A_307 : i32
        %add3A_309 = arith.addi %add3A, %mul3A_308 : i32
        %dma_wait3A_310 = arith.constant 0 : i32
        %dma_wait3A_311 = tpu.memref_slice %arg10[%rem3A_291, %dma_wait3A_310] : memref<3x1000xi32, #tpu.memory_space<vmem>> -> memref<1x1000xi32, #tpu.memory_space<vmem>>
        %dma_wait3A_312 = tpu.memref_squeeze %dma_wait3A_311 : memref<1x1000xi32, #tpu.memory_space<vmem>> -> memref<1000xi32, #tpu.memory_space<vmem>>
        %dma_wait3A_313 = tpu.memref_slice %arg3[%add3A_309] : memref<800000xi32, #tpu.memory_space<hbm>> -> memref<1000xi32, #tpu.memory_space<hbm>>
        %dma_wait3A_314 = tpu.memref_slice %arg15[%rem3A_291] : memref<3x!tpu.dma_semaphore, #tpu.memory_space<semaphore_mem>> -> memref<1x!tpu.dma_semaphore, #tpu.memory_space<semaphore_mem>>
        %dma_wait3A_315 = tpu.memref_squeeze %dma_wait3A_314 : memref<1x!tpu.dma_semaphore, #tpu.memory_space<semaphore_mem>> -> memref<!tpu.dma_semaphore, #tpu.memory_space<semaphore_mem>>
        %dma_wait3A_316 = arith.constant 0 : i32
        %dma_wait3A_317 = tpu.memref_slice %arg10[%rem3A_291, %dma_wait3A_316] : memref<3x1000xi32, #tpu.memory_space<vmem>> -> memref<1x1000xi32, #tpu.memory_space<vmem>>
        %dma_wait3A_318 = tpu.memref_squeeze %dma_wait3A_317 : memref<1x1000xi32, #tpu.memory_space<vmem>> -> memref<1000xi32, #tpu.memory_space<vmem>>
        %dma_wait3A_319 = tpu.memref_slice %arg3[%add3A_309] : memref<800000xi32, #tpu.memory_space<hbm>> -> memref<1000xi32, #tpu.memory_space<hbm>>
        tpu.wait_dma2 semaphore(%dma_wait3A_315 : memref<!tpu.dma_semaphore, #tpu.memory_space<semaphore_mem>>) src(%dma_wait3A_319 : memref<1000xi32, #tpu.memory_space<hbm>>) dst(%dma_wait3A_318 : memref<1000xi32, #tpu.memory_space<vmem>>)
        %dma_start3A_320 = arith.constant 0 : i32
        %dma_start3A_321 = arith.constant 0 : i32
        %dma_start3A_322 = tpu.memref_slice %arg11[%sub3A_253, %dma_start3A_320, %dma_start3A_321] : memref<2x1000x32xf32, #tpu.memory_space<vmem>> -> memref<1x1000x32xf32, #tpu.memory_space<vmem>>
        %dma_start3A_323 = tpu.memref_squeeze %dma_start3A_322 : memref<1x1000x32xf32, #tpu.memory_space<vmem>> -> memref<1000x32xf32, #tpu.memory_space<vmem>>
        %dma_start3A_324 = arith.constant 0 : i32
        %dma_start3A_325 = tpu.memref_slice %arg9[%rem3A_291, %dma_start3A_324] : memref<3x1000xi32, #tpu.memory_space<vmem>> -> memref<1x1000xi32, #tpu.memory_space<vmem>>
        %dma_start3A_326 = tpu.memref_squeeze %dma_start3A_325 : memref<1x1000xi32, #tpu.memory_space<vmem>> -> memref<1000xi32, #tpu.memory_space<vmem>>
        %dma_start3A_327 = arith.constant 0 : i32
        %dma_start3A_328 = arith.constant 0 : i32
        %dma_start3A_329 = tpu.memref_slice %arg5[%dma_start3A_327, %dma_start3A_328] : memref<50176x32xf32, #tpu.memory_space<hbm>> -> memref<50176x32xf32, #tpu.memory_space<hbm>>
        %dma_start3A_330 = tpu.memref_slice %arg13[%sub3A_253] : memref<2x!tpu.dma_semaphore, #tpu.memory_space<semaphore_mem>> -> memref<1x!tpu.dma_semaphore, #tpu.memory_space<semaphore_mem>>
        %dma_start3A_331 = tpu.memref_squeeze %dma_start3A_330 : memref<1x!tpu.dma_semaphore, #tpu.memory_space<semaphore_mem>> -> memref<!tpu.dma_semaphore, #tpu.memory_space<semaphore_mem>>
        tpu.enqueue_indirect_dma source(%dma_start3A_329 : memref<50176x32xf32, #tpu.memory_space<hbm>>) target(%dma_start3A_323 : memref<1000x32xf32, #tpu.memory_space<vmem>>) offsets(%dma_start3A_326 : memref<1000xi32, #tpu.memory_space<vmem>>) semaphore(%dma_start3A_331 : memref<!tpu.dma_semaphore, #tpu.memory_space<semaphore_mem>>)
        %add3A_332 = arith.constant 2 : i32
        %add3A_333 = arith.addi %scan3A_251, %add3A_332 : i32
        %lt3A_334 = arith.constant 25 : i32
        %lt3A_335 = arith.cmpi slt, %add3A_333, %lt3A_334 : i32
        %convert_element_type3A_336 = arith.extui %lt3A_335 : i1 to i32
        %cond3A_337 = arith.constant 0 : i32
        %cond3A_338 = arith.cmpi ne, %convert_element_type3A_336, %cond3A_337 : i32
        scf.if %cond3A_338 {
          %add3A_339 = arith.constant 2 : i32
          %add3A_340 = arith.addi %scan3A_251, %add3A_339 : i32
          %add3A_341 = arith.constant 2 : i32
          %add3A_342 = arith.addi %scan3A_251, %add3A_341 : i32
          %rem3A_343 = arith.constant 3 : i32
          %rem3A_344 = arith.remsi %add3A_342, %rem3A_343 : i32
          %mul3A_345 = arith.constant 1000 : i32
          %mul3A_346 = arith.muli %add3A_340, %mul3A_345 : i32
          %add3A_347 = arith.addi %add3A, %mul3A_346 : i32
          %dma_start3A_348 = arith.constant 0 : i32
          %dma_start3A_349 = tpu.memref_slice %arg9[%rem3A_344, %dma_start3A_348] : memref<3x1000xi32, #tpu.memory_space<vmem>> -> memref<1x1000xi32, #tpu.memory_space<vmem>>
          %dma_start3A_350 = tpu.memref_squeeze %dma_start3A_349 : memref<1x1000xi32, #tpu.memory_space<vmem>> -> memref<1000xi32, #tpu.memory_space<vmem>>
          %dma_start3A_351 = tpu.memref_slice %arg2[%add3A_347] : memref<800000xi32, #tpu.memory_space<hbm>> -> memref<1000xi32, #tpu.memory_space<hbm>>
          %dma_start3A_352 = tpu.memref_slice %arg15[%rem3A_344] : memref<3x!tpu.dma_semaphore, #tpu.memory_space<semaphore_mem>> -> memref<1x!tpu.dma_semaphore, #tpu.memory_space<semaphore_mem>>
          %dma_start3A_353 = tpu.memref_squeeze %dma_start3A_352 : memref<1x!tpu.dma_semaphore, #tpu.memory_space<semaphore_mem>> -> memref<!tpu.dma_semaphore, #tpu.memory_space<semaphore_mem>>
          %dma_start3A_354 = arith.constant 0 : i32
          %dma_start3A_355 = tpu.memref_slice %arg9[%rem3A_344, %dma_start3A_354] : memref<3x1000xi32, #tpu.memory_space<vmem>> -> memref<1x1000xi32, #tpu.memory_space<vmem>>
          %dma_start3A_356 = tpu.memref_squeeze %dma_start3A_355 : memref<1x1000xi32, #tpu.memory_space<vmem>> -> memref<1000xi32, #tpu.memory_space<vmem>>
          %dma_start3A_357 = tpu.memref_slice %arg2[%add3A_347] : memref<800000xi32, #tpu.memory_space<hbm>> -> memref<1000xi32, #tpu.memory_space<hbm>>
          tpu.enqueue_dma source(%dma_start3A_357 : memref<1000xi32, #tpu.memory_space<hbm>>) target(%dma_start3A_356 : memref<1000xi32, #tpu.memory_space<vmem>>) target_semaphore(%dma_start3A_353 : memref<!tpu.dma_semaphore, #tpu.memory_space<semaphore_mem>>)
          %mul3A_358 = arith.constant 1000 : i32
          %mul3A_359 = arith.muli %add3A_340, %mul3A_358 : i32
          %add3A_360 = arith.addi %add3A, %mul3A_359 : i32
          %dma_start3A_361 = arith.constant 0 : i32
          %dma_start3A_362 = tpu.memref_slice %arg10[%rem3A_344, %dma_start3A_361] : memref<3x1000xi32, #tpu.memory_space<vmem>> -> memref<1x1000xi32, #tpu.memory_space<vmem>>
          %dma_start3A_363 = tpu.memref_squeeze %dma_start3A_362 : memref<1x1000xi32, #tpu.memory_space<vmem>> -> memref<1000xi32, #tpu.memory_space<vmem>>
          %dma_start3A_364 = tpu.memref_slice %arg3[%add3A_360] : memref<800000xi32, #tpu.memory_space<hbm>> -> memref<1000xi32, #tpu.memory_space<hbm>>
          %dma_start3A_365 = tpu.memref_slice %arg15[%rem3A_344] : memref<3x!tpu.dma_semaphore, #tpu.memory_space<semaphore_mem>> -> memref<1x!tpu.dma_semaphore, #tpu.memory_space<semaphore_mem>>
          %dma_start3A_366 = tpu.memref_squeeze %dma_start3A_365 : memref<1x!tpu.dma_semaphore, #tpu.memory_space<semaphore_mem>> -> memref<!tpu.dma_semaphore, #tpu.memory_space<semaphore_mem>>
          %dma_start3A_367 = arith.constant 0 : i32
          %dma_start3A_368 = tpu.memref_slice %arg10[%rem3A_344, %dma_start3A_367] : memref<3x1000xi32, #tpu.memory_space<vmem>> -> memref<1x1000xi32, #tpu.memory_space<vmem>>
          %dma_start3A_369 = tpu.memref_squeeze %dma_start3A_368 : memref<1x1000xi32, #tpu.memory_space<vmem>> -> memref<1000xi32, #tpu.memory_space<vmem>>
          %dma_start3A_370 = tpu.memref_slice %arg3[%add3A_360] : memref<800000xi32, #tpu.memory_space<hbm>> -> memref<1000xi32, #tpu.memory_space<hbm>>
          tpu.enqueue_dma source(%dma_start3A_370 : memref<1000xi32, #tpu.memory_space<hbm>>) target(%dma_start3A_369 : memref<1000xi32, #tpu.memory_space<vmem>>) target_semaphore(%dma_start3A_366 : memref<!tpu.dma_semaphore, #tpu.memory_space<semaphore_mem>>)
        } else {
        }
      } else {
      }
      %dma_wait3A_264 = arith.constant 0 : i32
      %dma_wait3A_265 = arith.constant 0 : i32
      %dma_wait3A_266 = tpu.memref_slice %arg11[%rem3A_252, %dma_wait3A_264, %dma_wait3A_265] : memref<2x1000x32xf32, #tpu.memory_space<vmem>> -> memref<1x1000x32xf32, #tpu.memory_space<vmem>>
      %dma_wait3A_267 = tpu.memref_squeeze %dma_wait3A_266 : memref<1x1000x32xf32, #tpu.memory_space<vmem>> -> memref<1000x32xf32, #tpu.memory_space<vmem>>
      %dma_wait3A_268 = arith.constant 0 : i32
      %dma_wait3A_269 = tpu.memref_slice %arg9[%rem3A_255, %dma_wait3A_268] : memref<3x1000xi32, #tpu.memory_space<vmem>> -> memref<1x1000xi32, #tpu.memory_space<vmem>>
      %dma_wait3A_270 = tpu.memref_squeeze %dma_wait3A_269 : memref<1x1000xi32, #tpu.memory_space<vmem>> -> memref<1000xi32, #tpu.memory_space<vmem>>
      %dma_wait3A_271 = arith.constant 0 : i32
      %dma_wait3A_272 = arith.constant 0 : i32
      %dma_wait3A_273 = tpu.memref_slice %arg5[%dma_wait3A_271, %dma_wait3A_272] : memref<50176x32xf32, #tpu.memory_space<hbm>> -> memref<50176x32xf32, #tpu.memory_space<hbm>>
      %dma_wait3A_274 = tpu.memref_slice %arg13[%rem3A_252] : memref<2x!tpu.dma_semaphore, #tpu.memory_space<semaphore_mem>> -> memref<1x!tpu.dma_semaphore, #tpu.memory_space<semaphore_mem>>
      %dma_wait3A_275 = tpu.memref_squeeze %dma_wait3A_274 : memref<1x!tpu.dma_semaphore, #tpu.memory_space<semaphore_mem>> -> memref<!tpu.dma_semaphore, #tpu.memory_space<semaphore_mem>>
      tpu.wait_indirect_dma semaphore(%dma_wait3A_275 : memref<!tpu.dma_semaphore, #tpu.memory_space<semaphore_mem>>) src(%dma_wait3A_273 : memref<50176x32xf32, #tpu.memory_space<hbm>>) dst(%dma_wait3A_267 : memref<1000x32xf32, #tpu.memory_space<vmem>>)
      %dma_start3A_276 = arith.constant 0 : i32
      %dma_start3A_277 = arith.constant 0 : i32
      %dma_start3A_278 = tpu.memref_slice %arg11[%rem3A_252, %dma_start3A_276, %dma_start3A_277] : memref<2x1000x32xf32, #tpu.memory_space<vmem>> -> memref<1x1000x32xf32, #tpu.memory_space<vmem>>
      %dma_start3A_279 = tpu.memref_squeeze %dma_start3A_278 : memref<1x1000x32xf32, #tpu.memory_space<vmem>> -> memref<1000x32xf32, #tpu.memory_space<vmem>>
      %dma_start3A_280 = arith.constant 0 : i32
      %dma_start3A_281 = tpu.memref_slice %arg10[%rem3A_255, %dma_start3A_280] : memref<3x1000xi32, #tpu.memory_space<vmem>> -> memref<1x1000xi32, #tpu.memory_space<vmem>>
      %dma_start3A_282 = tpu.memref_squeeze %dma_start3A_281 : memref<1x1000xi32, #tpu.memory_space<vmem>> -> memref<1000xi32, #tpu.memory_space<vmem>>
      %dma_start3A_283 = arith.constant 0 : i32
      %dma_start3A_284 = arith.constant 0 : i32
      %dma_start3A_285 = tpu.memref_slice %arg12[%dma_start3A_283, %dma_start3A_284] : memref<25088x32xf32, #tpu.memory_space<vmem_shared>> -> memref<25088x32xf32, #tpu.memory_space<vmem_shared>>
      %dma_start3A_286 = tpu.memref_slice %arg14[%rem3A_252] : memref<2x!tpu.dma_semaphore, #tpu.memory_space<semaphore_mem>> -> memref<1x!tpu.dma_semaphore, #tpu.memory_space<semaphore_mem>>
      %dma_start3A_287 = tpu.memref_squeeze %dma_start3A_286 : memref<1x!tpu.dma_semaphore, #tpu.memory_space<semaphore_mem>> -> memref<!tpu.dma_semaphore, #tpu.memory_space<semaphore_mem>>
      tpu.enqueue_indirect_dma source(%dma_start3A_279 : memref<1000x32xf32, #tpu.memory_space<vmem>>) target(%dma_start3A_285 : memref<25088x32xf32, #tpu.memory_space<vmem_shared>>) offsets(%dma_start3A_282 : memref<1000xi32, #tpu.memory_space<vmem>>) semaphore(%dma_start3A_287 : memref<!tpu.dma_semaphore, #tpu.memory_space<semaphore_mem>>) {add = true}
    }
    %scan3A_231 = arith.constant 25 : i32
    %dma_wait3A_232 = arith.constant 0 : i32
    %dma_wait3A_233 = arith.constant 0 : i32
    %dma_wait3A_234 = arith.constant 0 : i32
    %dma_wait3A_235 = arith.constant 0 : i32
    %dma_wait3A_236 = arith.constant 0 : i32
    %dma_wait3A_237 = tpu.memref_slice %arg11[%dma_wait3A_232, %dma_wait3A_235, %dma_wait3A_236] : memref<2x1000x32xf32, #tpu.memory_space<vmem>> -> memref<1x1000x32xf32, #tpu.memory_space<vmem>>
    %dma_wait3A_238 = tpu.memref_squeeze %dma_wait3A_237 : memref<1x1000x32xf32, #tpu.memory_space<vmem>> -> memref<1000x32xf32, #tpu.memory_space<vmem>>
    %dma_wait3A_239 = arith.constant 0 : i32
    %dma_wait3A_240 = tpu.memref_slice %arg10[%dma_wait3A_233, %dma_wait3A_239] : memref<3x1000xi32, #tpu.memory_space<vmem>> -> memref<1x1000xi32, #tpu.memory_space<vmem>>
    %dma_wait3A_241 = tpu.memref_squeeze %dma_wait3A_240 : memref<1x1000xi32, #tpu.memory_space<vmem>> -> memref<1000xi32, #tpu.memory_space<vmem>>
    %dma_wait3A_242 = arith.constant 0 : i32
    %dma_wait3A_243 = arith.constant 0 : i32
    %dma_wait3A_244 = tpu.memref_slice %arg12[%dma_wait3A_242, %dma_wait3A_243] : memref<25088x32xf32, #tpu.memory_space<vmem_shared>> -> memref<25088x32xf32, #tpu.memory_space<vmem_shared>>
    %dma_wait3A_245 = tpu.memref_slice %arg14[%dma_wait3A_234] : memref<2x!tpu.dma_semaphore, #tpu.memory_space<semaphore_mem>> -> memref<1x!tpu.dma_semaphore, #tpu.memory_space<semaphore_mem>>
    %dma_wait3A_246 = tpu.memref_squeeze %dma_wait3A_245 : memref<1x!tpu.dma_semaphore, #tpu.memory_space<semaphore_mem>> -> memref<!tpu.dma_semaphore, #tpu.memory_space<semaphore_mem>>
    tpu.wait_indirect_dma semaphore(%dma_wait3A_246 : memref<!tpu.dma_semaphore, #tpu.memory_space<semaphore_mem>>) src(%dma_wait3A_238 : memref<1000x32xf32, #tpu.memory_space<vmem>>) dst(%dma_wait3A_244 : memref<25088x32xf32, #tpu.memory_space<vmem_shared>>)
    %barrier3A_247 = arith.constant 0 : index
    tpu.barrier barrier_id(%barrier3A_247)
    %mul3A_248 = arith.constant 25088 : i32
    %mul3A_249 = arith.muli %arg0, %mul3A_248 : i32
    %add3A_250 = arith.addi %mul3A_249, %mul3A_0 : i32
    "tpu.region"() ({
      %run_scoped3A = tpu.sem_alloc : memref<!tpu.dma_semaphore, #tpu.memory_space<semaphore_mem>>
      %dma_start3A_251 = arith.constant 0 : i32
      %dma_start3A_252 = tpu.memref_slice %arg8[%add3A_250, %dma_start3A_251] : memref<50176x32xf32, #tpu.memory_space<hbm>> -> memref<1568x32xf32, #tpu.memory_space<hbm>>
      %dma_start3A_253 = arith.constant 0 : i32
      %dma_start3A_254 = tpu.memref_slice %arg12[%mul3A_0, %dma_start3A_253] : memref<25088x32xf32, #tpu.memory_space<vmem_shared>> -> memref<1568x32xf32, #tpu.memory_space<vmem_shared>>
      tpu.enqueue_dma source(%dma_start3A_254 : memref<1568x32xf32, #tpu.memory_space<vmem_shared>>) target(%dma_start3A_252 : memref<1568x32xf32, #tpu.memory_space<hbm>>) target_semaphore(%run_scoped3A : memref<!tpu.dma_semaphore, #tpu.memory_space<semaphore_mem>>)
      %dma_wait3A_255 = arith.constant 0 : i32
      %dma_wait3A_256 = tpu.memref_slice %arg8[%add3A_250, %dma_wait3A_255] : memref<50176x32xf32, #tpu.memory_space<hbm>> -> memref<1568x32xf32, #tpu.memory_space<hbm>>
      %dma_wait3A_257 = arith.constant 0 : i32
      %dma_wait3A_258 = tpu.memref_slice %arg12[%mul3A_0, %dma_wait3A_257] : memref<25088x32xf32, #tpu.memory_space<vmem_shared>> -> memref<1568x32xf32, #tpu.memory_space<vmem_shared>>
      tpu.wait_dma2 semaphore(%run_scoped3A : memref<!tpu.dma_semaphore, #tpu.memory_space<semaphore_mem>>) src(%dma_wait3A_258 : memref<1568x32xf32, #tpu.memory_space<vmem_shared>>) dst(%dma_wait3A_256 : memref<1568x32xf32, #tpu.memory_space<hbm>>)
      tpu.yield
    }) : () -> ()
    return
  }
}

#map = affine_map<(d0, d1) -> (0, 0)>
#map1 = affine_map<(d0, d1) -> (0)>
module attributes {stable_mosaic.version = 14 : i64} {
  func.func @_gather_body(%arg0: i32, %arg1: i32, %arg2: memref<50176x32xf32, #tpu.memory_space<hbm>>, %arg3: memref<50176x32xf32, #tpu.memory_space<hbm>>, %arg4: memref<50176x32xf32, #tpu.memory_space<hbm>>, %arg5: memref<50176x32xf32, #tpu.memory_space<hbm>>, %arg6: memref<50176x32xf32, #tpu.memory_space<hbm>>, %arg7: memref<50176x32xf32, #tpu.memory_space<hbm>>, %arg8: memref<50176x32xf32, #tpu.memory_space<hbm>>, %arg9: memref<50176x32xf32, #tpu.memory_space<hbm>>, %arg10: memref<16384xi32, #tpu.memory_space<hbm>>, %arg11: memref<16384xi32, #tpu.memory_space<hbm>>, %arg12: memref<16384x256xf32, #tpu.memory_space<hbm>>, %arg13: memref<16384x256xf32, #tpu.memory_space<hbm>>, %arg14: memref<2x512xi32, #tpu.memory_space<vmem>>, %arg15: memref<2x512x32xf32, #tpu.memory_space<vmem>>, %arg16: memref<2x!tpu.dma_semaphore, #tpu.memory_space<semaphore_mem>>) attributes {dimension_semantics = [#tpu.dimension_semantics<core_parallel>, #tpu.dimension_semantics<subcore_parallel>], iteration_bounds = array<i64: 2, 16>, scalar_prefetch = 0 : i64, scratch_operands = 3 : i64, tpu.core_type = #tpu.core_type<sc_vector_subcore>, window_params = [{transform_indices = #map}, {transform_indices = #map}, {transform_indices = #map}, {transform_indices = #map}, {transform_indices = #map}, {transform_indices = #map}, {transform_indices = #map}, {transform_indices = #map}, {transform_indices = #map1}, {transform_indices = #map1}, {transform_indices = #map}, {transform_indices = #map}]} {
    %mul3A = arith.constant 2 : i32
    %mul3A_0 = arith.muli %arg1, %mul3A : i32
    %add3A = arith.addi %mul3A_0, %arg0 : i32
    %mul3A_1 = arith.constant 512 : i32
    %mul3A_2 = arith.muli %add3A, %mul3A_1 : i32
    %run_scoped3A = arith.constant 0 : i32
    "tpu.region"() ({
      %run_scoped3A_498 = tpu.sem_alloc : memref<!tpu.dma_semaphore, #tpu.memory_space<semaphore_mem>>
      %dma_start3A_499 = arith.constant 0 : i32
      %dma_start3A_500 = tpu.memref_slice %arg14[%run_scoped3A, %dma_start3A_499] : memref<2x512xi32, #tpu.memory_space<vmem>> -> memref<1x512xi32, #tpu.memory_space<vmem>>
      %dma_start3A_501 = tpu.memref_squeeze %dma_start3A_500 : memref<1x512xi32, #tpu.memory_space<vmem>> -> memref<512xi32, #tpu.memory_space<vmem>>
      %dma_start3A_502 = tpu.memref_slice %arg10[%mul3A_2] : memref<16384xi32, #tpu.memory_space<hbm>> -> memref<512xi32, #tpu.memory_space<hbm>>
      %dma_start3A_503 = arith.constant 0 : i32
      %dma_start3A_504 = tpu.memref_slice %arg14[%run_scoped3A, %dma_start3A_503] : memref<2x512xi32, #tpu.memory_space<vmem>> -> memref<1x512xi32, #tpu.memory_space<vmem>>
      %dma_start3A_505 = tpu.memref_squeeze %dma_start3A_504 : memref<1x512xi32, #tpu.memory_space<vmem>> -> memref<512xi32, #tpu.memory_space<vmem>>
      %dma_start3A_506 = tpu.memref_slice %arg10[%mul3A_2] : memref<16384xi32, #tpu.memory_space<hbm>> -> memref<512xi32, #tpu.memory_space<hbm>>
      tpu.enqueue_dma source(%dma_start3A_506 : memref<512xi32, #tpu.memory_space<hbm>>) target(%dma_start3A_505 : memref<512xi32, #tpu.memory_space<vmem>>) target_semaphore(%run_scoped3A_498 : memref<!tpu.dma_semaphore, #tpu.memory_space<semaphore_mem>>)
      %dma_wait3A_507 = arith.constant 0 : i32
      %dma_wait3A_508 = tpu.memref_slice %arg14[%run_scoped3A, %dma_wait3A_507] : memref<2x512xi32, #tpu.memory_space<vmem>> -> memref<1x512xi32, #tpu.memory_space<vmem>>
      %dma_wait3A_509 = tpu.memref_squeeze %dma_wait3A_508 : memref<1x512xi32, #tpu.memory_space<vmem>> -> memref<512xi32, #tpu.memory_space<vmem>>
      %dma_wait3A_510 = tpu.memref_slice %arg10[%mul3A_2] : memref<16384xi32, #tpu.memory_space<hbm>> -> memref<512xi32, #tpu.memory_space<hbm>>
      %dma_wait3A_511 = arith.constant 0 : i32
      %dma_wait3A_512 = tpu.memref_slice %arg14[%run_scoped3A, %dma_wait3A_511] : memref<2x512xi32, #tpu.memory_space<vmem>> -> memref<1x512xi32, #tpu.memory_space<vmem>>
      %dma_wait3A_513 = tpu.memref_squeeze %dma_wait3A_512 : memref<1x512xi32, #tpu.memory_space<vmem>> -> memref<512xi32, #tpu.memory_space<vmem>>
      %dma_wait3A_514 = tpu.memref_slice %arg10[%mul3A_2] : memref<16384xi32, #tpu.memory_space<hbm>> -> memref<512xi32, #tpu.memory_space<hbm>>
      tpu.wait_dma2 semaphore(%run_scoped3A_498 : memref<!tpu.dma_semaphore, #tpu.memory_space<semaphore_mem>>) src(%dma_wait3A_514 : memref<512xi32, #tpu.memory_space<hbm>>) dst(%dma_wait3A_513 : memref<512xi32, #tpu.memory_space<vmem>>)
      tpu.yield
    }) : () -> ()
    %run_scoped3A_3 = arith.constant 1 : i32
    "tpu.region"() ({
      %run_scoped3A_498 = tpu.sem_alloc : memref<!tpu.dma_semaphore, #tpu.memory_space<semaphore_mem>>
      %dma_start3A_499 = arith.constant 0 : i32
      %dma_start3A_500 = tpu.memref_slice %arg14[%run_scoped3A_3, %dma_start3A_499] : memref<2x512xi32, #tpu.memory_space<vmem>> -> memref<1x512xi32, #tpu.memory_space<vmem>>
      %dma_start3A_501 = tpu.memref_squeeze %dma_start3A_500 : memref<1x512xi32, #tpu.memory_space<vmem>> -> memref<512xi32, #tpu.memory_space<vmem>>
      %dma_start3A_502 = tpu.memref_slice %arg11[%mul3A_2] : memref<16384xi32, #tpu.memory_space<hbm>> -> memref<512xi32, #tpu.memory_space<hbm>>
      %dma_start3A_503 = arith.constant 0 : i32
      %dma_start3A_504 = tpu.memref_slice %arg14[%run_scoped3A_3, %dma_start3A_503] : memref<2x512xi32, #tpu.memory_space<vmem>> -> memref<1x512xi32, #tpu.memory_space<vmem>>
      %dma_start3A_505 = tpu.memref_squeeze %dma_start3A_504 : memref<1x512xi32, #tpu.memory_space<vmem>> -> memref<512xi32, #tpu.memory_space<vmem>>
      %dma_start3A_506 = tpu.memref_slice %arg11[%mul3A_2] : memref<16384xi32, #tpu.memory_space<hbm>> -> memref<512xi32, #tpu.memory_space<hbm>>
      tpu.enqueue_dma source(%dma_start3A_506 : memref<512xi32, #tpu.memory_space<hbm>>) target(%dma_start3A_505 : memref<512xi32, #tpu.memory_space<vmem>>) target_semaphore(%run_scoped3A_498 : memref<!tpu.dma_semaphore, #tpu.memory_space<semaphore_mem>>)
      %dma_wait3A_507 = arith.constant 0 : i32
      %dma_wait3A_508 = tpu.memref_slice %arg14[%run_scoped3A_3, %dma_wait3A_507] : memref<2x512xi32, #tpu.memory_space<vmem>> -> memref<1x512xi32, #tpu.memory_space<vmem>>
      %dma_wait3A_509 = tpu.memref_squeeze %dma_wait3A_508 : memref<1x512xi32, #tpu.memory_space<vmem>> -> memref<512xi32, #tpu.memory_space<vmem>>
      %dma_wait3A_510 = tpu.memref_slice %arg11[%mul3A_2] : memref<16384xi32, #tpu.memory_space<hbm>> -> memref<512xi32, #tpu.memory_space<hbm>>
      %dma_wait3A_511 = arith.constant 0 : i32
      %dma_wait3A_512 = tpu.memref_slice %arg14[%run_scoped3A_3, %dma_wait3A_511] : memref<2x512xi32, #tpu.memory_space<vmem>> -> memref<1x512xi32, #tpu.memory_space<vmem>>
      %dma_wait3A_513 = tpu.memref_squeeze %dma_wait3A_512 : memref<1x512xi32, #tpu.memory_space<vmem>> -> memref<512xi32, #tpu.memory_space<vmem>>
      %dma_wait3A_514 = tpu.memref_slice %arg11[%mul3A_2] : memref<16384xi32, #tpu.memory_space<hbm>> -> memref<512xi32, #tpu.memory_space<hbm>>
      tpu.wait_dma2 semaphore(%run_scoped3A_498 : memref<!tpu.dma_semaphore, #tpu.memory_space<semaphore_mem>>) src(%dma_wait3A_514 : memref<512xi32, #tpu.memory_space<hbm>>) dst(%dma_wait3A_513 : memref<512xi32, #tpu.memory_space<vmem>>)
      tpu.yield
    }) : () -> ()
    %dma_start3A = arith.constant 0 : i32
    %dma_start3A_4 = arith.constant 0 : i32
    %dma_start3A_5 = arith.constant 0 : i32
    %dma_start3A_6 = arith.constant 0 : i32
    %dma_start3A_7 = arith.constant 0 : i32
    %dma_start3A_8 = tpu.memref_slice %arg15[%dma_start3A_4, %dma_start3A_6, %dma_start3A_7] : memref<2x512x32xf32, #tpu.memory_space<vmem>> -> memref<1x512x32xf32, #tpu.memory_space<vmem>>
    %dma_start3A_9 = tpu.memref_squeeze %dma_start3A_8 : memref<1x512x32xf32, #tpu.memory_space<vmem>> -> memref<512x32xf32, #tpu.memory_space<vmem>>
    %dma_start3A_10 = arith.constant 0 : i32
    %dma_start3A_11 = tpu.memref_slice %arg14[%dma_start3A, %dma_start3A_10] : memref<2x512xi32, #tpu.memory_space<vmem>> -> memref<1x512xi32, #tpu.memory_space<vmem>>
    %dma_start3A_12 = tpu.memref_squeeze %dma_start3A_11 : memref<1x512xi32, #tpu.memory_space<vmem>> -> memref<512xi32, #tpu.memory_space<vmem>>
    %dma_start3A_13 = arith.constant 0 : i32
    %dma_start3A_14 = arith.constant 0 : i32
    %dma_start3A_15 = tpu.memref_slice %arg2[%dma_start3A_13, %dma_start3A_14] : memref<50176x32xf32, #tpu.memory_space<hbm>> -> memref<50176x32xf32, #tpu.memory_space<hbm>>
    %dma_start3A_16 = tpu.memref_slice %arg16[%dma_start3A_5] : memref<2x!tpu.dma_semaphore, #tpu.memory_space<semaphore_mem>> -> memref<1x!tpu.dma_semaphore, #tpu.memory_space<semaphore_mem>>
    %dma_start3A_17 = tpu.memref_squeeze %dma_start3A_16 : memref<1x!tpu.dma_semaphore, #tpu.memory_space<semaphore_mem>> -> memref<!tpu.dma_semaphore, #tpu.memory_space<semaphore_mem>>
    tpu.enqueue_indirect_dma source(%dma_start3A_15 : memref<50176x32xf32, #tpu.memory_space<hbm>>) target(%dma_start3A_9 : memref<512x32xf32, #tpu.memory_space<vmem>>) offsets(%dma_start3A_12 : memref<512xi32, #tpu.memory_space<vmem>>) semaphore(%dma_start3A_17 : memref<!tpu.dma_semaphore, #tpu.memory_space<semaphore_mem>>)
    %dma_start3A_18 = arith.constant 0 : i32
    %dma_start3A_19 = arith.constant 1 : i32
    %dma_start3A_20 = arith.constant 1 : i32
    %dma_start3A_21 = arith.constant 0 : i32
    %dma_start3A_22 = arith.constant 0 : i32
    %dma_start3A_23 = tpu.memref_slice %arg15[%dma_start3A_19, %dma_start3A_21, %dma_start3A_22] : memref<2x512x32xf32, #tpu.memory_space<vmem>> -> memref<1x512x32xf32, #tpu.memory_space<vmem>>
    %dma_start3A_24 = tpu.memref_squeeze %dma_start3A_23 : memref<1x512x32xf32, #tpu.memory_space<vmem>> -> memref<512x32xf32, #tpu.memory_space<vmem>>
    %dma_start3A_25 = arith.constant 0 : i32
    %dma_start3A_26 = tpu.memref_slice %arg14[%dma_start3A_18, %dma_start3A_25] : memref<2x512xi32, #tpu.memory_space<vmem>> -> memref<1x512xi32, #tpu.memory_space<vmem>>
    %dma_start3A_27 = tpu.memref_squeeze %dma_start3A_26 : memref<1x512xi32, #tpu.memory_space<vmem>> -> memref<512xi32, #tpu.memory_space<vmem>>
    %dma_start3A_28 = arith.constant 0 : i32
    %dma_start3A_29 = arith.constant 0 : i32
    %dma_start3A_30 = tpu.memref_slice %arg3[%dma_start3A_28, %dma_start3A_29] : memref<50176x32xf32, #tpu.memory_space<hbm>> -> memref<50176x32xf32, #tpu.memory_space<hbm>>
    %dma_start3A_31 = tpu.memref_slice %arg16[%dma_start3A_20] : memref<2x!tpu.dma_semaphore, #tpu.memory_space<semaphore_mem>> -> memref<1x!tpu.dma_semaphore, #tpu.memory_space<semaphore_mem>>
    %dma_start3A_32 = tpu.memref_squeeze %dma_start3A_31 : memref<1x!tpu.dma_semaphore, #tpu.memory_space<semaphore_mem>> -> memref<!tpu.dma_semaphore, #tpu.memory_space<semaphore_mem>>
    tpu.enqueue_indirect_dma source(%dma_start3A_30 : memref<50176x32xf32, #tpu.memory_space<hbm>>) target(%dma_start3A_24 : memref<512x32xf32, #tpu.memory_space<vmem>>) offsets(%dma_start3A_27 : memref<512xi32, #tpu.memory_space<vmem>>) semaphore(%dma_start3A_32 : memref<!tpu.dma_semaphore, #tpu.memory_space<semaphore_mem>>)
    %dma_wait3A = arith.constant 0 : i32
    %dma_wait3A_33 = arith.constant 0 : i32
    %dma_wait3A_34 = arith.constant 0 : i32
    %dma_wait3A_35 = arith.constant 0 : i32
    %dma_wait3A_36 = arith.constant 0 : i32
    %dma_wait3A_37 = tpu.memref_slice %arg15[%dma_wait3A_33, %dma_wait3A_35, %dma_wait3A_36] : memref<2x512x32xf32, #tpu.memory_space<vmem>> -> memref<1x512x32xf32, #tpu.memory_space<vmem>>
    %dma_wait3A_38 = tpu.memref_squeeze %dma_wait3A_37 : memref<1x512x32xf32, #tpu.memory_space<vmem>> -> memref<512x32xf32, #tpu.memory_space<vmem>>
    %dma_wait3A_39 = arith.constant 0 : i32
    %dma_wait3A_40 = tpu.memref_slice %arg14[%dma_wait3A, %dma_wait3A_39] : memref<2x512xi32, #tpu.memory_space<vmem>> -> memref<1x512xi32, #tpu.memory_space<vmem>>
    %dma_wait3A_41 = tpu.memref_squeeze %dma_wait3A_40 : memref<1x512xi32, #tpu.memory_space<vmem>> -> memref<512xi32, #tpu.memory_space<vmem>>
    %dma_wait3A_42 = arith.constant 0 : i32
    %dma_wait3A_43 = arith.constant 0 : i32
    %dma_wait3A_44 = tpu.memref_slice %arg2[%dma_wait3A_42, %dma_wait3A_43] : memref<50176x32xf32, #tpu.memory_space<hbm>> -> memref<50176x32xf32, #tpu.memory_space<hbm>>
    %dma_wait3A_45 = tpu.memref_slice %arg16[%dma_wait3A_34] : memref<2x!tpu.dma_semaphore, #tpu.memory_space<semaphore_mem>> -> memref<1x!tpu.dma_semaphore, #tpu.memory_space<semaphore_mem>>
    %dma_wait3A_46 = tpu.memref_squeeze %dma_wait3A_45 : memref<1x!tpu.dma_semaphore, #tpu.memory_space<semaphore_mem>> -> memref<!tpu.dma_semaphore, #tpu.memory_space<semaphore_mem>>
    tpu.wait_indirect_dma semaphore(%dma_wait3A_46 : memref<!tpu.dma_semaphore, #tpu.memory_space<semaphore_mem>>) src(%dma_wait3A_44 : memref<50176x32xf32, #tpu.memory_space<hbm>>) dst(%dma_wait3A_38 : memref<512x32xf32, #tpu.memory_space<vmem>>)
    %run_scoped3A_47 = arith.constant 0 : i32
    "tpu.region"() ({
      %run_scoped3A_498 = tpu.sem_alloc : memref<!tpu.dma_semaphore, #tpu.memory_space<semaphore_mem>>
      %dma_start3A_499 = arith.constant 0 : i32
      %dma_start3A_500 = arith.constant 0 : i32
      %dma_start3A_501 = tpu.memref_slice %arg15[%run_scoped3A_47, %dma_start3A_499, %dma_start3A_500] : memref<2x512x32xf32, #tpu.memory_space<vmem>> -> memref<1x512x32xf32, #tpu.memory_space<vmem>>
      %dma_start3A_502 = tpu.memref_squeeze %dma_start3A_501 : memref<1x512x32xf32, #tpu.memory_space<vmem>> -> memref<512x32xf32, #tpu.memory_space<vmem>>
      %dma_start3A_503 = arith.constant 0 : i32
      %dma_start3A_504 = tpu.memref_slice %arg12[%mul3A_2, %dma_start3A_503] : memref<16384x256xf32, #tpu.memory_space<hbm>> -> memref<512x32xf32, #tpu.memory_space<hbm>>
      %dma_start3A_505 = arith.constant 0 : i32
      %dma_start3A_506 = tpu.memref_slice %arg12[%mul3A_2, %dma_start3A_505] : memref<16384x256xf32, #tpu.memory_space<hbm>> -> memref<512x32xf32, #tpu.memory_space<hbm>>
      %dma_start3A_507 = arith.constant 0 : i32
      %dma_start3A_508 = arith.constant 0 : i32
      %dma_start3A_509 = tpu.memref_slice %arg15[%run_scoped3A_47, %dma_start3A_507, %dma_start3A_508] : memref<2x512x32xf32, #tpu.memory_space<vmem>> -> memref<1x512x32xf32, #tpu.memory_space<vmem>>
      %dma_start3A_510 = tpu.memref_squeeze %dma_start3A_509 : memref<1x512x32xf32, #tpu.memory_space<vmem>> -> memref<512x32xf32, #tpu.memory_space<vmem>>
      tpu.enqueue_dma source(%dma_start3A_510 : memref<512x32xf32, #tpu.memory_space<vmem>>) target(%dma_start3A_506 : memref<512x32xf32, #tpu.memory_space<hbm>>) target_semaphore(%run_scoped3A_498 : memref<!tpu.dma_semaphore, #tpu.memory_space<semaphore_mem>>)
      %dma_wait3A_511 = arith.constant 0 : i32
      %dma_wait3A_512 = arith.constant 0 : i32
      %dma_wait3A_513 = tpu.memref_slice %arg15[%run_scoped3A_47, %dma_wait3A_511, %dma_wait3A_512] : memref<2x512x32xf32, #tpu.memory_space<vmem>> -> memref<1x512x32xf32, #tpu.memory_space<vmem>>
      %dma_wait3A_514 = tpu.memref_squeeze %dma_wait3A_513 : memref<1x512x32xf32, #tpu.memory_space<vmem>> -> memref<512x32xf32, #tpu.memory_space<vmem>>
      %dma_wait3A_515 = arith.constant 0 : i32
      %dma_wait3A_516 = tpu.memref_slice %arg12[%mul3A_2, %dma_wait3A_515] : memref<16384x256xf32, #tpu.memory_space<hbm>> -> memref<512x32xf32, #tpu.memory_space<hbm>>
      %dma_wait3A_517 = arith.constant 0 : i32
      %dma_wait3A_518 = tpu.memref_slice %arg12[%mul3A_2, %dma_wait3A_517] : memref<16384x256xf32, #tpu.memory_space<hbm>> -> memref<512x32xf32, #tpu.memory_space<hbm>>
      %dma_wait3A_519 = arith.constant 0 : i32
      %dma_wait3A_520 = arith.constant 0 : i32
      %dma_wait3A_521 = tpu.memref_slice %arg15[%run_scoped3A_47, %dma_wait3A_519, %dma_wait3A_520] : memref<2x512x32xf32, #tpu.memory_space<vmem>> -> memref<1x512x32xf32, #tpu.memory_space<vmem>>
      %dma_wait3A_522 = tpu.memref_squeeze %dma_wait3A_521 : memref<1x512x32xf32, #tpu.memory_space<vmem>> -> memref<512x32xf32, #tpu.memory_space<vmem>>
      tpu.wait_dma2 semaphore(%run_scoped3A_498 : memref<!tpu.dma_semaphore, #tpu.memory_space<semaphore_mem>>) src(%dma_wait3A_522 : memref<512x32xf32, #tpu.memory_space<vmem>>) dst(%dma_wait3A_518 : memref<512x32xf32, #tpu.memory_space<hbm>>)
      tpu.yield
    }) : () -> ()
    %dma_start3A_48 = arith.constant 0 : i32
    %dma_start3A_49 = arith.constant 0 : i32
    %dma_start3A_50 = arith.constant 0 : i32
    %dma_start3A_51 = arith.constant 0 : i32
    %dma_start3A_52 = arith.constant 0 : i32
    %dma_start3A_53 = tpu.memref_slice %arg15[%dma_start3A_49, %dma_start3A_51, %dma_start3A_52] : memref<2x512x32xf32, #tpu.memory_space<vmem>> -> memref<1x512x32xf32, #tpu.memory_space<vmem>>
    %dma_start3A_54 = tpu.memref_squeeze %dma_start3A_53 : memref<1x512x32xf32, #tpu.memory_space<vmem>> -> memref<512x32xf32, #tpu.memory_space<vmem>>
    %dma_start3A_55 = arith.constant 0 : i32
    %dma_start3A_56 = tpu.memref_slice %arg14[%dma_start3A_48, %dma_start3A_55] : memref<2x512xi32, #tpu.memory_space<vmem>> -> memref<1x512xi32, #tpu.memory_space<vmem>>
    %dma_start3A_57 = tpu.memref_squeeze %dma_start3A_56 : memref<1x512xi32, #tpu.memory_space<vmem>> -> memref<512xi32, #tpu.memory_space<vmem>>
    %dma_start3A_58 = arith.constant 0 : i32
    %dma_start3A_59 = arith.constant 0 : i32
    %dma_start3A_60 = tpu.memref_slice %arg4[%dma_start3A_58, %dma_start3A_59] : memref<50176x32xf32, #tpu.memory_space<hbm>> -> memref<50176x32xf32, #tpu.memory_space<hbm>>
    %dma_start3A_61 = tpu.memref_slice %arg16[%dma_start3A_50] : memref<2x!tpu.dma_semaphore, #tpu.memory_space<semaphore_mem>> -> memref<1x!tpu.dma_semaphore, #tpu.memory_space<semaphore_mem>>
    %dma_start3A_62 = tpu.memref_squeeze %dma_start3A_61 : memref<1x!tpu.dma_semaphore, #tpu.memory_space<semaphore_mem>> -> memref<!tpu.dma_semaphore, #tpu.memory_space<semaphore_mem>>
    tpu.enqueue_indirect_dma source(%dma_start3A_60 : memref<50176x32xf32, #tpu.memory_space<hbm>>) target(%dma_start3A_54 : memref<512x32xf32, #tpu.memory_space<vmem>>) offsets(%dma_start3A_57 : memref<512xi32, #tpu.memory_space<vmem>>) semaphore(%dma_start3A_62 : memref<!tpu.dma_semaphore, #tpu.memory_space<semaphore_mem>>)
    %dma_wait3A_63 = arith.constant 0 : i32
    %dma_wait3A_64 = arith.constant 1 : i32
    %dma_wait3A_65 = arith.constant 1 : i32
    %dma_wait3A_66 = arith.constant 0 : i32
    %dma_wait3A_67 = arith.constant 0 : i32
    %dma_wait3A_68 = tpu.memref_slice %arg15[%dma_wait3A_64, %dma_wait3A_66, %dma_wait3A_67] : memref<2x512x32xf32, #tpu.memory_space<vmem>> -> memref<1x512x32xf32, #tpu.memory_space<vmem>>
    %dma_wait3A_69 = tpu.memref_squeeze %dma_wait3A_68 : memref<1x512x32xf32, #tpu.memory_space<vmem>> -> memref<512x32xf32, #tpu.memory_space<vmem>>
    %dma_wait3A_70 = arith.constant 0 : i32
    %dma_wait3A_71 = tpu.memref_slice %arg14[%dma_wait3A_63, %dma_wait3A_70] : memref<2x512xi32, #tpu.memory_space<vmem>> -> memref<1x512xi32, #tpu.memory_space<vmem>>
    %dma_wait3A_72 = tpu.memref_squeeze %dma_wait3A_71 : memref<1x512xi32, #tpu.memory_space<vmem>> -> memref<512xi32, #tpu.memory_space<vmem>>
    %dma_wait3A_73 = arith.constant 0 : i32
    %dma_wait3A_74 = arith.constant 0 : i32
    %dma_wait3A_75 = tpu.memref_slice %arg3[%dma_wait3A_73, %dma_wait3A_74] : memref<50176x32xf32, #tpu.memory_space<hbm>> -> memref<50176x32xf32, #tpu.memory_space<hbm>>
    %dma_wait3A_76 = tpu.memref_slice %arg16[%dma_wait3A_65] : memref<2x!tpu.dma_semaphore, #tpu.memory_space<semaphore_mem>> -> memref<1x!tpu.dma_semaphore, #tpu.memory_space<semaphore_mem>>
    %dma_wait3A_77 = tpu.memref_squeeze %dma_wait3A_76 : memref<1x!tpu.dma_semaphore, #tpu.memory_space<semaphore_mem>> -> memref<!tpu.dma_semaphore, #tpu.memory_space<semaphore_mem>>
    tpu.wait_indirect_dma semaphore(%dma_wait3A_77 : memref<!tpu.dma_semaphore, #tpu.memory_space<semaphore_mem>>) src(%dma_wait3A_75 : memref<50176x32xf32, #tpu.memory_space<hbm>>) dst(%dma_wait3A_69 : memref<512x32xf32, #tpu.memory_space<vmem>>)
    %run_scoped3A_78 = arith.constant 1 : i32
    "tpu.region"() ({
      %run_scoped3A_498 = tpu.sem_alloc : memref<!tpu.dma_semaphore, #tpu.memory_space<semaphore_mem>>
      %dma_start3A_499 = arith.constant 0 : i32
      %dma_start3A_500 = arith.constant 0 : i32
      %dma_start3A_501 = tpu.memref_slice %arg15[%run_scoped3A_78, %dma_start3A_499, %dma_start3A_500] : memref<2x512x32xf32, #tpu.memory_space<vmem>> -> memref<1x512x32xf32, #tpu.memory_space<vmem>>
      %dma_start3A_502 = tpu.memref_squeeze %dma_start3A_501 : memref<1x512x32xf32, #tpu.memory_space<vmem>> -> memref<512x32xf32, #tpu.memory_space<vmem>>
      %dma_start3A_503 = arith.constant 32 : i32
      %dma_start3A_504 = tpu.memref_slice %arg12[%mul3A_2, %dma_start3A_503] : memref<16384x256xf32, #tpu.memory_space<hbm>> -> memref<512x32xf32, #tpu.memory_space<hbm>>
      %dma_start3A_505 = arith.constant 32 : i32
      %dma_start3A_506 = tpu.memref_slice %arg12[%mul3A_2, %dma_start3A_505] : memref<16384x256xf32, #tpu.memory_space<hbm>> -> memref<512x32xf32, #tpu.memory_space<hbm>>
      %dma_start3A_507 = arith.constant 0 : i32
      %dma_start3A_508 = arith.constant 0 : i32
      %dma_start3A_509 = tpu.memref_slice %arg15[%run_scoped3A_78, %dma_start3A_507, %dma_start3A_508] : memref<2x512x32xf32, #tpu.memory_space<vmem>> -> memref<1x512x32xf32, #tpu.memory_space<vmem>>
      %dma_start3A_510 = tpu.memref_squeeze %dma_start3A_509 : memref<1x512x32xf32, #tpu.memory_space<vmem>> -> memref<512x32xf32, #tpu.memory_space<vmem>>
      tpu.enqueue_dma source(%dma_start3A_510 : memref<512x32xf32, #tpu.memory_space<vmem>>) target(%dma_start3A_506 : memref<512x32xf32, #tpu.memory_space<hbm>>) target_semaphore(%run_scoped3A_498 : memref<!tpu.dma_semaphore, #tpu.memory_space<semaphore_mem>>)
      %dma_wait3A_511 = arith.constant 0 : i32
      %dma_wait3A_512 = arith.constant 0 : i32
      %dma_wait3A_513 = tpu.memref_slice %arg15[%run_scoped3A_78, %dma_wait3A_511, %dma_wait3A_512] : memref<2x512x32xf32, #tpu.memory_space<vmem>> -> memref<1x512x32xf32, #tpu.memory_space<vmem>>
      %dma_wait3A_514 = tpu.memref_squeeze %dma_wait3A_513 : memref<1x512x32xf32, #tpu.memory_space<vmem>> -> memref<512x32xf32, #tpu.memory_space<vmem>>
      %dma_wait3A_515 = arith.constant 32 : i32
      %dma_wait3A_516 = tpu.memref_slice %arg12[%mul3A_2, %dma_wait3A_515] : memref<16384x256xf32, #tpu.memory_space<hbm>> -> memref<512x32xf32, #tpu.memory_space<hbm>>
      %dma_wait3A_517 = arith.constant 32 : i32
      %dma_wait3A_518 = tpu.memref_slice %arg12[%mul3A_2, %dma_wait3A_517] : memref<16384x256xf32, #tpu.memory_space<hbm>> -> memref<512x32xf32, #tpu.memory_space<hbm>>
      %dma_wait3A_519 = arith.constant 0 : i32
      %dma_wait3A_520 = arith.constant 0 : i32
      %dma_wait3A_521 = tpu.memref_slice %arg15[%run_scoped3A_78, %dma_wait3A_519, %dma_wait3A_520] : memref<2x512x32xf32, #tpu.memory_space<vmem>> -> memref<1x512x32xf32, #tpu.memory_space<vmem>>
      %dma_wait3A_522 = tpu.memref_squeeze %dma_wait3A_521 : memref<1x512x32xf32, #tpu.memory_space<vmem>> -> memref<512x32xf32, #tpu.memory_space<vmem>>
      tpu.wait_dma2 semaphore(%run_scoped3A_498 : memref<!tpu.dma_semaphore, #tpu.memory_space<semaphore_mem>>) src(%dma_wait3A_522 : memref<512x32xf32, #tpu.memory_space<vmem>>) dst(%dma_wait3A_518 : memref<512x32xf32, #tpu.memory_space<hbm>>)
      tpu.yield
    }) : () -> ()
    %dma_start3A_79 = arith.constant 0 : i32
    %dma_start3A_80 = arith.constant 1 : i32
    %dma_start3A_81 = arith.constant 1 : i32
    %dma_start3A_82 = arith.constant 0 : i32
    %dma_start3A_83 = arith.constant 0 : i32
    %dma_start3A_84 = tpu.memref_slice %arg15[%dma_start3A_80, %dma_start3A_82, %dma_start3A_83] : memref<2x512x32xf32, #tpu.memory_space<vmem>> -> memref<1x512x32xf32, #tpu.memory_space<vmem>>
    %dma_start3A_85 = tpu.memref_squeeze %dma_start3A_84 : memref<1x512x32xf32, #tpu.memory_space<vmem>> -> memref<512x32xf32, #tpu.memory_space<vmem>>
    %dma_start3A_86 = arith.constant 0 : i32
    %dma_start3A_87 = tpu.memref_slice %arg14[%dma_start3A_79, %dma_start3A_86] : memref<2x512xi32, #tpu.memory_space<vmem>> -> memref<1x512xi32, #tpu.memory_space<vmem>>
    %dma_start3A_88 = tpu.memref_squeeze %dma_start3A_87 : memref<1x512xi32, #tpu.memory_space<vmem>> -> memref<512xi32, #tpu.memory_space<vmem>>
    %dma_start3A_89 = arith.constant 0 : i32
    %dma_start3A_90 = arith.constant 0 : i32
    %dma_start3A_91 = tpu.memref_slice %arg5[%dma_start3A_89, %dma_start3A_90] : memref<50176x32xf32, #tpu.memory_space<hbm>> -> memref<50176x32xf32, #tpu.memory_space<hbm>>
    %dma_start3A_92 = tpu.memref_slice %arg16[%dma_start3A_81] : memref<2x!tpu.dma_semaphore, #tpu.memory_space<semaphore_mem>> -> memref<1x!tpu.dma_semaphore, #tpu.memory_space<semaphore_mem>>
    %dma_start3A_93 = tpu.memref_squeeze %dma_start3A_92 : memref<1x!tpu.dma_semaphore, #tpu.memory_space<semaphore_mem>> -> memref<!tpu.dma_semaphore, #tpu.memory_space<semaphore_mem>>
    tpu.enqueue_indirect_dma source(%dma_start3A_91 : memref<50176x32xf32, #tpu.memory_space<hbm>>) target(%dma_start3A_85 : memref<512x32xf32, #tpu.memory_space<vmem>>) offsets(%dma_start3A_88 : memref<512xi32, #tpu.memory_space<vmem>>) semaphore(%dma_start3A_93 : memref<!tpu.dma_semaphore, #tpu.memory_space<semaphore_mem>>)
    %dma_wait3A_94 = arith.constant 0 : i32
    %dma_wait3A_95 = arith.constant 0 : i32
    %dma_wait3A_96 = arith.constant 0 : i32
    %dma_wait3A_97 = arith.constant 0 : i32
    %dma_wait3A_98 = arith.constant 0 : i32
    %dma_wait3A_99 = tpu.memref_slice %arg15[%dma_wait3A_95, %dma_wait3A_97, %dma_wait3A_98] : memref<2x512x32xf32, #tpu.memory_space<vmem>> -> memref<1x512x32xf32, #tpu.memory_space<vmem>>
    %dma_wait3A_100 = tpu.memref_squeeze %dma_wait3A_99 : memref<1x512x32xf32, #tpu.memory_space<vmem>> -> memref<512x32xf32, #tpu.memory_space<vmem>>
    %dma_wait3A_101 = arith.constant 0 : i32
    %dma_wait3A_102 = tpu.memref_slice %arg14[%dma_wait3A_94, %dma_wait3A_101] : memref<2x512xi32, #tpu.memory_space<vmem>> -> memref<1x512xi32, #tpu.memory_space<vmem>>
    %dma_wait3A_103 = tpu.memref_squeeze %dma_wait3A_102 : memref<1x512xi32, #tpu.memory_space<vmem>> -> memref<512xi32, #tpu.memory_space<vmem>>
    %dma_wait3A_104 = arith.constant 0 : i32
    %dma_wait3A_105 = arith.constant 0 : i32
    %dma_wait3A_106 = tpu.memref_slice %arg4[%dma_wait3A_104, %dma_wait3A_105] : memref<50176x32xf32, #tpu.memory_space<hbm>> -> memref<50176x32xf32, #tpu.memory_space<hbm>>
    %dma_wait3A_107 = tpu.memref_slice %arg16[%dma_wait3A_96] : memref<2x!tpu.dma_semaphore, #tpu.memory_space<semaphore_mem>> -> memref<1x!tpu.dma_semaphore, #tpu.memory_space<semaphore_mem>>
    %dma_wait3A_108 = tpu.memref_squeeze %dma_wait3A_107 : memref<1x!tpu.dma_semaphore, #tpu.memory_space<semaphore_mem>> -> memref<!tpu.dma_semaphore, #tpu.memory_space<semaphore_mem>>
    tpu.wait_indirect_dma semaphore(%dma_wait3A_108 : memref<!tpu.dma_semaphore, #tpu.memory_space<semaphore_mem>>) src(%dma_wait3A_106 : memref<50176x32xf32, #tpu.memory_space<hbm>>) dst(%dma_wait3A_100 : memref<512x32xf32, #tpu.memory_space<vmem>>)
    %run_scoped3A_109 = arith.constant 0 : i32
    "tpu.region"() ({
      %run_scoped3A_498 = tpu.sem_alloc : memref<!tpu.dma_semaphore, #tpu.memory_space<semaphore_mem>>
      %dma_start3A_499 = arith.constant 0 : i32
      %dma_start3A_500 = arith.constant 0 : i32
      %dma_start3A_501 = tpu.memref_slice %arg15[%run_scoped3A_109, %dma_start3A_499, %dma_start3A_500] : memref<2x512x32xf32, #tpu.memory_space<vmem>> -> memref<1x512x32xf32, #tpu.memory_space<vmem>>
      %dma_start3A_502 = tpu.memref_squeeze %dma_start3A_501 : memref<1x512x32xf32, #tpu.memory_space<vmem>> -> memref<512x32xf32, #tpu.memory_space<vmem>>
      %dma_start3A_503 = arith.constant 64 : i32
      %dma_start3A_504 = tpu.memref_slice %arg12[%mul3A_2, %dma_start3A_503] : memref<16384x256xf32, #tpu.memory_space<hbm>> -> memref<512x32xf32, #tpu.memory_space<hbm>>
      %dma_start3A_505 = arith.constant 64 : i32
      %dma_start3A_506 = tpu.memref_slice %arg12[%mul3A_2, %dma_start3A_505] : memref<16384x256xf32, #tpu.memory_space<hbm>> -> memref<512x32xf32, #tpu.memory_space<hbm>>
      %dma_start3A_507 = arith.constant 0 : i32
      %dma_start3A_508 = arith.constant 0 : i32
      %dma_start3A_509 = tpu.memref_slice %arg15[%run_scoped3A_109, %dma_start3A_507, %dma_start3A_508] : memref<2x512x32xf32, #tpu.memory_space<vmem>> -> memref<1x512x32xf32, #tpu.memory_space<vmem>>
      %dma_start3A_510 = tpu.memref_squeeze %dma_start3A_509 : memref<1x512x32xf32, #tpu.memory_space<vmem>> -> memref<512x32xf32, #tpu.memory_space<vmem>>
      tpu.enqueue_dma source(%dma_start3A_510 : memref<512x32xf32, #tpu.memory_space<vmem>>) target(%dma_start3A_506 : memref<512x32xf32, #tpu.memory_space<hbm>>) target_semaphore(%run_scoped3A_498 : memref<!tpu.dma_semaphore, #tpu.memory_space<semaphore_mem>>)
      %dma_wait3A_511 = arith.constant 0 : i32
      %dma_wait3A_512 = arith.constant 0 : i32
      %dma_wait3A_513 = tpu.memref_slice %arg15[%run_scoped3A_109, %dma_wait3A_511, %dma_wait3A_512] : memref<2x512x32xf32, #tpu.memory_space<vmem>> -> memref<1x512x32xf32, #tpu.memory_space<vmem>>
      %dma_wait3A_514 = tpu.memref_squeeze %dma_wait3A_513 : memref<1x512x32xf32, #tpu.memory_space<vmem>> -> memref<512x32xf32, #tpu.memory_space<vmem>>
      %dma_wait3A_515 = arith.constant 64 : i32
      %dma_wait3A_516 = tpu.memref_slice %arg12[%mul3A_2, %dma_wait3A_515] : memref<16384x256xf32, #tpu.memory_space<hbm>> -> memref<512x32xf32, #tpu.memory_space<hbm>>
      %dma_wait3A_517 = arith.constant 64 : i32
      %dma_wait3A_518 = tpu.memref_slice %arg12[%mul3A_2, %dma_wait3A_517] : memref<16384x256xf32, #tpu.memory_space<hbm>> -> memref<512x32xf32, #tpu.memory_space<hbm>>
      %dma_wait3A_519 = arith.constant 0 : i32
      %dma_wait3A_520 = arith.constant 0 : i32
      %dma_wait3A_521 = tpu.memref_slice %arg15[%run_scoped3A_109, %dma_wait3A_519, %dma_wait3A_520] : memref<2x512x32xf32, #tpu.memory_space<vmem>> -> memref<1x512x32xf32, #tpu.memory_space<vmem>>
      %dma_wait3A_522 = tpu.memref_squeeze %dma_wait3A_521 : memref<1x512x32xf32, #tpu.memory_space<vmem>> -> memref<512x32xf32, #tpu.memory_space<vmem>>
      tpu.wait_dma2 semaphore(%run_scoped3A_498 : memref<!tpu.dma_semaphore, #tpu.memory_space<semaphore_mem>>) src(%dma_wait3A_522 : memref<512x32xf32, #tpu.memory_space<vmem>>) dst(%dma_wait3A_518 : memref<512x32xf32, #tpu.memory_space<hbm>>)
      tpu.yield
    }) : () -> ()
    %dma_start3A_110 = arith.constant 0 : i32
    %dma_start3A_111 = arith.constant 0 : i32
    %dma_start3A_112 = arith.constant 0 : i32
    %dma_start3A_113 = arith.constant 0 : i32
    %dma_start3A_114 = arith.constant 0 : i32
    %dma_start3A_115 = tpu.memref_slice %arg15[%dma_start3A_111, %dma_start3A_113, %dma_start3A_114] : memref<2x512x32xf32, #tpu.memory_space<vmem>> -> memref<1x512x32xf32, #tpu.memory_space<vmem>>
    %dma_start3A_116 = tpu.memref_squeeze %dma_start3A_115 : memref<1x512x32xf32, #tpu.memory_space<vmem>> -> memref<512x32xf32, #tpu.memory_space<vmem>>
    %dma_start3A_117 = arith.constant 0 : i32
    %dma_start3A_118 = tpu.memref_slice %arg14[%dma_start3A_110, %dma_start3A_117] : memref<2x512xi32, #tpu.memory_space<vmem>> -> memref<1x512xi32, #tpu.memory_space<vmem>>
    %dma_start3A_119 = tpu.memref_squeeze %dma_start3A_118 : memref<1x512xi32, #tpu.memory_space<vmem>> -> memref<512xi32, #tpu.memory_space<vmem>>
    %dma_start3A_120 = arith.constant 0 : i32
    %dma_start3A_121 = arith.constant 0 : i32
    %dma_start3A_122 = tpu.memref_slice %arg6[%dma_start3A_120, %dma_start3A_121] : memref<50176x32xf32, #tpu.memory_space<hbm>> -> memref<50176x32xf32, #tpu.memory_space<hbm>>
    %dma_start3A_123 = tpu.memref_slice %arg16[%dma_start3A_112] : memref<2x!tpu.dma_semaphore, #tpu.memory_space<semaphore_mem>> -> memref<1x!tpu.dma_semaphore, #tpu.memory_space<semaphore_mem>>
    %dma_start3A_124 = tpu.memref_squeeze %dma_start3A_123 : memref<1x!tpu.dma_semaphore, #tpu.memory_space<semaphore_mem>> -> memref<!tpu.dma_semaphore, #tpu.memory_space<semaphore_mem>>
    tpu.enqueue_indirect_dma source(%dma_start3A_122 : memref<50176x32xf32, #tpu.memory_space<hbm>>) target(%dma_start3A_116 : memref<512x32xf32, #tpu.memory_space<vmem>>) offsets(%dma_start3A_119 : memref<512xi32, #tpu.memory_space<vmem>>) semaphore(%dma_start3A_124 : memref<!tpu.dma_semaphore, #tpu.memory_space<semaphore_mem>>)
    %dma_wait3A_125 = arith.constant 0 : i32
    %dma_wait3A_126 = arith.constant 1 : i32
    %dma_wait3A_127 = arith.constant 1 : i32
    %dma_wait3A_128 = arith.constant 0 : i32
    %dma_wait3A_129 = arith.constant 0 : i32
    %dma_wait3A_130 = tpu.memref_slice %arg15[%dma_wait3A_126, %dma_wait3A_128, %dma_wait3A_129] : memref<2x512x32xf32, #tpu.memory_space<vmem>> -> memref<1x512x32xf32, #tpu.memory_space<vmem>>
    %dma_wait3A_131 = tpu.memref_squeeze %dma_wait3A_130 : memref<1x512x32xf32, #tpu.memory_space<vmem>> -> memref<512x32xf32, #tpu.memory_space<vmem>>
    %dma_wait3A_132 = arith.constant 0 : i32
    %dma_wait3A_133 = tpu.memref_slice %arg14[%dma_wait3A_125, %dma_wait3A_132] : memref<2x512xi32, #tpu.memory_space<vmem>> -> memref<1x512xi32, #tpu.memory_space<vmem>>
    %dma_wait3A_134 = tpu.memref_squeeze %dma_wait3A_133 : memref<1x512xi32, #tpu.memory_space<vmem>> -> memref<512xi32, #tpu.memory_space<vmem>>
    %dma_wait3A_135 = arith.constant 0 : i32
    %dma_wait3A_136 = arith.constant 0 : i32
    %dma_wait3A_137 = tpu.memref_slice %arg5[%dma_wait3A_135, %dma_wait3A_136] : memref<50176x32xf32, #tpu.memory_space<hbm>> -> memref<50176x32xf32, #tpu.memory_space<hbm>>
    %dma_wait3A_138 = tpu.memref_slice %arg16[%dma_wait3A_127] : memref<2x!tpu.dma_semaphore, #tpu.memory_space<semaphore_mem>> -> memref<1x!tpu.dma_semaphore, #tpu.memory_space<semaphore_mem>>
    %dma_wait3A_139 = tpu.memref_squeeze %dma_wait3A_138 : memref<1x!tpu.dma_semaphore, #tpu.memory_space<semaphore_mem>> -> memref<!tpu.dma_semaphore, #tpu.memory_space<semaphore_mem>>
    tpu.wait_indirect_dma semaphore(%dma_wait3A_139 : memref<!tpu.dma_semaphore, #tpu.memory_space<semaphore_mem>>) src(%dma_wait3A_137 : memref<50176x32xf32, #tpu.memory_space<hbm>>) dst(%dma_wait3A_131 : memref<512x32xf32, #tpu.memory_space<vmem>>)
    %run_scoped3A_140 = arith.constant 1 : i32
    "tpu.region"() ({
      %run_scoped3A_498 = tpu.sem_alloc : memref<!tpu.dma_semaphore, #tpu.memory_space<semaphore_mem>>
      %dma_start3A_499 = arith.constant 0 : i32
      %dma_start3A_500 = arith.constant 0 : i32
      %dma_start3A_501 = tpu.memref_slice %arg15[%run_scoped3A_140, %dma_start3A_499, %dma_start3A_500] : memref<2x512x32xf32, #tpu.memory_space<vmem>> -> memref<1x512x32xf32, #tpu.memory_space<vmem>>
      %dma_start3A_502 = tpu.memref_squeeze %dma_start3A_501 : memref<1x512x32xf32, #tpu.memory_space<vmem>> -> memref<512x32xf32, #tpu.memory_space<vmem>>
      %dma_start3A_503 = arith.constant 96 : i32
      %dma_start3A_504 = tpu.memref_slice %arg12[%mul3A_2, %dma_start3A_503] : memref<16384x256xf32, #tpu.memory_space<hbm>> -> memref<512x32xf32, #tpu.memory_space<hbm>>
      %dma_start3A_505 = arith.constant 96 : i32
      %dma_start3A_506 = tpu.memref_slice %arg12[%mul3A_2, %dma_start3A_505] : memref<16384x256xf32, #tpu.memory_space<hbm>> -> memref<512x32xf32, #tpu.memory_space<hbm>>
      %dma_start3A_507 = arith.constant 0 : i32
      %dma_start3A_508 = arith.constant 0 : i32
      %dma_start3A_509 = tpu.memref_slice %arg15[%run_scoped3A_140, %dma_start3A_507, %dma_start3A_508] : memref<2x512x32xf32, #tpu.memory_space<vmem>> -> memref<1x512x32xf32, #tpu.memory_space<vmem>>
      %dma_start3A_510 = tpu.memref_squeeze %dma_start3A_509 : memref<1x512x32xf32, #tpu.memory_space<vmem>> -> memref<512x32xf32, #tpu.memory_space<vmem>>
      tpu.enqueue_dma source(%dma_start3A_510 : memref<512x32xf32, #tpu.memory_space<vmem>>) target(%dma_start3A_506 : memref<512x32xf32, #tpu.memory_space<hbm>>) target_semaphore(%run_scoped3A_498 : memref<!tpu.dma_semaphore, #tpu.memory_space<semaphore_mem>>)
      %dma_wait3A_511 = arith.constant 0 : i32
      %dma_wait3A_512 = arith.constant 0 : i32
      %dma_wait3A_513 = tpu.memref_slice %arg15[%run_scoped3A_140, %dma_wait3A_511, %dma_wait3A_512] : memref<2x512x32xf32, #tpu.memory_space<vmem>> -> memref<1x512x32xf32, #tpu.memory_space<vmem>>
      %dma_wait3A_514 = tpu.memref_squeeze %dma_wait3A_513 : memref<1x512x32xf32, #tpu.memory_space<vmem>> -> memref<512x32xf32, #tpu.memory_space<vmem>>
      %dma_wait3A_515 = arith.constant 96 : i32
      %dma_wait3A_516 = tpu.memref_slice %arg12[%mul3A_2, %dma_wait3A_515] : memref<16384x256xf32, #tpu.memory_space<hbm>> -> memref<512x32xf32, #tpu.memory_space<hbm>>
      %dma_wait3A_517 = arith.constant 96 : i32
      %dma_wait3A_518 = tpu.memref_slice %arg12[%mul3A_2, %dma_wait3A_517] : memref<16384x256xf32, #tpu.memory_space<hbm>> -> memref<512x32xf32, #tpu.memory_space<hbm>>
      %dma_wait3A_519 = arith.constant 0 : i32
      %dma_wait3A_520 = arith.constant 0 : i32
      %dma_wait3A_521 = tpu.memref_slice %arg15[%run_scoped3A_140, %dma_wait3A_519, %dma_wait3A_520] : memref<2x512x32xf32, #tpu.memory_space<vmem>> -> memref<1x512x32xf32, #tpu.memory_space<vmem>>
      %dma_wait3A_522 = tpu.memref_squeeze %dma_wait3A_521 : memref<1x512x32xf32, #tpu.memory_space<vmem>> -> memref<512x32xf32, #tpu.memory_space<vmem>>
      tpu.wait_dma2 semaphore(%run_scoped3A_498 : memref<!tpu.dma_semaphore, #tpu.memory_space<semaphore_mem>>) src(%dma_wait3A_522 : memref<512x32xf32, #tpu.memory_space<vmem>>) dst(%dma_wait3A_518 : memref<512x32xf32, #tpu.memory_space<hbm>>)
      tpu.yield
    }) : () -> ()
    %dma_start3A_141 = arith.constant 0 : i32
    %dma_start3A_142 = arith.constant 1 : i32
    %dma_start3A_143 = arith.constant 1 : i32
    %dma_start3A_144 = arith.constant 0 : i32
    %dma_start3A_145 = arith.constant 0 : i32
    %dma_start3A_146 = tpu.memref_slice %arg15[%dma_start3A_142, %dma_start3A_144, %dma_start3A_145] : memref<2x512x32xf32, #tpu.memory_space<vmem>> -> memref<1x512x32xf32, #tpu.memory_space<vmem>>
    %dma_start3A_147 = tpu.memref_squeeze %dma_start3A_146 : memref<1x512x32xf32, #tpu.memory_space<vmem>> -> memref<512x32xf32, #tpu.memory_space<vmem>>
    %dma_start3A_148 = arith.constant 0 : i32
    %dma_start3A_149 = tpu.memref_slice %arg14[%dma_start3A_141, %dma_start3A_148] : memref<2x512xi32, #tpu.memory_space<vmem>> -> memref<1x512xi32, #tpu.memory_space<vmem>>
    %dma_start3A_150 = tpu.memref_squeeze %dma_start3A_149 : memref<1x512xi32, #tpu.memory_space<vmem>> -> memref<512xi32, #tpu.memory_space<vmem>>
    %dma_start3A_151 = arith.constant 0 : i32
    %dma_start3A_152 = arith.constant 0 : i32
    %dma_start3A_153 = tpu.memref_slice %arg7[%dma_start3A_151, %dma_start3A_152] : memref<50176x32xf32, #tpu.memory_space<hbm>> -> memref<50176x32xf32, #tpu.memory_space<hbm>>
    %dma_start3A_154 = tpu.memref_slice %arg16[%dma_start3A_143] : memref<2x!tpu.dma_semaphore, #tpu.memory_space<semaphore_mem>> -> memref<1x!tpu.dma_semaphore, #tpu.memory_space<semaphore_mem>>
    %dma_start3A_155 = tpu.memref_squeeze %dma_start3A_154 : memref<1x!tpu.dma_semaphore, #tpu.memory_space<semaphore_mem>> -> memref<!tpu.dma_semaphore, #tpu.memory_space<semaphore_mem>>
    tpu.enqueue_indirect_dma source(%dma_start3A_153 : memref<50176x32xf32, #tpu.memory_space<hbm>>) target(%dma_start3A_147 : memref<512x32xf32, #tpu.memory_space<vmem>>) offsets(%dma_start3A_150 : memref<512xi32, #tpu.memory_space<vmem>>) semaphore(%dma_start3A_155 : memref<!tpu.dma_semaphore, #tpu.memory_space<semaphore_mem>>)
    %dma_wait3A_156 = arith.constant 0 : i32
    %dma_wait3A_157 = arith.constant 0 : i32
    %dma_wait3A_158 = arith.constant 0 : i32
    %dma_wait3A_159 = arith.constant 0 : i32
    %dma_wait3A_160 = arith.constant 0 : i32
    %dma_wait3A_161 = tpu.memref_slice %arg15[%dma_wait3A_157, %dma_wait3A_159, %dma_wait3A_160] : memref<2x512x32xf32, #tpu.memory_space<vmem>> -> memref<1x512x32xf32, #tpu.memory_space<vmem>>
    %dma_wait3A_162 = tpu.memref_squeeze %dma_wait3A_161 : memref<1x512x32xf32, #tpu.memory_space<vmem>> -> memref<512x32xf32, #tpu.memory_space<vmem>>
    %dma_wait3A_163 = arith.constant 0 : i32
    %dma_wait3A_164 = tpu.memref_slice %arg14[%dma_wait3A_156, %dma_wait3A_163] : memref<2x512xi32, #tpu.memory_space<vmem>> -> memref<1x512xi32, #tpu.memory_space<vmem>>
    %dma_wait3A_165 = tpu.memref_squeeze %dma_wait3A_164 : memref<1x512xi32, #tpu.memory_space<vmem>> -> memref<512xi32, #tpu.memory_space<vmem>>
    %dma_wait3A_166 = arith.constant 0 : i32
    %dma_wait3A_167 = arith.constant 0 : i32
    %dma_wait3A_168 = tpu.memref_slice %arg6[%dma_wait3A_166, %dma_wait3A_167] : memref<50176x32xf32, #tpu.memory_space<hbm>> -> memref<50176x32xf32, #tpu.memory_space<hbm>>
    %dma_wait3A_169 = tpu.memref_slice %arg16[%dma_wait3A_158] : memref<2x!tpu.dma_semaphore, #tpu.memory_space<semaphore_mem>> -> memref<1x!tpu.dma_semaphore, #tpu.memory_space<semaphore_mem>>
    %dma_wait3A_170 = tpu.memref_squeeze %dma_wait3A_169 : memref<1x!tpu.dma_semaphore, #tpu.memory_space<semaphore_mem>> -> memref<!tpu.dma_semaphore, #tpu.memory_space<semaphore_mem>>
    tpu.wait_indirect_dma semaphore(%dma_wait3A_170 : memref<!tpu.dma_semaphore, #tpu.memory_space<semaphore_mem>>) src(%dma_wait3A_168 : memref<50176x32xf32, #tpu.memory_space<hbm>>) dst(%dma_wait3A_162 : memref<512x32xf32, #tpu.memory_space<vmem>>)
    %run_scoped3A_171 = arith.constant 0 : i32
    "tpu.region"() ({
      %run_scoped3A_498 = tpu.sem_alloc : memref<!tpu.dma_semaphore, #tpu.memory_space<semaphore_mem>>
      %dma_start3A_499 = arith.constant 0 : i32
      %dma_start3A_500 = arith.constant 0 : i32
      %dma_start3A_501 = tpu.memref_slice %arg15[%run_scoped3A_171, %dma_start3A_499, %dma_start3A_500] : memref<2x512x32xf32, #tpu.memory_space<vmem>> -> memref<1x512x32xf32, #tpu.memory_space<vmem>>
      %dma_start3A_502 = tpu.memref_squeeze %dma_start3A_501 : memref<1x512x32xf32, #tpu.memory_space<vmem>> -> memref<512x32xf32, #tpu.memory_space<vmem>>
      %dma_start3A_503 = arith.constant 128 : i32
      %dma_start3A_504 = tpu.memref_slice %arg12[%mul3A_2, %dma_start3A_503] : memref<16384x256xf32, #tpu.memory_space<hbm>> -> memref<512x32xf32, #tpu.memory_space<hbm>>
      %dma_start3A_505 = arith.constant 128 : i32
      %dma_start3A_506 = tpu.memref_slice %arg12[%mul3A_2, %dma_start3A_505] : memref<16384x256xf32, #tpu.memory_space<hbm>> -> memref<512x32xf32, #tpu.memory_space<hbm>>
      %dma_start3A_507 = arith.constant 0 : i32
      %dma_start3A_508 = arith.constant 0 : i32
      %dma_start3A_509 = tpu.memref_slice %arg15[%run_scoped3A_171, %dma_start3A_507, %dma_start3A_508] : memref<2x512x32xf32, #tpu.memory_space<vmem>> -> memref<1x512x32xf32, #tpu.memory_space<vmem>>
      %dma_start3A_510 = tpu.memref_squeeze %dma_start3A_509 : memref<1x512x32xf32, #tpu.memory_space<vmem>> -> memref<512x32xf32, #tpu.memory_space<vmem>>
      tpu.enqueue_dma source(%dma_start3A_510 : memref<512x32xf32, #tpu.memory_space<vmem>>) target(%dma_start3A_506 : memref<512x32xf32, #tpu.memory_space<hbm>>) target_semaphore(%run_scoped3A_498 : memref<!tpu.dma_semaphore, #tpu.memory_space<semaphore_mem>>)
      %dma_wait3A_511 = arith.constant 0 : i32
      %dma_wait3A_512 = arith.constant 0 : i32
      %dma_wait3A_513 = tpu.memref_slice %arg15[%run_scoped3A_171, %dma_wait3A_511, %dma_wait3A_512] : memref<2x512x32xf32, #tpu.memory_space<vmem>> -> memref<1x512x32xf32, #tpu.memory_space<vmem>>
      %dma_wait3A_514 = tpu.memref_squeeze %dma_wait3A_513 : memref<1x512x32xf32, #tpu.memory_space<vmem>> -> memref<512x32xf32, #tpu.memory_space<vmem>>
      %dma_wait3A_515 = arith.constant 128 : i32
      %dma_wait3A_516 = tpu.memref_slice %arg12[%mul3A_2, %dma_wait3A_515] : memref<16384x256xf32, #tpu.memory_space<hbm>> -> memref<512x32xf32, #tpu.memory_space<hbm>>
      %dma_wait3A_517 = arith.constant 128 : i32
      %dma_wait3A_518 = tpu.memref_slice %arg12[%mul3A_2, %dma_wait3A_517] : memref<16384x256xf32, #tpu.memory_space<hbm>> -> memref<512x32xf32, #tpu.memory_space<hbm>>
      %dma_wait3A_519 = arith.constant 0 : i32
      %dma_wait3A_520 = arith.constant 0 : i32
      %dma_wait3A_521 = tpu.memref_slice %arg15[%run_scoped3A_171, %dma_wait3A_519, %dma_wait3A_520] : memref<2x512x32xf32, #tpu.memory_space<vmem>> -> memref<1x512x32xf32, #tpu.memory_space<vmem>>
      %dma_wait3A_522 = tpu.memref_squeeze %dma_wait3A_521 : memref<1x512x32xf32, #tpu.memory_space<vmem>> -> memref<512x32xf32, #tpu.memory_space<vmem>>
      tpu.wait_dma2 semaphore(%run_scoped3A_498 : memref<!tpu.dma_semaphore, #tpu.memory_space<semaphore_mem>>) src(%dma_wait3A_522 : memref<512x32xf32, #tpu.memory_space<vmem>>) dst(%dma_wait3A_518 : memref<512x32xf32, #tpu.memory_space<hbm>>)
      tpu.yield
    }) : () -> ()
    %dma_start3A_172 = arith.constant 0 : i32
    %dma_start3A_173 = arith.constant 0 : i32
    %dma_start3A_174 = arith.constant 0 : i32
    %dma_start3A_175 = arith.constant 0 : i32
    %dma_start3A_176 = arith.constant 0 : i32
    %dma_start3A_177 = tpu.memref_slice %arg15[%dma_start3A_173, %dma_start3A_175, %dma_start3A_176] : memref<2x512x32xf32, #tpu.memory_space<vmem>> -> memref<1x512x32xf32, #tpu.memory_space<vmem>>
    %dma_start3A_178 = tpu.memref_squeeze %dma_start3A_177 : memref<1x512x32xf32, #tpu.memory_space<vmem>> -> memref<512x32xf32, #tpu.memory_space<vmem>>
    %dma_start3A_179 = arith.constant 0 : i32
    %dma_start3A_180 = tpu.memref_slice %arg14[%dma_start3A_172, %dma_start3A_179] : memref<2x512xi32, #tpu.memory_space<vmem>> -> memref<1x512xi32, #tpu.memory_space<vmem>>
    %dma_start3A_181 = tpu.memref_squeeze %dma_start3A_180 : memref<1x512xi32, #tpu.memory_space<vmem>> -> memref<512xi32, #tpu.memory_space<vmem>>
    %dma_start3A_182 = arith.constant 0 : i32
    %dma_start3A_183 = arith.constant 0 : i32
    %dma_start3A_184 = tpu.memref_slice %arg8[%dma_start3A_182, %dma_start3A_183] : memref<50176x32xf32, #tpu.memory_space<hbm>> -> memref<50176x32xf32, #tpu.memory_space<hbm>>
    %dma_start3A_185 = tpu.memref_slice %arg16[%dma_start3A_174] : memref<2x!tpu.dma_semaphore, #tpu.memory_space<semaphore_mem>> -> memref<1x!tpu.dma_semaphore, #tpu.memory_space<semaphore_mem>>
    %dma_start3A_186 = tpu.memref_squeeze %dma_start3A_185 : memref<1x!tpu.dma_semaphore, #tpu.memory_space<semaphore_mem>> -> memref<!tpu.dma_semaphore, #tpu.memory_space<semaphore_mem>>
    tpu.enqueue_indirect_dma source(%dma_start3A_184 : memref<50176x32xf32, #tpu.memory_space<hbm>>) target(%dma_start3A_178 : memref<512x32xf32, #tpu.memory_space<vmem>>) offsets(%dma_start3A_181 : memref<512xi32, #tpu.memory_space<vmem>>) semaphore(%dma_start3A_186 : memref<!tpu.dma_semaphore, #tpu.memory_space<semaphore_mem>>)
    %dma_wait3A_187 = arith.constant 0 : i32
    %dma_wait3A_188 = arith.constant 1 : i32
    %dma_wait3A_189 = arith.constant 1 : i32
    %dma_wait3A_190 = arith.constant 0 : i32
    %dma_wait3A_191 = arith.constant 0 : i32
    %dma_wait3A_192 = tpu.memref_slice %arg15[%dma_wait3A_188, %dma_wait3A_190, %dma_wait3A_191] : memref<2x512x32xf32, #tpu.memory_space<vmem>> -> memref<1x512x32xf32, #tpu.memory_space<vmem>>
    %dma_wait3A_193 = tpu.memref_squeeze %dma_wait3A_192 : memref<1x512x32xf32, #tpu.memory_space<vmem>> -> memref<512x32xf32, #tpu.memory_space<vmem>>
    %dma_wait3A_194 = arith.constant 0 : i32
    %dma_wait3A_195 = tpu.memref_slice %arg14[%dma_wait3A_187, %dma_wait3A_194] : memref<2x512xi32, #tpu.memory_space<vmem>> -> memref<1x512xi32, #tpu.memory_space<vmem>>
    %dma_wait3A_196 = tpu.memref_squeeze %dma_wait3A_195 : memref<1x512xi32, #tpu.memory_space<vmem>> -> memref<512xi32, #tpu.memory_space<vmem>>
    %dma_wait3A_197 = arith.constant 0 : i32
    %dma_wait3A_198 = arith.constant 0 : i32
    %dma_wait3A_199 = tpu.memref_slice %arg7[%dma_wait3A_197, %dma_wait3A_198] : memref<50176x32xf32, #tpu.memory_space<hbm>> -> memref<50176x32xf32, #tpu.memory_space<hbm>>
    %dma_wait3A_200 = tpu.memref_slice %arg16[%dma_wait3A_189] : memref<2x!tpu.dma_semaphore, #tpu.memory_space<semaphore_mem>> -> memref<1x!tpu.dma_semaphore, #tpu.memory_space<semaphore_mem>>
    %dma_wait3A_201 = tpu.memref_squeeze %dma_wait3A_200 : memref<1x!tpu.dma_semaphore, #tpu.memory_space<semaphore_mem>> -> memref<!tpu.dma_semaphore, #tpu.memory_space<semaphore_mem>>
    tpu.wait_indirect_dma semaphore(%dma_wait3A_201 : memref<!tpu.dma_semaphore, #tpu.memory_space<semaphore_mem>>) src(%dma_wait3A_199 : memref<50176x32xf32, #tpu.memory_space<hbm>>) dst(%dma_wait3A_193 : memref<512x32xf32, #tpu.memory_space<vmem>>)
    %run_scoped3A_202 = arith.constant 1 : i32
    "tpu.region"() ({
      %run_scoped3A_498 = tpu.sem_alloc : memref<!tpu.dma_semaphore, #tpu.memory_space<semaphore_mem>>
      %dma_start3A_499 = arith.constant 0 : i32
      %dma_start3A_500 = arith.constant 0 : i32
      %dma_start3A_501 = tpu.memref_slice %arg15[%run_scoped3A_202, %dma_start3A_499, %dma_start3A_500] : memref<2x512x32xf32, #tpu.memory_space<vmem>> -> memref<1x512x32xf32, #tpu.memory_space<vmem>>
      %dma_start3A_502 = tpu.memref_squeeze %dma_start3A_501 : memref<1x512x32xf32, #tpu.memory_space<vmem>> -> memref<512x32xf32, #tpu.memory_space<vmem>>
      %dma_start3A_503 = arith.constant 160 : i32
      %dma_start3A_504 = tpu.memref_slice %arg12[%mul3A_2, %dma_start3A_503] : memref<16384x256xf32, #tpu.memory_space<hbm>> -> memref<512x32xf32, #tpu.memory_space<hbm>>
      %dma_start3A_505 = arith.constant 160 : i32
      %dma_start3A_506 = tpu.memref_slice %arg12[%mul3A_2, %dma_start3A_505] : memref<16384x256xf32, #tpu.memory_space<hbm>> -> memref<512x32xf32, #tpu.memory_space<hbm>>
      %dma_start3A_507 = arith.constant 0 : i32
      %dma_start3A_508 = arith.constant 0 : i32
      %dma_start3A_509 = tpu.memref_slice %arg15[%run_scoped3A_202, %dma_start3A_507, %dma_start3A_508] : memref<2x512x32xf32, #tpu.memory_space<vmem>> -> memref<1x512x32xf32, #tpu.memory_space<vmem>>
      %dma_start3A_510 = tpu.memref_squeeze %dma_start3A_509 : memref<1x512x32xf32, #tpu.memory_space<vmem>> -> memref<512x32xf32, #tpu.memory_space<vmem>>
      tpu.enqueue_dma source(%dma_start3A_510 : memref<512x32xf32, #tpu.memory_space<vmem>>) target(%dma_start3A_506 : memref<512x32xf32, #tpu.memory_space<hbm>>) target_semaphore(%run_scoped3A_498 : memref<!tpu.dma_semaphore, #tpu.memory_space<semaphore_mem>>)
      %dma_wait3A_511 = arith.constant 0 : i32
      %dma_wait3A_512 = arith.constant 0 : i32
      %dma_wait3A_513 = tpu.memref_slice %arg15[%run_scoped3A_202, %dma_wait3A_511, %dma_wait3A_512] : memref<2x512x32xf32, #tpu.memory_space<vmem>> -> memref<1x512x32xf32, #tpu.memory_space<vmem>>
      %dma_wait3A_514 = tpu.memref_squeeze %dma_wait3A_513 : memref<1x512x32xf32, #tpu.memory_space<vmem>> -> memref<512x32xf32, #tpu.memory_space<vmem>>
      %dma_wait3A_515 = arith.constant 160 : i32
      %dma_wait3A_516 = tpu.memref_slice %arg12[%mul3A_2, %dma_wait3A_515] : memref<16384x256xf32, #tpu.memory_space<hbm>> -> memref<512x32xf32, #tpu.memory_space<hbm>>
      %dma_wait3A_517 = arith.constant 160 : i32
      %dma_wait3A_518 = tpu.memref_slice %arg12[%mul3A_2, %dma_wait3A_517] : memref<16384x256xf32, #tpu.memory_space<hbm>> -> memref<512x32xf32, #tpu.memory_space<hbm>>
      %dma_wait3A_519 = arith.constant 0 : i32
      %dma_wait3A_520 = arith.constant 0 : i32
      %dma_wait3A_521 = tpu.memref_slice %arg15[%run_scoped3A_202, %dma_wait3A_519, %dma_wait3A_520] : memref<2x512x32xf32, #tpu.memory_space<vmem>> -> memref<1x512x32xf32, #tpu.memory_space<vmem>>
      %dma_wait3A_522 = tpu.memref_squeeze %dma_wait3A_521 : memref<1x512x32xf32, #tpu.memory_space<vmem>> -> memref<512x32xf32, #tpu.memory_space<vmem>>
      tpu.wait_dma2 semaphore(%run_scoped3A_498 : memref<!tpu.dma_semaphore, #tpu.memory_space<semaphore_mem>>) src(%dma_wait3A_522 : memref<512x32xf32, #tpu.memory_space<vmem>>) dst(%dma_wait3A_518 : memref<512x32xf32, #tpu.memory_space<hbm>>)
      tpu.yield
    }) : () -> ()
    %dma_start3A_203 = arith.constant 0 : i32
    %dma_start3A_204 = arith.constant 1 : i32
    %dma_start3A_205 = arith.constant 1 : i32
    %dma_start3A_206 = arith.constant 0 : i32
    %dma_start3A_207 = arith.constant 0 : i32
    %dma_start3A_208 = tpu.memref_slice %arg15[%dma_start3A_204, %dma_start3A_206, %dma_start3A_207] : memref<2x512x32xf32, #tpu.memory_space<vmem>> -> memref<1x512x32xf32, #tpu.memory_space<vmem>>
    %dma_start3A_209 = tpu.memref_squeeze %dma_start3A_208 : memref<1x512x32xf32, #tpu.memory_space<vmem>> -> memref<512x32xf32, #tpu.memory_space<vmem>>
    %dma_start3A_210 = arith.constant 0 : i32
    %dma_start3A_211 = tpu.memref_slice %arg14[%dma_start3A_203, %dma_start3A_210] : memref<2x512xi32, #tpu.memory_space<vmem>> -> memref<1x512xi32, #tpu.memory_space<vmem>>
    %dma_start3A_212 = tpu.memref_squeeze %dma_start3A_211 : memref<1x512xi32, #tpu.memory_space<vmem>> -> memref<512xi32, #tpu.memory_space<vmem>>
    %dma_start3A_213 = arith.constant 0 : i32
    %dma_start3A_214 = arith.constant 0 : i32
    %dma_start3A_215 = tpu.memref_slice %arg9[%dma_start3A_213, %dma_start3A_214] : memref<50176x32xf32, #tpu.memory_space<hbm>> -> memref<50176x32xf32, #tpu.memory_space<hbm>>
    %dma_start3A_216 = tpu.memref_slice %arg16[%dma_start3A_205] : memref<2x!tpu.dma_semaphore, #tpu.memory_space<semaphore_mem>> -> memref<1x!tpu.dma_semaphore, #tpu.memory_space<semaphore_mem>>
    %dma_start3A_217 = tpu.memref_squeeze %dma_start3A_216 : memref<1x!tpu.dma_semaphore, #tpu.memory_space<semaphore_mem>> -> memref<!tpu.dma_semaphore, #tpu.memory_space<semaphore_mem>>
    tpu.enqueue_indirect_dma source(%dma_start3A_215 : memref<50176x32xf32, #tpu.memory_space<hbm>>) target(%dma_start3A_209 : memref<512x32xf32, #tpu.memory_space<vmem>>) offsets(%dma_start3A_212 : memref<512xi32, #tpu.memory_space<vmem>>) semaphore(%dma_start3A_217 : memref<!tpu.dma_semaphore, #tpu.memory_space<semaphore_mem>>)
    %dma_wait3A_218 = arith.constant 0 : i32
    %dma_wait3A_219 = arith.constant 0 : i32
    %dma_wait3A_220 = arith.constant 0 : i32
    %dma_wait3A_221 = arith.constant 0 : i32
    %dma_wait3A_222 = arith.constant 0 : i32
    %dma_wait3A_223 = tpu.memref_slice %arg15[%dma_wait3A_219, %dma_wait3A_221, %dma_wait3A_222] : memref<2x512x32xf32, #tpu.memory_space<vmem>> -> memref<1x512x32xf32, #tpu.memory_space<vmem>>
    %dma_wait3A_224 = tpu.memref_squeeze %dma_wait3A_223 : memref<1x512x32xf32, #tpu.memory_space<vmem>> -> memref<512x32xf32, #tpu.memory_space<vmem>>
    %dma_wait3A_225 = arith.constant 0 : i32
    %dma_wait3A_226 = tpu.memref_slice %arg14[%dma_wait3A_218, %dma_wait3A_225] : memref<2x512xi32, #tpu.memory_space<vmem>> -> memref<1x512xi32, #tpu.memory_space<vmem>>
    %dma_wait3A_227 = tpu.memref_squeeze %dma_wait3A_226 : memref<1x512xi32, #tpu.memory_space<vmem>> -> memref<512xi32, #tpu.memory_space<vmem>>
    %dma_wait3A_228 = arith.constant 0 : i32
    %dma_wait3A_229 = arith.constant 0 : i32
    %dma_wait3A_230 = tpu.memref_slice %arg8[%dma_wait3A_228, %dma_wait3A_229] : memref<50176x32xf32, #tpu.memory_space<hbm>> -> memref<50176x32xf32, #tpu.memory_space<hbm>>
    %dma_wait3A_231 = tpu.memref_slice %arg16[%dma_wait3A_220] : memref<2x!tpu.dma_semaphore, #tpu.memory_space<semaphore_mem>> -> memref<1x!tpu.dma_semaphore, #tpu.memory_space<semaphore_mem>>
    %dma_wait3A_232 = tpu.memref_squeeze %dma_wait3A_231 : memref<1x!tpu.dma_semaphore, #tpu.memory_space<semaphore_mem>> -> memref<!tpu.dma_semaphore, #tpu.memory_space<semaphore_mem>>
    tpu.wait_indirect_dma semaphore(%dma_wait3A_232 : memref<!tpu.dma_semaphore, #tpu.memory_space<semaphore_mem>>) src(%dma_wait3A_230 : memref<50176x32xf32, #tpu.memory_space<hbm>>) dst(%dma_wait3A_224 : memref<512x32xf32, #tpu.memory_space<vmem>>)
    %run_scoped3A_233 = arith.constant 0 : i32
    "tpu.region"() ({
      %run_scoped3A_498 = tpu.sem_alloc : memref<!tpu.dma_semaphore, #tpu.memory_space<semaphore_mem>>
      %dma_start3A_499 = arith.constant 0 : i32
      %dma_start3A_500 = arith.constant 0 : i32
      %dma_start3A_501 = tpu.memref_slice %arg15[%run_scoped3A_233, %dma_start3A_499, %dma_start3A_500] : memref<2x512x32xf32, #tpu.memory_space<vmem>> -> memref<1x512x32xf32, #tpu.memory_space<vmem>>
      %dma_start3A_502 = tpu.memref_squeeze %dma_start3A_501 : memref<1x512x32xf32, #tpu.memory_space<vmem>> -> memref<512x32xf32, #tpu.memory_space<vmem>>
      %dma_start3A_503 = arith.constant 192 : i32
      %dma_start3A_504 = tpu.memref_slice %arg12[%mul3A_2, %dma_start3A_503] : memref<16384x256xf32, #tpu.memory_space<hbm>> -> memref<512x32xf32, #tpu.memory_space<hbm>>
      %dma_start3A_505 = arith.constant 192 : i32
      %dma_start3A_506 = tpu.memref_slice %arg12[%mul3A_2, %dma_start3A_505] : memref<16384x256xf32, #tpu.memory_space<hbm>> -> memref<512x32xf32, #tpu.memory_space<hbm>>
      %dma_start3A_507 = arith.constant 0 : i32
      %dma_start3A_508 = arith.constant 0 : i32
      %dma_start3A_509 = tpu.memref_slice %arg15[%run_scoped3A_233, %dma_start3A_507, %dma_start3A_508] : memref<2x512x32xf32, #tpu.memory_space<vmem>> -> memref<1x512x32xf32, #tpu.memory_space<vmem>>
      %dma_start3A_510 = tpu.memref_squeeze %dma_start3A_509 : memref<1x512x32xf32, #tpu.memory_space<vmem>> -> memref<512x32xf32, #tpu.memory_space<vmem>>
      tpu.enqueue_dma source(%dma_start3A_510 : memref<512x32xf32, #tpu.memory_space<vmem>>) target(%dma_start3A_506 : memref<512x32xf32, #tpu.memory_space<hbm>>) target_semaphore(%run_scoped3A_498 : memref<!tpu.dma_semaphore, #tpu.memory_space<semaphore_mem>>)
      %dma_wait3A_511 = arith.constant 0 : i32
      %dma_wait3A_512 = arith.constant 0 : i32
      %dma_wait3A_513 = tpu.memref_slice %arg15[%run_scoped3A_233, %dma_wait3A_511, %dma_wait3A_512] : memref<2x512x32xf32, #tpu.memory_space<vmem>> -> memref<1x512x32xf32, #tpu.memory_space<vmem>>
      %dma_wait3A_514 = tpu.memref_squeeze %dma_wait3A_513 : memref<1x512x32xf32, #tpu.memory_space<vmem>> -> memref<512x32xf32, #tpu.memory_space<vmem>>
      %dma_wait3A_515 = arith.constant 192 : i32
      %dma_wait3A_516 = tpu.memref_slice %arg12[%mul3A_2, %dma_wait3A_515] : memref<16384x256xf32, #tpu.memory_space<hbm>> -> memref<512x32xf32, #tpu.memory_space<hbm>>
      %dma_wait3A_517 = arith.constant 192 : i32
      %dma_wait3A_518 = tpu.memref_slice %arg12[%mul3A_2, %dma_wait3A_517] : memref<16384x256xf32, #tpu.memory_space<hbm>> -> memref<512x32xf32, #tpu.memory_space<hbm>>
      %dma_wait3A_519 = arith.constant 0 : i32
      %dma_wait3A_520 = arith.constant 0 : i32
      %dma_wait3A_521 = tpu.memref_slice %arg15[%run_scoped3A_233, %dma_wait3A_519, %dma_wait3A_520] : memref<2x512x32xf32, #tpu.memory_space<vmem>> -> memref<1x512x32xf32, #tpu.memory_space<vmem>>
      %dma_wait3A_522 = tpu.memref_squeeze %dma_wait3A_521 : memref<1x512x32xf32, #tpu.memory_space<vmem>> -> memref<512x32xf32, #tpu.memory_space<vmem>>
      tpu.wait_dma2 semaphore(%run_scoped3A_498 : memref<!tpu.dma_semaphore, #tpu.memory_space<semaphore_mem>>) src(%dma_wait3A_522 : memref<512x32xf32, #tpu.memory_space<vmem>>) dst(%dma_wait3A_518 : memref<512x32xf32, #tpu.memory_space<hbm>>)
      tpu.yield
    }) : () -> ()
    %dma_start3A_234 = arith.constant 1 : i32
    %dma_start3A_235 = arith.constant 0 : i32
    %dma_start3A_236 = arith.constant 0 : i32
    %dma_start3A_237 = arith.constant 0 : i32
    %dma_start3A_238 = arith.constant 0 : i32
    %dma_start3A_239 = tpu.memref_slice %arg15[%dma_start3A_235, %dma_start3A_237, %dma_start3A_238] : memref<2x512x32xf32, #tpu.memory_space<vmem>> -> memref<1x512x32xf32, #tpu.memory_space<vmem>>
    %dma_start3A_240 = tpu.memref_squeeze %dma_start3A_239 : memref<1x512x32xf32, #tpu.memory_space<vmem>> -> memref<512x32xf32, #tpu.memory_space<vmem>>
    %dma_start3A_241 = arith.constant 0 : i32
    %dma_start3A_242 = tpu.memref_slice %arg14[%dma_start3A_234, %dma_start3A_241] : memref<2x512xi32, #tpu.memory_space<vmem>> -> memref<1x512xi32, #tpu.memory_space<vmem>>
    %dma_start3A_243 = tpu.memref_squeeze %dma_start3A_242 : memref<1x512xi32, #tpu.memory_space<vmem>> -> memref<512xi32, #tpu.memory_space<vmem>>
    %dma_start3A_244 = arith.constant 0 : i32
    %dma_start3A_245 = arith.constant 0 : i32
    %dma_start3A_246 = tpu.memref_slice %arg2[%dma_start3A_244, %dma_start3A_245] : memref<50176x32xf32, #tpu.memory_space<hbm>> -> memref<50176x32xf32, #tpu.memory_space<hbm>>
    %dma_start3A_247 = tpu.memref_slice %arg16[%dma_start3A_236] : memref<2x!tpu.dma_semaphore, #tpu.memory_space<semaphore_mem>> -> memref<1x!tpu.dma_semaphore, #tpu.memory_space<semaphore_mem>>
    %dma_start3A_248 = tpu.memref_squeeze %dma_start3A_247 : memref<1x!tpu.dma_semaphore, #tpu.memory_space<semaphore_mem>> -> memref<!tpu.dma_semaphore, #tpu.memory_space<semaphore_mem>>
    tpu.enqueue_indirect_dma source(%dma_start3A_246 : memref<50176x32xf32, #tpu.memory_space<hbm>>) target(%dma_start3A_240 : memref<512x32xf32, #tpu.memory_space<vmem>>) offsets(%dma_start3A_243 : memref<512xi32, #tpu.memory_space<vmem>>) semaphore(%dma_start3A_248 : memref<!tpu.dma_semaphore, #tpu.memory_space<semaphore_mem>>)
    %dma_wait3A_249 = arith.constant 0 : i32
    %dma_wait3A_250 = arith.constant 1 : i32
    %dma_wait3A_251 = arith.constant 1 : i32
    %dma_wait3A_252 = arith.constant 0 : i32
    %dma_wait3A_253 = arith.constant 0 : i32
    %dma_wait3A_254 = tpu.memref_slice %arg15[%dma_wait3A_250, %dma_wait3A_252, %dma_wait3A_253] : memref<2x512x32xf32, #tpu.memory_space<vmem>> -> memref<1x512x32xf32, #tpu.memory_space<vmem>>
    %dma_wait3A_255 = tpu.memref_squeeze %dma_wait3A_254 : memref<1x512x32xf32, #tpu.memory_space<vmem>> -> memref<512x32xf32, #tpu.memory_space<vmem>>
    %dma_wait3A_256 = arith.constant 0 : i32
    %dma_wait3A_257 = tpu.memref_slice %arg14[%dma_wait3A_249, %dma_wait3A_256] : memref<2x512xi32, #tpu.memory_space<vmem>> -> memref<1x512xi32, #tpu.memory_space<vmem>>
    %dma_wait3A_258 = tpu.memref_squeeze %dma_wait3A_257 : memref<1x512xi32, #tpu.memory_space<vmem>> -> memref<512xi32, #tpu.memory_space<vmem>>
    %dma_wait3A_259 = arith.constant 0 : i32
    %dma_wait3A_260 = arith.constant 0 : i32
    %dma_wait3A_261 = tpu.memref_slice %arg9[%dma_wait3A_259, %dma_wait3A_260] : memref<50176x32xf32, #tpu.memory_space<hbm>> -> memref<50176x32xf32, #tpu.memory_space<hbm>>
    %dma_wait3A_262 = tpu.memref_slice %arg16[%dma_wait3A_251] : memref<2x!tpu.dma_semaphore, #tpu.memory_space<semaphore_mem>> -> memref<1x!tpu.dma_semaphore, #tpu.memory_space<semaphore_mem>>
    %dma_wait3A_263 = tpu.memref_squeeze %dma_wait3A_262 : memref<1x!tpu.dma_semaphore, #tpu.memory_space<semaphore_mem>> -> memref<!tpu.dma_semaphore, #tpu.memory_space<semaphore_mem>>
    tpu.wait_indirect_dma semaphore(%dma_wait3A_263 : memref<!tpu.dma_semaphore, #tpu.memory_space<semaphore_mem>>) src(%dma_wait3A_261 : memref<50176x32xf32, #tpu.memory_space<hbm>>) dst(%dma_wait3A_255 : memref<512x32xf32, #tpu.memory_space<vmem>>)
    %run_scoped3A_264 = arith.constant 1 : i32
    "tpu.region"() ({
      %run_scoped3A_498 = tpu.sem_alloc : memref<!tpu.dma_semaphore, #tpu.memory_space<semaphore_mem>>
      %dma_start3A_499 = arith.constant 0 : i32
      %dma_start3A_500 = arith.constant 0 : i32
      %dma_start3A_501 = tpu.memref_slice %arg15[%run_scoped3A_264, %dma_start3A_499, %dma_start3A_500] : memref<2x512x32xf32, #tpu.memory_space<vmem>> -> memref<1x512x32xf32, #tpu.memory_space<vmem>>
      %dma_start3A_502 = tpu.memref_squeeze %dma_start3A_501 : memref<1x512x32xf32, #tpu.memory_space<vmem>> -> memref<512x32xf32, #tpu.memory_space<vmem>>
      %dma_start3A_503 = arith.constant 224 : i32
      %dma_start3A_504 = tpu.memref_slice %arg12[%mul3A_2, %dma_start3A_503] : memref<16384x256xf32, #tpu.memory_space<hbm>> -> memref<512x32xf32, #tpu.memory_space<hbm>>
      %dma_start3A_505 = arith.constant 224 : i32
      %dma_start3A_506 = tpu.memref_slice %arg12[%mul3A_2, %dma_start3A_505] : memref<16384x256xf32, #tpu.memory_space<hbm>> -> memref<512x32xf32, #tpu.memory_space<hbm>>
      %dma_start3A_507 = arith.constant 0 : i32
      %dma_start3A_508 = arith.constant 0 : i32
      %dma_start3A_509 = tpu.memref_slice %arg15[%run_scoped3A_264, %dma_start3A_507, %dma_start3A_508] : memref<2x512x32xf32, #tpu.memory_space<vmem>> -> memref<1x512x32xf32, #tpu.memory_space<vmem>>
      %dma_start3A_510 = tpu.memref_squeeze %dma_start3A_509 : memref<1x512x32xf32, #tpu.memory_space<vmem>> -> memref<512x32xf32, #tpu.memory_space<vmem>>
      tpu.enqueue_dma source(%dma_start3A_510 : memref<512x32xf32, #tpu.memory_space<vmem>>) target(%dma_start3A_506 : memref<512x32xf32, #tpu.memory_space<hbm>>) target_semaphore(%run_scoped3A_498 : memref<!tpu.dma_semaphore, #tpu.memory_space<semaphore_mem>>)
      %dma_wait3A_511 = arith.constant 0 : i32
      %dma_wait3A_512 = arith.constant 0 : i32
      %dma_wait3A_513 = tpu.memref_slice %arg15[%run_scoped3A_264, %dma_wait3A_511, %dma_wait3A_512] : memref<2x512x32xf32, #tpu.memory_space<vmem>> -> memref<1x512x32xf32, #tpu.memory_space<vmem>>
      %dma_wait3A_514 = tpu.memref_squeeze %dma_wait3A_513 : memref<1x512x32xf32, #tpu.memory_space<vmem>> -> memref<512x32xf32, #tpu.memory_space<vmem>>
      %dma_wait3A_515 = arith.constant 224 : i32
      %dma_wait3A_516 = tpu.memref_slice %arg12[%mul3A_2, %dma_wait3A_515] : memref<16384x256xf32, #tpu.memory_space<hbm>> -> memref<512x32xf32, #tpu.memory_space<hbm>>
      %dma_wait3A_517 = arith.constant 224 : i32
      %dma_wait3A_518 = tpu.memref_slice %arg12[%mul3A_2, %dma_wait3A_517] : memref<16384x256xf32, #tpu.memory_space<hbm>> -> memref<512x32xf32, #tpu.memory_space<hbm>>
      %dma_wait3A_519 = arith.constant 0 : i32
      %dma_wait3A_520 = arith.constant 0 : i32
      %dma_wait3A_521 = tpu.memref_slice %arg15[%run_scoped3A_264, %dma_wait3A_519, %dma_wait3A_520] : memref<2x512x32xf32, #tpu.memory_space<vmem>> -> memref<1x512x32xf32, #tpu.memory_space<vmem>>
      %dma_wait3A_522 = tpu.memref_squeeze %dma_wait3A_521 : memref<1x512x32xf32, #tpu.memory_space<vmem>> -> memref<512x32xf32, #tpu.memory_space<vmem>>
      tpu.wait_dma2 semaphore(%run_scoped3A_498 : memref<!tpu.dma_semaphore, #tpu.memory_space<semaphore_mem>>) src(%dma_wait3A_522 : memref<512x32xf32, #tpu.memory_space<vmem>>) dst(%dma_wait3A_518 : memref<512x32xf32, #tpu.memory_space<hbm>>)
      tpu.yield
    }) : () -> ()
    %dma_start3A_265 = arith.constant 1 : i32
    %dma_start3A_266 = arith.constant 1 : i32
    %dma_start3A_267 = arith.constant 1 : i32
    %dma_start3A_268 = arith.constant 0 : i32
    %dma_start3A_269 = arith.constant 0 : i32
    %dma_start3A_270 = tpu.memref_slice %arg15[%dma_start3A_266, %dma_start3A_268, %dma_start3A_269] : memref<2x512x32xf32, #tpu.memory_space<vmem>> -> memref<1x512x32xf32, #tpu.memory_space<vmem>>
    %dma_start3A_271 = tpu.memref_squeeze %dma_start3A_270 : memref<1x512x32xf32, #tpu.memory_space<vmem>> -> memref<512x32xf32, #tpu.memory_space<vmem>>
    %dma_start3A_272 = arith.constant 0 : i32
    %dma_start3A_273 = tpu.memref_slice %arg14[%dma_start3A_265, %dma_start3A_272] : memref<2x512xi32, #tpu.memory_space<vmem>> -> memref<1x512xi32, #tpu.memory_space<vmem>>
    %dma_start3A_274 = tpu.memref_squeeze %dma_start3A_273 : memref<1x512xi32, #tpu.memory_space<vmem>> -> memref<512xi32, #tpu.memory_space<vmem>>
    %dma_start3A_275 = arith.constant 0 : i32
    %dma_start3A_276 = arith.constant 0 : i32
    %dma_start3A_277 = tpu.memref_slice %arg3[%dma_start3A_275, %dma_start3A_276] : memref<50176x32xf32, #tpu.memory_space<hbm>> -> memref<50176x32xf32, #tpu.memory_space<hbm>>
    %dma_start3A_278 = tpu.memref_slice %arg16[%dma_start3A_267] : memref<2x!tpu.dma_semaphore, #tpu.memory_space<semaphore_mem>> -> memref<1x!tpu.dma_semaphore, #tpu.memory_space<semaphore_mem>>
    %dma_start3A_279 = tpu.memref_squeeze %dma_start3A_278 : memref<1x!tpu.dma_semaphore, #tpu.memory_space<semaphore_mem>> -> memref<!tpu.dma_semaphore, #tpu.memory_space<semaphore_mem>>
    tpu.enqueue_indirect_dma source(%dma_start3A_277 : memref<50176x32xf32, #tpu.memory_space<hbm>>) target(%dma_start3A_271 : memref<512x32xf32, #tpu.memory_space<vmem>>) offsets(%dma_start3A_274 : memref<512xi32, #tpu.memory_space<vmem>>) semaphore(%dma_start3A_279 : memref<!tpu.dma_semaphore, #tpu.memory_space<semaphore_mem>>)
    %dma_wait3A_280 = arith.constant 1 : i32
    %dma_wait3A_281 = arith.constant 0 : i32
    %dma_wait3A_282 = arith.constant 0 : i32
    %dma_wait3A_283 = arith.constant 0 : i32
    %dma_wait3A_284 = arith.constant 0 : i32
    %dma_wait3A_285 = tpu.memref_slice %arg15[%dma_wait3A_281, %dma_wait3A_283, %dma_wait3A_284] : memref<2x512x32xf32, #tpu.memory_space<vmem>> -> memref<1x512x32xf32, #tpu.memory_space<vmem>>
    %dma_wait3A_286 = tpu.memref_squeeze %dma_wait3A_285 : memref<1x512x32xf32, #tpu.memory_space<vmem>> -> memref<512x32xf32, #tpu.memory_space<vmem>>
    %dma_wait3A_287 = arith.constant 0 : i32
    %dma_wait3A_288 = tpu.memref_slice %arg14[%dma_wait3A_280, %dma_wait3A_287] : memref<2x512xi32, #tpu.memory_space<vmem>> -> memref<1x512xi32, #tpu.memory_space<vmem>>
    %dma_wait3A_289 = tpu.memref_squeeze %dma_wait3A_288 : memref<1x512xi32, #tpu.memory_space<vmem>> -> memref<512xi32, #tpu.memory_space<vmem>>
    %dma_wait3A_290 = arith.constant 0 : i32
    %dma_wait3A_291 = arith.constant 0 : i32
    %dma_wait3A_292 = tpu.memref_slice %arg2[%dma_wait3A_290, %dma_wait3A_291] : memref<50176x32xf32, #tpu.memory_space<hbm>> -> memref<50176x32xf32, #tpu.memory_space<hbm>>
    %dma_wait3A_293 = tpu.memref_slice %arg16[%dma_wait3A_282] : memref<2x!tpu.dma_semaphore, #tpu.memory_space<semaphore_mem>> -> memref<1x!tpu.dma_semaphore, #tpu.memory_space<semaphore_mem>>
    %dma_wait3A_294 = tpu.memref_squeeze %dma_wait3A_293 : memref<1x!tpu.dma_semaphore, #tpu.memory_space<semaphore_mem>> -> memref<!tpu.dma_semaphore, #tpu.memory_space<semaphore_mem>>
    tpu.wait_indirect_dma semaphore(%dma_wait3A_294 : memref<!tpu.dma_semaphore, #tpu.memory_space<semaphore_mem>>) src(%dma_wait3A_292 : memref<50176x32xf32, #tpu.memory_space<hbm>>) dst(%dma_wait3A_286 : memref<512x32xf32, #tpu.memory_space<vmem>>)
    %run_scoped3A_295 = arith.constant 0 : i32
    "tpu.region"() ({
      %run_scoped3A_498 = tpu.sem_alloc : memref<!tpu.dma_semaphore, #tpu.memory_space<semaphore_mem>>
      %dma_start3A_499 = arith.constant 0 : i32
      %dma_start3A_500 = arith.constant 0 : i32
      %dma_start3A_501 = tpu.memref_slice %arg15[%run_scoped3A_295, %dma_start3A_499, %dma_start3A_500] : memref<2x512x32xf32, #tpu.memory_space<vmem>> -> memref<1x512x32xf32, #tpu.memory_space<vmem>>
      %dma_start3A_502 = tpu.memref_squeeze %dma_start3A_501 : memref<1x512x32xf32, #tpu.memory_space<vmem>> -> memref<512x32xf32, #tpu.memory_space<vmem>>
      %dma_start3A_503 = arith.constant 0 : i32
      %dma_start3A_504 = tpu.memref_slice %arg13[%mul3A_2, %dma_start3A_503] : memref<16384x256xf32, #tpu.memory_space<hbm>> -> memref<512x32xf32, #tpu.memory_space<hbm>>
      %dma_start3A_505 = arith.constant 0 : i32
      %dma_start3A_506 = tpu.memref_slice %arg13[%mul3A_2, %dma_start3A_505] : memref<16384x256xf32, #tpu.memory_space<hbm>> -> memref<512x32xf32, #tpu.memory_space<hbm>>
      %dma_start3A_507 = arith.constant 0 : i32
      %dma_start3A_508 = arith.constant 0 : i32
      %dma_start3A_509 = tpu.memref_slice %arg15[%run_scoped3A_295, %dma_start3A_507, %dma_start3A_508] : memref<2x512x32xf32, #tpu.memory_space<vmem>> -> memref<1x512x32xf32, #tpu.memory_space<vmem>>
      %dma_start3A_510 = tpu.memref_squeeze %dma_start3A_509 : memref<1x512x32xf32, #tpu.memory_space<vmem>> -> memref<512x32xf32, #tpu.memory_space<vmem>>
      tpu.enqueue_dma source(%dma_start3A_510 : memref<512x32xf32, #tpu.memory_space<vmem>>) target(%dma_start3A_506 : memref<512x32xf32, #tpu.memory_space<hbm>>) target_semaphore(%run_scoped3A_498 : memref<!tpu.dma_semaphore, #tpu.memory_space<semaphore_mem>>)
      %dma_wait3A_511 = arith.constant 0 : i32
      %dma_wait3A_512 = arith.constant 0 : i32
      %dma_wait3A_513 = tpu.memref_slice %arg15[%run_scoped3A_295, %dma_wait3A_511, %dma_wait3A_512] : memref<2x512x32xf32, #tpu.memory_space<vmem>> -> memref<1x512x32xf32, #tpu.memory_space<vmem>>
      %dma_wait3A_514 = tpu.memref_squeeze %dma_wait3A_513 : memref<1x512x32xf32, #tpu.memory_space<vmem>> -> memref<512x32xf32, #tpu.memory_space<vmem>>
      %dma_wait3A_515 = arith.constant 0 : i32
      %dma_wait3A_516 = tpu.memref_slice %arg13[%mul3A_2, %dma_wait3A_515] : memref<16384x256xf32, #tpu.memory_space<hbm>> -> memref<512x32xf32, #tpu.memory_space<hbm>>
      %dma_wait3A_517 = arith.constant 0 : i32
      %dma_wait3A_518 = tpu.memref_slice %arg13[%mul3A_2, %dma_wait3A_517] : memref<16384x256xf32, #tpu.memory_space<hbm>> -> memref<512x32xf32, #tpu.memory_space<hbm>>
      %dma_wait3A_519 = arith.constant 0 : i32
      %dma_wait3A_520 = arith.constant 0 : i32
      %dma_wait3A_521 = tpu.memref_slice %arg15[%run_scoped3A_295, %dma_wait3A_519, %dma_wait3A_520] : memref<2x512x32xf32, #tpu.memory_space<vmem>> -> memref<1x512x32xf32, #tpu.memory_space<vmem>>
      %dma_wait3A_522 = tpu.memref_squeeze %dma_wait3A_521 : memref<1x512x32xf32, #tpu.memory_space<vmem>> -> memref<512x32xf32, #tpu.memory_space<vmem>>
      tpu.wait_dma2 semaphore(%run_scoped3A_498 : memref<!tpu.dma_semaphore, #tpu.memory_space<semaphore_mem>>) src(%dma_wait3A_522 : memref<512x32xf32, #tpu.memory_space<vmem>>) dst(%dma_wait3A_518 : memref<512x32xf32, #tpu.memory_space<hbm>>)
      tpu.yield
    }) : () -> ()
    %dma_start3A_296 = arith.constant 1 : i32
    %dma_start3A_297 = arith.constant 0 : i32
    %dma_start3A_298 = arith.constant 0 : i32
    %dma_start3A_299 = arith.constant 0 : i32
    %dma_start3A_300 = arith.constant 0 : i32
    %dma_start3A_301 = tpu.memref_slice %arg15[%dma_start3A_297, %dma_start3A_299, %dma_start3A_300] : memref<2x512x32xf32, #tpu.memory_space<vmem>> -> memref<1x512x32xf32, #tpu.memory_space<vmem>>
    %dma_start3A_302 = tpu.memref_squeeze %dma_start3A_301 : memref<1x512x32xf32, #tpu.memory_space<vmem>> -> memref<512x32xf32, #tpu.memory_space<vmem>>
    %dma_start3A_303 = arith.constant 0 : i32
    %dma_start3A_304 = tpu.memref_slice %arg14[%dma_start3A_296, %dma_start3A_303] : memref<2x512xi32, #tpu.memory_space<vmem>> -> memref<1x512xi32, #tpu.memory_space<vmem>>
    %dma_start3A_305 = tpu.memref_squeeze %dma_start3A_304 : memref<1x512xi32, #tpu.memory_space<vmem>> -> memref<512xi32, #tpu.memory_space<vmem>>
    %dma_start3A_306 = arith.constant 0 : i32
    %dma_start3A_307 = arith.constant 0 : i32
    %dma_start3A_308 = tpu.memref_slice %arg4[%dma_start3A_306, %dma_start3A_307] : memref<50176x32xf32, #tpu.memory_space<hbm>> -> memref<50176x32xf32, #tpu.memory_space<hbm>>
    %dma_start3A_309 = tpu.memref_slice %arg16[%dma_start3A_298] : memref<2x!tpu.dma_semaphore, #tpu.memory_space<semaphore_mem>> -> memref<1x!tpu.dma_semaphore, #tpu.memory_space<semaphore_mem>>
    %dma_start3A_310 = tpu.memref_squeeze %dma_start3A_309 : memref<1x!tpu.dma_semaphore, #tpu.memory_space<semaphore_mem>> -> memref<!tpu.dma_semaphore, #tpu.memory_space<semaphore_mem>>
    tpu.enqueue_indirect_dma source(%dma_start3A_308 : memref<50176x32xf32, #tpu.memory_space<hbm>>) target(%dma_start3A_302 : memref<512x32xf32, #tpu.memory_space<vmem>>) offsets(%dma_start3A_305 : memref<512xi32, #tpu.memory_space<vmem>>) semaphore(%dma_start3A_310 : memref<!tpu.dma_semaphore, #tpu.memory_space<semaphore_mem>>)
    %dma_wait3A_311 = arith.constant 1 : i32
    %dma_wait3A_312 = arith.constant 1 : i32
    %dma_wait3A_313 = arith.constant 1 : i32
    %dma_wait3A_314 = arith.constant 0 : i32
    %dma_wait3A_315 = arith.constant 0 : i32
    %dma_wait3A_316 = tpu.memref_slice %arg15[%dma_wait3A_312, %dma_wait3A_314, %dma_wait3A_315] : memref<2x512x32xf32, #tpu.memory_space<vmem>> -> memref<1x512x32xf32, #tpu.memory_space<vmem>>
    %dma_wait3A_317 = tpu.memref_squeeze %dma_wait3A_316 : memref<1x512x32xf32, #tpu.memory_space<vmem>> -> memref<512x32xf32, #tpu.memory_space<vmem>>
    %dma_wait3A_318 = arith.constant 0 : i32
    %dma_wait3A_319 = tpu.memref_slice %arg14[%dma_wait3A_311, %dma_wait3A_318] : memref<2x512xi32, #tpu.memory_space<vmem>> -> memref<1x512xi32, #tpu.memory_space<vmem>>
    %dma_wait3A_320 = tpu.memref_squeeze %dma_wait3A_319 : memref<1x512xi32, #tpu.memory_space<vmem>> -> memref<512xi32, #tpu.memory_space<vmem>>
    %dma_wait3A_321 = arith.constant 0 : i32
    %dma_wait3A_322 = arith.constant 0 : i32
    %dma_wait3A_323 = tpu.memref_slice %arg3[%dma_wait3A_321, %dma_wait3A_322] : memref<50176x32xf32, #tpu.memory_space<hbm>> -> memref<50176x32xf32, #tpu.memory_space<hbm>>
    %dma_wait3A_324 = tpu.memref_slice %arg16[%dma_wait3A_313] : memref<2x!tpu.dma_semaphore, #tpu.memory_space<semaphore_mem>> -> memref<1x!tpu.dma_semaphore, #tpu.memory_space<semaphore_mem>>
    %dma_wait3A_325 = tpu.memref_squeeze %dma_wait3A_324 : memref<1x!tpu.dma_semaphore, #tpu.memory_space<semaphore_mem>> -> memref<!tpu.dma_semaphore, #tpu.memory_space<semaphore_mem>>
    tpu.wait_indirect_dma semaphore(%dma_wait3A_325 : memref<!tpu.dma_semaphore, #tpu.memory_space<semaphore_mem>>) src(%dma_wait3A_323 : memref<50176x32xf32, #tpu.memory_space<hbm>>) dst(%dma_wait3A_317 : memref<512x32xf32, #tpu.memory_space<vmem>>)
    %run_scoped3A_326 = arith.constant 1 : i32
    "tpu.region"() ({
      %run_scoped3A_498 = tpu.sem_alloc : memref<!tpu.dma_semaphore, #tpu.memory_space<semaphore_mem>>
      %dma_start3A_499 = arith.constant 0 : i32
      %dma_start3A_500 = arith.constant 0 : i32
      %dma_start3A_501 = tpu.memref_slice %arg15[%run_scoped3A_326, %dma_start3A_499, %dma_start3A_500] : memref<2x512x32xf32, #tpu.memory_space<vmem>> -> memref<1x512x32xf32, #tpu.memory_space<vmem>>
      %dma_start3A_502 = tpu.memref_squeeze %dma_start3A_501 : memref<1x512x32xf32, #tpu.memory_space<vmem>> -> memref<512x32xf32, #tpu.memory_space<vmem>>
      %dma_start3A_503 = arith.constant 32 : i32
      %dma_start3A_504 = tpu.memref_slice %arg13[%mul3A_2, %dma_start3A_503] : memref<16384x256xf32, #tpu.memory_space<hbm>> -> memref<512x32xf32, #tpu.memory_space<hbm>>
      %dma_start3A_505 = arith.constant 32 : i32
      %dma_start3A_506 = tpu.memref_slice %arg13[%mul3A_2, %dma_start3A_505] : memref<16384x256xf32, #tpu.memory_space<hbm>> -> memref<512x32xf32, #tpu.memory_space<hbm>>
      %dma_start3A_507 = arith.constant 0 : i32
      %dma_start3A_508 = arith.constant 0 : i32
      %dma_start3A_509 = tpu.memref_slice %arg15[%run_scoped3A_326, %dma_start3A_507, %dma_start3A_508] : memref<2x512x32xf32, #tpu.memory_space<vmem>> -> memref<1x512x32xf32, #tpu.memory_space<vmem>>
      %dma_start3A_510 = tpu.memref_squeeze %dma_start3A_509 : memref<1x512x32xf32, #tpu.memory_space<vmem>> -> memref<512x32xf32, #tpu.memory_space<vmem>>
      tpu.enqueue_dma source(%dma_start3A_510 : memref<512x32xf32, #tpu.memory_space<vmem>>) target(%dma_start3A_506 : memref<512x32xf32, #tpu.memory_space<hbm>>) target_semaphore(%run_scoped3A_498 : memref<!tpu.dma_semaphore, #tpu.memory_space<semaphore_mem>>)
      %dma_wait3A_511 = arith.constant 0 : i32
      %dma_wait3A_512 = arith.constant 0 : i32
      %dma_wait3A_513 = tpu.memref_slice %arg15[%run_scoped3A_326, %dma_wait3A_511, %dma_wait3A_512] : memref<2x512x32xf32, #tpu.memory_space<vmem>> -> memref<1x512x32xf32, #tpu.memory_space<vmem>>
      %dma_wait3A_514 = tpu.memref_squeeze %dma_wait3A_513 : memref<1x512x32xf32, #tpu.memory_space<vmem>> -> memref<512x32xf32, #tpu.memory_space<vmem>>
      %dma_wait3A_515 = arith.constant 32 : i32
      %dma_wait3A_516 = tpu.memref_slice %arg13[%mul3A_2, %dma_wait3A_515] : memref<16384x256xf32, #tpu.memory_space<hbm>> -> memref<512x32xf32, #tpu.memory_space<hbm>>
      %dma_wait3A_517 = arith.constant 32 : i32
      %dma_wait3A_518 = tpu.memref_slice %arg13[%mul3A_2, %dma_wait3A_517] : memref<16384x256xf32, #tpu.memory_space<hbm>> -> memref<512x32xf32, #tpu.memory_space<hbm>>
      %dma_wait3A_519 = arith.constant 0 : i32
      %dma_wait3A_520 = arith.constant 0 : i32
      %dma_wait3A_521 = tpu.memref_slice %arg15[%run_scoped3A_326, %dma_wait3A_519, %dma_wait3A_520] : memref<2x512x32xf32, #tpu.memory_space<vmem>> -> memref<1x512x32xf32, #tpu.memory_space<vmem>>
      %dma_wait3A_522 = tpu.memref_squeeze %dma_wait3A_521 : memref<1x512x32xf32, #tpu.memory_space<vmem>> -> memref<512x32xf32, #tpu.memory_space<vmem>>
      tpu.wait_dma2 semaphore(%run_scoped3A_498 : memref<!tpu.dma_semaphore, #tpu.memory_space<semaphore_mem>>) src(%dma_wait3A_522 : memref<512x32xf32, #tpu.memory_space<vmem>>) dst(%dma_wait3A_518 : memref<512x32xf32, #tpu.memory_space<hbm>>)
      tpu.yield
    }) : () -> ()
    %dma_start3A_327 = arith.constant 1 : i32
    %dma_start3A_328 = arith.constant 1 : i32
    %dma_start3A_329 = arith.constant 1 : i32
    %dma_start3A_330 = arith.constant 0 : i32
    %dma_start3A_331 = arith.constant 0 : i32
    %dma_start3A_332 = tpu.memref_slice %arg15[%dma_start3A_328, %dma_start3A_330, %dma_start3A_331] : memref<2x512x32xf32, #tpu.memory_space<vmem>> -> memref<1x512x32xf32, #tpu.memory_space<vmem>>
    %dma_start3A_333 = tpu.memref_squeeze %dma_start3A_332 : memref<1x512x32xf32, #tpu.memory_space<vmem>> -> memref<512x32xf32, #tpu.memory_space<vmem>>
    %dma_start3A_334 = arith.constant 0 : i32
    %dma_start3A_335 = tpu.memref_slice %arg14[%dma_start3A_327, %dma_start3A_334] : memref<2x512xi32, #tpu.memory_space<vmem>> -> memref<1x512xi32, #tpu.memory_space<vmem>>
    %dma_start3A_336 = tpu.memref_squeeze %dma_start3A_335 : memref<1x512xi32, #tpu.memory_space<vmem>> -> memref<512xi32, #tpu.memory_space<vmem>>
    %dma_start3A_337 = arith.constant 0 : i32
    %dma_start3A_338 = arith.constant 0 : i32
    %dma_start3A_339 = tpu.memref_slice %arg5[%dma_start3A_337, %dma_start3A_338] : memref<50176x32xf32, #tpu.memory_space<hbm>> -> memref<50176x32xf32, #tpu.memory_space<hbm>>
    %dma_start3A_340 = tpu.memref_slice %arg16[%dma_start3A_329] : memref<2x!tpu.dma_semaphore, #tpu.memory_space<semaphore_mem>> -> memref<1x!tpu.dma_semaphore, #tpu.memory_space<semaphore_mem>>
    %dma_start3A_341 = tpu.memref_squeeze %dma_start3A_340 : memref<1x!tpu.dma_semaphore, #tpu.memory_space<semaphore_mem>> -> memref<!tpu.dma_semaphore, #tpu.memory_space<semaphore_mem>>
    tpu.enqueue_indirect_dma source(%dma_start3A_339 : memref<50176x32xf32, #tpu.memory_space<hbm>>) target(%dma_start3A_333 : memref<512x32xf32, #tpu.memory_space<vmem>>) offsets(%dma_start3A_336 : memref<512xi32, #tpu.memory_space<vmem>>) semaphore(%dma_start3A_341 : memref<!tpu.dma_semaphore, #tpu.memory_space<semaphore_mem>>)
    %dma_wait3A_342 = arith.constant 1 : i32
    %dma_wait3A_343 = arith.constant 0 : i32
    %dma_wait3A_344 = arith.constant 0 : i32
    %dma_wait3A_345 = arith.constant 0 : i32
    %dma_wait3A_346 = arith.constant 0 : i32
    %dma_wait3A_347 = tpu.memref_slice %arg15[%dma_wait3A_343, %dma_wait3A_345, %dma_wait3A_346] : memref<2x512x32xf32, #tpu.memory_space<vmem>> -> memref<1x512x32xf32, #tpu.memory_space<vmem>>
    %dma_wait3A_348 = tpu.memref_squeeze %dma_wait3A_347 : memref<1x512x32xf32, #tpu.memory_space<vmem>> -> memref<512x32xf32, #tpu.memory_space<vmem>>
    %dma_wait3A_349 = arith.constant 0 : i32
    %dma_wait3A_350 = tpu.memref_slice %arg14[%dma_wait3A_342, %dma_wait3A_349] : memref<2x512xi32, #tpu.memory_space<vmem>> -> memref<1x512xi32, #tpu.memory_space<vmem>>
    %dma_wait3A_351 = tpu.memref_squeeze %dma_wait3A_350 : memref<1x512xi32, #tpu.memory_space<vmem>> -> memref<512xi32, #tpu.memory_space<vmem>>
    %dma_wait3A_352 = arith.constant 0 : i32
    %dma_wait3A_353 = arith.constant 0 : i32
    %dma_wait3A_354 = tpu.memref_slice %arg4[%dma_wait3A_352, %dma_wait3A_353] : memref<50176x32xf32, #tpu.memory_space<hbm>> -> memref<50176x32xf32, #tpu.memory_space<hbm>>
    %dma_wait3A_355 = tpu.memref_slice %arg16[%dma_wait3A_344] : memref<2x!tpu.dma_semaphore, #tpu.memory_space<semaphore_mem>> -> memref<1x!tpu.dma_semaphore, #tpu.memory_space<semaphore_mem>>
    %dma_wait3A_356 = tpu.memref_squeeze %dma_wait3A_355 : memref<1x!tpu.dma_semaphore, #tpu.memory_space<semaphore_mem>> -> memref<!tpu.dma_semaphore, #tpu.memory_space<semaphore_mem>>
    tpu.wait_indirect_dma semaphore(%dma_wait3A_356 : memref<!tpu.dma_semaphore, #tpu.memory_space<semaphore_mem>>) src(%dma_wait3A_354 : memref<50176x32xf32, #tpu.memory_space<hbm>>) dst(%dma_wait3A_348 : memref<512x32xf32, #tpu.memory_space<vmem>>)
    %run_scoped3A_357 = arith.constant 0 : i32
    "tpu.region"() ({
      %run_scoped3A_498 = tpu.sem_alloc : memref<!tpu.dma_semaphore, #tpu.memory_space<semaphore_mem>>
      %dma_start3A_499 = arith.constant 0 : i32
      %dma_start3A_500 = arith.constant 0 : i32
      %dma_start3A_501 = tpu.memref_slice %arg15[%run_scoped3A_357, %dma_start3A_499, %dma_start3A_500] : memref<2x512x32xf32, #tpu.memory_space<vmem>> -> memref<1x512x32xf32, #tpu.memory_space<vmem>>
      %dma_start3A_502 = tpu.memref_squeeze %dma_start3A_501 : memref<1x512x32xf32, #tpu.memory_space<vmem>> -> memref<512x32xf32, #tpu.memory_space<vmem>>
      %dma_start3A_503 = arith.constant 64 : i32
      %dma_start3A_504 = tpu.memref_slice %arg13[%mul3A_2, %dma_start3A_503] : memref<16384x256xf32, #tpu.memory_space<hbm>> -> memref<512x32xf32, #tpu.memory_space<hbm>>
      %dma_start3A_505 = arith.constant 64 : i32
      %dma_start3A_506 = tpu.memref_slice %arg13[%mul3A_2, %dma_start3A_505] : memref<16384x256xf32, #tpu.memory_space<hbm>> -> memref<512x32xf32, #tpu.memory_space<hbm>>
      %dma_start3A_507 = arith.constant 0 : i32
      %dma_start3A_508 = arith.constant 0 : i32
      %dma_start3A_509 = tpu.memref_slice %arg15[%run_scoped3A_357, %dma_start3A_507, %dma_start3A_508] : memref<2x512x32xf32, #tpu.memory_space<vmem>> -> memref<1x512x32xf32, #tpu.memory_space<vmem>>
      %dma_start3A_510 = tpu.memref_squeeze %dma_start3A_509 : memref<1x512x32xf32, #tpu.memory_space<vmem>> -> memref<512x32xf32, #tpu.memory_space<vmem>>
      tpu.enqueue_dma source(%dma_start3A_510 : memref<512x32xf32, #tpu.memory_space<vmem>>) target(%dma_start3A_506 : memref<512x32xf32, #tpu.memory_space<hbm>>) target_semaphore(%run_scoped3A_498 : memref<!tpu.dma_semaphore, #tpu.memory_space<semaphore_mem>>)
      %dma_wait3A_511 = arith.constant 0 : i32
      %dma_wait3A_512 = arith.constant 0 : i32
      %dma_wait3A_513 = tpu.memref_slice %arg15[%run_scoped3A_357, %dma_wait3A_511, %dma_wait3A_512] : memref<2x512x32xf32, #tpu.memory_space<vmem>> -> memref<1x512x32xf32, #tpu.memory_space<vmem>>
      %dma_wait3A_514 = tpu.memref_squeeze %dma_wait3A_513 : memref<1x512x32xf32, #tpu.memory_space<vmem>> -> memref<512x32xf32, #tpu.memory_space<vmem>>
      %dma_wait3A_515 = arith.constant 64 : i32
      %dma_wait3A_516 = tpu.memref_slice %arg13[%mul3A_2, %dma_wait3A_515] : memref<16384x256xf32, #tpu.memory_space<hbm>> -> memref<512x32xf32, #tpu.memory_space<hbm>>
      %dma_wait3A_517 = arith.constant 64 : i32
      %dma_wait3A_518 = tpu.memref_slice %arg13[%mul3A_2, %dma_wait3A_517] : memref<16384x256xf32, #tpu.memory_space<hbm>> -> memref<512x32xf32, #tpu.memory_space<hbm>>
      %dma_wait3A_519 = arith.constant 0 : i32
      %dma_wait3A_520 = arith.constant 0 : i32
      %dma_wait3A_521 = tpu.memref_slice %arg15[%run_scoped3A_357, %dma_wait3A_519, %dma_wait3A_520] : memref<2x512x32xf32, #tpu.memory_space<vmem>> -> memref<1x512x32xf32, #tpu.memory_space<vmem>>
      %dma_wait3A_522 = tpu.memref_squeeze %dma_wait3A_521 : memref<1x512x32xf32, #tpu.memory_space<vmem>> -> memref<512x32xf32, #tpu.memory_space<vmem>>
      tpu.wait_dma2 semaphore(%run_scoped3A_498 : memref<!tpu.dma_semaphore, #tpu.memory_space<semaphore_mem>>) src(%dma_wait3A_522 : memref<512x32xf32, #tpu.memory_space<vmem>>) dst(%dma_wait3A_518 : memref<512x32xf32, #tpu.memory_space<hbm>>)
      tpu.yield
    }) : () -> ()
    %dma_start3A_358 = arith.constant 1 : i32
    %dma_start3A_359 = arith.constant 0 : i32
    %dma_start3A_360 = arith.constant 0 : i32
    %dma_start3A_361 = arith.constant 0 : i32
    %dma_start3A_362 = arith.constant 0 : i32
    %dma_start3A_363 = tpu.memref_slice %arg15[%dma_start3A_359, %dma_start3A_361, %dma_start3A_362] : memref<2x512x32xf32, #tpu.memory_space<vmem>> -> memref<1x512x32xf32, #tpu.memory_space<vmem>>
    %dma_start3A_364 = tpu.memref_squeeze %dma_start3A_363 : memref<1x512x32xf32, #tpu.memory_space<vmem>> -> memref<512x32xf32, #tpu.memory_space<vmem>>
    %dma_start3A_365 = arith.constant 0 : i32
    %dma_start3A_366 = tpu.memref_slice %arg14[%dma_start3A_358, %dma_start3A_365] : memref<2x512xi32, #tpu.memory_space<vmem>> -> memref<1x512xi32, #tpu.memory_space<vmem>>
    %dma_start3A_367 = tpu.memref_squeeze %dma_start3A_366 : memref<1x512xi32, #tpu.memory_space<vmem>> -> memref<512xi32, #tpu.memory_space<vmem>>
    %dma_start3A_368 = arith.constant 0 : i32
    %dma_start3A_369 = arith.constant 0 : i32
    %dma_start3A_370 = tpu.memref_slice %arg6[%dma_start3A_368, %dma_start3A_369] : memref<50176x32xf32, #tpu.memory_space<hbm>> -> memref<50176x32xf32, #tpu.memory_space<hbm>>
    %dma_start3A_371 = tpu.memref_slice %arg16[%dma_start3A_360] : memref<2x!tpu.dma_semaphore, #tpu.memory_space<semaphore_mem>> -> memref<1x!tpu.dma_semaphore, #tpu.memory_space<semaphore_mem>>
    %dma_start3A_372 = tpu.memref_squeeze %dma_start3A_371 : memref<1x!tpu.dma_semaphore, #tpu.memory_space<semaphore_mem>> -> memref<!tpu.dma_semaphore, #tpu.memory_space<semaphore_mem>>
    tpu.enqueue_indirect_dma source(%dma_start3A_370 : memref<50176x32xf32, #tpu.memory_space<hbm>>) target(%dma_start3A_364 : memref<512x32xf32, #tpu.memory_space<vmem>>) offsets(%dma_start3A_367 : memref<512xi32, #tpu.memory_space<vmem>>) semaphore(%dma_start3A_372 : memref<!tpu.dma_semaphore, #tpu.memory_space<semaphore_mem>>)
    %dma_wait3A_373 = arith.constant 1 : i32
    %dma_wait3A_374 = arith.constant 1 : i32
    %dma_wait3A_375 = arith.constant 1 : i32
    %dma_wait3A_376 = arith.constant 0 : i32
    %dma_wait3A_377 = arith.constant 0 : i32
    %dma_wait3A_378 = tpu.memref_slice %arg15[%dma_wait3A_374, %dma_wait3A_376, %dma_wait3A_377] : memref<2x512x32xf32, #tpu.memory_space<vmem>> -> memref<1x512x32xf32, #tpu.memory_space<vmem>>
    %dma_wait3A_379 = tpu.memref_squeeze %dma_wait3A_378 : memref<1x512x32xf32, #tpu.memory_space<vmem>> -> memref<512x32xf32, #tpu.memory_space<vmem>>
    %dma_wait3A_380 = arith.constant 0 : i32
    %dma_wait3A_381 = tpu.memref_slice %arg14[%dma_wait3A_373, %dma_wait3A_380] : memref<2x512xi32, #tpu.memory_space<vmem>> -> memref<1x512xi32, #tpu.memory_space<vmem>>
    %dma_wait3A_382 = tpu.memref_squeeze %dma_wait3A_381 : memref<1x512xi32, #tpu.memory_space<vmem>> -> memref<512xi32, #tpu.memory_space<vmem>>
    %dma_wait3A_383 = arith.constant 0 : i32
    %dma_wait3A_384 = arith.constant 0 : i32
    %dma_wait3A_385 = tpu.memref_slice %arg5[%dma_wait3A_383, %dma_wait3A_384] : memref<50176x32xf32, #tpu.memory_space<hbm>> -> memref<50176x32xf32, #tpu.memory_space<hbm>>
    %dma_wait3A_386 = tpu.memref_slice %arg16[%dma_wait3A_375] : memref<2x!tpu.dma_semaphore, #tpu.memory_space<semaphore_mem>> -> memref<1x!tpu.dma_semaphore, #tpu.memory_space<semaphore_mem>>
    %dma_wait3A_387 = tpu.memref_squeeze %dma_wait3A_386 : memref<1x!tpu.dma_semaphore, #tpu.memory_space<semaphore_mem>> -> memref<!tpu.dma_semaphore, #tpu.memory_space<semaphore_mem>>
    tpu.wait_indirect_dma semaphore(%dma_wait3A_387 : memref<!tpu.dma_semaphore, #tpu.memory_space<semaphore_mem>>) src(%dma_wait3A_385 : memref<50176x32xf32, #tpu.memory_space<hbm>>) dst(%dma_wait3A_379 : memref<512x32xf32, #tpu.memory_space<vmem>>)
    %run_scoped3A_388 = arith.constant 1 : i32
    "tpu.region"() ({
      %run_scoped3A_498 = tpu.sem_alloc : memref<!tpu.dma_semaphore, #tpu.memory_space<semaphore_mem>>
      %dma_start3A_499 = arith.constant 0 : i32
      %dma_start3A_500 = arith.constant 0 : i32
      %dma_start3A_501 = tpu.memref_slice %arg15[%run_scoped3A_388, %dma_start3A_499, %dma_start3A_500] : memref<2x512x32xf32, #tpu.memory_space<vmem>> -> memref<1x512x32xf32, #tpu.memory_space<vmem>>
      %dma_start3A_502 = tpu.memref_squeeze %dma_start3A_501 : memref<1x512x32xf32, #tpu.memory_space<vmem>> -> memref<512x32xf32, #tpu.memory_space<vmem>>
      %dma_start3A_503 = arith.constant 96 : i32
      %dma_start3A_504 = tpu.memref_slice %arg13[%mul3A_2, %dma_start3A_503] : memref<16384x256xf32, #tpu.memory_space<hbm>> -> memref<512x32xf32, #tpu.memory_space<hbm>>
      %dma_start3A_505 = arith.constant 96 : i32
      %dma_start3A_506 = tpu.memref_slice %arg13[%mul3A_2, %dma_start3A_505] : memref<16384x256xf32, #tpu.memory_space<hbm>> -> memref<512x32xf32, #tpu.memory_space<hbm>>
      %dma_start3A_507 = arith.constant 0 : i32
      %dma_start3A_508 = arith.constant 0 : i32
      %dma_start3A_509 = tpu.memref_slice %arg15[%run_scoped3A_388, %dma_start3A_507, %dma_start3A_508] : memref<2x512x32xf32, #tpu.memory_space<vmem>> -> memref<1x512x32xf32, #tpu.memory_space<vmem>>
      %dma_start3A_510 = tpu.memref_squeeze %dma_start3A_509 : memref<1x512x32xf32, #tpu.memory_space<vmem>> -> memref<512x32xf32, #tpu.memory_space<vmem>>
      tpu.enqueue_dma source(%dma_start3A_510 : memref<512x32xf32, #tpu.memory_space<vmem>>) target(%dma_start3A_506 : memref<512x32xf32, #tpu.memory_space<hbm>>) target_semaphore(%run_scoped3A_498 : memref<!tpu.dma_semaphore, #tpu.memory_space<semaphore_mem>>)
      %dma_wait3A_511 = arith.constant 0 : i32
      %dma_wait3A_512 = arith.constant 0 : i32
      %dma_wait3A_513 = tpu.memref_slice %arg15[%run_scoped3A_388, %dma_wait3A_511, %dma_wait3A_512] : memref<2x512x32xf32, #tpu.memory_space<vmem>> -> memref<1x512x32xf32, #tpu.memory_space<vmem>>
      %dma_wait3A_514 = tpu.memref_squeeze %dma_wait3A_513 : memref<1x512x32xf32, #tpu.memory_space<vmem>> -> memref<512x32xf32, #tpu.memory_space<vmem>>
      %dma_wait3A_515 = arith.constant 96 : i32
      %dma_wait3A_516 = tpu.memref_slice %arg13[%mul3A_2, %dma_wait3A_515] : memref<16384x256xf32, #tpu.memory_space<hbm>> -> memref<512x32xf32, #tpu.memory_space<hbm>>
      %dma_wait3A_517 = arith.constant 96 : i32
      %dma_wait3A_518 = tpu.memref_slice %arg13[%mul3A_2, %dma_wait3A_517] : memref<16384x256xf32, #tpu.memory_space<hbm>> -> memref<512x32xf32, #tpu.memory_space<hbm>>
      %dma_wait3A_519 = arith.constant 0 : i32
      %dma_wait3A_520 = arith.constant 0 : i32
      %dma_wait3A_521 = tpu.memref_slice %arg15[%run_scoped3A_388, %dma_wait3A_519, %dma_wait3A_520] : memref<2x512x32xf32, #tpu.memory_space<vmem>> -> memref<1x512x32xf32, #tpu.memory_space<vmem>>
      %dma_wait3A_522 = tpu.memref_squeeze %dma_wait3A_521 : memref<1x512x32xf32, #tpu.memory_space<vmem>> -> memref<512x32xf32, #tpu.memory_space<vmem>>
      tpu.wait_dma2 semaphore(%run_scoped3A_498 : memref<!tpu.dma_semaphore, #tpu.memory_space<semaphore_mem>>) src(%dma_wait3A_522 : memref<512x32xf32, #tpu.memory_space<vmem>>) dst(%dma_wait3A_518 : memref<512x32xf32, #tpu.memory_space<hbm>>)
      tpu.yield
    }) : () -> ()
    %dma_start3A_389 = arith.constant 1 : i32
    %dma_start3A_390 = arith.constant 1 : i32
    %dma_start3A_391 = arith.constant 1 : i32
    %dma_start3A_392 = arith.constant 0 : i32
    %dma_start3A_393 = arith.constant 0 : i32
    %dma_start3A_394 = tpu.memref_slice %arg15[%dma_start3A_390, %dma_start3A_392, %dma_start3A_393] : memref<2x512x32xf32, #tpu.memory_space<vmem>> -> memref<1x512x32xf32, #tpu.memory_space<vmem>>
    %dma_start3A_395 = tpu.memref_squeeze %dma_start3A_394 : memref<1x512x32xf32, #tpu.memory_space<vmem>> -> memref<512x32xf32, #tpu.memory_space<vmem>>
    %dma_start3A_396 = arith.constant 0 : i32
    %dma_start3A_397 = tpu.memref_slice %arg14[%dma_start3A_389, %dma_start3A_396] : memref<2x512xi32, #tpu.memory_space<vmem>> -> memref<1x512xi32, #tpu.memory_space<vmem>>
    %dma_start3A_398 = tpu.memref_squeeze %dma_start3A_397 : memref<1x512xi32, #tpu.memory_space<vmem>> -> memref<512xi32, #tpu.memory_space<vmem>>
    %dma_start3A_399 = arith.constant 0 : i32
    %dma_start3A_400 = arith.constant 0 : i32
    %dma_start3A_401 = tpu.memref_slice %arg7[%dma_start3A_399, %dma_start3A_400] : memref<50176x32xf32, #tpu.memory_space<hbm>> -> memref<50176x32xf32, #tpu.memory_space<hbm>>
    %dma_start3A_402 = tpu.memref_slice %arg16[%dma_start3A_391] : memref<2x!tpu.dma_semaphore, #tpu.memory_space<semaphore_mem>> -> memref<1x!tpu.dma_semaphore, #tpu.memory_space<semaphore_mem>>
    %dma_start3A_403 = tpu.memref_squeeze %dma_start3A_402 : memref<1x!tpu.dma_semaphore, #tpu.memory_space<semaphore_mem>> -> memref<!tpu.dma_semaphore, #tpu.memory_space<semaphore_mem>>
    tpu.enqueue_indirect_dma source(%dma_start3A_401 : memref<50176x32xf32, #tpu.memory_space<hbm>>) target(%dma_start3A_395 : memref<512x32xf32, #tpu.memory_space<vmem>>) offsets(%dma_start3A_398 : memref<512xi32, #tpu.memory_space<vmem>>) semaphore(%dma_start3A_403 : memref<!tpu.dma_semaphore, #tpu.memory_space<semaphore_mem>>)
    %dma_wait3A_404 = arith.constant 1 : i32
    %dma_wait3A_405 = arith.constant 0 : i32
    %dma_wait3A_406 = arith.constant 0 : i32
    %dma_wait3A_407 = arith.constant 0 : i32
    %dma_wait3A_408 = arith.constant 0 : i32
    %dma_wait3A_409 = tpu.memref_slice %arg15[%dma_wait3A_405, %dma_wait3A_407, %dma_wait3A_408] : memref<2x512x32xf32, #tpu.memory_space<vmem>> -> memref<1x512x32xf32, #tpu.memory_space<vmem>>
    %dma_wait3A_410 = tpu.memref_squeeze %dma_wait3A_409 : memref<1x512x32xf32, #tpu.memory_space<vmem>> -> memref<512x32xf32, #tpu.memory_space<vmem>>
    %dma_wait3A_411 = arith.constant 0 : i32
    %dma_wait3A_412 = tpu.memref_slice %arg14[%dma_wait3A_404, %dma_wait3A_411] : memref<2x512xi32, #tpu.memory_space<vmem>> -> memref<1x512xi32, #tpu.memory_space<vmem>>
    %dma_wait3A_413 = tpu.memref_squeeze %dma_wait3A_412 : memref<1x512xi32, #tpu.memory_space<vmem>> -> memref<512xi32, #tpu.memory_space<vmem>>
    %dma_wait3A_414 = arith.constant 0 : i32
    %dma_wait3A_415 = arith.constant 0 : i32
    %dma_wait3A_416 = tpu.memref_slice %arg6[%dma_wait3A_414, %dma_wait3A_415] : memref<50176x32xf32, #tpu.memory_space<hbm>> -> memref<50176x32xf32, #tpu.memory_space<hbm>>
    %dma_wait3A_417 = tpu.memref_slice %arg16[%dma_wait3A_406] : memref<2x!tpu.dma_semaphore, #tpu.memory_space<semaphore_mem>> -> memref<1x!tpu.dma_semaphore, #tpu.memory_space<semaphore_mem>>
    %dma_wait3A_418 = tpu.memref_squeeze %dma_wait3A_417 : memref<1x!tpu.dma_semaphore, #tpu.memory_space<semaphore_mem>> -> memref<!tpu.dma_semaphore, #tpu.memory_space<semaphore_mem>>
    tpu.wait_indirect_dma semaphore(%dma_wait3A_418 : memref<!tpu.dma_semaphore, #tpu.memory_space<semaphore_mem>>) src(%dma_wait3A_416 : memref<50176x32xf32, #tpu.memory_space<hbm>>) dst(%dma_wait3A_410 : memref<512x32xf32, #tpu.memory_space<vmem>>)
    %run_scoped3A_419 = arith.constant 0 : i32
    "tpu.region"() ({
      %run_scoped3A_498 = tpu.sem_alloc : memref<!tpu.dma_semaphore, #tpu.memory_space<semaphore_mem>>
      %dma_start3A_499 = arith.constant 0 : i32
      %dma_start3A_500 = arith.constant 0 : i32
      %dma_start3A_501 = tpu.memref_slice %arg15[%run_scoped3A_419, %dma_start3A_499, %dma_start3A_500] : memref<2x512x32xf32, #tpu.memory_space<vmem>> -> memref<1x512x32xf32, #tpu.memory_space<vmem>>
      %dma_start3A_502 = tpu.memref_squeeze %dma_start3A_501 : memref<1x512x32xf32, #tpu.memory_space<vmem>> -> memref<512x32xf32, #tpu.memory_space<vmem>>
      %dma_start3A_503 = arith.constant 128 : i32
      %dma_start3A_504 = tpu.memref_slice %arg13[%mul3A_2, %dma_start3A_503] : memref<16384x256xf32, #tpu.memory_space<hbm>> -> memref<512x32xf32, #tpu.memory_space<hbm>>
      %dma_start3A_505 = arith.constant 128 : i32
      %dma_start3A_506 = tpu.memref_slice %arg13[%mul3A_2, %dma_start3A_505] : memref<16384x256xf32, #tpu.memory_space<hbm>> -> memref<512x32xf32, #tpu.memory_space<hbm>>
      %dma_start3A_507 = arith.constant 0 : i32
      %dma_start3A_508 = arith.constant 0 : i32
      %dma_start3A_509 = tpu.memref_slice %arg15[%run_scoped3A_419, %dma_start3A_507, %dma_start3A_508] : memref<2x512x32xf32, #tpu.memory_space<vmem>> -> memref<1x512x32xf32, #tpu.memory_space<vmem>>
      %dma_start3A_510 = tpu.memref_squeeze %dma_start3A_509 : memref<1x512x32xf32, #tpu.memory_space<vmem>> -> memref<512x32xf32, #tpu.memory_space<vmem>>
      tpu.enqueue_dma source(%dma_start3A_510 : memref<512x32xf32, #tpu.memory_space<vmem>>) target(%dma_start3A_506 : memref<512x32xf32, #tpu.memory_space<hbm>>) target_semaphore(%run_scoped3A_498 : memref<!tpu.dma_semaphore, #tpu.memory_space<semaphore_mem>>)
      %dma_wait3A_511 = arith.constant 0 : i32
      %dma_wait3A_512 = arith.constant 0 : i32
      %dma_wait3A_513 = tpu.memref_slice %arg15[%run_scoped3A_419, %dma_wait3A_511, %dma_wait3A_512] : memref<2x512x32xf32, #tpu.memory_space<vmem>> -> memref<1x512x32xf32, #tpu.memory_space<vmem>>
      %dma_wait3A_514 = tpu.memref_squeeze %dma_wait3A_513 : memref<1x512x32xf32, #tpu.memory_space<vmem>> -> memref<512x32xf32, #tpu.memory_space<vmem>>
      %dma_wait3A_515 = arith.constant 128 : i32
      %dma_wait3A_516 = tpu.memref_slice %arg13[%mul3A_2, %dma_wait3A_515] : memref<16384x256xf32, #tpu.memory_space<hbm>> -> memref<512x32xf32, #tpu.memory_space<hbm>>
      %dma_wait3A_517 = arith.constant 128 : i32
      %dma_wait3A_518 = tpu.memref_slice %arg13[%mul3A_2, %dma_wait3A_517] : memref<16384x256xf32, #tpu.memory_space<hbm>> -> memref<512x32xf32, #tpu.memory_space<hbm>>
      %dma_wait3A_519 = arith.constant 0 : i32
      %dma_wait3A_520 = arith.constant 0 : i32
      %dma_wait3A_521 = tpu.memref_slice %arg15[%run_scoped3A_419, %dma_wait3A_519, %dma_wait3A_520] : memref<2x512x32xf32, #tpu.memory_space<vmem>> -> memref<1x512x32xf32, #tpu.memory_space<vmem>>
      %dma_wait3A_522 = tpu.memref_squeeze %dma_wait3A_521 : memref<1x512x32xf32, #tpu.memory_space<vmem>> -> memref<512x32xf32, #tpu.memory_space<vmem>>
      tpu.wait_dma2 semaphore(%run_scoped3A_498 : memref<!tpu.dma_semaphore, #tpu.memory_space<semaphore_mem>>) src(%dma_wait3A_522 : memref<512x32xf32, #tpu.memory_space<vmem>>) dst(%dma_wait3A_518 : memref<512x32xf32, #tpu.memory_space<hbm>>)
      tpu.yield
    }) : () -> ()
    %dma_start3A_420 = arith.constant 1 : i32
    %dma_start3A_421 = arith.constant 0 : i32
    %dma_start3A_422 = arith.constant 0 : i32
    %dma_start3A_423 = arith.constant 0 : i32
    %dma_start3A_424 = arith.constant 0 : i32
    %dma_start3A_425 = tpu.memref_slice %arg15[%dma_start3A_421, %dma_start3A_423, %dma_start3A_424] : memref<2x512x32xf32, #tpu.memory_space<vmem>> -> memref<1x512x32xf32, #tpu.memory_space<vmem>>
    %dma_start3A_426 = tpu.memref_squeeze %dma_start3A_425 : memref<1x512x32xf32, #tpu.memory_space<vmem>> -> memref<512x32xf32, #tpu.memory_space<vmem>>
    %dma_start3A_427 = arith.constant 0 : i32
    %dma_start3A_428 = tpu.memref_slice %arg14[%dma_start3A_420, %dma_start3A_427] : memref<2x512xi32, #tpu.memory_space<vmem>> -> memref<1x512xi32, #tpu.memory_space<vmem>>
    %dma_start3A_429 = tpu.memref_squeeze %dma_start3A_428 : memref<1x512xi32, #tpu.memory_space<vmem>> -> memref<512xi32, #tpu.memory_space<vmem>>
    %dma_start3A_430 = arith.constant 0 : i32
    %dma_start3A_431 = arith.constant 0 : i32
    %dma_start3A_432 = tpu.memref_slice %arg8[%dma_start3A_430, %dma_start3A_431] : memref<50176x32xf32, #tpu.memory_space<hbm>> -> memref<50176x32xf32, #tpu.memory_space<hbm>>
    %dma_start3A_433 = tpu.memref_slice %arg16[%dma_start3A_422] : memref<2x!tpu.dma_semaphore, #tpu.memory_space<semaphore_mem>> -> memref<1x!tpu.dma_semaphore, #tpu.memory_space<semaphore_mem>>
    %dma_start3A_434 = tpu.memref_squeeze %dma_start3A_433 : memref<1x!tpu.dma_semaphore, #tpu.memory_space<semaphore_mem>> -> memref<!tpu.dma_semaphore, #tpu.memory_space<semaphore_mem>>
    tpu.enqueue_indirect_dma source(%dma_start3A_432 : memref<50176x32xf32, #tpu.memory_space<hbm>>) target(%dma_start3A_426 : memref<512x32xf32, #tpu.memory_space<vmem>>) offsets(%dma_start3A_429 : memref<512xi32, #tpu.memory_space<vmem>>) semaphore(%dma_start3A_434 : memref<!tpu.dma_semaphore, #tpu.memory_space<semaphore_mem>>)
    %dma_wait3A_435 = arith.constant 1 : i32
    %dma_wait3A_436 = arith.constant 1 : i32
    %dma_wait3A_437 = arith.constant 1 : i32
    %dma_wait3A_438 = arith.constant 0 : i32
    %dma_wait3A_439 = arith.constant 0 : i32
    %dma_wait3A_440 = tpu.memref_slice %arg15[%dma_wait3A_436, %dma_wait3A_438, %dma_wait3A_439] : memref<2x512x32xf32, #tpu.memory_space<vmem>> -> memref<1x512x32xf32, #tpu.memory_space<vmem>>
    %dma_wait3A_441 = tpu.memref_squeeze %dma_wait3A_440 : memref<1x512x32xf32, #tpu.memory_space<vmem>> -> memref<512x32xf32, #tpu.memory_space<vmem>>
    %dma_wait3A_442 = arith.constant 0 : i32
    %dma_wait3A_443 = tpu.memref_slice %arg14[%dma_wait3A_435, %dma_wait3A_442] : memref<2x512xi32, #tpu.memory_space<vmem>> -> memref<1x512xi32, #tpu.memory_space<vmem>>
    %dma_wait3A_444 = tpu.memref_squeeze %dma_wait3A_443 : memref<1x512xi32, #tpu.memory_space<vmem>> -> memref<512xi32, #tpu.memory_space<vmem>>
    %dma_wait3A_445 = arith.constant 0 : i32
    %dma_wait3A_446 = arith.constant 0 : i32
    %dma_wait3A_447 = tpu.memref_slice %arg7[%dma_wait3A_445, %dma_wait3A_446] : memref<50176x32xf32, #tpu.memory_space<hbm>> -> memref<50176x32xf32, #tpu.memory_space<hbm>>
    %dma_wait3A_448 = tpu.memref_slice %arg16[%dma_wait3A_437] : memref<2x!tpu.dma_semaphore, #tpu.memory_space<semaphore_mem>> -> memref<1x!tpu.dma_semaphore, #tpu.memory_space<semaphore_mem>>
    %dma_wait3A_449 = tpu.memref_squeeze %dma_wait3A_448 : memref<1x!tpu.dma_semaphore, #tpu.memory_space<semaphore_mem>> -> memref<!tpu.dma_semaphore, #tpu.memory_space<semaphore_mem>>
    tpu.wait_indirect_dma semaphore(%dma_wait3A_449 : memref<!tpu.dma_semaphore, #tpu.memory_space<semaphore_mem>>) src(%dma_wait3A_447 : memref<50176x32xf32, #tpu.memory_space<hbm>>) dst(%dma_wait3A_441 : memref<512x32xf32, #tpu.memory_space<vmem>>)
    %run_scoped3A_450 = arith.constant 1 : i32
    "tpu.region"() ({
      %run_scoped3A_498 = tpu.sem_alloc : memref<!tpu.dma_semaphore, #tpu.memory_space<semaphore_mem>>
      %dma_start3A_499 = arith.constant 0 : i32
      %dma_start3A_500 = arith.constant 0 : i32
      %dma_start3A_501 = tpu.memref_slice %arg15[%run_scoped3A_450, %dma_start3A_499, %dma_start3A_500] : memref<2x512x32xf32, #tpu.memory_space<vmem>> -> memref<1x512x32xf32, #tpu.memory_space<vmem>>
      %dma_start3A_502 = tpu.memref_squeeze %dma_start3A_501 : memref<1x512x32xf32, #tpu.memory_space<vmem>> -> memref<512x32xf32, #tpu.memory_space<vmem>>
      %dma_start3A_503 = arith.constant 160 : i32
      %dma_start3A_504 = tpu.memref_slice %arg13[%mul3A_2, %dma_start3A_503] : memref<16384x256xf32, #tpu.memory_space<hbm>> -> memref<512x32xf32, #tpu.memory_space<hbm>>
      %dma_start3A_505 = arith.constant 160 : i32
      %dma_start3A_506 = tpu.memref_slice %arg13[%mul3A_2, %dma_start3A_505] : memref<16384x256xf32, #tpu.memory_space<hbm>> -> memref<512x32xf32, #tpu.memory_space<hbm>>
      %dma_start3A_507 = arith.constant 0 : i32
      %dma_start3A_508 = arith.constant 0 : i32
      %dma_start3A_509 = tpu.memref_slice %arg15[%run_scoped3A_450, %dma_start3A_507, %dma_start3A_508] : memref<2x512x32xf32, #tpu.memory_space<vmem>> -> memref<1x512x32xf32, #tpu.memory_space<vmem>>
      %dma_start3A_510 = tpu.memref_squeeze %dma_start3A_509 : memref<1x512x32xf32, #tpu.memory_space<vmem>> -> memref<512x32xf32, #tpu.memory_space<vmem>>
      tpu.enqueue_dma source(%dma_start3A_510 : memref<512x32xf32, #tpu.memory_space<vmem>>) target(%dma_start3A_506 : memref<512x32xf32, #tpu.memory_space<hbm>>) target_semaphore(%run_scoped3A_498 : memref<!tpu.dma_semaphore, #tpu.memory_space<semaphore_mem>>)
      %dma_wait3A_511 = arith.constant 0 : i32
      %dma_wait3A_512 = arith.constant 0 : i32
      %dma_wait3A_513 = tpu.memref_slice %arg15[%run_scoped3A_450, %dma_wait3A_511, %dma_wait3A_512] : memref<2x512x32xf32, #tpu.memory_space<vmem>> -> memref<1x512x32xf32, #tpu.memory_space<vmem>>
      %dma_wait3A_514 = tpu.memref_squeeze %dma_wait3A_513 : memref<1x512x32xf32, #tpu.memory_space<vmem>> -> memref<512x32xf32, #tpu.memory_space<vmem>>
      %dma_wait3A_515 = arith.constant 160 : i32
      %dma_wait3A_516 = tpu.memref_slice %arg13[%mul3A_2, %dma_wait3A_515] : memref<16384x256xf32, #tpu.memory_space<hbm>> -> memref<512x32xf32, #tpu.memory_space<hbm>>
      %dma_wait3A_517 = arith.constant 160 : i32
      %dma_wait3A_518 = tpu.memref_slice %arg13[%mul3A_2, %dma_wait3A_517] : memref<16384x256xf32, #tpu.memory_space<hbm>> -> memref<512x32xf32, #tpu.memory_space<hbm>>
      %dma_wait3A_519 = arith.constant 0 : i32
      %dma_wait3A_520 = arith.constant 0 : i32
      %dma_wait3A_521 = tpu.memref_slice %arg15[%run_scoped3A_450, %dma_wait3A_519, %dma_wait3A_520] : memref<2x512x32xf32, #tpu.memory_space<vmem>> -> memref<1x512x32xf32, #tpu.memory_space<vmem>>
      %dma_wait3A_522 = tpu.memref_squeeze %dma_wait3A_521 : memref<1x512x32xf32, #tpu.memory_space<vmem>> -> memref<512x32xf32, #tpu.memory_space<vmem>>
      tpu.wait_dma2 semaphore(%run_scoped3A_498 : memref<!tpu.dma_semaphore, #tpu.memory_space<semaphore_mem>>) src(%dma_wait3A_522 : memref<512x32xf32, #tpu.memory_space<vmem>>) dst(%dma_wait3A_518 : memref<512x32xf32, #tpu.memory_space<hbm>>)
      tpu.yield
    }) : () -> ()
    %dma_start3A_451 = arith.constant 1 : i32
    %dma_start3A_452 = arith.constant 1 : i32
    %dma_start3A_453 = arith.constant 1 : i32
    %dma_start3A_454 = arith.constant 0 : i32
    %dma_start3A_455 = arith.constant 0 : i32
    %dma_start3A_456 = tpu.memref_slice %arg15[%dma_start3A_452, %dma_start3A_454, %dma_start3A_455] : memref<2x512x32xf32, #tpu.memory_space<vmem>> -> memref<1x512x32xf32, #tpu.memory_space<vmem>>
    %dma_start3A_457 = tpu.memref_squeeze %dma_start3A_456 : memref<1x512x32xf32, #tpu.memory_space<vmem>> -> memref<512x32xf32, #tpu.memory_space<vmem>>
    %dma_start3A_458 = arith.constant 0 : i32
    %dma_start3A_459 = tpu.memref_slice %arg14[%dma_start3A_451, %dma_start3A_458] : memref<2x512xi32, #tpu.memory_space<vmem>> -> memref<1x512xi32, #tpu.memory_space<vmem>>
    %dma_start3A_460 = tpu.memref_squeeze %dma_start3A_459 : memref<1x512xi32, #tpu.memory_space<vmem>> -> memref<512xi32, #tpu.memory_space<vmem>>
    %dma_start3A_461 = arith.constant 0 : i32
    %dma_start3A_462 = arith.constant 0 : i32
    %dma_start3A_463 = tpu.memref_slice %arg9[%dma_start3A_461, %dma_start3A_462] : memref<50176x32xf32, #tpu.memory_space<hbm>> -> memref<50176x32xf32, #tpu.memory_space<hbm>>
    %dma_start3A_464 = tpu.memref_slice %arg16[%dma_start3A_453] : memref<2x!tpu.dma_semaphore, #tpu.memory_space<semaphore_mem>> -> memref<1x!tpu.dma_semaphore, #tpu.memory_space<semaphore_mem>>
    %dma_start3A_465 = tpu.memref_squeeze %dma_start3A_464 : memref<1x!tpu.dma_semaphore, #tpu.memory_space<semaphore_mem>> -> memref<!tpu.dma_semaphore, #tpu.memory_space<semaphore_mem>>
    tpu.enqueue_indirect_dma source(%dma_start3A_463 : memref<50176x32xf32, #tpu.memory_space<hbm>>) target(%dma_start3A_457 : memref<512x32xf32, #tpu.memory_space<vmem>>) offsets(%dma_start3A_460 : memref<512xi32, #tpu.memory_space<vmem>>) semaphore(%dma_start3A_465 : memref<!tpu.dma_semaphore, #tpu.memory_space<semaphore_mem>>)
    %dma_wait3A_466 = arith.constant 1 : i32
    %dma_wait3A_467 = arith.constant 0 : i32
    %dma_wait3A_468 = arith.constant 0 : i32
    %dma_wait3A_469 = arith.constant 0 : i32
    %dma_wait3A_470 = arith.constant 0 : i32
    %dma_wait3A_471 = tpu.memref_slice %arg15[%dma_wait3A_467, %dma_wait3A_469, %dma_wait3A_470] : memref<2x512x32xf32, #tpu.memory_space<vmem>> -> memref<1x512x32xf32, #tpu.memory_space<vmem>>
    %dma_wait3A_472 = tpu.memref_squeeze %dma_wait3A_471 : memref<1x512x32xf32, #tpu.memory_space<vmem>> -> memref<512x32xf32, #tpu.memory_space<vmem>>
    %dma_wait3A_473 = arith.constant 0 : i32
    %dma_wait3A_474 = tpu.memref_slice %arg14[%dma_wait3A_466, %dma_wait3A_473] : memref<2x512xi32, #tpu.memory_space<vmem>> -> memref<1x512xi32, #tpu.memory_space<vmem>>
    %dma_wait3A_475 = tpu.memref_squeeze %dma_wait3A_474 : memref<1x512xi32, #tpu.memory_space<vmem>> -> memref<512xi32, #tpu.memory_space<vmem>>
    %dma_wait3A_476 = arith.constant 0 : i32
    %dma_wait3A_477 = arith.constant 0 : i32
    %dma_wait3A_478 = tpu.memref_slice %arg8[%dma_wait3A_476, %dma_wait3A_477] : memref<50176x32xf32, #tpu.memory_space<hbm>> -> memref<50176x32xf32, #tpu.memory_space<hbm>>
    %dma_wait3A_479 = tpu.memref_slice %arg16[%dma_wait3A_468] : memref<2x!tpu.dma_semaphore, #tpu.memory_space<semaphore_mem>> -> memref<1x!tpu.dma_semaphore, #tpu.memory_space<semaphore_mem>>
    %dma_wait3A_480 = tpu.memref_squeeze %dma_wait3A_479 : memref<1x!tpu.dma_semaphore, #tpu.memory_space<semaphore_mem>> -> memref<!tpu.dma_semaphore, #tpu.memory_space<semaphore_mem>>
    tpu.wait_indirect_dma semaphore(%dma_wait3A_480 : memref<!tpu.dma_semaphore, #tpu.memory_space<semaphore_mem>>) src(%dma_wait3A_478 : memref<50176x32xf32, #tpu.memory_space<hbm>>) dst(%dma_wait3A_472 : memref<512x32xf32, #tpu.memory_space<vmem>>)
    %run_scoped3A_481 = arith.constant 0 : i32
    "tpu.region"() ({
      %run_scoped3A_498 = tpu.sem_alloc : memref<!tpu.dma_semaphore, #tpu.memory_space<semaphore_mem>>
      %dma_start3A_499 = arith.constant 0 : i32
      %dma_start3A_500 = arith.constant 0 : i32
      %dma_start3A_501 = tpu.memref_slice %arg15[%run_scoped3A_481, %dma_start3A_499, %dma_start3A_500] : memref<2x512x32xf32, #tpu.memory_space<vmem>> -> memref<1x512x32xf32, #tpu.memory_space<vmem>>
      %dma_start3A_502 = tpu.memref_squeeze %dma_start3A_501 : memref<1x512x32xf32, #tpu.memory_space<vmem>> -> memref<512x32xf32, #tpu.memory_space<vmem>>
      %dma_start3A_503 = arith.constant 192 : i32
      %dma_start3A_504 = tpu.memref_slice %arg13[%mul3A_2, %dma_start3A_503] : memref<16384x256xf32, #tpu.memory_space<hbm>> -> memref<512x32xf32, #tpu.memory_space<hbm>>
      %dma_start3A_505 = arith.constant 192 : i32
      %dma_start3A_506 = tpu.memref_slice %arg13[%mul3A_2, %dma_start3A_505] : memref<16384x256xf32, #tpu.memory_space<hbm>> -> memref<512x32xf32, #tpu.memory_space<hbm>>
      %dma_start3A_507 = arith.constant 0 : i32
      %dma_start3A_508 = arith.constant 0 : i32
      %dma_start3A_509 = tpu.memref_slice %arg15[%run_scoped3A_481, %dma_start3A_507, %dma_start3A_508] : memref<2x512x32xf32, #tpu.memory_space<vmem>> -> memref<1x512x32xf32, #tpu.memory_space<vmem>>
      %dma_start3A_510 = tpu.memref_squeeze %dma_start3A_509 : memref<1x512x32xf32, #tpu.memory_space<vmem>> -> memref<512x32xf32, #tpu.memory_space<vmem>>
      tpu.enqueue_dma source(%dma_start3A_510 : memref<512x32xf32, #tpu.memory_space<vmem>>) target(%dma_start3A_506 : memref<512x32xf32, #tpu.memory_space<hbm>>) target_semaphore(%run_scoped3A_498 : memref<!tpu.dma_semaphore, #tpu.memory_space<semaphore_mem>>)
      %dma_wait3A_511 = arith.constant 0 : i32
      %dma_wait3A_512 = arith.constant 0 : i32
      %dma_wait3A_513 = tpu.memref_slice %arg15[%run_scoped3A_481, %dma_wait3A_511, %dma_wait3A_512] : memref<2x512x32xf32, #tpu.memory_space<vmem>> -> memref<1x512x32xf32, #tpu.memory_space<vmem>>
      %dma_wait3A_514 = tpu.memref_squeeze %dma_wait3A_513 : memref<1x512x32xf32, #tpu.memory_space<vmem>> -> memref<512x32xf32, #tpu.memory_space<vmem>>
      %dma_wait3A_515 = arith.constant 192 : i32
      %dma_wait3A_516 = tpu.memref_slice %arg13[%mul3A_2, %dma_wait3A_515] : memref<16384x256xf32, #tpu.memory_space<hbm>> -> memref<512x32xf32, #tpu.memory_space<hbm>>
      %dma_wait3A_517 = arith.constant 192 : i32
      %dma_wait3A_518 = tpu.memref_slice %arg13[%mul3A_2, %dma_wait3A_517] : memref<16384x256xf32, #tpu.memory_space<hbm>> -> memref<512x32xf32, #tpu.memory_space<hbm>>
      %dma_wait3A_519 = arith.constant 0 : i32
      %dma_wait3A_520 = arith.constant 0 : i32
      %dma_wait3A_521 = tpu.memref_slice %arg15[%run_scoped3A_481, %dma_wait3A_519, %dma_wait3A_520] : memref<2x512x32xf32, #tpu.memory_space<vmem>> -> memref<1x512x32xf32, #tpu.memory_space<vmem>>
      %dma_wait3A_522 = tpu.memref_squeeze %dma_wait3A_521 : memref<1x512x32xf32, #tpu.memory_space<vmem>> -> memref<512x32xf32, #tpu.memory_space<vmem>>
      tpu.wait_dma2 semaphore(%run_scoped3A_498 : memref<!tpu.dma_semaphore, #tpu.memory_space<semaphore_mem>>) src(%dma_wait3A_522 : memref<512x32xf32, #tpu.memory_space<vmem>>) dst(%dma_wait3A_518 : memref<512x32xf32, #tpu.memory_space<hbm>>)
      tpu.yield
    }) : () -> ()
    %dma_wait3A_482 = arith.constant 1 : i32
    %dma_wait3A_483 = arith.constant 1 : i32
    %dma_wait3A_484 = arith.constant 1 : i32
    %dma_wait3A_485 = arith.constant 0 : i32
    %dma_wait3A_486 = arith.constant 0 : i32
    %dma_wait3A_487 = tpu.memref_slice %arg15[%dma_wait3A_483, %dma_wait3A_485, %dma_wait3A_486] : memref<2x512x32xf32, #tpu.memory_space<vmem>> -> memref<1x512x32xf32, #tpu.memory_space<vmem>>
    %dma_wait3A_488 = tpu.memref_squeeze %dma_wait3A_487 : memref<1x512x32xf32, #tpu.memory_space<vmem>> -> memref<512x32xf32, #tpu.memory_space<vmem>>
    %dma_wait3A_489 = arith.constant 0 : i32
    %dma_wait3A_490 = tpu.memref_slice %arg14[%dma_wait3A_482, %dma_wait3A_489] : memref<2x512xi32, #tpu.memory_space<vmem>> -> memref<1x512xi32, #tpu.memory_space<vmem>>
    %dma_wait3A_491 = tpu.memref_squeeze %dma_wait3A_490 : memref<1x512xi32, #tpu.memory_space<vmem>> -> memref<512xi32, #tpu.memory_space<vmem>>
    %dma_wait3A_492 = arith.constant 0 : i32
    %dma_wait3A_493 = arith.constant 0 : i32
    %dma_wait3A_494 = tpu.memref_slice %arg9[%dma_wait3A_492, %dma_wait3A_493] : memref<50176x32xf32, #tpu.memory_space<hbm>> -> memref<50176x32xf32, #tpu.memory_space<hbm>>
    %dma_wait3A_495 = tpu.memref_slice %arg16[%dma_wait3A_484] : memref<2x!tpu.dma_semaphore, #tpu.memory_space<semaphore_mem>> -> memref<1x!tpu.dma_semaphore, #tpu.memory_space<semaphore_mem>>
    %dma_wait3A_496 = tpu.memref_squeeze %dma_wait3A_495 : memref<1x!tpu.dma_semaphore, #tpu.memory_space<semaphore_mem>> -> memref<!tpu.dma_semaphore, #tpu.memory_space<semaphore_mem>>
    tpu.wait_indirect_dma semaphore(%dma_wait3A_496 : memref<!tpu.dma_semaphore, #tpu.memory_space<semaphore_mem>>) src(%dma_wait3A_494 : memref<50176x32xf32, #tpu.memory_space<hbm>>) dst(%dma_wait3A_488 : memref<512x32xf32, #tpu.memory_space<vmem>>)
    %run_scoped3A_497 = arith.constant 1 : i32
    "tpu.region"() ({
      %run_scoped3A_498 = tpu.sem_alloc : memref<!tpu.dma_semaphore, #tpu.memory_space<semaphore_mem>>
      %dma_start3A_499 = arith.constant 0 : i32
      %dma_start3A_500 = arith.constant 0 : i32
      %dma_start3A_501 = tpu.memref_slice %arg15[%run_scoped3A_497, %dma_start3A_499, %dma_start3A_500] : memref<2x512x32xf32, #tpu.memory_space<vmem>> -> memref<1x512x32xf32, #tpu.memory_space<vmem>>
      %dma_start3A_502 = tpu.memref_squeeze %dma_start3A_501 : memref<1x512x32xf32, #tpu.memory_space<vmem>> -> memref<512x32xf32, #tpu.memory_space<vmem>>
      %dma_start3A_503 = arith.constant 224 : i32
      %dma_start3A_504 = tpu.memref_slice %arg13[%mul3A_2, %dma_start3A_503] : memref<16384x256xf32, #tpu.memory_space<hbm>> -> memref<512x32xf32, #tpu.memory_space<hbm>>
      %dma_start3A_505 = arith.constant 224 : i32
      %dma_start3A_506 = tpu.memref_slice %arg13[%mul3A_2, %dma_start3A_505] : memref<16384x256xf32, #tpu.memory_space<hbm>> -> memref<512x32xf32, #tpu.memory_space<hbm>>
      %dma_start3A_507 = arith.constant 0 : i32
      %dma_start3A_508 = arith.constant 0 : i32
      %dma_start3A_509 = tpu.memref_slice %arg15[%run_scoped3A_497, %dma_start3A_507, %dma_start3A_508] : memref<2x512x32xf32, #tpu.memory_space<vmem>> -> memref<1x512x32xf32, #tpu.memory_space<vmem>>
      %dma_start3A_510 = tpu.memref_squeeze %dma_start3A_509 : memref<1x512x32xf32, #tpu.memory_space<vmem>> -> memref<512x32xf32, #tpu.memory_space<vmem>>
      tpu.enqueue_dma source(%dma_start3A_510 : memref<512x32xf32, #tpu.memory_space<vmem>>) target(%dma_start3A_506 : memref<512x32xf32, #tpu.memory_space<hbm>>) target_semaphore(%run_scoped3A_498 : memref<!tpu.dma_semaphore, #tpu.memory_space<semaphore_mem>>)
      %dma_wait3A_511 = arith.constant 0 : i32
      %dma_wait3A_512 = arith.constant 0 : i32
      %dma_wait3A_513 = tpu.memref_slice %arg15[%run_scoped3A_497, %dma_wait3A_511, %dma_wait3A_512] : memref<2x512x32xf32, #tpu.memory_space<vmem>> -> memref<1x512x32xf32, #tpu.memory_space<vmem>>
      %dma_wait3A_514 = tpu.memref_squeeze %dma_wait3A_513 : memref<1x512x32xf32, #tpu.memory_space<vmem>> -> memref<512x32xf32, #tpu.memory_space<vmem>>
      %dma_wait3A_515 = arith.constant 224 : i32
      %dma_wait3A_516 = tpu.memref_slice %arg13[%mul3A_2, %dma_wait3A_515] : memref<16384x256xf32, #tpu.memory_space<hbm>> -> memref<512x32xf32, #tpu.memory_space<hbm>>
      %dma_wait3A_517 = arith.constant 224 : i32
      %dma_wait3A_518 = tpu.memref_slice %arg13[%mul3A_2, %dma_wait3A_517] : memref<16384x256xf32, #tpu.memory_space<hbm>> -> memref<512x32xf32, #tpu.memory_space<hbm>>
      %dma_wait3A_519 = arith.constant 0 : i32
      %dma_wait3A_520 = arith.constant 0 : i32
      %dma_wait3A_521 = tpu.memref_slice %arg15[%run_scoped3A_497, %dma_wait3A_519, %dma_wait3A_520] : memref<2x512x32xf32, #tpu.memory_space<vmem>> -> memref<1x512x32xf32, #tpu.memory_space<vmem>>
      %dma_wait3A_522 = tpu.memref_squeeze %dma_wait3A_521 : memref<1x512x32xf32, #tpu.memory_space<vmem>> -> memref<512x32xf32, #tpu.memory_space<vmem>>
      tpu.wait_dma2 semaphore(%run_scoped3A_498 : memref<!tpu.dma_semaphore, #tpu.memory_space<semaphore_mem>>) src(%dma_wait3A_522 : memref<512x32xf32, #tpu.memory_space<vmem>>) dst(%dma_wait3A_518 : memref<512x32xf32, #tpu.memory_space<hbm>>)
      tpu.yield
    }) : () -> ()
    return
  }
}

#map = affine_map<(d0, d1) -> (0)>
#map1 = affine_map<(d0, d1) -> (0, 0)>
module attributes {stable_mosaic.version = 14 : i64} {
  func.func @_spmv_body(%arg0: i32, %arg1: i32, %arg2: memref<800000xi32, #tpu.memory_space<hbm>>, %arg3: memref<800000xi32, #tpu.memory_space<hbm>>, %arg4: memref<50176x32xf32, #tpu.memory_space<hbm>>, %arg5: memref<50176x32xf32, #tpu.memory_space<hbm>>, %arg6: memref<1568x32xf32, #tpu.memory_space<hbm>>, %arg7: memref<50176x32xf32, #tpu.memory_space<hbm>>, %arg8: memref<50176x32xf32, #tpu.memory_space<hbm>>, %arg9: memref<3x1000xi32, #tpu.memory_space<vmem>>, %arg10: memref<3x1000xi32, #tpu.memory_space<vmem>>, %arg11: memref<2x1000x32xf32, #tpu.memory_space<vmem>>, %arg12: memref<25088x32xf32, #tpu.memory_space<vmem_shared>>, %arg13: memref<2x!tpu.dma_semaphore, #tpu.memory_space<semaphore_mem>>, %arg14: memref<2x!tpu.dma_semaphore, #tpu.memory_space<semaphore_mem>>, %arg15: memref<3x!tpu.dma_semaphore, #tpu.memory_space<semaphore_mem>>) attributes {dimension_semantics = [#tpu.dimension_semantics<core_parallel>, #tpu.dimension_semantics<subcore_parallel>], iteration_bounds = array<i64: 2, 16>, scalar_prefetch = 0 : i64, scratch_operands = 7 : i64, tpu.core_type = #tpu.core_type<sc_vector_subcore>, window_params = [{transform_indices = #map}, {transform_indices = #map}, {transform_indices = #map1}, {transform_indices = #map1}, {transform_indices = #map1}, {transform_indices = #map1}, {transform_indices = #map1}]} {
    %mul3A = arith.constant 1568 : i32
    %mul3A_0 = arith.muli %arg1, %mul3A : i32
    %mul3A_1 = arith.constant 400000 : i32
    %mul3A_2 = arith.muli %arg0, %mul3A_1 : i32
    %mul3A_3 = arith.constant 25000 : i32
    %mul3A_4 = arith.muli %arg1, %mul3A_3 : i32
    %add3A = arith.addi %mul3A_2, %mul3A_4 : i32
    "tpu.region"() ({
      %run_scoped3A = tpu.sem_alloc : memref<!tpu.dma_semaphore, #tpu.memory_space<semaphore_mem>>
      %dma_start3A_251 = arith.constant 0 : i32
      %dma_start3A_252 = tpu.memref_slice %arg12[%mul3A_0, %dma_start3A_251] : memref<25088x32xf32, #tpu.memory_space<vmem_shared>> -> memref<1568x32xf32, #tpu.memory_space<vmem_shared>>
      tpu.enqueue_dma source(%arg6 : memref<1568x32xf32, #tpu.memory_space<hbm>>) target(%dma_start3A_252 : memref<1568x32xf32, #tpu.memory_space<vmem_shared>>) target_semaphore(%run_scoped3A : memref<!tpu.dma_semaphore, #tpu.memory_space<semaphore_mem>>)
      %dma_wait3A_253 = arith.constant 0 : i32
      %dma_wait3A_254 = tpu.memref_slice %arg12[%mul3A_0, %dma_wait3A_253] : memref<25088x32xf32, #tpu.memory_space<vmem_shared>> -> memref<1568x32xf32, #tpu.memory_space<vmem_shared>>
      tpu.wait_dma2 semaphore(%run_scoped3A : memref<!tpu.dma_semaphore, #tpu.memory_space<semaphore_mem>>) src(%arg6 : memref<1568x32xf32, #tpu.memory_space<hbm>>) dst(%dma_wait3A_254 : memref<1568x32xf32, #tpu.memory_space<vmem_shared>>)
      tpu.yield
    }) : () -> ()
    %barrier3A = arith.constant 0 : index
    tpu.barrier barrier_id(%barrier3A)
    %add3A_5 = arith.constant 0 : i32
    %add3A_6 = arith.addi %add3A, %add3A_5 : i32
    %dma_start3A = arith.constant 0 : i32
    %dma_start3A_7 = arith.constant 0 : i32
    %dma_start3A_8 = arith.constant 0 : i32
    %dma_start3A_9 = tpu.memref_slice %arg9[%dma_start3A, %dma_start3A_8] : memref<3x1000xi32, #tpu.memory_space<vmem>> -> memref<1x1000xi32, #tpu.memory_space<vmem>>
    %dma_start3A_10 = tpu.memref_squeeze %dma_start3A_9 : memref<1x1000xi32, #tpu.memory_space<vmem>> -> memref<1000xi32, #tpu.memory_space<vmem>>
    %dma_start3A_11 = tpu.memref_slice %arg2[%add3A_6] : memref<800000xi32, #tpu.memory_space<hbm>> -> memref<1000xi32, #tpu.memory_space<hbm>>
    %dma_start3A_12 = tpu.memref_slice %arg15[%dma_start3A_7] : memref<3x!tpu.dma_semaphore, #tpu.memory_space<semaphore_mem>> -> memref<1x!tpu.dma_semaphore, #tpu.memory_space<semaphore_mem>>
    %dma_start3A_13 = tpu.memref_squeeze %dma_start3A_12 : memref<1x!tpu.dma_semaphore, #tpu.memory_space<semaphore_mem>> -> memref<!tpu.dma_semaphore, #tpu.memory_space<semaphore_mem>>
    %dma_start3A_14 = arith.constant 0 : i32
    %dma_start3A_15 = tpu.memref_slice %arg9[%dma_start3A, %dma_start3A_14] : memref<3x1000xi32, #tpu.memory_space<vmem>> -> memref<1x1000xi32, #tpu.memory_space<vmem>>
    %dma_start3A_16 = tpu.memref_squeeze %dma_start3A_15 : memref<1x1000xi32, #tpu.memory_space<vmem>> -> memref<1000xi32, #tpu.memory_space<vmem>>
    %dma_start3A_17 = tpu.memref_slice %arg2[%add3A_6] : memref<800000xi32, #tpu.memory_space<hbm>> -> memref<1000xi32, #tpu.memory_space<hbm>>
    tpu.enqueue_dma source(%dma_start3A_17 : memref<1000xi32, #tpu.memory_space<hbm>>) target(%dma_start3A_16 : memref<1000xi32, #tpu.memory_space<vmem>>) target_semaphore(%dma_start3A_13 : memref<!tpu.dma_semaphore, #tpu.memory_space<semaphore_mem>>)
    %add3A_18 = arith.constant 0 : i32
    %add3A_19 = arith.addi %add3A, %add3A_18 : i32
    %dma_start3A_20 = arith.constant 0 : i32
    %dma_start3A_21 = arith.constant 0 : i32
    %dma_start3A_22 = arith.constant 0 : i32
    %dma_start3A_23 = tpu.memref_slice %arg10[%dma_start3A_20, %dma_start3A_22] : memref<3x1000xi32, #tpu.memory_space<vmem>> -> memref<1x1000xi32, #tpu.memory_space<vmem>>
    %dma_start3A_24 = tpu.memref_squeeze %dma_start3A_23 : memref<1x1000xi32, #tpu.memory_space<vmem>> -> memref<1000xi32, #tpu.memory_space<vmem>>
    %dma_start3A_25 = tpu.memref_slice %arg3[%add3A_19] : memref<800000xi32, #tpu.memory_space<hbm>> -> memref<1000xi32, #tpu.memory_space<hbm>>
    %dma_start3A_26 = tpu.memref_slice %arg15[%dma_start3A_21] : memref<3x!tpu.dma_semaphore, #tpu.memory_space<semaphore_mem>> -> memref<1x!tpu.dma_semaphore, #tpu.memory_space<semaphore_mem>>
    %dma_start3A_27 = tpu.memref_squeeze %dma_start3A_26 : memref<1x!tpu.dma_semaphore, #tpu.memory_space<semaphore_mem>> -> memref<!tpu.dma_semaphore, #tpu.memory_space<semaphore_mem>>
    %dma_start3A_28 = arith.constant 0 : i32
    %dma_start3A_29 = tpu.memref_slice %arg10[%dma_start3A_20, %dma_start3A_28] : memref<3x1000xi32, #tpu.memory_space<vmem>> -> memref<1x1000xi32, #tpu.memory_space<vmem>>
    %dma_start3A_30 = tpu.memref_squeeze %dma_start3A_29 : memref<1x1000xi32, #tpu.memory_space<vmem>> -> memref<1000xi32, #tpu.memory_space<vmem>>
    %dma_start3A_31 = tpu.memref_slice %arg3[%add3A_19] : memref<800000xi32, #tpu.memory_space<hbm>> -> memref<1000xi32, #tpu.memory_space<hbm>>
    tpu.enqueue_dma source(%dma_start3A_31 : memref<1000xi32, #tpu.memory_space<hbm>>) target(%dma_start3A_30 : memref<1000xi32, #tpu.memory_space<vmem>>) target_semaphore(%dma_start3A_27 : memref<!tpu.dma_semaphore, #tpu.memory_space<semaphore_mem>>)
    %add3A_32 = arith.constant 1000 : i32
    %add3A_33 = arith.addi %add3A, %add3A_32 : i32
    %dma_start3A_34 = arith.constant 1 : i32
    %dma_start3A_35 = arith.constant 1 : i32
    %dma_start3A_36 = arith.constant 0 : i32
    %dma_start3A_37 = tpu.memref_slice %arg9[%dma_start3A_34, %dma_start3A_36] : memref<3x1000xi32, #tpu.memory_space<vmem>> -> memref<1x1000xi32, #tpu.memory_space<vmem>>
    %dma_start3A_38 = tpu.memref_squeeze %dma_start3A_37 : memref<1x1000xi32, #tpu.memory_space<vmem>> -> memref<1000xi32, #tpu.memory_space<vmem>>
    %dma_start3A_39 = tpu.memref_slice %arg2[%add3A_33] : memref<800000xi32, #tpu.memory_space<hbm>> -> memref<1000xi32, #tpu.memory_space<hbm>>
    %dma_start3A_40 = tpu.memref_slice %arg15[%dma_start3A_35] : memref<3x!tpu.dma_semaphore, #tpu.memory_space<semaphore_mem>> -> memref<1x!tpu.dma_semaphore, #tpu.memory_space<semaphore_mem>>
    %dma_start3A_41 = tpu.memref_squeeze %dma_start3A_40 : memref<1x!tpu.dma_semaphore, #tpu.memory_space<semaphore_mem>> -> memref<!tpu.dma_semaphore, #tpu.memory_space<semaphore_mem>>
    %dma_start3A_42 = arith.constant 0 : i32
    %dma_start3A_43 = tpu.memref_slice %arg9[%dma_start3A_34, %dma_start3A_42] : memref<3x1000xi32, #tpu.memory_space<vmem>> -> memref<1x1000xi32, #tpu.memory_space<vmem>>
    %dma_start3A_44 = tpu.memref_squeeze %dma_start3A_43 : memref<1x1000xi32, #tpu.memory_space<vmem>> -> memref<1000xi32, #tpu.memory_space<vmem>>
    %dma_start3A_45 = tpu.memref_slice %arg2[%add3A_33] : memref<800000xi32, #tpu.memory_space<hbm>> -> memref<1000xi32, #tpu.memory_space<hbm>>
    tpu.enqueue_dma source(%dma_start3A_45 : memref<1000xi32, #tpu.memory_space<hbm>>) target(%dma_start3A_44 : memref<1000xi32, #tpu.memory_space<vmem>>) target_semaphore(%dma_start3A_41 : memref<!tpu.dma_semaphore, #tpu.memory_space<semaphore_mem>>)
    %add3A_46 = arith.constant 1000 : i32
    %add3A_47 = arith.addi %add3A, %add3A_46 : i32
    %dma_start3A_48 = arith.constant 1 : i32
    %dma_start3A_49 = arith.constant 1 : i32
    %dma_start3A_50 = arith.constant 0 : i32
    %dma_start3A_51 = tpu.memref_slice %arg10[%dma_start3A_48, %dma_start3A_50] : memref<3x1000xi32, #tpu.memory_space<vmem>> -> memref<1x1000xi32, #tpu.memory_space<vmem>>
    %dma_start3A_52 = tpu.memref_squeeze %dma_start3A_51 : memref<1x1000xi32, #tpu.memory_space<vmem>> -> memref<1000xi32, #tpu.memory_space<vmem>>
    %dma_start3A_53 = tpu.memref_slice %arg3[%add3A_47] : memref<800000xi32, #tpu.memory_space<hbm>> -> memref<1000xi32, #tpu.memory_space<hbm>>
    %dma_start3A_54 = tpu.memref_slice %arg15[%dma_start3A_49] : memref<3x!tpu.dma_semaphore, #tpu.memory_space<semaphore_mem>> -> memref<1x!tpu.dma_semaphore, #tpu.memory_space<semaphore_mem>>
    %dma_start3A_55 = tpu.memref_squeeze %dma_start3A_54 : memref<1x!tpu.dma_semaphore, #tpu.memory_space<semaphore_mem>> -> memref<!tpu.dma_semaphore, #tpu.memory_space<semaphore_mem>>
    %dma_start3A_56 = arith.constant 0 : i32
    %dma_start3A_57 = tpu.memref_slice %arg10[%dma_start3A_48, %dma_start3A_56] : memref<3x1000xi32, #tpu.memory_space<vmem>> -> memref<1x1000xi32, #tpu.memory_space<vmem>>
    %dma_start3A_58 = tpu.memref_squeeze %dma_start3A_57 : memref<1x1000xi32, #tpu.memory_space<vmem>> -> memref<1000xi32, #tpu.memory_space<vmem>>
    %dma_start3A_59 = tpu.memref_slice %arg3[%add3A_47] : memref<800000xi32, #tpu.memory_space<hbm>> -> memref<1000xi32, #tpu.memory_space<hbm>>
    tpu.enqueue_dma source(%dma_start3A_59 : memref<1000xi32, #tpu.memory_space<hbm>>) target(%dma_start3A_58 : memref<1000xi32, #tpu.memory_space<vmem>>) target_semaphore(%dma_start3A_55 : memref<!tpu.dma_semaphore, #tpu.memory_space<semaphore_mem>>)
    %add3A_60 = arith.constant 0 : i32
    %add3A_61 = arith.addi %add3A, %add3A_60 : i32
    %dma_wait3A = arith.constant 0 : i32
    %dma_wait3A_62 = arith.constant 0 : i32
    %dma_wait3A_63 = arith.constant 0 : i32
    %dma_wait3A_64 = tpu.memref_slice %arg9[%dma_wait3A, %dma_wait3A_63] : memref<3x1000xi32, #tpu.memory_space<vmem>> -> memref<1x1000xi32, #tpu.memory_space<vmem>>
    %dma_wait3A_65 = tpu.memref_squeeze %dma_wait3A_64 : memref<1x1000xi32, #tpu.memory_space<vmem>> -> memref<1000xi32, #tpu.memory_space<vmem>>
    %dma_wait3A_66 = tpu.memref_slice %arg2[%add3A_61] : memref<800000xi32, #tpu.memory_space<hbm>> -> memref<1000xi32, #tpu.memory_space<hbm>>
    %dma_wait3A_67 = tpu.memref_slice %arg15[%dma_wait3A_62] : memref<3x!tpu.dma_semaphore, #tpu.memory_space<semaphore_mem>> -> memref<1x!tpu.dma_semaphore, #tpu.memory_space<semaphore_mem>>
    %dma_wait3A_68 = tpu.memref_squeeze %dma_wait3A_67 : memref<1x!tpu.dma_semaphore, #tpu.memory_space<semaphore_mem>> -> memref<!tpu.dma_semaphore, #tpu.memory_space<semaphore_mem>>
    %dma_wait3A_69 = arith.constant 0 : i32
    %dma_wait3A_70 = tpu.memref_slice %arg9[%dma_wait3A, %dma_wait3A_69] : memref<3x1000xi32, #tpu.memory_space<vmem>> -> memref<1x1000xi32, #tpu.memory_space<vmem>>
    %dma_wait3A_71 = tpu.memref_squeeze %dma_wait3A_70 : memref<1x1000xi32, #tpu.memory_space<vmem>> -> memref<1000xi32, #tpu.memory_space<vmem>>
    %dma_wait3A_72 = tpu.memref_slice %arg2[%add3A_61] : memref<800000xi32, #tpu.memory_space<hbm>> -> memref<1000xi32, #tpu.memory_space<hbm>>
    tpu.wait_dma2 semaphore(%dma_wait3A_68 : memref<!tpu.dma_semaphore, #tpu.memory_space<semaphore_mem>>) src(%dma_wait3A_72 : memref<1000xi32, #tpu.memory_space<hbm>>) dst(%dma_wait3A_71 : memref<1000xi32, #tpu.memory_space<vmem>>)
    %add3A_73 = arith.constant 0 : i32
    %add3A_74 = arith.addi %add3A, %add3A_73 : i32
    %dma_wait3A_75 = arith.constant 0 : i32
    %dma_wait3A_76 = arith.constant 0 : i32
    %dma_wait3A_77 = arith.constant 0 : i32
    %dma_wait3A_78 = tpu.memref_slice %arg10[%dma_wait3A_75, %dma_wait3A_77] : memref<3x1000xi32, #tpu.memory_space<vmem>> -> memref<1x1000xi32, #tpu.memory_space<vmem>>
    %dma_wait3A_79 = tpu.memref_squeeze %dma_wait3A_78 : memref<1x1000xi32, #tpu.memory_space<vmem>> -> memref<1000xi32, #tpu.memory_space<vmem>>
    %dma_wait3A_80 = tpu.memref_slice %arg3[%add3A_74] : memref<800000xi32, #tpu.memory_space<hbm>> -> memref<1000xi32, #tpu.memory_space<hbm>>
    %dma_wait3A_81 = tpu.memref_slice %arg15[%dma_wait3A_76] : memref<3x!tpu.dma_semaphore, #tpu.memory_space<semaphore_mem>> -> memref<1x!tpu.dma_semaphore, #tpu.memory_space<semaphore_mem>>
    %dma_wait3A_82 = tpu.memref_squeeze %dma_wait3A_81 : memref<1x!tpu.dma_semaphore, #tpu.memory_space<semaphore_mem>> -> memref<!tpu.dma_semaphore, #tpu.memory_space<semaphore_mem>>
    %dma_wait3A_83 = arith.constant 0 : i32
    %dma_wait3A_84 = tpu.memref_slice %arg10[%dma_wait3A_75, %dma_wait3A_83] : memref<3x1000xi32, #tpu.memory_space<vmem>> -> memref<1x1000xi32, #tpu.memory_space<vmem>>
    %dma_wait3A_85 = tpu.memref_squeeze %dma_wait3A_84 : memref<1x1000xi32, #tpu.memory_space<vmem>> -> memref<1000xi32, #tpu.memory_space<vmem>>
    %dma_wait3A_86 = tpu.memref_slice %arg3[%add3A_74] : memref<800000xi32, #tpu.memory_space<hbm>> -> memref<1000xi32, #tpu.memory_space<hbm>>
    tpu.wait_dma2 semaphore(%dma_wait3A_82 : memref<!tpu.dma_semaphore, #tpu.memory_space<semaphore_mem>>) src(%dma_wait3A_86 : memref<1000xi32, #tpu.memory_space<hbm>>) dst(%dma_wait3A_85 : memref<1000xi32, #tpu.memory_space<vmem>>)
    %dma_start3A_87 = arith.constant 0 : i32
    %dma_start3A_88 = arith.constant 0 : i32
    %dma_start3A_89 = arith.constant 0 : i32
    %dma_start3A_90 = arith.constant 0 : i32
    %dma_start3A_91 = arith.constant 0 : i32
    %dma_start3A_92 = tpu.memref_slice %arg11[%dma_start3A_88, %dma_start3A_90, %dma_start3A_91] : memref<2x1000x32xf32, #tpu.memory_space<vmem>> -> memref<1x1000x32xf32, #tpu.memory_space<vmem>>
    %dma_start3A_93 = tpu.memref_squeeze %dma_start3A_92 : memref<1x1000x32xf32, #tpu.memory_space<vmem>> -> memref<1000x32xf32, #tpu.memory_space<vmem>>
    %dma_start3A_94 = arith.constant 0 : i32
    %dma_start3A_95 = tpu.memref_slice %arg9[%dma_start3A_87, %dma_start3A_94] : memref<3x1000xi32, #tpu.memory_space<vmem>> -> memref<1x1000xi32, #tpu.memory_space<vmem>>
    %dma_start3A_96 = tpu.memref_squeeze %dma_start3A_95 : memref<1x1000xi32, #tpu.memory_space<vmem>> -> memref<1000xi32, #tpu.memory_space<vmem>>
    %dma_start3A_97 = arith.constant 0 : i32
    %dma_start3A_98 = arith.constant 0 : i32
    %dma_start3A_99 = tpu.memref_slice %arg4[%dma_start3A_97, %dma_start3A_98] : memref<50176x32xf32, #tpu.memory_space<hbm>> -> memref<50176x32xf32, #tpu.memory_space<hbm>>
    %dma_start3A_100 = tpu.memref_slice %arg13[%dma_start3A_89] : memref<2x!tpu.dma_semaphore, #tpu.memory_space<semaphore_mem>> -> memref<1x!tpu.dma_semaphore, #tpu.memory_space<semaphore_mem>>
    %dma_start3A_101 = tpu.memref_squeeze %dma_start3A_100 : memref<1x!tpu.dma_semaphore, #tpu.memory_space<semaphore_mem>> -> memref<!tpu.dma_semaphore, #tpu.memory_space<semaphore_mem>>
    tpu.enqueue_indirect_dma source(%dma_start3A_99 : memref<50176x32xf32, #tpu.memory_space<hbm>>) target(%dma_start3A_93 : memref<1000x32xf32, #tpu.memory_space<vmem>>) offsets(%dma_start3A_96 : memref<1000xi32, #tpu.memory_space<vmem>>) semaphore(%dma_start3A_101 : memref<!tpu.dma_semaphore, #tpu.memory_space<semaphore_mem>>)
    %scan3A = arith.constant 0 : i32
    %scan3A_102 = arith.constant 0 : i32
    %scan3A_103 = arith.constant 25 : i32
    %scan3A_104 = arith.addi %scan3A_102, %scan3A_103 : i32
    %scan3A_105 = arith.constant 1 : i32
    scf.for %scan3A_251 = %scan3A_102 to %scan3A_104 step %scan3A_105  : i32 {
      %rem3A = arith.constant 2 : i32
      %rem3A_252 = arith.remsi %scan3A_251, %rem3A : i32
      %sub3A = arith.constant 1 : i32
      %sub3A_253 = arith.subi %sub3A, %rem3A_252 : i32
      %rem3A_254 = arith.constant 3 : i32
      %rem3A_255 = arith.remsi %scan3A_251, %rem3A_254 : i32
      %ge3A = arith.constant 1 : i32
      %ge3A_256 = arith.cmpi sge, %scan3A_251, %ge3A : i32
      %convert_element_type3A = arith.extui %ge3A_256 : i1 to i32
      %cond3A = arith.constant 0 : i32
      %cond3A_257 = arith.cmpi ne, %convert_element_type3A, %cond3A : i32
      scf.if %cond3A_257 {
        %add3A_288 = arith.constant 2 : i32
        %add3A_289 = arith.addi %scan3A_251, %add3A_288 : i32
        %rem3A_290 = arith.constant 3 : i32
        %rem3A_291 = arith.remsi %add3A_289, %rem3A_290 : i32
        %dma_wait3A_292 = arith.constant 0 : i32
        %dma_wait3A_293 = arith.constant 0 : i32
        %dma_wait3A_294 = tpu.memref_slice %arg11[%sub3A_253, %dma_wait3A_292, %dma_wait3A_293] : memref<2x1000x32xf32, #tpu.memory_space<vmem>> -> memref<1x1000x32xf32, #tpu.memory_space<vmem>>
        %dma_wait3A_295 = tpu.memref_squeeze %dma_wait3A_294 : memref<1x1000x32xf32, #tpu.memory_space<vmem>> -> memref<1000x32xf32, #tpu.memory_space<vmem>>
        %dma_wait3A_296 = arith.constant 0 : i32
        %dma_wait3A_297 = tpu.memref_slice %arg10[%rem3A_291, %dma_wait3A_296] : memref<3x1000xi32, #tpu.memory_space<vmem>> -> memref<1x1000xi32, #tpu.memory_space<vmem>>
        %dma_wait3A_298 = tpu.memref_squeeze %dma_wait3A_297 : memref<1x1000xi32, #tpu.memory_space<vmem>> -> memref<1000xi32, #tpu.memory_space<vmem>>
        %dma_wait3A_299 = arith.constant 0 : i32
        %dma_wait3A_300 = arith.constant 0 : i32
        %dma_wait3A_301 = tpu.memref_slice %arg12[%dma_wait3A_299, %dma_wait3A_300] : memref<25088x32xf32, #tpu.memory_space<vmem_shared>> -> memref<25088x32xf32, #tpu.memory_space<vmem_shared>>
        %dma_wait3A_302 = tpu.memref_slice %arg14[%sub3A_253] : memref<2x!tpu.dma_semaphore, #tpu.memory_space<semaphore_mem>> -> memref<1x!tpu.dma_semaphore, #tpu.memory_space<semaphore_mem>>
        %dma_wait3A_303 = tpu.memref_squeeze %dma_wait3A_302 : memref<1x!tpu.dma_semaphore, #tpu.memory_space<semaphore_mem>> -> memref<!tpu.dma_semaphore, #tpu.memory_space<semaphore_mem>>
        tpu.wait_indirect_dma semaphore(%dma_wait3A_303 : memref<!tpu.dma_semaphore, #tpu.memory_space<semaphore_mem>>) src(%dma_wait3A_295 : memref<1000x32xf32, #tpu.memory_space<vmem>>) dst(%dma_wait3A_301 : memref<25088x32xf32, #tpu.memory_space<vmem_shared>>)
      } else {
      }
      %add3A_258 = arith.constant 1 : i32
      %add3A_259 = arith.addi %scan3A_251, %add3A_258 : i32
      %lt3A = arith.constant 25 : i32
      %lt3A_260 = arith.cmpi slt, %add3A_259, %lt3A : i32
      %convert_element_type3A_261 = arith.extui %lt3A_260 : i1 to i32
      %cond3A_262 = arith.constant 0 : i32
      %cond3A_263 = arith.cmpi ne, %convert_element_type3A_261, %cond3A_262 : i32
      scf.if %cond3A_263 {
        %add3A_288 = arith.constant 1 : i32
        %add3A_289 = arith.addi %scan3A_251, %add3A_288 : i32
        %rem3A_290 = arith.constant 3 : i32
        %rem3A_291 = arith.remsi %add3A_289, %rem3A_290 : i32
        %add3A_292 = arith.constant 1 : i32
        %add3A_293 = arith.addi %scan3A_251, %add3A_292 : i32
        %mul3A_294 = arith.constant 1000 : i32
        %mul3A_295 = arith.muli %add3A_293, %mul3A_294 : i32
        %add3A_296 = arith.addi %add3A, %mul3A_295 : i32
        %dma_wait3A_297 = arith.constant 0 : i32
        %dma_wait3A_298 = tpu.memref_slice %arg9[%rem3A_291, %dma_wait3A_297] : memref<3x1000xi32, #tpu.memory_space<vmem>> -> memref<1x1000xi32, #tpu.memory_space<vmem>>
        %dma_wait3A_299 = tpu.memref_squeeze %dma_wait3A_298 : memref<1x1000xi32, #tpu.memory_space<vmem>> -> memref<1000xi32, #tpu.memory_space<vmem>>
        %dma_wait3A_300 = tpu.memref_slice %arg2[%add3A_296] : memref<800000xi32, #tpu.memory_space<hbm>> -> memref<1000xi32, #tpu.memory_space<hbm>>
        %dma_wait3A_301 = tpu.memref_slice %arg15[%rem3A_291] : memref<3x!tpu.dma_semaphore, #tpu.memory_space<semaphore_mem>> -> memref<1x!tpu.dma_semaphore, #tpu.memory_space<semaphore_mem>>
        %dma_wait3A_302 = tpu.memref_squeeze %dma_wait3A_301 : memref<1x!tpu.dma_semaphore, #tpu.memory_space<semaphore_mem>> -> memref<!tpu.dma_semaphore, #tpu.memory_space<semaphore_mem>>
        %dma_wait3A_303 = arith.constant 0 : i32
        %dma_wait3A_304 = tpu.memref_slice %arg9[%rem3A_291, %dma_wait3A_303] : memref<3x1000xi32, #tpu.memory_space<vmem>> -> memref<1x1000xi32, #tpu.memory_space<vmem>>
        %dma_wait3A_305 = tpu.memref_squeeze %dma_wait3A_304 : memref<1x1000xi32, #tpu.memory_space<vmem>> -> memref<1000xi32, #tpu.memory_space<vmem>>
        %dma_wait3A_306 = tpu.memref_slice %arg2[%add3A_296] : memref<800000xi32, #tpu.memory_space<hbm>> -> memref<1000xi32, #tpu.memory_space<hbm>>
        tpu.wait_dma2 semaphore(%dma_wait3A_302 : memref<!tpu.dma_semaphore, #tpu.memory_space<semaphore_mem>>) src(%dma_wait3A_306 : memref<1000xi32, #tpu.memory_space<hbm>>) dst(%dma_wait3A_305 : memref<1000xi32, #tpu.memory_space<vmem>>)
        %mul3A_307 = arith.constant 1000 : i32
        %mul3A_308 = arith.muli %add3A_293, %mul3A_307 : i32
        %add3A_309 = arith.addi %add3A, %mul3A_308 : i32
        %dma_wait3A_310 = arith.constant 0 : i32
        %dma_wait3A_311 = tpu.memref_slice %arg10[%rem3A_291, %dma_wait3A_310] : memref<3x1000xi32, #tpu.memory_space<vmem>> -> memref<1x1000xi32, #tpu.memory_space<vmem>>
        %dma_wait3A_312 = tpu.memref_squeeze %dma_wait3A_311 : memref<1x1000xi32, #tpu.memory_space<vmem>> -> memref<1000xi32, #tpu.memory_space<vmem>>
        %dma_wait3A_313 = tpu.memref_slice %arg3[%add3A_309] : memref<800000xi32, #tpu.memory_space<hbm>> -> memref<1000xi32, #tpu.memory_space<hbm>>
        %dma_wait3A_314 = tpu.memref_slice %arg15[%rem3A_291] : memref<3x!tpu.dma_semaphore, #tpu.memory_space<semaphore_mem>> -> memref<1x!tpu.dma_semaphore, #tpu.memory_space<semaphore_mem>>
        %dma_wait3A_315 = tpu.memref_squeeze %dma_wait3A_314 : memref<1x!tpu.dma_semaphore, #tpu.memory_space<semaphore_mem>> -> memref<!tpu.dma_semaphore, #tpu.memory_space<semaphore_mem>>
        %dma_wait3A_316 = arith.constant 0 : i32
        %dma_wait3A_317 = tpu.memref_slice %arg10[%rem3A_291, %dma_wait3A_316] : memref<3x1000xi32, #tpu.memory_space<vmem>> -> memref<1x1000xi32, #tpu.memory_space<vmem>>
        %dma_wait3A_318 = tpu.memref_squeeze %dma_wait3A_317 : memref<1x1000xi32, #tpu.memory_space<vmem>> -> memref<1000xi32, #tpu.memory_space<vmem>>
        %dma_wait3A_319 = tpu.memref_slice %arg3[%add3A_309] : memref<800000xi32, #tpu.memory_space<hbm>> -> memref<1000xi32, #tpu.memory_space<hbm>>
        tpu.wait_dma2 semaphore(%dma_wait3A_315 : memref<!tpu.dma_semaphore, #tpu.memory_space<semaphore_mem>>) src(%dma_wait3A_319 : memref<1000xi32, #tpu.memory_space<hbm>>) dst(%dma_wait3A_318 : memref<1000xi32, #tpu.memory_space<vmem>>)
        %dma_start3A_320 = arith.constant 0 : i32
        %dma_start3A_321 = arith.constant 0 : i32
        %dma_start3A_322 = tpu.memref_slice %arg11[%sub3A_253, %dma_start3A_320, %dma_start3A_321] : memref<2x1000x32xf32, #tpu.memory_space<vmem>> -> memref<1x1000x32xf32, #tpu.memory_space<vmem>>
        %dma_start3A_323 = tpu.memref_squeeze %dma_start3A_322 : memref<1x1000x32xf32, #tpu.memory_space<vmem>> -> memref<1000x32xf32, #tpu.memory_space<vmem>>
        %dma_start3A_324 = arith.constant 0 : i32
        %dma_start3A_325 = tpu.memref_slice %arg9[%rem3A_291, %dma_start3A_324] : memref<3x1000xi32, #tpu.memory_space<vmem>> -> memref<1x1000xi32, #tpu.memory_space<vmem>>
        %dma_start3A_326 = tpu.memref_squeeze %dma_start3A_325 : memref<1x1000xi32, #tpu.memory_space<vmem>> -> memref<1000xi32, #tpu.memory_space<vmem>>
        %dma_start3A_327 = arith.constant 0 : i32
        %dma_start3A_328 = arith.constant 0 : i32
        %dma_start3A_329 = tpu.memref_slice %arg4[%dma_start3A_327, %dma_start3A_328] : memref<50176x32xf32, #tpu.memory_space<hbm>> -> memref<50176x32xf32, #tpu.memory_space<hbm>>
        %dma_start3A_330 = tpu.memref_slice %arg13[%sub3A_253] : memref<2x!tpu.dma_semaphore, #tpu.memory_space<semaphore_mem>> -> memref<1x!tpu.dma_semaphore, #tpu.memory_space<semaphore_mem>>
        %dma_start3A_331 = tpu.memref_squeeze %dma_start3A_330 : memref<1x!tpu.dma_semaphore, #tpu.memory_space<semaphore_mem>> -> memref<!tpu.dma_semaphore, #tpu.memory_space<semaphore_mem>>
        tpu.enqueue_indirect_dma source(%dma_start3A_329 : memref<50176x32xf32, #tpu.memory_space<hbm>>) target(%dma_start3A_323 : memref<1000x32xf32, #tpu.memory_space<vmem>>) offsets(%dma_start3A_326 : memref<1000xi32, #tpu.memory_space<vmem>>) semaphore(%dma_start3A_331 : memref<!tpu.dma_semaphore, #tpu.memory_space<semaphore_mem>>)
        %add3A_332 = arith.constant 2 : i32
        %add3A_333 = arith.addi %scan3A_251, %add3A_332 : i32
        %lt3A_334 = arith.constant 25 : i32
        %lt3A_335 = arith.cmpi slt, %add3A_333, %lt3A_334 : i32
        %convert_element_type3A_336 = arith.extui %lt3A_335 : i1 to i32
        %cond3A_337 = arith.constant 0 : i32
        %cond3A_338 = arith.cmpi ne, %convert_element_type3A_336, %cond3A_337 : i32
        scf.if %cond3A_338 {
          %add3A_339 = arith.constant 2 : i32
          %add3A_340 = arith.addi %scan3A_251, %add3A_339 : i32
          %add3A_341 = arith.constant 2 : i32
          %add3A_342 = arith.addi %scan3A_251, %add3A_341 : i32
          %rem3A_343 = arith.constant 3 : i32
          %rem3A_344 = arith.remsi %add3A_342, %rem3A_343 : i32
          %mul3A_345 = arith.constant 1000 : i32
          %mul3A_346 = arith.muli %add3A_340, %mul3A_345 : i32
          %add3A_347 = arith.addi %add3A, %mul3A_346 : i32
          %dma_start3A_348 = arith.constant 0 : i32
          %dma_start3A_349 = tpu.memref_slice %arg9[%rem3A_344, %dma_start3A_348] : memref<3x1000xi32, #tpu.memory_space<vmem>> -> memref<1x1000xi32, #tpu.memory_space<vmem>>
          %dma_start3A_350 = tpu.memref_squeeze %dma_start3A_349 : memref<1x1000xi32, #tpu.memory_space<vmem>> -> memref<1000xi32, #tpu.memory_space<vmem>>
          %dma_start3A_351 = tpu.memref_slice %arg2[%add3A_347] : memref<800000xi32, #tpu.memory_space<hbm>> -> memref<1000xi32, #tpu.memory_space<hbm>>
          %dma_start3A_352 = tpu.memref_slice %arg15[%rem3A_344] : memref<3x!tpu.dma_semaphore, #tpu.memory_space<semaphore_mem>> -> memref<1x!tpu.dma_semaphore, #tpu.memory_space<semaphore_mem>>
          %dma_start3A_353 = tpu.memref_squeeze %dma_start3A_352 : memref<1x!tpu.dma_semaphore, #tpu.memory_space<semaphore_mem>> -> memref<!tpu.dma_semaphore, #tpu.memory_space<semaphore_mem>>
          %dma_start3A_354 = arith.constant 0 : i32
          %dma_start3A_355 = tpu.memref_slice %arg9[%rem3A_344, %dma_start3A_354] : memref<3x1000xi32, #tpu.memory_space<vmem>> -> memref<1x1000xi32, #tpu.memory_space<vmem>>
          %dma_start3A_356 = tpu.memref_squeeze %dma_start3A_355 : memref<1x1000xi32, #tpu.memory_space<vmem>> -> memref<1000xi32, #tpu.memory_space<vmem>>
          %dma_start3A_357 = tpu.memref_slice %arg2[%add3A_347] : memref<800000xi32, #tpu.memory_space<hbm>> -> memref<1000xi32, #tpu.memory_space<hbm>>
          tpu.enqueue_dma source(%dma_start3A_357 : memref<1000xi32, #tpu.memory_space<hbm>>) target(%dma_start3A_356 : memref<1000xi32, #tpu.memory_space<vmem>>) target_semaphore(%dma_start3A_353 : memref<!tpu.dma_semaphore, #tpu.memory_space<semaphore_mem>>)
          %mul3A_358 = arith.constant 1000 : i32
          %mul3A_359 = arith.muli %add3A_340, %mul3A_358 : i32
          %add3A_360 = arith.addi %add3A, %mul3A_359 : i32
          %dma_start3A_361 = arith.constant 0 : i32
          %dma_start3A_362 = tpu.memref_slice %arg10[%rem3A_344, %dma_start3A_361] : memref<3x1000xi32, #tpu.memory_space<vmem>> -> memref<1x1000xi32, #tpu.memory_space<vmem>>
          %dma_start3A_363 = tpu.memref_squeeze %dma_start3A_362 : memref<1x1000xi32, #tpu.memory_space<vmem>> -> memref<1000xi32, #tpu.memory_space<vmem>>
          %dma_start3A_364 = tpu.memref_slice %arg3[%add3A_360] : memref<800000xi32, #tpu.memory_space<hbm>> -> memref<1000xi32, #tpu.memory_space<hbm>>
          %dma_start3A_365 = tpu.memref_slice %arg15[%rem3A_344] : memref<3x!tpu.dma_semaphore, #tpu.memory_space<semaphore_mem>> -> memref<1x!tpu.dma_semaphore, #tpu.memory_space<semaphore_mem>>
          %dma_start3A_366 = tpu.memref_squeeze %dma_start3A_365 : memref<1x!tpu.dma_semaphore, #tpu.memory_space<semaphore_mem>> -> memref<!tpu.dma_semaphore, #tpu.memory_space<semaphore_mem>>
          %dma_start3A_367 = arith.constant 0 : i32
          %dma_start3A_368 = tpu.memref_slice %arg10[%rem3A_344, %dma_start3A_367] : memref<3x1000xi32, #tpu.memory_space<vmem>> -> memref<1x1000xi32, #tpu.memory_space<vmem>>
          %dma_start3A_369 = tpu.memref_squeeze %dma_start3A_368 : memref<1x1000xi32, #tpu.memory_space<vmem>> -> memref<1000xi32, #tpu.memory_space<vmem>>
          %dma_start3A_370 = tpu.memref_slice %arg3[%add3A_360] : memref<800000xi32, #tpu.memory_space<hbm>> -> memref<1000xi32, #tpu.memory_space<hbm>>
          tpu.enqueue_dma source(%dma_start3A_370 : memref<1000xi32, #tpu.memory_space<hbm>>) target(%dma_start3A_369 : memref<1000xi32, #tpu.memory_space<vmem>>) target_semaphore(%dma_start3A_366 : memref<!tpu.dma_semaphore, #tpu.memory_space<semaphore_mem>>)
        } else {
        }
      } else {
      }
      %dma_wait3A_264 = arith.constant 0 : i32
      %dma_wait3A_265 = arith.constant 0 : i32
      %dma_wait3A_266 = tpu.memref_slice %arg11[%rem3A_252, %dma_wait3A_264, %dma_wait3A_265] : memref<2x1000x32xf32, #tpu.memory_space<vmem>> -> memref<1x1000x32xf32, #tpu.memory_space<vmem>>
      %dma_wait3A_267 = tpu.memref_squeeze %dma_wait3A_266 : memref<1x1000x32xf32, #tpu.memory_space<vmem>> -> memref<1000x32xf32, #tpu.memory_space<vmem>>
      %dma_wait3A_268 = arith.constant 0 : i32
      %dma_wait3A_269 = tpu.memref_slice %arg9[%rem3A_255, %dma_wait3A_268] : memref<3x1000xi32, #tpu.memory_space<vmem>> -> memref<1x1000xi32, #tpu.memory_space<vmem>>
      %dma_wait3A_270 = tpu.memref_squeeze %dma_wait3A_269 : memref<1x1000xi32, #tpu.memory_space<vmem>> -> memref<1000xi32, #tpu.memory_space<vmem>>
      %dma_wait3A_271 = arith.constant 0 : i32
      %dma_wait3A_272 = arith.constant 0 : i32
      %dma_wait3A_273 = tpu.memref_slice %arg4[%dma_wait3A_271, %dma_wait3A_272] : memref<50176x32xf32, #tpu.memory_space<hbm>> -> memref<50176x32xf32, #tpu.memory_space<hbm>>
      %dma_wait3A_274 = tpu.memref_slice %arg13[%rem3A_252] : memref<2x!tpu.dma_semaphore, #tpu.memory_space<semaphore_mem>> -> memref<1x!tpu.dma_semaphore, #tpu.memory_space<semaphore_mem>>
      %dma_wait3A_275 = tpu.memref_squeeze %dma_wait3A_274 : memref<1x!tpu.dma_semaphore, #tpu.memory_space<semaphore_mem>> -> memref<!tpu.dma_semaphore, #tpu.memory_space<semaphore_mem>>
      tpu.wait_indirect_dma semaphore(%dma_wait3A_275 : memref<!tpu.dma_semaphore, #tpu.memory_space<semaphore_mem>>) src(%dma_wait3A_273 : memref<50176x32xf32, #tpu.memory_space<hbm>>) dst(%dma_wait3A_267 : memref<1000x32xf32, #tpu.memory_space<vmem>>)
      %dma_start3A_276 = arith.constant 0 : i32
      %dma_start3A_277 = arith.constant 0 : i32
      %dma_start3A_278 = tpu.memref_slice %arg11[%rem3A_252, %dma_start3A_276, %dma_start3A_277] : memref<2x1000x32xf32, #tpu.memory_space<vmem>> -> memref<1x1000x32xf32, #tpu.memory_space<vmem>>
      %dma_start3A_279 = tpu.memref_squeeze %dma_start3A_278 : memref<1x1000x32xf32, #tpu.memory_space<vmem>> -> memref<1000x32xf32, #tpu.memory_space<vmem>>
      %dma_start3A_280 = arith.constant 0 : i32
      %dma_start3A_281 = tpu.memref_slice %arg10[%rem3A_255, %dma_start3A_280] : memref<3x1000xi32, #tpu.memory_space<vmem>> -> memref<1x1000xi32, #tpu.memory_space<vmem>>
      %dma_start3A_282 = tpu.memref_squeeze %dma_start3A_281 : memref<1x1000xi32, #tpu.memory_space<vmem>> -> memref<1000xi32, #tpu.memory_space<vmem>>
      %dma_start3A_283 = arith.constant 0 : i32
      %dma_start3A_284 = arith.constant 0 : i32
      %dma_start3A_285 = tpu.memref_slice %arg12[%dma_start3A_283, %dma_start3A_284] : memref<25088x32xf32, #tpu.memory_space<vmem_shared>> -> memref<25088x32xf32, #tpu.memory_space<vmem_shared>>
      %dma_start3A_286 = tpu.memref_slice %arg14[%rem3A_252] : memref<2x!tpu.dma_semaphore, #tpu.memory_space<semaphore_mem>> -> memref<1x!tpu.dma_semaphore, #tpu.memory_space<semaphore_mem>>
      %dma_start3A_287 = tpu.memref_squeeze %dma_start3A_286 : memref<1x!tpu.dma_semaphore, #tpu.memory_space<semaphore_mem>> -> memref<!tpu.dma_semaphore, #tpu.memory_space<semaphore_mem>>
      tpu.enqueue_indirect_dma source(%dma_start3A_279 : memref<1000x32xf32, #tpu.memory_space<vmem>>) target(%dma_start3A_285 : memref<25088x32xf32, #tpu.memory_space<vmem_shared>>) offsets(%dma_start3A_282 : memref<1000xi32, #tpu.memory_space<vmem>>) semaphore(%dma_start3A_287 : memref<!tpu.dma_semaphore, #tpu.memory_space<semaphore_mem>>) {add = true}
    }
    %scan3A_106 = arith.constant 25 : i32
    %dma_wait3A_107 = arith.constant 0 : i32
    %dma_wait3A_108 = arith.constant 0 : i32
    %dma_wait3A_109 = arith.constant 0 : i32
    %dma_wait3A_110 = arith.constant 0 : i32
    %dma_wait3A_111 = arith.constant 0 : i32
    %dma_wait3A_112 = tpu.memref_slice %arg11[%dma_wait3A_107, %dma_wait3A_110, %dma_wait3A_111] : memref<2x1000x32xf32, #tpu.memory_space<vmem>> -> memref<1x1000x32xf32, #tpu.memory_space<vmem>>
    %dma_wait3A_113 = tpu.memref_squeeze %dma_wait3A_112 : memref<1x1000x32xf32, #tpu.memory_space<vmem>> -> memref<1000x32xf32, #tpu.memory_space<vmem>>
    %dma_wait3A_114 = arith.constant 0 : i32
    %dma_wait3A_115 = tpu.memref_slice %arg10[%dma_wait3A_108, %dma_wait3A_114] : memref<3x1000xi32, #tpu.memory_space<vmem>> -> memref<1x1000xi32, #tpu.memory_space<vmem>>
    %dma_wait3A_116 = tpu.memref_squeeze %dma_wait3A_115 : memref<1x1000xi32, #tpu.memory_space<vmem>> -> memref<1000xi32, #tpu.memory_space<vmem>>
    %dma_wait3A_117 = arith.constant 0 : i32
    %dma_wait3A_118 = arith.constant 0 : i32
    %dma_wait3A_119 = tpu.memref_slice %arg12[%dma_wait3A_117, %dma_wait3A_118] : memref<25088x32xf32, #tpu.memory_space<vmem_shared>> -> memref<25088x32xf32, #tpu.memory_space<vmem_shared>>
    %dma_wait3A_120 = tpu.memref_slice %arg14[%dma_wait3A_109] : memref<2x!tpu.dma_semaphore, #tpu.memory_space<semaphore_mem>> -> memref<1x!tpu.dma_semaphore, #tpu.memory_space<semaphore_mem>>
    %dma_wait3A_121 = tpu.memref_squeeze %dma_wait3A_120 : memref<1x!tpu.dma_semaphore, #tpu.memory_space<semaphore_mem>> -> memref<!tpu.dma_semaphore, #tpu.memory_space<semaphore_mem>>
    tpu.wait_indirect_dma semaphore(%dma_wait3A_121 : memref<!tpu.dma_semaphore, #tpu.memory_space<semaphore_mem>>) src(%dma_wait3A_113 : memref<1000x32xf32, #tpu.memory_space<vmem>>) dst(%dma_wait3A_119 : memref<25088x32xf32, #tpu.memory_space<vmem_shared>>)
    %barrier3A_122 = arith.constant 0 : index
    tpu.barrier barrier_id(%barrier3A_122)
    %mul3A_123 = arith.constant 25088 : i32
    %mul3A_124 = arith.muli %arg0, %mul3A_123 : i32
    %add3A_125 = arith.addi %mul3A_124, %mul3A_0 : i32
    "tpu.region"() ({
      %run_scoped3A = tpu.sem_alloc : memref<!tpu.dma_semaphore, #tpu.memory_space<semaphore_mem>>
      %dma_start3A_251 = arith.constant 0 : i32
      %dma_start3A_252 = tpu.memref_slice %arg7[%add3A_125, %dma_start3A_251] : memref<50176x32xf32, #tpu.memory_space<hbm>> -> memref<1568x32xf32, #tpu.memory_space<hbm>>
      %dma_start3A_253 = arith.constant 0 : i32
      %dma_start3A_254 = tpu.memref_slice %arg12[%mul3A_0, %dma_start3A_253] : memref<25088x32xf32, #tpu.memory_space<vmem_shared>> -> memref<1568x32xf32, #tpu.memory_space<vmem_shared>>
      tpu.enqueue_dma source(%dma_start3A_254 : memref<1568x32xf32, #tpu.memory_space<vmem_shared>>) target(%dma_start3A_252 : memref<1568x32xf32, #tpu.memory_space<hbm>>) target_semaphore(%run_scoped3A : memref<!tpu.dma_semaphore, #tpu.memory_space<semaphore_mem>>)
      %dma_wait3A_255 = arith.constant 0 : i32
      %dma_wait3A_256 = tpu.memref_slice %arg7[%add3A_125, %dma_wait3A_255] : memref<50176x32xf32, #tpu.memory_space<hbm>> -> memref<1568x32xf32, #tpu.memory_space<hbm>>
      %dma_wait3A_257 = arith.constant 0 : i32
      %dma_wait3A_258 = tpu.memref_slice %arg12[%mul3A_0, %dma_wait3A_257] : memref<25088x32xf32, #tpu.memory_space<vmem_shared>> -> memref<1568x32xf32, #tpu.memory_space<vmem_shared>>
      tpu.wait_dma2 semaphore(%run_scoped3A : memref<!tpu.dma_semaphore, #tpu.memory_space<semaphore_mem>>) src(%dma_wait3A_258 : memref<1568x32xf32, #tpu.memory_space<vmem_shared>>) dst(%dma_wait3A_256 : memref<1568x32xf32, #tpu.memory_space<hbm>>)
      tpu.yield
    }) : () -> ()
    "tpu.region"() ({
      %run_scoped3A = tpu.sem_alloc : memref<!tpu.dma_semaphore, #tpu.memory_space<semaphore_mem>>
      %dma_start3A_251 = arith.constant 0 : i32
      %dma_start3A_252 = tpu.memref_slice %arg12[%mul3A_0, %dma_start3A_251] : memref<25088x32xf32, #tpu.memory_space<vmem_shared>> -> memref<1568x32xf32, #tpu.memory_space<vmem_shared>>
      tpu.enqueue_dma source(%arg6 : memref<1568x32xf32, #tpu.memory_space<hbm>>) target(%dma_start3A_252 : memref<1568x32xf32, #tpu.memory_space<vmem_shared>>) target_semaphore(%run_scoped3A : memref<!tpu.dma_semaphore, #tpu.memory_space<semaphore_mem>>)
      %dma_wait3A_253 = arith.constant 0 : i32
      %dma_wait3A_254 = tpu.memref_slice %arg12[%mul3A_0, %dma_wait3A_253] : memref<25088x32xf32, #tpu.memory_space<vmem_shared>> -> memref<1568x32xf32, #tpu.memory_space<vmem_shared>>
      tpu.wait_dma2 semaphore(%run_scoped3A : memref<!tpu.dma_semaphore, #tpu.memory_space<semaphore_mem>>) src(%arg6 : memref<1568x32xf32, #tpu.memory_space<hbm>>) dst(%dma_wait3A_254 : memref<1568x32xf32, #tpu.memory_space<vmem_shared>>)
      tpu.yield
    }) : () -> ()
    %barrier3A_126 = arith.constant 0 : index
    tpu.barrier barrier_id(%barrier3A_126)
    %add3A_127 = arith.constant 0 : i32
    %add3A_128 = arith.addi %add3A, %add3A_127 : i32
    %dma_start3A_129 = arith.constant 0 : i32
    %dma_start3A_130 = arith.constant 0 : i32
    %dma_start3A_131 = arith.constant 0 : i32
    %dma_start3A_132 = tpu.memref_slice %arg9[%dma_start3A_129, %dma_start3A_131] : memref<3x1000xi32, #tpu.memory_space<vmem>> -> memref<1x1000xi32, #tpu.memory_space<vmem>>
    %dma_start3A_133 = tpu.memref_squeeze %dma_start3A_132 : memref<1x1000xi32, #tpu.memory_space<vmem>> -> memref<1000xi32, #tpu.memory_space<vmem>>
    %dma_start3A_134 = tpu.memref_slice %arg2[%add3A_128] : memref<800000xi32, #tpu.memory_space<hbm>> -> memref<1000xi32, #tpu.memory_space<hbm>>
    %dma_start3A_135 = tpu.memref_slice %arg15[%dma_start3A_130] : memref<3x!tpu.dma_semaphore, #tpu.memory_space<semaphore_mem>> -> memref<1x!tpu.dma_semaphore, #tpu.memory_space<semaphore_mem>>
    %dma_start3A_136 = tpu.memref_squeeze %dma_start3A_135 : memref<1x!tpu.dma_semaphore, #tpu.memory_space<semaphore_mem>> -> memref<!tpu.dma_semaphore, #tpu.memory_space<semaphore_mem>>
    %dma_start3A_137 = arith.constant 0 : i32
    %dma_start3A_138 = tpu.memref_slice %arg9[%dma_start3A_129, %dma_start3A_137] : memref<3x1000xi32, #tpu.memory_space<vmem>> -> memref<1x1000xi32, #tpu.memory_space<vmem>>
    %dma_start3A_139 = tpu.memref_squeeze %dma_start3A_138 : memref<1x1000xi32, #tpu.memory_space<vmem>> -> memref<1000xi32, #tpu.memory_space<vmem>>
    %dma_start3A_140 = tpu.memref_slice %arg2[%add3A_128] : memref<800000xi32, #tpu.memory_space<hbm>> -> memref<1000xi32, #tpu.memory_space<hbm>>
    tpu.enqueue_dma source(%dma_start3A_140 : memref<1000xi32, #tpu.memory_space<hbm>>) target(%dma_start3A_139 : memref<1000xi32, #tpu.memory_space<vmem>>) target_semaphore(%dma_start3A_136 : memref<!tpu.dma_semaphore, #tpu.memory_space<semaphore_mem>>)
    %add3A_141 = arith.constant 0 : i32
    %add3A_142 = arith.addi %add3A, %add3A_141 : i32
    %dma_start3A_143 = arith.constant 0 : i32
    %dma_start3A_144 = arith.constant 0 : i32
    %dma_start3A_145 = arith.constant 0 : i32
    %dma_start3A_146 = tpu.memref_slice %arg10[%dma_start3A_143, %dma_start3A_145] : memref<3x1000xi32, #tpu.memory_space<vmem>> -> memref<1x1000xi32, #tpu.memory_space<vmem>>
    %dma_start3A_147 = tpu.memref_squeeze %dma_start3A_146 : memref<1x1000xi32, #tpu.memory_space<vmem>> -> memref<1000xi32, #tpu.memory_space<vmem>>
    %dma_start3A_148 = tpu.memref_slice %arg3[%add3A_142] : memref<800000xi32, #tpu.memory_space<hbm>> -> memref<1000xi32, #tpu.memory_space<hbm>>
    %dma_start3A_149 = tpu.memref_slice %arg15[%dma_start3A_144] : memref<3x!tpu.dma_semaphore, #tpu.memory_space<semaphore_mem>> -> memref<1x!tpu.dma_semaphore, #tpu.memory_space<semaphore_mem>>
    %dma_start3A_150 = tpu.memref_squeeze %dma_start3A_149 : memref<1x!tpu.dma_semaphore, #tpu.memory_space<semaphore_mem>> -> memref<!tpu.dma_semaphore, #tpu.memory_space<semaphore_mem>>
    %dma_start3A_151 = arith.constant 0 : i32
    %dma_start3A_152 = tpu.memref_slice %arg10[%dma_start3A_143, %dma_start3A_151] : memref<3x1000xi32, #tpu.memory_space<vmem>> -> memref<1x1000xi32, #tpu.memory_space<vmem>>
    %dma_start3A_153 = tpu.memref_squeeze %dma_start3A_152 : memref<1x1000xi32, #tpu.memory_space<vmem>> -> memref<1000xi32, #tpu.memory_space<vmem>>
    %dma_start3A_154 = tpu.memref_slice %arg3[%add3A_142] : memref<800000xi32, #tpu.memory_space<hbm>> -> memref<1000xi32, #tpu.memory_space<hbm>>
    tpu.enqueue_dma source(%dma_start3A_154 : memref<1000xi32, #tpu.memory_space<hbm>>) target(%dma_start3A_153 : memref<1000xi32, #tpu.memory_space<vmem>>) target_semaphore(%dma_start3A_150 : memref<!tpu.dma_semaphore, #tpu.memory_space<semaphore_mem>>)
    %add3A_155 = arith.constant 1000 : i32
    %add3A_156 = arith.addi %add3A, %add3A_155 : i32
    %dma_start3A_157 = arith.constant 1 : i32
    %dma_start3A_158 = arith.constant 1 : i32
    %dma_start3A_159 = arith.constant 0 : i32
    %dma_start3A_160 = tpu.memref_slice %arg9[%dma_start3A_157, %dma_start3A_159] : memref<3x1000xi32, #tpu.memory_space<vmem>> -> memref<1x1000xi32, #tpu.memory_space<vmem>>
    %dma_start3A_161 = tpu.memref_squeeze %dma_start3A_160 : memref<1x1000xi32, #tpu.memory_space<vmem>> -> memref<1000xi32, #tpu.memory_space<vmem>>
    %dma_start3A_162 = tpu.memref_slice %arg2[%add3A_156] : memref<800000xi32, #tpu.memory_space<hbm>> -> memref<1000xi32, #tpu.memory_space<hbm>>
    %dma_start3A_163 = tpu.memref_slice %arg15[%dma_start3A_158] : memref<3x!tpu.dma_semaphore, #tpu.memory_space<semaphore_mem>> -> memref<1x!tpu.dma_semaphore, #tpu.memory_space<semaphore_mem>>
    %dma_start3A_164 = tpu.memref_squeeze %dma_start3A_163 : memref<1x!tpu.dma_semaphore, #tpu.memory_space<semaphore_mem>> -> memref<!tpu.dma_semaphore, #tpu.memory_space<semaphore_mem>>
    %dma_start3A_165 = arith.constant 0 : i32
    %dma_start3A_166 = tpu.memref_slice %arg9[%dma_start3A_157, %dma_start3A_165] : memref<3x1000xi32, #tpu.memory_space<vmem>> -> memref<1x1000xi32, #tpu.memory_space<vmem>>
    %dma_start3A_167 = tpu.memref_squeeze %dma_start3A_166 : memref<1x1000xi32, #tpu.memory_space<vmem>> -> memref<1000xi32, #tpu.memory_space<vmem>>
    %dma_start3A_168 = tpu.memref_slice %arg2[%add3A_156] : memref<800000xi32, #tpu.memory_space<hbm>> -> memref<1000xi32, #tpu.memory_space<hbm>>
    tpu.enqueue_dma source(%dma_start3A_168 : memref<1000xi32, #tpu.memory_space<hbm>>) target(%dma_start3A_167 : memref<1000xi32, #tpu.memory_space<vmem>>) target_semaphore(%dma_start3A_164 : memref<!tpu.dma_semaphore, #tpu.memory_space<semaphore_mem>>)
    %add3A_169 = arith.constant 1000 : i32
    %add3A_170 = arith.addi %add3A, %add3A_169 : i32
    %dma_start3A_171 = arith.constant 1 : i32
    %dma_start3A_172 = arith.constant 1 : i32
    %dma_start3A_173 = arith.constant 0 : i32
    %dma_start3A_174 = tpu.memref_slice %arg10[%dma_start3A_171, %dma_start3A_173] : memref<3x1000xi32, #tpu.memory_space<vmem>> -> memref<1x1000xi32, #tpu.memory_space<vmem>>
    %dma_start3A_175 = tpu.memref_squeeze %dma_start3A_174 : memref<1x1000xi32, #tpu.memory_space<vmem>> -> memref<1000xi32, #tpu.memory_space<vmem>>
    %dma_start3A_176 = tpu.memref_slice %arg3[%add3A_170] : memref<800000xi32, #tpu.memory_space<hbm>> -> memref<1000xi32, #tpu.memory_space<hbm>>
    %dma_start3A_177 = tpu.memref_slice %arg15[%dma_start3A_172] : memref<3x!tpu.dma_semaphore, #tpu.memory_space<semaphore_mem>> -> memref<1x!tpu.dma_semaphore, #tpu.memory_space<semaphore_mem>>
    %dma_start3A_178 = tpu.memref_squeeze %dma_start3A_177 : memref<1x!tpu.dma_semaphore, #tpu.memory_space<semaphore_mem>> -> memref<!tpu.dma_semaphore, #tpu.memory_space<semaphore_mem>>
    %dma_start3A_179 = arith.constant 0 : i32
    %dma_start3A_180 = tpu.memref_slice %arg10[%dma_start3A_171, %dma_start3A_179] : memref<3x1000xi32, #tpu.memory_space<vmem>> -> memref<1x1000xi32, #tpu.memory_space<vmem>>
    %dma_start3A_181 = tpu.memref_squeeze %dma_start3A_180 : memref<1x1000xi32, #tpu.memory_space<vmem>> -> memref<1000xi32, #tpu.memory_space<vmem>>
    %dma_start3A_182 = tpu.memref_slice %arg3[%add3A_170] : memref<800000xi32, #tpu.memory_space<hbm>> -> memref<1000xi32, #tpu.memory_space<hbm>>
    tpu.enqueue_dma source(%dma_start3A_182 : memref<1000xi32, #tpu.memory_space<hbm>>) target(%dma_start3A_181 : memref<1000xi32, #tpu.memory_space<vmem>>) target_semaphore(%dma_start3A_178 : memref<!tpu.dma_semaphore, #tpu.memory_space<semaphore_mem>>)
    %add3A_183 = arith.constant 0 : i32
    %add3A_184 = arith.addi %add3A, %add3A_183 : i32
    %dma_wait3A_185 = arith.constant 0 : i32
    %dma_wait3A_186 = arith.constant 0 : i32
    %dma_wait3A_187 = arith.constant 0 : i32
    %dma_wait3A_188 = tpu.memref_slice %arg9[%dma_wait3A_185, %dma_wait3A_187] : memref<3x1000xi32, #tpu.memory_space<vmem>> -> memref<1x1000xi32, #tpu.memory_space<vmem>>
    %dma_wait3A_189 = tpu.memref_squeeze %dma_wait3A_188 : memref<1x1000xi32, #tpu.memory_space<vmem>> -> memref<1000xi32, #tpu.memory_space<vmem>>
    %dma_wait3A_190 = tpu.memref_slice %arg2[%add3A_184] : memref<800000xi32, #tpu.memory_space<hbm>> -> memref<1000xi32, #tpu.memory_space<hbm>>
    %dma_wait3A_191 = tpu.memref_slice %arg15[%dma_wait3A_186] : memref<3x!tpu.dma_semaphore, #tpu.memory_space<semaphore_mem>> -> memref<1x!tpu.dma_semaphore, #tpu.memory_space<semaphore_mem>>
    %dma_wait3A_192 = tpu.memref_squeeze %dma_wait3A_191 : memref<1x!tpu.dma_semaphore, #tpu.memory_space<semaphore_mem>> -> memref<!tpu.dma_semaphore, #tpu.memory_space<semaphore_mem>>
    %dma_wait3A_193 = arith.constant 0 : i32
    %dma_wait3A_194 = tpu.memref_slice %arg9[%dma_wait3A_185, %dma_wait3A_193] : memref<3x1000xi32, #tpu.memory_space<vmem>> -> memref<1x1000xi32, #tpu.memory_space<vmem>>
    %dma_wait3A_195 = tpu.memref_squeeze %dma_wait3A_194 : memref<1x1000xi32, #tpu.memory_space<vmem>> -> memref<1000xi32, #tpu.memory_space<vmem>>
    %dma_wait3A_196 = tpu.memref_slice %arg2[%add3A_184] : memref<800000xi32, #tpu.memory_space<hbm>> -> memref<1000xi32, #tpu.memory_space<hbm>>
    tpu.wait_dma2 semaphore(%dma_wait3A_192 : memref<!tpu.dma_semaphore, #tpu.memory_space<semaphore_mem>>) src(%dma_wait3A_196 : memref<1000xi32, #tpu.memory_space<hbm>>) dst(%dma_wait3A_195 : memref<1000xi32, #tpu.memory_space<vmem>>)
    %add3A_197 = arith.constant 0 : i32
    %add3A_198 = arith.addi %add3A, %add3A_197 : i32
    %dma_wait3A_199 = arith.constant 0 : i32
    %dma_wait3A_200 = arith.constant 0 : i32
    %dma_wait3A_201 = arith.constant 0 : i32
    %dma_wait3A_202 = tpu.memref_slice %arg10[%dma_wait3A_199, %dma_wait3A_201] : memref<3x1000xi32, #tpu.memory_space<vmem>> -> memref<1x1000xi32, #tpu.memory_space<vmem>>
    %dma_wait3A_203 = tpu.memref_squeeze %dma_wait3A_202 : memref<1x1000xi32, #tpu.memory_space<vmem>> -> memref<1000xi32, #tpu.memory_space<vmem>>
    %dma_wait3A_204 = tpu.memref_slice %arg3[%add3A_198] : memref<800000xi32, #tpu.memory_space<hbm>> -> memref<1000xi32, #tpu.memory_space<hbm>>
    %dma_wait3A_205 = tpu.memref_slice %arg15[%dma_wait3A_200] : memref<3x!tpu.dma_semaphore, #tpu.memory_space<semaphore_mem>> -> memref<1x!tpu.dma_semaphore, #tpu.memory_space<semaphore_mem>>
    %dma_wait3A_206 = tpu.memref_squeeze %dma_wait3A_205 : memref<1x!tpu.dma_semaphore, #tpu.memory_space<semaphore_mem>> -> memref<!tpu.dma_semaphore, #tpu.memory_space<semaphore_mem>>
    %dma_wait3A_207 = arith.constant 0 : i32
    %dma_wait3A_208 = tpu.memref_slice %arg10[%dma_wait3A_199, %dma_wait3A_207] : memref<3x1000xi32, #tpu.memory_space<vmem>> -> memref<1x1000xi32, #tpu.memory_space<vmem>>
    %dma_wait3A_209 = tpu.memref_squeeze %dma_wait3A_208 : memref<1x1000xi32, #tpu.memory_space<vmem>> -> memref<1000xi32, #tpu.memory_space<vmem>>
    %dma_wait3A_210 = tpu.memref_slice %arg3[%add3A_198] : memref<800000xi32, #tpu.memory_space<hbm>> -> memref<1000xi32, #tpu.memory_space<hbm>>
    tpu.wait_dma2 semaphore(%dma_wait3A_206 : memref<!tpu.dma_semaphore, #tpu.memory_space<semaphore_mem>>) src(%dma_wait3A_210 : memref<1000xi32, #tpu.memory_space<hbm>>) dst(%dma_wait3A_209 : memref<1000xi32, #tpu.memory_space<vmem>>)
    %dma_start3A_211 = arith.constant 0 : i32
    %dma_start3A_212 = arith.constant 0 : i32
    %dma_start3A_213 = arith.constant 0 : i32
    %dma_start3A_214 = arith.constant 0 : i32
    %dma_start3A_215 = arith.constant 0 : i32
    %dma_start3A_216 = tpu.memref_slice %arg11[%dma_start3A_212, %dma_start3A_214, %dma_start3A_215] : memref<2x1000x32xf32, #tpu.memory_space<vmem>> -> memref<1x1000x32xf32, #tpu.memory_space<vmem>>
    %dma_start3A_217 = tpu.memref_squeeze %dma_start3A_216 : memref<1x1000x32xf32, #tpu.memory_space<vmem>> -> memref<1000x32xf32, #tpu.memory_space<vmem>>
    %dma_start3A_218 = arith.constant 0 : i32
    %dma_start3A_219 = tpu.memref_slice %arg9[%dma_start3A_211, %dma_start3A_218] : memref<3x1000xi32, #tpu.memory_space<vmem>> -> memref<1x1000xi32, #tpu.memory_space<vmem>>
    %dma_start3A_220 = tpu.memref_squeeze %dma_start3A_219 : memref<1x1000xi32, #tpu.memory_space<vmem>> -> memref<1000xi32, #tpu.memory_space<vmem>>
    %dma_start3A_221 = arith.constant 0 : i32
    %dma_start3A_222 = arith.constant 0 : i32
    %dma_start3A_223 = tpu.memref_slice %arg5[%dma_start3A_221, %dma_start3A_222] : memref<50176x32xf32, #tpu.memory_space<hbm>> -> memref<50176x32xf32, #tpu.memory_space<hbm>>
    %dma_start3A_224 = tpu.memref_slice %arg13[%dma_start3A_213] : memref<2x!tpu.dma_semaphore, #tpu.memory_space<semaphore_mem>> -> memref<1x!tpu.dma_semaphore, #tpu.memory_space<semaphore_mem>>
    %dma_start3A_225 = tpu.memref_squeeze %dma_start3A_224 : memref<1x!tpu.dma_semaphore, #tpu.memory_space<semaphore_mem>> -> memref<!tpu.dma_semaphore, #tpu.memory_space<semaphore_mem>>
    tpu.enqueue_indirect_dma source(%dma_start3A_223 : memref<50176x32xf32, #tpu.memory_space<hbm>>) target(%dma_start3A_217 : memref<1000x32xf32, #tpu.memory_space<vmem>>) offsets(%dma_start3A_220 : memref<1000xi32, #tpu.memory_space<vmem>>) semaphore(%dma_start3A_225 : memref<!tpu.dma_semaphore, #tpu.memory_space<semaphore_mem>>)
    %scan3A_226 = arith.constant 0 : i32
    %scan3A_227 = arith.constant 0 : i32
    %scan3A_228 = arith.constant 25 : i32
    %scan3A_229 = arith.addi %scan3A_227, %scan3A_228 : i32
    %scan3A_230 = arith.constant 1 : i32
    scf.for %scan3A_251 = %scan3A_227 to %scan3A_229 step %scan3A_230  : i32 {
      %rem3A = arith.constant 2 : i32
      %rem3A_252 = arith.remsi %scan3A_251, %rem3A : i32
      %sub3A = arith.constant 1 : i32
      %sub3A_253 = arith.subi %sub3A, %rem3A_252 : i32
      %rem3A_254 = arith.constant 3 : i32
      %rem3A_255 = arith.remsi %scan3A_251, %rem3A_254 : i32
      %ge3A = arith.constant 1 : i32
      %ge3A_256 = arith.cmpi sge, %scan3A_251, %ge3A : i32
      %convert_element_type3A = arith.extui %ge3A_256 : i1 to i32
      %cond3A = arith.constant 0 : i32
      %cond3A_257 = arith.cmpi ne, %convert_element_type3A, %cond3A : i32
      scf.if %cond3A_257 {
        %add3A_288 = arith.constant 2 : i32
        %add3A_289 = arith.addi %scan3A_251, %add3A_288 : i32
        %rem3A_290 = arith.constant 3 : i32
        %rem3A_291 = arith.remsi %add3A_289, %rem3A_290 : i32
        %dma_wait3A_292 = arith.constant 0 : i32
        %dma_wait3A_293 = arith.constant 0 : i32
        %dma_wait3A_294 = tpu.memref_slice %arg11[%sub3A_253, %dma_wait3A_292, %dma_wait3A_293] : memref<2x1000x32xf32, #tpu.memory_space<vmem>> -> memref<1x1000x32xf32, #tpu.memory_space<vmem>>
        %dma_wait3A_295 = tpu.memref_squeeze %dma_wait3A_294 : memref<1x1000x32xf32, #tpu.memory_space<vmem>> -> memref<1000x32xf32, #tpu.memory_space<vmem>>
        %dma_wait3A_296 = arith.constant 0 : i32
        %dma_wait3A_297 = tpu.memref_slice %arg10[%rem3A_291, %dma_wait3A_296] : memref<3x1000xi32, #tpu.memory_space<vmem>> -> memref<1x1000xi32, #tpu.memory_space<vmem>>
        %dma_wait3A_298 = tpu.memref_squeeze %dma_wait3A_297 : memref<1x1000xi32, #tpu.memory_space<vmem>> -> memref<1000xi32, #tpu.memory_space<vmem>>
        %dma_wait3A_299 = arith.constant 0 : i32
        %dma_wait3A_300 = arith.constant 0 : i32
        %dma_wait3A_301 = tpu.memref_slice %arg12[%dma_wait3A_299, %dma_wait3A_300] : memref<25088x32xf32, #tpu.memory_space<vmem_shared>> -> memref<25088x32xf32, #tpu.memory_space<vmem_shared>>
        %dma_wait3A_302 = tpu.memref_slice %arg14[%sub3A_253] : memref<2x!tpu.dma_semaphore, #tpu.memory_space<semaphore_mem>> -> memref<1x!tpu.dma_semaphore, #tpu.memory_space<semaphore_mem>>
        %dma_wait3A_303 = tpu.memref_squeeze %dma_wait3A_302 : memref<1x!tpu.dma_semaphore, #tpu.memory_space<semaphore_mem>> -> memref<!tpu.dma_semaphore, #tpu.memory_space<semaphore_mem>>
        tpu.wait_indirect_dma semaphore(%dma_wait3A_303 : memref<!tpu.dma_semaphore, #tpu.memory_space<semaphore_mem>>) src(%dma_wait3A_295 : memref<1000x32xf32, #tpu.memory_space<vmem>>) dst(%dma_wait3A_301 : memref<25088x32xf32, #tpu.memory_space<vmem_shared>>)
      } else {
      }
      %add3A_258 = arith.constant 1 : i32
      %add3A_259 = arith.addi %scan3A_251, %add3A_258 : i32
      %lt3A = arith.constant 25 : i32
      %lt3A_260 = arith.cmpi slt, %add3A_259, %lt3A : i32
      %convert_element_type3A_261 = arith.extui %lt3A_260 : i1 to i32
      %cond3A_262 = arith.constant 0 : i32
      %cond3A_263 = arith.cmpi ne, %convert_element_type3A_261, %cond3A_262 : i32
      scf.if %cond3A_263 {
        %add3A_288 = arith.constant 1 : i32
        %add3A_289 = arith.addi %scan3A_251, %add3A_288 : i32
        %rem3A_290 = arith.constant 3 : i32
        %rem3A_291 = arith.remsi %add3A_289, %rem3A_290 : i32
        %add3A_292 = arith.constant 1 : i32
        %add3A_293 = arith.addi %scan3A_251, %add3A_292 : i32
        %mul3A_294 = arith.constant 1000 : i32
        %mul3A_295 = arith.muli %add3A_293, %mul3A_294 : i32
        %add3A_296 = arith.addi %add3A, %mul3A_295 : i32
        %dma_wait3A_297 = arith.constant 0 : i32
        %dma_wait3A_298 = tpu.memref_slice %arg9[%rem3A_291, %dma_wait3A_297] : memref<3x1000xi32, #tpu.memory_space<vmem>> -> memref<1x1000xi32, #tpu.memory_space<vmem>>
        %dma_wait3A_299 = tpu.memref_squeeze %dma_wait3A_298 : memref<1x1000xi32, #tpu.memory_space<vmem>> -> memref<1000xi32, #tpu.memory_space<vmem>>
        %dma_wait3A_300 = tpu.memref_slice %arg2[%add3A_296] : memref<800000xi32, #tpu.memory_space<hbm>> -> memref<1000xi32, #tpu.memory_space<hbm>>
        %dma_wait3A_301 = tpu.memref_slice %arg15[%rem3A_291] : memref<3x!tpu.dma_semaphore, #tpu.memory_space<semaphore_mem>> -> memref<1x!tpu.dma_semaphore, #tpu.memory_space<semaphore_mem>>
        %dma_wait3A_302 = tpu.memref_squeeze %dma_wait3A_301 : memref<1x!tpu.dma_semaphore, #tpu.memory_space<semaphore_mem>> -> memref<!tpu.dma_semaphore, #tpu.memory_space<semaphore_mem>>
        %dma_wait3A_303 = arith.constant 0 : i32
        %dma_wait3A_304 = tpu.memref_slice %arg9[%rem3A_291, %dma_wait3A_303] : memref<3x1000xi32, #tpu.memory_space<vmem>> -> memref<1x1000xi32, #tpu.memory_space<vmem>>
        %dma_wait3A_305 = tpu.memref_squeeze %dma_wait3A_304 : memref<1x1000xi32, #tpu.memory_space<vmem>> -> memref<1000xi32, #tpu.memory_space<vmem>>
        %dma_wait3A_306 = tpu.memref_slice %arg2[%add3A_296] : memref<800000xi32, #tpu.memory_space<hbm>> -> memref<1000xi32, #tpu.memory_space<hbm>>
        tpu.wait_dma2 semaphore(%dma_wait3A_302 : memref<!tpu.dma_semaphore, #tpu.memory_space<semaphore_mem>>) src(%dma_wait3A_306 : memref<1000xi32, #tpu.memory_space<hbm>>) dst(%dma_wait3A_305 : memref<1000xi32, #tpu.memory_space<vmem>>)
        %mul3A_307 = arith.constant 1000 : i32
        %mul3A_308 = arith.muli %add3A_293, %mul3A_307 : i32
        %add3A_309 = arith.addi %add3A, %mul3A_308 : i32
        %dma_wait3A_310 = arith.constant 0 : i32
        %dma_wait3A_311 = tpu.memref_slice %arg10[%rem3A_291, %dma_wait3A_310] : memref<3x1000xi32, #tpu.memory_space<vmem>> -> memref<1x1000xi32, #tpu.memory_space<vmem>>
        %dma_wait3A_312 = tpu.memref_squeeze %dma_wait3A_311 : memref<1x1000xi32, #tpu.memory_space<vmem>> -> memref<1000xi32, #tpu.memory_space<vmem>>
        %dma_wait3A_313 = tpu.memref_slice %arg3[%add3A_309] : memref<800000xi32, #tpu.memory_space<hbm>> -> memref<1000xi32, #tpu.memory_space<hbm>>
        %dma_wait3A_314 = tpu.memref_slice %arg15[%rem3A_291] : memref<3x!tpu.dma_semaphore, #tpu.memory_space<semaphore_mem>> -> memref<1x!tpu.dma_semaphore, #tpu.memory_space<semaphore_mem>>
        %dma_wait3A_315 = tpu.memref_squeeze %dma_wait3A_314 : memref<1x!tpu.dma_semaphore, #tpu.memory_space<semaphore_mem>> -> memref<!tpu.dma_semaphore, #tpu.memory_space<semaphore_mem>>
        %dma_wait3A_316 = arith.constant 0 : i32
        %dma_wait3A_317 = tpu.memref_slice %arg10[%rem3A_291, %dma_wait3A_316] : memref<3x1000xi32, #tpu.memory_space<vmem>> -> memref<1x1000xi32, #tpu.memory_space<vmem>>
        %dma_wait3A_318 = tpu.memref_squeeze %dma_wait3A_317 : memref<1x1000xi32, #tpu.memory_space<vmem>> -> memref<1000xi32, #tpu.memory_space<vmem>>
        %dma_wait3A_319 = tpu.memref_slice %arg3[%add3A_309] : memref<800000xi32, #tpu.memory_space<hbm>> -> memref<1000xi32, #tpu.memory_space<hbm>>
        tpu.wait_dma2 semaphore(%dma_wait3A_315 : memref<!tpu.dma_semaphore, #tpu.memory_space<semaphore_mem>>) src(%dma_wait3A_319 : memref<1000xi32, #tpu.memory_space<hbm>>) dst(%dma_wait3A_318 : memref<1000xi32, #tpu.memory_space<vmem>>)
        %dma_start3A_320 = arith.constant 0 : i32
        %dma_start3A_321 = arith.constant 0 : i32
        %dma_start3A_322 = tpu.memref_slice %arg11[%sub3A_253, %dma_start3A_320, %dma_start3A_321] : memref<2x1000x32xf32, #tpu.memory_space<vmem>> -> memref<1x1000x32xf32, #tpu.memory_space<vmem>>
        %dma_start3A_323 = tpu.memref_squeeze %dma_start3A_322 : memref<1x1000x32xf32, #tpu.memory_space<vmem>> -> memref<1000x32xf32, #tpu.memory_space<vmem>>
        %dma_start3A_324 = arith.constant 0 : i32
        %dma_start3A_325 = tpu.memref_slice %arg9[%rem3A_291, %dma_start3A_324] : memref<3x1000xi32, #tpu.memory_space<vmem>> -> memref<1x1000xi32, #tpu.memory_space<vmem>>
        %dma_start3A_326 = tpu.memref_squeeze %dma_start3A_325 : memref<1x1000xi32, #tpu.memory_space<vmem>> -> memref<1000xi32, #tpu.memory_space<vmem>>
        %dma_start3A_327 = arith.constant 0 : i32
        %dma_start3A_328 = arith.constant 0 : i32
        %dma_start3A_329 = tpu.memref_slice %arg5[%dma_start3A_327, %dma_start3A_328] : memref<50176x32xf32, #tpu.memory_space<hbm>> -> memref<50176x32xf32, #tpu.memory_space<hbm>>
        %dma_start3A_330 = tpu.memref_slice %arg13[%sub3A_253] : memref<2x!tpu.dma_semaphore, #tpu.memory_space<semaphore_mem>> -> memref<1x!tpu.dma_semaphore, #tpu.memory_space<semaphore_mem>>
        %dma_start3A_331 = tpu.memref_squeeze %dma_start3A_330 : memref<1x!tpu.dma_semaphore, #tpu.memory_space<semaphore_mem>> -> memref<!tpu.dma_semaphore, #tpu.memory_space<semaphore_mem>>
        tpu.enqueue_indirect_dma source(%dma_start3A_329 : memref<50176x32xf32, #tpu.memory_space<hbm>>) target(%dma_start3A_323 : memref<1000x32xf32, #tpu.memory_space<vmem>>) offsets(%dma_start3A_326 : memref<1000xi32, #tpu.memory_space<vmem>>) semaphore(%dma_start3A_331 : memref<!tpu.dma_semaphore, #tpu.memory_space<semaphore_mem>>)
        %add3A_332 = arith.constant 2 : i32
        %add3A_333 = arith.addi %scan3A_251, %add3A_332 : i32
        %lt3A_334 = arith.constant 25 : i32
        %lt3A_335 = arith.cmpi slt, %add3A_333, %lt3A_334 : i32
        %convert_element_type3A_336 = arith.extui %lt3A_335 : i1 to i32
        %cond3A_337 = arith.constant 0 : i32
        %cond3A_338 = arith.cmpi ne, %convert_element_type3A_336, %cond3A_337 : i32
        scf.if %cond3A_338 {
          %add3A_339 = arith.constant 2 : i32
          %add3A_340 = arith.addi %scan3A_251, %add3A_339 : i32
          %add3A_341 = arith.constant 2 : i32
          %add3A_342 = arith.addi %scan3A_251, %add3A_341 : i32
          %rem3A_343 = arith.constant 3 : i32
          %rem3A_344 = arith.remsi %add3A_342, %rem3A_343 : i32
          %mul3A_345 = arith.constant 1000 : i32
          %mul3A_346 = arith.muli %add3A_340, %mul3A_345 : i32
          %add3A_347 = arith.addi %add3A, %mul3A_346 : i32
          %dma_start3A_348 = arith.constant 0 : i32
          %dma_start3A_349 = tpu.memref_slice %arg9[%rem3A_344, %dma_start3A_348] : memref<3x1000xi32, #tpu.memory_space<vmem>> -> memref<1x1000xi32, #tpu.memory_space<vmem>>
          %dma_start3A_350 = tpu.memref_squeeze %dma_start3A_349 : memref<1x1000xi32, #tpu.memory_space<vmem>> -> memref<1000xi32, #tpu.memory_space<vmem>>
          %dma_start3A_351 = tpu.memref_slice %arg2[%add3A_347] : memref<800000xi32, #tpu.memory_space<hbm>> -> memref<1000xi32, #tpu.memory_space<hbm>>
          %dma_start3A_352 = tpu.memref_slice %arg15[%rem3A_344] : memref<3x!tpu.dma_semaphore, #tpu.memory_space<semaphore_mem>> -> memref<1x!tpu.dma_semaphore, #tpu.memory_space<semaphore_mem>>
          %dma_start3A_353 = tpu.memref_squeeze %dma_start3A_352 : memref<1x!tpu.dma_semaphore, #tpu.memory_space<semaphore_mem>> -> memref<!tpu.dma_semaphore, #tpu.memory_space<semaphore_mem>>
          %dma_start3A_354 = arith.constant 0 : i32
          %dma_start3A_355 = tpu.memref_slice %arg9[%rem3A_344, %dma_start3A_354] : memref<3x1000xi32, #tpu.memory_space<vmem>> -> memref<1x1000xi32, #tpu.memory_space<vmem>>
          %dma_start3A_356 = tpu.memref_squeeze %dma_start3A_355 : memref<1x1000xi32, #tpu.memory_space<vmem>> -> memref<1000xi32, #tpu.memory_space<vmem>>
          %dma_start3A_357 = tpu.memref_slice %arg2[%add3A_347] : memref<800000xi32, #tpu.memory_space<hbm>> -> memref<1000xi32, #tpu.memory_space<hbm>>
          tpu.enqueue_dma source(%dma_start3A_357 : memref<1000xi32, #tpu.memory_space<hbm>>) target(%dma_start3A_356 : memref<1000xi32, #tpu.memory_space<vmem>>) target_semaphore(%dma_start3A_353 : memref<!tpu.dma_semaphore, #tpu.memory_space<semaphore_mem>>)
          %mul3A_358 = arith.constant 1000 : i32
          %mul3A_359 = arith.muli %add3A_340, %mul3A_358 : i32
          %add3A_360 = arith.addi %add3A, %mul3A_359 : i32
          %dma_start3A_361 = arith.constant 0 : i32
          %dma_start3A_362 = tpu.memref_slice %arg10[%rem3A_344, %dma_start3A_361] : memref<3x1000xi32, #tpu.memory_space<vmem>> -> memref<1x1000xi32, #tpu.memory_space<vmem>>
          %dma_start3A_363 = tpu.memref_squeeze %dma_start3A_362 : memref<1x1000xi32, #tpu.memory_space<vmem>> -> memref<1000xi32, #tpu.memory_space<vmem>>
          %dma_start3A_364 = tpu.memref_slice %arg3[%add3A_360] : memref<800000xi32, #tpu.memory_space<hbm>> -> memref<1000xi32, #tpu.memory_space<hbm>>
          %dma_start3A_365 = tpu.memref_slice %arg15[%rem3A_344] : memref<3x!tpu.dma_semaphore, #tpu.memory_space<semaphore_mem>> -> memref<1x!tpu.dma_semaphore, #tpu.memory_space<semaphore_mem>>
          %dma_start3A_366 = tpu.memref_squeeze %dma_start3A_365 : memref<1x!tpu.dma_semaphore, #tpu.memory_space<semaphore_mem>> -> memref<!tpu.dma_semaphore, #tpu.memory_space<semaphore_mem>>
          %dma_start3A_367 = arith.constant 0 : i32
          %dma_start3A_368 = tpu.memref_slice %arg10[%rem3A_344, %dma_start3A_367] : memref<3x1000xi32, #tpu.memory_space<vmem>> -> memref<1x1000xi32, #tpu.memory_space<vmem>>
          %dma_start3A_369 = tpu.memref_squeeze %dma_start3A_368 : memref<1x1000xi32, #tpu.memory_space<vmem>> -> memref<1000xi32, #tpu.memory_space<vmem>>
          %dma_start3A_370 = tpu.memref_slice %arg3[%add3A_360] : memref<800000xi32, #tpu.memory_space<hbm>> -> memref<1000xi32, #tpu.memory_space<hbm>>
          tpu.enqueue_dma source(%dma_start3A_370 : memref<1000xi32, #tpu.memory_space<hbm>>) target(%dma_start3A_369 : memref<1000xi32, #tpu.memory_space<vmem>>) target_semaphore(%dma_start3A_366 : memref<!tpu.dma_semaphore, #tpu.memory_space<semaphore_mem>>)
        } else {
        }
      } else {
      }
      %dma_wait3A_264 = arith.constant 0 : i32
      %dma_wait3A_265 = arith.constant 0 : i32
      %dma_wait3A_266 = tpu.memref_slice %arg11[%rem3A_252, %dma_wait3A_264, %dma_wait3A_265] : memref<2x1000x32xf32, #tpu.memory_space<vmem>> -> memref<1x1000x32xf32, #tpu.memory_space<vmem>>
      %dma_wait3A_267 = tpu.memref_squeeze %dma_wait3A_266 : memref<1x1000x32xf32, #tpu.memory_space<vmem>> -> memref<1000x32xf32, #tpu.memory_space<vmem>>
      %dma_wait3A_268 = arith.constant 0 : i32
      %dma_wait3A_269 = tpu.memref_slice %arg9[%rem3A_255, %dma_wait3A_268] : memref<3x1000xi32, #tpu.memory_space<vmem>> -> memref<1x1000xi32, #tpu.memory_space<vmem>>
      %dma_wait3A_270 = tpu.memref_squeeze %dma_wait3A_269 : memref<1x1000xi32, #tpu.memory_space<vmem>> -> memref<1000xi32, #tpu.memory_space<vmem>>
      %dma_wait3A_271 = arith.constant 0 : i32
      %dma_wait3A_272 = arith.constant 0 : i32
      %dma_wait3A_273 = tpu.memref_slice %arg5[%dma_wait3A_271, %dma_wait3A_272] : memref<50176x32xf32, #tpu.memory_space<hbm>> -> memref<50176x32xf32, #tpu.memory_space<hbm>>
      %dma_wait3A_274 = tpu.memref_slice %arg13[%rem3A_252] : memref<2x!tpu.dma_semaphore, #tpu.memory_space<semaphore_mem>> -> memref<1x!tpu.dma_semaphore, #tpu.memory_space<semaphore_mem>>
      %dma_wait3A_275 = tpu.memref_squeeze %dma_wait3A_274 : memref<1x!tpu.dma_semaphore, #tpu.memory_space<semaphore_mem>> -> memref<!tpu.dma_semaphore, #tpu.memory_space<semaphore_mem>>
      tpu.wait_indirect_dma semaphore(%dma_wait3A_275 : memref<!tpu.dma_semaphore, #tpu.memory_space<semaphore_mem>>) src(%dma_wait3A_273 : memref<50176x32xf32, #tpu.memory_space<hbm>>) dst(%dma_wait3A_267 : memref<1000x32xf32, #tpu.memory_space<vmem>>)
      %dma_start3A_276 = arith.constant 0 : i32
      %dma_start3A_277 = arith.constant 0 : i32
      %dma_start3A_278 = tpu.memref_slice %arg11[%rem3A_252, %dma_start3A_276, %dma_start3A_277] : memref<2x1000x32xf32, #tpu.memory_space<vmem>> -> memref<1x1000x32xf32, #tpu.memory_space<vmem>>
      %dma_start3A_279 = tpu.memref_squeeze %dma_start3A_278 : memref<1x1000x32xf32, #tpu.memory_space<vmem>> -> memref<1000x32xf32, #tpu.memory_space<vmem>>
      %dma_start3A_280 = arith.constant 0 : i32
      %dma_start3A_281 = tpu.memref_slice %arg10[%rem3A_255, %dma_start3A_280] : memref<3x1000xi32, #tpu.memory_space<vmem>> -> memref<1x1000xi32, #tpu.memory_space<vmem>>
      %dma_start3A_282 = tpu.memref_squeeze %dma_start3A_281 : memref<1x1000xi32, #tpu.memory_space<vmem>> -> memref<1000xi32, #tpu.memory_space<vmem>>
      %dma_start3A_283 = arith.constant 0 : i32
      %dma_start3A_284 = arith.constant 0 : i32
      %dma_start3A_285 = tpu.memref_slice %arg12[%dma_start3A_283, %dma_start3A_284] : memref<25088x32xf32, #tpu.memory_space<vmem_shared>> -> memref<25088x32xf32, #tpu.memory_space<vmem_shared>>
      %dma_start3A_286 = tpu.memref_slice %arg14[%rem3A_252] : memref<2x!tpu.dma_semaphore, #tpu.memory_space<semaphore_mem>> -> memref<1x!tpu.dma_semaphore, #tpu.memory_space<semaphore_mem>>
      %dma_start3A_287 = tpu.memref_squeeze %dma_start3A_286 : memref<1x!tpu.dma_semaphore, #tpu.memory_space<semaphore_mem>> -> memref<!tpu.dma_semaphore, #tpu.memory_space<semaphore_mem>>
      tpu.enqueue_indirect_dma source(%dma_start3A_279 : memref<1000x32xf32, #tpu.memory_space<vmem>>) target(%dma_start3A_285 : memref<25088x32xf32, #tpu.memory_space<vmem_shared>>) offsets(%dma_start3A_282 : memref<1000xi32, #tpu.memory_space<vmem>>) semaphore(%dma_start3A_287 : memref<!tpu.dma_semaphore, #tpu.memory_space<semaphore_mem>>) {add = true}
    }
    %scan3A_231 = arith.constant 25 : i32
    %dma_wait3A_232 = arith.constant 0 : i32
    %dma_wait3A_233 = arith.constant 0 : i32
    %dma_wait3A_234 = arith.constant 0 : i32
    %dma_wait3A_235 = arith.constant 0 : i32
    %dma_wait3A_236 = arith.constant 0 : i32
    %dma_wait3A_237 = tpu.memref_slice %arg11[%dma_wait3A_232, %dma_wait3A_235, %dma_wait3A_236] : memref<2x1000x32xf32, #tpu.memory_space<vmem>> -> memref<1x1000x32xf32, #tpu.memory_space<vmem>>
    %dma_wait3A_238 = tpu.memref_squeeze %dma_wait3A_237 : memref<1x1000x32xf32, #tpu.memory_space<vmem>> -> memref<1000x32xf32, #tpu.memory_space<vmem>>
    %dma_wait3A_239 = arith.constant 0 : i32
    %dma_wait3A_240 = tpu.memref_slice %arg10[%dma_wait3A_233, %dma_wait3A_239] : memref<3x1000xi32, #tpu.memory_space<vmem>> -> memref<1x1000xi32, #tpu.memory_space<vmem>>
    %dma_wait3A_241 = tpu.memref_squeeze %dma_wait3A_240 : memref<1x1000xi32, #tpu.memory_space<vmem>> -> memref<1000xi32, #tpu.memory_space<vmem>>
    %dma_wait3A_242 = arith.constant 0 : i32
    %dma_wait3A_243 = arith.constant 0 : i32
    %dma_wait3A_244 = tpu.memref_slice %arg12[%dma_wait3A_242, %dma_wait3A_243] : memref<25088x32xf32, #tpu.memory_space<vmem_shared>> -> memref<25088x32xf32, #tpu.memory_space<vmem_shared>>
    %dma_wait3A_245 = tpu.memref_slice %arg14[%dma_wait3A_234] : memref<2x!tpu.dma_semaphore, #tpu.memory_space<semaphore_mem>> -> memref<1x!tpu.dma_semaphore, #tpu.memory_space<semaphore_mem>>
    %dma_wait3A_246 = tpu.memref_squeeze %dma_wait3A_245 : memref<1x!tpu.dma_semaphore, #tpu.memory_space<semaphore_mem>> -> memref<!tpu.dma_semaphore, #tpu.memory_space<semaphore_mem>>
    tpu.wait_indirect_dma semaphore(%dma_wait3A_246 : memref<!tpu.dma_semaphore, #tpu.memory_space<semaphore_mem>>) src(%dma_wait3A_238 : memref<1000x32xf32, #tpu.memory_space<vmem>>) dst(%dma_wait3A_244 : memref<25088x32xf32, #tpu.memory_space<vmem_shared>>)
    %barrier3A_247 = arith.constant 0 : index
    tpu.barrier barrier_id(%barrier3A_247)
    %mul3A_248 = arith.constant 25088 : i32
    %mul3A_249 = arith.muli %arg0, %mul3A_248 : i32
    %add3A_250 = arith.addi %mul3A_249, %mul3A_0 : i32
    "tpu.region"() ({
      %run_scoped3A = tpu.sem_alloc : memref<!tpu.dma_semaphore, #tpu.memory_space<semaphore_mem>>
      %dma_start3A_251 = arith.constant 0 : i32
      %dma_start3A_252 = tpu.memref_slice %arg8[%add3A_250, %dma_start3A_251] : memref<50176x32xf32, #tpu.memory_space<hbm>> -> memref<1568x32xf32, #tpu.memory_space<hbm>>
      %dma_start3A_253 = arith.constant 0 : i32
      %dma_start3A_254 = tpu.memref_slice %arg12[%mul3A_0, %dma_start3A_253] : memref<25088x32xf32, #tpu.memory_space<vmem_shared>> -> memref<1568x32xf32, #tpu.memory_space<vmem_shared>>
      tpu.enqueue_dma source(%dma_start3A_254 : memref<1568x32xf32, #tpu.memory_space<vmem_shared>>) target(%dma_start3A_252 : memref<1568x32xf32, #tpu.memory_space<hbm>>) target_semaphore(%run_scoped3A : memref<!tpu.dma_semaphore, #tpu.memory_space<semaphore_mem>>)
      %dma_wait3A_255 = arith.constant 0 : i32
      %dma_wait3A_256 = tpu.memref_slice %arg8[%add3A_250, %dma_wait3A_255] : memref<50176x32xf32, #tpu.memory_space<hbm>> -> memref<1568x32xf32, #tpu.memory_space<hbm>>
      %dma_wait3A_257 = arith.constant 0 : i32
      %dma_wait3A_258 = tpu.memref_slice %arg12[%mul3A_0, %dma_wait3A_257] : memref<25088x32xf32, #tpu.memory_space<vmem_shared>> -> memref<1568x32xf32, #tpu.memory_space<vmem_shared>>
      tpu.wait_dma2 semaphore(%run_scoped3A : memref<!tpu.dma_semaphore, #tpu.memory_space<semaphore_mem>>) src(%dma_wait3A_258 : memref<1568x32xf32, #tpu.memory_space<vmem_shared>>) dst(%dma_wait3A_256 : memref<1568x32xf32, #tpu.memory_space<hbm>>)
      tpu.yield
    }) : () -> ()
    return
  }
}

#map = affine_map<(d0, d1) -> (0)>
#map1 = affine_map<(d0, d1) -> (0, 0)>
module attributes {stable_mosaic.version = 14 : i64} {
  func.func @_spmv_body(%arg0: i32, %arg1: i32, %arg2: memref<800000xi32, #tpu.memory_space<hbm>>, %arg3: memref<800000xi32, #tpu.memory_space<hbm>>, %arg4: memref<50176x32xf32, #tpu.memory_space<hbm>>, %arg5: memref<50176x32xf32, #tpu.memory_space<hbm>>, %arg6: memref<1568x32xf32, #tpu.memory_space<hbm>>, %arg7: memref<50176x32xf32, #tpu.memory_space<hbm>>, %arg8: memref<50176x32xf32, #tpu.memory_space<hbm>>, %arg9: memref<3x1000xi32, #tpu.memory_space<vmem>>, %arg10: memref<3x1000xi32, #tpu.memory_space<vmem>>, %arg11: memref<2x1000x32xf32, #tpu.memory_space<vmem>>, %arg12: memref<25088x32xf32, #tpu.memory_space<vmem_shared>>, %arg13: memref<2x!tpu.dma_semaphore, #tpu.memory_space<semaphore_mem>>, %arg14: memref<2x!tpu.dma_semaphore, #tpu.memory_space<semaphore_mem>>, %arg15: memref<3x!tpu.dma_semaphore, #tpu.memory_space<semaphore_mem>>) attributes {dimension_semantics = [#tpu.dimension_semantics<core_parallel>, #tpu.dimension_semantics<subcore_parallel>], iteration_bounds = array<i64: 2, 16>, scalar_prefetch = 0 : i64, scratch_operands = 7 : i64, tpu.core_type = #tpu.core_type<sc_vector_subcore>, window_params = [{transform_indices = #map}, {transform_indices = #map}, {transform_indices = #map1}, {transform_indices = #map1}, {transform_indices = #map1}, {transform_indices = #map1}, {transform_indices = #map1}]} {
    %mul3A = arith.constant 1568 : i32
    %mul3A_0 = arith.muli %arg1, %mul3A : i32
    %mul3A_1 = arith.constant 400000 : i32
    %mul3A_2 = arith.muli %arg0, %mul3A_1 : i32
    %mul3A_3 = arith.constant 25000 : i32
    %mul3A_4 = arith.muli %arg1, %mul3A_3 : i32
    %add3A = arith.addi %mul3A_2, %mul3A_4 : i32
    "tpu.region"() ({
      %run_scoped3A = tpu.sem_alloc : memref<!tpu.dma_semaphore, #tpu.memory_space<semaphore_mem>>
      %dma_start3A_251 = arith.constant 0 : i32
      %dma_start3A_252 = tpu.memref_slice %arg12[%mul3A_0, %dma_start3A_251] : memref<25088x32xf32, #tpu.memory_space<vmem_shared>> -> memref<1568x32xf32, #tpu.memory_space<vmem_shared>>
      tpu.enqueue_dma source(%arg6 : memref<1568x32xf32, #tpu.memory_space<hbm>>) target(%dma_start3A_252 : memref<1568x32xf32, #tpu.memory_space<vmem_shared>>) target_semaphore(%run_scoped3A : memref<!tpu.dma_semaphore, #tpu.memory_space<semaphore_mem>>)
      %dma_wait3A_253 = arith.constant 0 : i32
      %dma_wait3A_254 = tpu.memref_slice %arg12[%mul3A_0, %dma_wait3A_253] : memref<25088x32xf32, #tpu.memory_space<vmem_shared>> -> memref<1568x32xf32, #tpu.memory_space<vmem_shared>>
      tpu.wait_dma2 semaphore(%run_scoped3A : memref<!tpu.dma_semaphore, #tpu.memory_space<semaphore_mem>>) src(%arg6 : memref<1568x32xf32, #tpu.memory_space<hbm>>) dst(%dma_wait3A_254 : memref<1568x32xf32, #tpu.memory_space<vmem_shared>>)
      tpu.yield
    }) : () -> ()
    %barrier3A = arith.constant 0 : index
    tpu.barrier barrier_id(%barrier3A)
    %add3A_5 = arith.constant 0 : i32
    %add3A_6 = arith.addi %add3A, %add3A_5 : i32
    %dma_start3A = arith.constant 0 : i32
    %dma_start3A_7 = arith.constant 0 : i32
    %dma_start3A_8 = arith.constant 0 : i32
    %dma_start3A_9 = tpu.memref_slice %arg9[%dma_start3A, %dma_start3A_8] : memref<3x1000xi32, #tpu.memory_space<vmem>> -> memref<1x1000xi32, #tpu.memory_space<vmem>>
    %dma_start3A_10 = tpu.memref_squeeze %dma_start3A_9 : memref<1x1000xi32, #tpu.memory_space<vmem>> -> memref<1000xi32, #tpu.memory_space<vmem>>
    %dma_start3A_11 = tpu.memref_slice %arg2[%add3A_6] : memref<800000xi32, #tpu.memory_space<hbm>> -> memref<1000xi32, #tpu.memory_space<hbm>>
    %dma_start3A_12 = tpu.memref_slice %arg15[%dma_start3A_7] : memref<3x!tpu.dma_semaphore, #tpu.memory_space<semaphore_mem>> -> memref<1x!tpu.dma_semaphore, #tpu.memory_space<semaphore_mem>>
    %dma_start3A_13 = tpu.memref_squeeze %dma_start3A_12 : memref<1x!tpu.dma_semaphore, #tpu.memory_space<semaphore_mem>> -> memref<!tpu.dma_semaphore, #tpu.memory_space<semaphore_mem>>
    %dma_start3A_14 = arith.constant 0 : i32
    %dma_start3A_15 = tpu.memref_slice %arg9[%dma_start3A, %dma_start3A_14] : memref<3x1000xi32, #tpu.memory_space<vmem>> -> memref<1x1000xi32, #tpu.memory_space<vmem>>
    %dma_start3A_16 = tpu.memref_squeeze %dma_start3A_15 : memref<1x1000xi32, #tpu.memory_space<vmem>> -> memref<1000xi32, #tpu.memory_space<vmem>>
    %dma_start3A_17 = tpu.memref_slice %arg2[%add3A_6] : memref<800000xi32, #tpu.memory_space<hbm>> -> memref<1000xi32, #tpu.memory_space<hbm>>
    tpu.enqueue_dma source(%dma_start3A_17 : memref<1000xi32, #tpu.memory_space<hbm>>) target(%dma_start3A_16 : memref<1000xi32, #tpu.memory_space<vmem>>) target_semaphore(%dma_start3A_13 : memref<!tpu.dma_semaphore, #tpu.memory_space<semaphore_mem>>)
    %add3A_18 = arith.constant 0 : i32
    %add3A_19 = arith.addi %add3A, %add3A_18 : i32
    %dma_start3A_20 = arith.constant 0 : i32
    %dma_start3A_21 = arith.constant 0 : i32
    %dma_start3A_22 = arith.constant 0 : i32
    %dma_start3A_23 = tpu.memref_slice %arg10[%dma_start3A_20, %dma_start3A_22] : memref<3x1000xi32, #tpu.memory_space<vmem>> -> memref<1x1000xi32, #tpu.memory_space<vmem>>
    %dma_start3A_24 = tpu.memref_squeeze %dma_start3A_23 : memref<1x1000xi32, #tpu.memory_space<vmem>> -> memref<1000xi32, #tpu.memory_space<vmem>>
    %dma_start3A_25 = tpu.memref_slice %arg3[%add3A_19] : memref<800000xi32, #tpu.memory_space<hbm>> -> memref<1000xi32, #tpu.memory_space<hbm>>
    %dma_start3A_26 = tpu.memref_slice %arg15[%dma_start3A_21] : memref<3x!tpu.dma_semaphore, #tpu.memory_space<semaphore_mem>> -> memref<1x!tpu.dma_semaphore, #tpu.memory_space<semaphore_mem>>
    %dma_start3A_27 = tpu.memref_squeeze %dma_start3A_26 : memref<1x!tpu.dma_semaphore, #tpu.memory_space<semaphore_mem>> -> memref<!tpu.dma_semaphore, #tpu.memory_space<semaphore_mem>>
    %dma_start3A_28 = arith.constant 0 : i32
    %dma_start3A_29 = tpu.memref_slice %arg10[%dma_start3A_20, %dma_start3A_28] : memref<3x1000xi32, #tpu.memory_space<vmem>> -> memref<1x1000xi32, #tpu.memory_space<vmem>>
    %dma_start3A_30 = tpu.memref_squeeze %dma_start3A_29 : memref<1x1000xi32, #tpu.memory_space<vmem>> -> memref<1000xi32, #tpu.memory_space<vmem>>
    %dma_start3A_31 = tpu.memref_slice %arg3[%add3A_19] : memref<800000xi32, #tpu.memory_space<hbm>> -> memref<1000xi32, #tpu.memory_space<hbm>>
    tpu.enqueue_dma source(%dma_start3A_31 : memref<1000xi32, #tpu.memory_space<hbm>>) target(%dma_start3A_30 : memref<1000xi32, #tpu.memory_space<vmem>>) target_semaphore(%dma_start3A_27 : memref<!tpu.dma_semaphore, #tpu.memory_space<semaphore_mem>>)
    %add3A_32 = arith.constant 1000 : i32
    %add3A_33 = arith.addi %add3A, %add3A_32 : i32
    %dma_start3A_34 = arith.constant 1 : i32
    %dma_start3A_35 = arith.constant 1 : i32
    %dma_start3A_36 = arith.constant 0 : i32
    %dma_start3A_37 = tpu.memref_slice %arg9[%dma_start3A_34, %dma_start3A_36] : memref<3x1000xi32, #tpu.memory_space<vmem>> -> memref<1x1000xi32, #tpu.memory_space<vmem>>
    %dma_start3A_38 = tpu.memref_squeeze %dma_start3A_37 : memref<1x1000xi32, #tpu.memory_space<vmem>> -> memref<1000xi32, #tpu.memory_space<vmem>>
    %dma_start3A_39 = tpu.memref_slice %arg2[%add3A_33] : memref<800000xi32, #tpu.memory_space<hbm>> -> memref<1000xi32, #tpu.memory_space<hbm>>
    %dma_start3A_40 = tpu.memref_slice %arg15[%dma_start3A_35] : memref<3x!tpu.dma_semaphore, #tpu.memory_space<semaphore_mem>> -> memref<1x!tpu.dma_semaphore, #tpu.memory_space<semaphore_mem>>
    %dma_start3A_41 = tpu.memref_squeeze %dma_start3A_40 : memref<1x!tpu.dma_semaphore, #tpu.memory_space<semaphore_mem>> -> memref<!tpu.dma_semaphore, #tpu.memory_space<semaphore_mem>>
    %dma_start3A_42 = arith.constant 0 : i32
    %dma_start3A_43 = tpu.memref_slice %arg9[%dma_start3A_34, %dma_start3A_42] : memref<3x1000xi32, #tpu.memory_space<vmem>> -> memref<1x1000xi32, #tpu.memory_space<vmem>>
    %dma_start3A_44 = tpu.memref_squeeze %dma_start3A_43 : memref<1x1000xi32, #tpu.memory_space<vmem>> -> memref<1000xi32, #tpu.memory_space<vmem>>
    %dma_start3A_45 = tpu.memref_slice %arg2[%add3A_33] : memref<800000xi32, #tpu.memory_space<hbm>> -> memref<1000xi32, #tpu.memory_space<hbm>>
    tpu.enqueue_dma source(%dma_start3A_45 : memref<1000xi32, #tpu.memory_space<hbm>>) target(%dma_start3A_44 : memref<1000xi32, #tpu.memory_space<vmem>>) target_semaphore(%dma_start3A_41 : memref<!tpu.dma_semaphore, #tpu.memory_space<semaphore_mem>>)
    %add3A_46 = arith.constant 1000 : i32
    %add3A_47 = arith.addi %add3A, %add3A_46 : i32
    %dma_start3A_48 = arith.constant 1 : i32
    %dma_start3A_49 = arith.constant 1 : i32
    %dma_start3A_50 = arith.constant 0 : i32
    %dma_start3A_51 = tpu.memref_slice %arg10[%dma_start3A_48, %dma_start3A_50] : memref<3x1000xi32, #tpu.memory_space<vmem>> -> memref<1x1000xi32, #tpu.memory_space<vmem>>
    %dma_start3A_52 = tpu.memref_squeeze %dma_start3A_51 : memref<1x1000xi32, #tpu.memory_space<vmem>> -> memref<1000xi32, #tpu.memory_space<vmem>>
    %dma_start3A_53 = tpu.memref_slice %arg3[%add3A_47] : memref<800000xi32, #tpu.memory_space<hbm>> -> memref<1000xi32, #tpu.memory_space<hbm>>
    %dma_start3A_54 = tpu.memref_slice %arg15[%dma_start3A_49] : memref<3x!tpu.dma_semaphore, #tpu.memory_space<semaphore_mem>> -> memref<1x!tpu.dma_semaphore, #tpu.memory_space<semaphore_mem>>
    %dma_start3A_55 = tpu.memref_squeeze %dma_start3A_54 : memref<1x!tpu.dma_semaphore, #tpu.memory_space<semaphore_mem>> -> memref<!tpu.dma_semaphore, #tpu.memory_space<semaphore_mem>>
    %dma_start3A_56 = arith.constant 0 : i32
    %dma_start3A_57 = tpu.memref_slice %arg10[%dma_start3A_48, %dma_start3A_56] : memref<3x1000xi32, #tpu.memory_space<vmem>> -> memref<1x1000xi32, #tpu.memory_space<vmem>>
    %dma_start3A_58 = tpu.memref_squeeze %dma_start3A_57 : memref<1x1000xi32, #tpu.memory_space<vmem>> -> memref<1000xi32, #tpu.memory_space<vmem>>
    %dma_start3A_59 = tpu.memref_slice %arg3[%add3A_47] : memref<800000xi32, #tpu.memory_space<hbm>> -> memref<1000xi32, #tpu.memory_space<hbm>>
    tpu.enqueue_dma source(%dma_start3A_59 : memref<1000xi32, #tpu.memory_space<hbm>>) target(%dma_start3A_58 : memref<1000xi32, #tpu.memory_space<vmem>>) target_semaphore(%dma_start3A_55 : memref<!tpu.dma_semaphore, #tpu.memory_space<semaphore_mem>>)
    %add3A_60 = arith.constant 0 : i32
    %add3A_61 = arith.addi %add3A, %add3A_60 : i32
    %dma_wait3A = arith.constant 0 : i32
    %dma_wait3A_62 = arith.constant 0 : i32
    %dma_wait3A_63 = arith.constant 0 : i32
    %dma_wait3A_64 = tpu.memref_slice %arg9[%dma_wait3A, %dma_wait3A_63] : memref<3x1000xi32, #tpu.memory_space<vmem>> -> memref<1x1000xi32, #tpu.memory_space<vmem>>
    %dma_wait3A_65 = tpu.memref_squeeze %dma_wait3A_64 : memref<1x1000xi32, #tpu.memory_space<vmem>> -> memref<1000xi32, #tpu.memory_space<vmem>>
    %dma_wait3A_66 = tpu.memref_slice %arg2[%add3A_61] : memref<800000xi32, #tpu.memory_space<hbm>> -> memref<1000xi32, #tpu.memory_space<hbm>>
    %dma_wait3A_67 = tpu.memref_slice %arg15[%dma_wait3A_62] : memref<3x!tpu.dma_semaphore, #tpu.memory_space<semaphore_mem>> -> memref<1x!tpu.dma_semaphore, #tpu.memory_space<semaphore_mem>>
    %dma_wait3A_68 = tpu.memref_squeeze %dma_wait3A_67 : memref<1x!tpu.dma_semaphore, #tpu.memory_space<semaphore_mem>> -> memref<!tpu.dma_semaphore, #tpu.memory_space<semaphore_mem>>
    %dma_wait3A_69 = arith.constant 0 : i32
    %dma_wait3A_70 = tpu.memref_slice %arg9[%dma_wait3A, %dma_wait3A_69] : memref<3x1000xi32, #tpu.memory_space<vmem>> -> memref<1x1000xi32, #tpu.memory_space<vmem>>
    %dma_wait3A_71 = tpu.memref_squeeze %dma_wait3A_70 : memref<1x1000xi32, #tpu.memory_space<vmem>> -> memref<1000xi32, #tpu.memory_space<vmem>>
    %dma_wait3A_72 = tpu.memref_slice %arg2[%add3A_61] : memref<800000xi32, #tpu.memory_space<hbm>> -> memref<1000xi32, #tpu.memory_space<hbm>>
    tpu.wait_dma2 semaphore(%dma_wait3A_68 : memref<!tpu.dma_semaphore, #tpu.memory_space<semaphore_mem>>) src(%dma_wait3A_72 : memref<1000xi32, #tpu.memory_space<hbm>>) dst(%dma_wait3A_71 : memref<1000xi32, #tpu.memory_space<vmem>>)
    %add3A_73 = arith.constant 0 : i32
    %add3A_74 = arith.addi %add3A, %add3A_73 : i32
    %dma_wait3A_75 = arith.constant 0 : i32
    %dma_wait3A_76 = arith.constant 0 : i32
    %dma_wait3A_77 = arith.constant 0 : i32
    %dma_wait3A_78 = tpu.memref_slice %arg10[%dma_wait3A_75, %dma_wait3A_77] : memref<3x1000xi32, #tpu.memory_space<vmem>> -> memref<1x1000xi32, #tpu.memory_space<vmem>>
    %dma_wait3A_79 = tpu.memref_squeeze %dma_wait3A_78 : memref<1x1000xi32, #tpu.memory_space<vmem>> -> memref<1000xi32, #tpu.memory_space<vmem>>
    %dma_wait3A_80 = tpu.memref_slice %arg3[%add3A_74] : memref<800000xi32, #tpu.memory_space<hbm>> -> memref<1000xi32, #tpu.memory_space<hbm>>
    %dma_wait3A_81 = tpu.memref_slice %arg15[%dma_wait3A_76] : memref<3x!tpu.dma_semaphore, #tpu.memory_space<semaphore_mem>> -> memref<1x!tpu.dma_semaphore, #tpu.memory_space<semaphore_mem>>
    %dma_wait3A_82 = tpu.memref_squeeze %dma_wait3A_81 : memref<1x!tpu.dma_semaphore, #tpu.memory_space<semaphore_mem>> -> memref<!tpu.dma_semaphore, #tpu.memory_space<semaphore_mem>>
    %dma_wait3A_83 = arith.constant 0 : i32
    %dma_wait3A_84 = tpu.memref_slice %arg10[%dma_wait3A_75, %dma_wait3A_83] : memref<3x1000xi32, #tpu.memory_space<vmem>> -> memref<1x1000xi32, #tpu.memory_space<vmem>>
    %dma_wait3A_85 = tpu.memref_squeeze %dma_wait3A_84 : memref<1x1000xi32, #tpu.memory_space<vmem>> -> memref<1000xi32, #tpu.memory_space<vmem>>
    %dma_wait3A_86 = tpu.memref_slice %arg3[%add3A_74] : memref<800000xi32, #tpu.memory_space<hbm>> -> memref<1000xi32, #tpu.memory_space<hbm>>
    tpu.wait_dma2 semaphore(%dma_wait3A_82 : memref<!tpu.dma_semaphore, #tpu.memory_space<semaphore_mem>>) src(%dma_wait3A_86 : memref<1000xi32, #tpu.memory_space<hbm>>) dst(%dma_wait3A_85 : memref<1000xi32, #tpu.memory_space<vmem>>)
    %dma_start3A_87 = arith.constant 0 : i32
    %dma_start3A_88 = arith.constant 0 : i32
    %dma_start3A_89 = arith.constant 0 : i32
    %dma_start3A_90 = arith.constant 0 : i32
    %dma_start3A_91 = arith.constant 0 : i32
    %dma_start3A_92 = tpu.memref_slice %arg11[%dma_start3A_88, %dma_start3A_90, %dma_start3A_91] : memref<2x1000x32xf32, #tpu.memory_space<vmem>> -> memref<1x1000x32xf32, #tpu.memory_space<vmem>>
    %dma_start3A_93 = tpu.memref_squeeze %dma_start3A_92 : memref<1x1000x32xf32, #tpu.memory_space<vmem>> -> memref<1000x32xf32, #tpu.memory_space<vmem>>
    %dma_start3A_94 = arith.constant 0 : i32
    %dma_start3A_95 = tpu.memref_slice %arg9[%dma_start3A_87, %dma_start3A_94] : memref<3x1000xi32, #tpu.memory_space<vmem>> -> memref<1x1000xi32, #tpu.memory_space<vmem>>
    %dma_start3A_96 = tpu.memref_squeeze %dma_start3A_95 : memref<1x1000xi32, #tpu.memory_space<vmem>> -> memref<1000xi32, #tpu.memory_space<vmem>>
    %dma_start3A_97 = arith.constant 0 : i32
    %dma_start3A_98 = arith.constant 0 : i32
    %dma_start3A_99 = tpu.memref_slice %arg4[%dma_start3A_97, %dma_start3A_98] : memref<50176x32xf32, #tpu.memory_space<hbm>> -> memref<50176x32xf32, #tpu.memory_space<hbm>>
    %dma_start3A_100 = tpu.memref_slice %arg13[%dma_start3A_89] : memref<2x!tpu.dma_semaphore, #tpu.memory_space<semaphore_mem>> -> memref<1x!tpu.dma_semaphore, #tpu.memory_space<semaphore_mem>>
    %dma_start3A_101 = tpu.memref_squeeze %dma_start3A_100 : memref<1x!tpu.dma_semaphore, #tpu.memory_space<semaphore_mem>> -> memref<!tpu.dma_semaphore, #tpu.memory_space<semaphore_mem>>
    tpu.enqueue_indirect_dma source(%dma_start3A_99 : memref<50176x32xf32, #tpu.memory_space<hbm>>) target(%dma_start3A_93 : memref<1000x32xf32, #tpu.memory_space<vmem>>) offsets(%dma_start3A_96 : memref<1000xi32, #tpu.memory_space<vmem>>) semaphore(%dma_start3A_101 : memref<!tpu.dma_semaphore, #tpu.memory_space<semaphore_mem>>)
    %scan3A = arith.constant 0 : i32
    %scan3A_102 = arith.constant 0 : i32
    %scan3A_103 = arith.constant 25 : i32
    %scan3A_104 = arith.addi %scan3A_102, %scan3A_103 : i32
    %scan3A_105 = arith.constant 1 : i32
    scf.for %scan3A_251 = %scan3A_102 to %scan3A_104 step %scan3A_105  : i32 {
      %rem3A = arith.constant 2 : i32
      %rem3A_252 = arith.remsi %scan3A_251, %rem3A : i32
      %sub3A = arith.constant 1 : i32
      %sub3A_253 = arith.subi %sub3A, %rem3A_252 : i32
      %rem3A_254 = arith.constant 3 : i32
      %rem3A_255 = arith.remsi %scan3A_251, %rem3A_254 : i32
      %ge3A = arith.constant 1 : i32
      %ge3A_256 = arith.cmpi sge, %scan3A_251, %ge3A : i32
      %convert_element_type3A = arith.extui %ge3A_256 : i1 to i32
      %cond3A = arith.constant 0 : i32
      %cond3A_257 = arith.cmpi ne, %convert_element_type3A, %cond3A : i32
      scf.if %cond3A_257 {
        %add3A_288 = arith.constant 2 : i32
        %add3A_289 = arith.addi %scan3A_251, %add3A_288 : i32
        %rem3A_290 = arith.constant 3 : i32
        %rem3A_291 = arith.remsi %add3A_289, %rem3A_290 : i32
        %dma_wait3A_292 = arith.constant 0 : i32
        %dma_wait3A_293 = arith.constant 0 : i32
        %dma_wait3A_294 = tpu.memref_slice %arg11[%sub3A_253, %dma_wait3A_292, %dma_wait3A_293] : memref<2x1000x32xf32, #tpu.memory_space<vmem>> -> memref<1x1000x32xf32, #tpu.memory_space<vmem>>
        %dma_wait3A_295 = tpu.memref_squeeze %dma_wait3A_294 : memref<1x1000x32xf32, #tpu.memory_space<vmem>> -> memref<1000x32xf32, #tpu.memory_space<vmem>>
        %dma_wait3A_296 = arith.constant 0 : i32
        %dma_wait3A_297 = tpu.memref_slice %arg10[%rem3A_291, %dma_wait3A_296] : memref<3x1000xi32, #tpu.memory_space<vmem>> -> memref<1x1000xi32, #tpu.memory_space<vmem>>
        %dma_wait3A_298 = tpu.memref_squeeze %dma_wait3A_297 : memref<1x1000xi32, #tpu.memory_space<vmem>> -> memref<1000xi32, #tpu.memory_space<vmem>>
        %dma_wait3A_299 = arith.constant 0 : i32
        %dma_wait3A_300 = arith.constant 0 : i32
        %dma_wait3A_301 = tpu.memref_slice %arg12[%dma_wait3A_299, %dma_wait3A_300] : memref<25088x32xf32, #tpu.memory_space<vmem_shared>> -> memref<25088x32xf32, #tpu.memory_space<vmem_shared>>
        %dma_wait3A_302 = tpu.memref_slice %arg14[%sub3A_253] : memref<2x!tpu.dma_semaphore, #tpu.memory_space<semaphore_mem>> -> memref<1x!tpu.dma_semaphore, #tpu.memory_space<semaphore_mem>>
        %dma_wait3A_303 = tpu.memref_squeeze %dma_wait3A_302 : memref<1x!tpu.dma_semaphore, #tpu.memory_space<semaphore_mem>> -> memref<!tpu.dma_semaphore, #tpu.memory_space<semaphore_mem>>
        tpu.wait_indirect_dma semaphore(%dma_wait3A_303 : memref<!tpu.dma_semaphore, #tpu.memory_space<semaphore_mem>>) src(%dma_wait3A_295 : memref<1000x32xf32, #tpu.memory_space<vmem>>) dst(%dma_wait3A_301 : memref<25088x32xf32, #tpu.memory_space<vmem_shared>>)
      } else {
      }
      %add3A_258 = arith.constant 1 : i32
      %add3A_259 = arith.addi %scan3A_251, %add3A_258 : i32
      %lt3A = arith.constant 25 : i32
      %lt3A_260 = arith.cmpi slt, %add3A_259, %lt3A : i32
      %convert_element_type3A_261 = arith.extui %lt3A_260 : i1 to i32
      %cond3A_262 = arith.constant 0 : i32
      %cond3A_263 = arith.cmpi ne, %convert_element_type3A_261, %cond3A_262 : i32
      scf.if %cond3A_263 {
        %add3A_288 = arith.constant 1 : i32
        %add3A_289 = arith.addi %scan3A_251, %add3A_288 : i32
        %rem3A_290 = arith.constant 3 : i32
        %rem3A_291 = arith.remsi %add3A_289, %rem3A_290 : i32
        %add3A_292 = arith.constant 1 : i32
        %add3A_293 = arith.addi %scan3A_251, %add3A_292 : i32
        %mul3A_294 = arith.constant 1000 : i32
        %mul3A_295 = arith.muli %add3A_293, %mul3A_294 : i32
        %add3A_296 = arith.addi %add3A, %mul3A_295 : i32
        %dma_wait3A_297 = arith.constant 0 : i32
        %dma_wait3A_298 = tpu.memref_slice %arg9[%rem3A_291, %dma_wait3A_297] : memref<3x1000xi32, #tpu.memory_space<vmem>> -> memref<1x1000xi32, #tpu.memory_space<vmem>>
        %dma_wait3A_299 = tpu.memref_squeeze %dma_wait3A_298 : memref<1x1000xi32, #tpu.memory_space<vmem>> -> memref<1000xi32, #tpu.memory_space<vmem>>
        %dma_wait3A_300 = tpu.memref_slice %arg2[%add3A_296] : memref<800000xi32, #tpu.memory_space<hbm>> -> memref<1000xi32, #tpu.memory_space<hbm>>
        %dma_wait3A_301 = tpu.memref_slice %arg15[%rem3A_291] : memref<3x!tpu.dma_semaphore, #tpu.memory_space<semaphore_mem>> -> memref<1x!tpu.dma_semaphore, #tpu.memory_space<semaphore_mem>>
        %dma_wait3A_302 = tpu.memref_squeeze %dma_wait3A_301 : memref<1x!tpu.dma_semaphore, #tpu.memory_space<semaphore_mem>> -> memref<!tpu.dma_semaphore, #tpu.memory_space<semaphore_mem>>
        %dma_wait3A_303 = arith.constant 0 : i32
        %dma_wait3A_304 = tpu.memref_slice %arg9[%rem3A_291, %dma_wait3A_303] : memref<3x1000xi32, #tpu.memory_space<vmem>> -> memref<1x1000xi32, #tpu.memory_space<vmem>>
        %dma_wait3A_305 = tpu.memref_squeeze %dma_wait3A_304 : memref<1x1000xi32, #tpu.memory_space<vmem>> -> memref<1000xi32, #tpu.memory_space<vmem>>
        %dma_wait3A_306 = tpu.memref_slice %arg2[%add3A_296] : memref<800000xi32, #tpu.memory_space<hbm>> -> memref<1000xi32, #tpu.memory_space<hbm>>
        tpu.wait_dma2 semaphore(%dma_wait3A_302 : memref<!tpu.dma_semaphore, #tpu.memory_space<semaphore_mem>>) src(%dma_wait3A_306 : memref<1000xi32, #tpu.memory_space<hbm>>) dst(%dma_wait3A_305 : memref<1000xi32, #tpu.memory_space<vmem>>)
        %mul3A_307 = arith.constant 1000 : i32
        %mul3A_308 = arith.muli %add3A_293, %mul3A_307 : i32
        %add3A_309 = arith.addi %add3A, %mul3A_308 : i32
        %dma_wait3A_310 = arith.constant 0 : i32
        %dma_wait3A_311 = tpu.memref_slice %arg10[%rem3A_291, %dma_wait3A_310] : memref<3x1000xi32, #tpu.memory_space<vmem>> -> memref<1x1000xi32, #tpu.memory_space<vmem>>
        %dma_wait3A_312 = tpu.memref_squeeze %dma_wait3A_311 : memref<1x1000xi32, #tpu.memory_space<vmem>> -> memref<1000xi32, #tpu.memory_space<vmem>>
        %dma_wait3A_313 = tpu.memref_slice %arg3[%add3A_309] : memref<800000xi32, #tpu.memory_space<hbm>> -> memref<1000xi32, #tpu.memory_space<hbm>>
        %dma_wait3A_314 = tpu.memref_slice %arg15[%rem3A_291] : memref<3x!tpu.dma_semaphore, #tpu.memory_space<semaphore_mem>> -> memref<1x!tpu.dma_semaphore, #tpu.memory_space<semaphore_mem>>
        %dma_wait3A_315 = tpu.memref_squeeze %dma_wait3A_314 : memref<1x!tpu.dma_semaphore, #tpu.memory_space<semaphore_mem>> -> memref<!tpu.dma_semaphore, #tpu.memory_space<semaphore_mem>>
        %dma_wait3A_316 = arith.constant 0 : i32
        %dma_wait3A_317 = tpu.memref_slice %arg10[%rem3A_291, %dma_wait3A_316] : memref<3x1000xi32, #tpu.memory_space<vmem>> -> memref<1x1000xi32, #tpu.memory_space<vmem>>
        %dma_wait3A_318 = tpu.memref_squeeze %dma_wait3A_317 : memref<1x1000xi32, #tpu.memory_space<vmem>> -> memref<1000xi32, #tpu.memory_space<vmem>>
        %dma_wait3A_319 = tpu.memref_slice %arg3[%add3A_309] : memref<800000xi32, #tpu.memory_space<hbm>> -> memref<1000xi32, #tpu.memory_space<hbm>>
        tpu.wait_dma2 semaphore(%dma_wait3A_315 : memref<!tpu.dma_semaphore, #tpu.memory_space<semaphore_mem>>) src(%dma_wait3A_319 : memref<1000xi32, #tpu.memory_space<hbm>>) dst(%dma_wait3A_318 : memref<1000xi32, #tpu.memory_space<vmem>>)
        %dma_start3A_320 = arith.constant 0 : i32
        %dma_start3A_321 = arith.constant 0 : i32
        %dma_start3A_322 = tpu.memref_slice %arg11[%sub3A_253, %dma_start3A_320, %dma_start3A_321] : memref<2x1000x32xf32, #tpu.memory_space<vmem>> -> memref<1x1000x32xf32, #tpu.memory_space<vmem>>
        %dma_start3A_323 = tpu.memref_squeeze %dma_start3A_322 : memref<1x1000x32xf32, #tpu.memory_space<vmem>> -> memref<1000x32xf32, #tpu.memory_space<vmem>>
        %dma_start3A_324 = arith.constant 0 : i32
        %dma_start3A_325 = tpu.memref_slice %arg9[%rem3A_291, %dma_start3A_324] : memref<3x1000xi32, #tpu.memory_space<vmem>> -> memref<1x1000xi32, #tpu.memory_space<vmem>>
        %dma_start3A_326 = tpu.memref_squeeze %dma_start3A_325 : memref<1x1000xi32, #tpu.memory_space<vmem>> -> memref<1000xi32, #tpu.memory_space<vmem>>
        %dma_start3A_327 = arith.constant 0 : i32
        %dma_start3A_328 = arith.constant 0 : i32
        %dma_start3A_329 = tpu.memref_slice %arg4[%dma_start3A_327, %dma_start3A_328] : memref<50176x32xf32, #tpu.memory_space<hbm>> -> memref<50176x32xf32, #tpu.memory_space<hbm>>
        %dma_start3A_330 = tpu.memref_slice %arg13[%sub3A_253] : memref<2x!tpu.dma_semaphore, #tpu.memory_space<semaphore_mem>> -> memref<1x!tpu.dma_semaphore, #tpu.memory_space<semaphore_mem>>
        %dma_start3A_331 = tpu.memref_squeeze %dma_start3A_330 : memref<1x!tpu.dma_semaphore, #tpu.memory_space<semaphore_mem>> -> memref<!tpu.dma_semaphore, #tpu.memory_space<semaphore_mem>>
        tpu.enqueue_indirect_dma source(%dma_start3A_329 : memref<50176x32xf32, #tpu.memory_space<hbm>>) target(%dma_start3A_323 : memref<1000x32xf32, #tpu.memory_space<vmem>>) offsets(%dma_start3A_326 : memref<1000xi32, #tpu.memory_space<vmem>>) semaphore(%dma_start3A_331 : memref<!tpu.dma_semaphore, #tpu.memory_space<semaphore_mem>>)
        %add3A_332 = arith.constant 2 : i32
        %add3A_333 = arith.addi %scan3A_251, %add3A_332 : i32
        %lt3A_334 = arith.constant 25 : i32
        %lt3A_335 = arith.cmpi slt, %add3A_333, %lt3A_334 : i32
        %convert_element_type3A_336 = arith.extui %lt3A_335 : i1 to i32
        %cond3A_337 = arith.constant 0 : i32
        %cond3A_338 = arith.cmpi ne, %convert_element_type3A_336, %cond3A_337 : i32
        scf.if %cond3A_338 {
          %add3A_339 = arith.constant 2 : i32
          %add3A_340 = arith.addi %scan3A_251, %add3A_339 : i32
          %add3A_341 = arith.constant 2 : i32
          %add3A_342 = arith.addi %scan3A_251, %add3A_341 : i32
          %rem3A_343 = arith.constant 3 : i32
          %rem3A_344 = arith.remsi %add3A_342, %rem3A_343 : i32
          %mul3A_345 = arith.constant 1000 : i32
          %mul3A_346 = arith.muli %add3A_340, %mul3A_345 : i32
          %add3A_347 = arith.addi %add3A, %mul3A_346 : i32
          %dma_start3A_348 = arith.constant 0 : i32
          %dma_start3A_349 = tpu.memref_slice %arg9[%rem3A_344, %dma_start3A_348] : memref<3x1000xi32, #tpu.memory_space<vmem>> -> memref<1x1000xi32, #tpu.memory_space<vmem>>
          %dma_start3A_350 = tpu.memref_squeeze %dma_start3A_349 : memref<1x1000xi32, #tpu.memory_space<vmem>> -> memref<1000xi32, #tpu.memory_space<vmem>>
          %dma_start3A_351 = tpu.memref_slice %arg2[%add3A_347] : memref<800000xi32, #tpu.memory_space<hbm>> -> memref<1000xi32, #tpu.memory_space<hbm>>
          %dma_start3A_352 = tpu.memref_slice %arg15[%rem3A_344] : memref<3x!tpu.dma_semaphore, #tpu.memory_space<semaphore_mem>> -> memref<1x!tpu.dma_semaphore, #tpu.memory_space<semaphore_mem>>
          %dma_start3A_353 = tpu.memref_squeeze %dma_start3A_352 : memref<1x!tpu.dma_semaphore, #tpu.memory_space<semaphore_mem>> -> memref<!tpu.dma_semaphore, #tpu.memory_space<semaphore_mem>>
          %dma_start3A_354 = arith.constant 0 : i32
          %dma_start3A_355 = tpu.memref_slice %arg9[%rem3A_344, %dma_start3A_354] : memref<3x1000xi32, #tpu.memory_space<vmem>> -> memref<1x1000xi32, #tpu.memory_space<vmem>>
          %dma_start3A_356 = tpu.memref_squeeze %dma_start3A_355 : memref<1x1000xi32, #tpu.memory_space<vmem>> -> memref<1000xi32, #tpu.memory_space<vmem>>
          %dma_start3A_357 = tpu.memref_slice %arg2[%add3A_347] : memref<800000xi32, #tpu.memory_space<hbm>> -> memref<1000xi32, #tpu.memory_space<hbm>>
          tpu.enqueue_dma source(%dma_start3A_357 : memref<1000xi32, #tpu.memory_space<hbm>>) target(%dma_start3A_356 : memref<1000xi32, #tpu.memory_space<vmem>>) target_semaphore(%dma_start3A_353 : memref<!tpu.dma_semaphore, #tpu.memory_space<semaphore_mem>>)
          %mul3A_358 = arith.constant 1000 : i32
          %mul3A_359 = arith.muli %add3A_340, %mul3A_358 : i32
          %add3A_360 = arith.addi %add3A, %mul3A_359 : i32
          %dma_start3A_361 = arith.constant 0 : i32
          %dma_start3A_362 = tpu.memref_slice %arg10[%rem3A_344, %dma_start3A_361] : memref<3x1000xi32, #tpu.memory_space<vmem>> -> memref<1x1000xi32, #tpu.memory_space<vmem>>
          %dma_start3A_363 = tpu.memref_squeeze %dma_start3A_362 : memref<1x1000xi32, #tpu.memory_space<vmem>> -> memref<1000xi32, #tpu.memory_space<vmem>>
          %dma_start3A_364 = tpu.memref_slice %arg3[%add3A_360] : memref<800000xi32, #tpu.memory_space<hbm>> -> memref<1000xi32, #tpu.memory_space<hbm>>
          %dma_start3A_365 = tpu.memref_slice %arg15[%rem3A_344] : memref<3x!tpu.dma_semaphore, #tpu.memory_space<semaphore_mem>> -> memref<1x!tpu.dma_semaphore, #tpu.memory_space<semaphore_mem>>
          %dma_start3A_366 = tpu.memref_squeeze %dma_start3A_365 : memref<1x!tpu.dma_semaphore, #tpu.memory_space<semaphore_mem>> -> memref<!tpu.dma_semaphore, #tpu.memory_space<semaphore_mem>>
          %dma_start3A_367 = arith.constant 0 : i32
          %dma_start3A_368 = tpu.memref_slice %arg10[%rem3A_344, %dma_start3A_367] : memref<3x1000xi32, #tpu.memory_space<vmem>> -> memref<1x1000xi32, #tpu.memory_space<vmem>>
          %dma_start3A_369 = tpu.memref_squeeze %dma_start3A_368 : memref<1x1000xi32, #tpu.memory_space<vmem>> -> memref<1000xi32, #tpu.memory_space<vmem>>
          %dma_start3A_370 = tpu.memref_slice %arg3[%add3A_360] : memref<800000xi32, #tpu.memory_space<hbm>> -> memref<1000xi32, #tpu.memory_space<hbm>>
          tpu.enqueue_dma source(%dma_start3A_370 : memref<1000xi32, #tpu.memory_space<hbm>>) target(%dma_start3A_369 : memref<1000xi32, #tpu.memory_space<vmem>>) target_semaphore(%dma_start3A_366 : memref<!tpu.dma_semaphore, #tpu.memory_space<semaphore_mem>>)
        } else {
        }
      } else {
      }
      %dma_wait3A_264 = arith.constant 0 : i32
      %dma_wait3A_265 = arith.constant 0 : i32
      %dma_wait3A_266 = tpu.memref_slice %arg11[%rem3A_252, %dma_wait3A_264, %dma_wait3A_265] : memref<2x1000x32xf32, #tpu.memory_space<vmem>> -> memref<1x1000x32xf32, #tpu.memory_space<vmem>>
      %dma_wait3A_267 = tpu.memref_squeeze %dma_wait3A_266 : memref<1x1000x32xf32, #tpu.memory_space<vmem>> -> memref<1000x32xf32, #tpu.memory_space<vmem>>
      %dma_wait3A_268 = arith.constant 0 : i32
      %dma_wait3A_269 = tpu.memref_slice %arg9[%rem3A_255, %dma_wait3A_268] : memref<3x1000xi32, #tpu.memory_space<vmem>> -> memref<1x1000xi32, #tpu.memory_space<vmem>>
      %dma_wait3A_270 = tpu.memref_squeeze %dma_wait3A_269 : memref<1x1000xi32, #tpu.memory_space<vmem>> -> memref<1000xi32, #tpu.memory_space<vmem>>
      %dma_wait3A_271 = arith.constant 0 : i32
      %dma_wait3A_272 = arith.constant 0 : i32
      %dma_wait3A_273 = tpu.memref_slice %arg4[%dma_wait3A_271, %dma_wait3A_272] : memref<50176x32xf32, #tpu.memory_space<hbm>> -> memref<50176x32xf32, #tpu.memory_space<hbm>>
      %dma_wait3A_274 = tpu.memref_slice %arg13[%rem3A_252] : memref<2x!tpu.dma_semaphore, #tpu.memory_space<semaphore_mem>> -> memref<1x!tpu.dma_semaphore, #tpu.memory_space<semaphore_mem>>
      %dma_wait3A_275 = tpu.memref_squeeze %dma_wait3A_274 : memref<1x!tpu.dma_semaphore, #tpu.memory_space<semaphore_mem>> -> memref<!tpu.dma_semaphore, #tpu.memory_space<semaphore_mem>>
      tpu.wait_indirect_dma semaphore(%dma_wait3A_275 : memref<!tpu.dma_semaphore, #tpu.memory_space<semaphore_mem>>) src(%dma_wait3A_273 : memref<50176x32xf32, #tpu.memory_space<hbm>>) dst(%dma_wait3A_267 : memref<1000x32xf32, #tpu.memory_space<vmem>>)
      %dma_start3A_276 = arith.constant 0 : i32
      %dma_start3A_277 = arith.constant 0 : i32
      %dma_start3A_278 = tpu.memref_slice %arg11[%rem3A_252, %dma_start3A_276, %dma_start3A_277] : memref<2x1000x32xf32, #tpu.memory_space<vmem>> -> memref<1x1000x32xf32, #tpu.memory_space<vmem>>
      %dma_start3A_279 = tpu.memref_squeeze %dma_start3A_278 : memref<1x1000x32xf32, #tpu.memory_space<vmem>> -> memref<1000x32xf32, #tpu.memory_space<vmem>>
      %dma_start3A_280 = arith.constant 0 : i32
      %dma_start3A_281 = tpu.memref_slice %arg10[%rem3A_255, %dma_start3A_280] : memref<3x1000xi32, #tpu.memory_space<vmem>> -> memref<1x1000xi32, #tpu.memory_space<vmem>>
      %dma_start3A_282 = tpu.memref_squeeze %dma_start3A_281 : memref<1x1000xi32, #tpu.memory_space<vmem>> -> memref<1000xi32, #tpu.memory_space<vmem>>
      %dma_start3A_283 = arith.constant 0 : i32
      %dma_start3A_284 = arith.constant 0 : i32
      %dma_start3A_285 = tpu.memref_slice %arg12[%dma_start3A_283, %dma_start3A_284] : memref<25088x32xf32, #tpu.memory_space<vmem_shared>> -> memref<25088x32xf32, #tpu.memory_space<vmem_shared>>
      %dma_start3A_286 = tpu.memref_slice %arg14[%rem3A_252] : memref<2x!tpu.dma_semaphore, #tpu.memory_space<semaphore_mem>> -> memref<1x!tpu.dma_semaphore, #tpu.memory_space<semaphore_mem>>
      %dma_start3A_287 = tpu.memref_squeeze %dma_start3A_286 : memref<1x!tpu.dma_semaphore, #tpu.memory_space<semaphore_mem>> -> memref<!tpu.dma_semaphore, #tpu.memory_space<semaphore_mem>>
      tpu.enqueue_indirect_dma source(%dma_start3A_279 : memref<1000x32xf32, #tpu.memory_space<vmem>>) target(%dma_start3A_285 : memref<25088x32xf32, #tpu.memory_space<vmem_shared>>) offsets(%dma_start3A_282 : memref<1000xi32, #tpu.memory_space<vmem>>) semaphore(%dma_start3A_287 : memref<!tpu.dma_semaphore, #tpu.memory_space<semaphore_mem>>) {add = true}
    }
    %scan3A_106 = arith.constant 25 : i32
    %dma_wait3A_107 = arith.constant 0 : i32
    %dma_wait3A_108 = arith.constant 0 : i32
    %dma_wait3A_109 = arith.constant 0 : i32
    %dma_wait3A_110 = arith.constant 0 : i32
    %dma_wait3A_111 = arith.constant 0 : i32
    %dma_wait3A_112 = tpu.memref_slice %arg11[%dma_wait3A_107, %dma_wait3A_110, %dma_wait3A_111] : memref<2x1000x32xf32, #tpu.memory_space<vmem>> -> memref<1x1000x32xf32, #tpu.memory_space<vmem>>
    %dma_wait3A_113 = tpu.memref_squeeze %dma_wait3A_112 : memref<1x1000x32xf32, #tpu.memory_space<vmem>> -> memref<1000x32xf32, #tpu.memory_space<vmem>>
    %dma_wait3A_114 = arith.constant 0 : i32
    %dma_wait3A_115 = tpu.memref_slice %arg10[%dma_wait3A_108, %dma_wait3A_114] : memref<3x1000xi32, #tpu.memory_space<vmem>> -> memref<1x1000xi32, #tpu.memory_space<vmem>>
    %dma_wait3A_116 = tpu.memref_squeeze %dma_wait3A_115 : memref<1x1000xi32, #tpu.memory_space<vmem>> -> memref<1000xi32, #tpu.memory_space<vmem>>
    %dma_wait3A_117 = arith.constant 0 : i32
    %dma_wait3A_118 = arith.constant 0 : i32
    %dma_wait3A_119 = tpu.memref_slice %arg12[%dma_wait3A_117, %dma_wait3A_118] : memref<25088x32xf32, #tpu.memory_space<vmem_shared>> -> memref<25088x32xf32, #tpu.memory_space<vmem_shared>>
    %dma_wait3A_120 = tpu.memref_slice %arg14[%dma_wait3A_109] : memref<2x!tpu.dma_semaphore, #tpu.memory_space<semaphore_mem>> -> memref<1x!tpu.dma_semaphore, #tpu.memory_space<semaphore_mem>>
    %dma_wait3A_121 = tpu.memref_squeeze %dma_wait3A_120 : memref<1x!tpu.dma_semaphore, #tpu.memory_space<semaphore_mem>> -> memref<!tpu.dma_semaphore, #tpu.memory_space<semaphore_mem>>
    tpu.wait_indirect_dma semaphore(%dma_wait3A_121 : memref<!tpu.dma_semaphore, #tpu.memory_space<semaphore_mem>>) src(%dma_wait3A_113 : memref<1000x32xf32, #tpu.memory_space<vmem>>) dst(%dma_wait3A_119 : memref<25088x32xf32, #tpu.memory_space<vmem_shared>>)
    %barrier3A_122 = arith.constant 0 : index
    tpu.barrier barrier_id(%barrier3A_122)
    %mul3A_123 = arith.constant 25088 : i32
    %mul3A_124 = arith.muli %arg0, %mul3A_123 : i32
    %add3A_125 = arith.addi %mul3A_124, %mul3A_0 : i32
    "tpu.region"() ({
      %run_scoped3A = tpu.sem_alloc : memref<!tpu.dma_semaphore, #tpu.memory_space<semaphore_mem>>
      %dma_start3A_251 = arith.constant 0 : i32
      %dma_start3A_252 = tpu.memref_slice %arg7[%add3A_125, %dma_start3A_251] : memref<50176x32xf32, #tpu.memory_space<hbm>> -> memref<1568x32xf32, #tpu.memory_space<hbm>>
      %dma_start3A_253 = arith.constant 0 : i32
      %dma_start3A_254 = tpu.memref_slice %arg12[%mul3A_0, %dma_start3A_253] : memref<25088x32xf32, #tpu.memory_space<vmem_shared>> -> memref<1568x32xf32, #tpu.memory_space<vmem_shared>>
      tpu.enqueue_dma source(%dma_start3A_254 : memref<1568x32xf32, #tpu.memory_space<vmem_shared>>) target(%dma_start3A_252 : memref<1568x32xf32, #tpu.memory_space<hbm>>) target_semaphore(%run_scoped3A : memref<!tpu.dma_semaphore, #tpu.memory_space<semaphore_mem>>)
      %dma_wait3A_255 = arith.constant 0 : i32
      %dma_wait3A_256 = tpu.memref_slice %arg7[%add3A_125, %dma_wait3A_255] : memref<50176x32xf32, #tpu.memory_space<hbm>> -> memref<1568x32xf32, #tpu.memory_space<hbm>>
      %dma_wait3A_257 = arith.constant 0 : i32
      %dma_wait3A_258 = tpu.memref_slice %arg12[%mul3A_0, %dma_wait3A_257] : memref<25088x32xf32, #tpu.memory_space<vmem_shared>> -> memref<1568x32xf32, #tpu.memory_space<vmem_shared>>
      tpu.wait_dma2 semaphore(%run_scoped3A : memref<!tpu.dma_semaphore, #tpu.memory_space<semaphore_mem>>) src(%dma_wait3A_258 : memref<1568x32xf32, #tpu.memory_space<vmem_shared>>) dst(%dma_wait3A_256 : memref<1568x32xf32, #tpu.memory_space<hbm>>)
      tpu.yield
    }) : () -> ()
    "tpu.region"() ({
      %run_scoped3A = tpu.sem_alloc : memref<!tpu.dma_semaphore, #tpu.memory_space<semaphore_mem>>
      %dma_start3A_251 = arith.constant 0 : i32
      %dma_start3A_252 = tpu.memref_slice %arg12[%mul3A_0, %dma_start3A_251] : memref<25088x32xf32, #tpu.memory_space<vmem_shared>> -> memref<1568x32xf32, #tpu.memory_space<vmem_shared>>
      tpu.enqueue_dma source(%arg6 : memref<1568x32xf32, #tpu.memory_space<hbm>>) target(%dma_start3A_252 : memref<1568x32xf32, #tpu.memory_space<vmem_shared>>) target_semaphore(%run_scoped3A : memref<!tpu.dma_semaphore, #tpu.memory_space<semaphore_mem>>)
      %dma_wait3A_253 = arith.constant 0 : i32
      %dma_wait3A_254 = tpu.memref_slice %arg12[%mul3A_0, %dma_wait3A_253] : memref<25088x32xf32, #tpu.memory_space<vmem_shared>> -> memref<1568x32xf32, #tpu.memory_space<vmem_shared>>
      tpu.wait_dma2 semaphore(%run_scoped3A : memref<!tpu.dma_semaphore, #tpu.memory_space<semaphore_mem>>) src(%arg6 : memref<1568x32xf32, #tpu.memory_space<hbm>>) dst(%dma_wait3A_254 : memref<1568x32xf32, #tpu.memory_space<vmem_shared>>)
      tpu.yield
    }) : () -> ()
    %barrier3A_126 = arith.constant 0 : index
    tpu.barrier barrier_id(%barrier3A_126)
    %add3A_127 = arith.constant 0 : i32
    %add3A_128 = arith.addi %add3A, %add3A_127 : i32
    %dma_start3A_129 = arith.constant 0 : i32
    %dma_start3A_130 = arith.constant 0 : i32
    %dma_start3A_131 = arith.constant 0 : i32
    %dma_start3A_132 = tpu.memref_slice %arg9[%dma_start3A_129, %dma_start3A_131] : memref<3x1000xi32, #tpu.memory_space<vmem>> -> memref<1x1000xi32, #tpu.memory_space<vmem>>
    %dma_start3A_133 = tpu.memref_squeeze %dma_start3A_132 : memref<1x1000xi32, #tpu.memory_space<vmem>> -> memref<1000xi32, #tpu.memory_space<vmem>>
    %dma_start3A_134 = tpu.memref_slice %arg2[%add3A_128] : memref<800000xi32, #tpu.memory_space<hbm>> -> memref<1000xi32, #tpu.memory_space<hbm>>
    %dma_start3A_135 = tpu.memref_slice %arg15[%dma_start3A_130] : memref<3x!tpu.dma_semaphore, #tpu.memory_space<semaphore_mem>> -> memref<1x!tpu.dma_semaphore, #tpu.memory_space<semaphore_mem>>
    %dma_start3A_136 = tpu.memref_squeeze %dma_start3A_135 : memref<1x!tpu.dma_semaphore, #tpu.memory_space<semaphore_mem>> -> memref<!tpu.dma_semaphore, #tpu.memory_space<semaphore_mem>>
    %dma_start3A_137 = arith.constant 0 : i32
    %dma_start3A_138 = tpu.memref_slice %arg9[%dma_start3A_129, %dma_start3A_137] : memref<3x1000xi32, #tpu.memory_space<vmem>> -> memref<1x1000xi32, #tpu.memory_space<vmem>>
    %dma_start3A_139 = tpu.memref_squeeze %dma_start3A_138 : memref<1x1000xi32, #tpu.memory_space<vmem>> -> memref<1000xi32, #tpu.memory_space<vmem>>
    %dma_start3A_140 = tpu.memref_slice %arg2[%add3A_128] : memref<800000xi32, #tpu.memory_space<hbm>> -> memref<1000xi32, #tpu.memory_space<hbm>>
    tpu.enqueue_dma source(%dma_start3A_140 : memref<1000xi32, #tpu.memory_space<hbm>>) target(%dma_start3A_139 : memref<1000xi32, #tpu.memory_space<vmem>>) target_semaphore(%dma_start3A_136 : memref<!tpu.dma_semaphore, #tpu.memory_space<semaphore_mem>>)
    %add3A_141 = arith.constant 0 : i32
    %add3A_142 = arith.addi %add3A, %add3A_141 : i32
    %dma_start3A_143 = arith.constant 0 : i32
    %dma_start3A_144 = arith.constant 0 : i32
    %dma_start3A_145 = arith.constant 0 : i32
    %dma_start3A_146 = tpu.memref_slice %arg10[%dma_start3A_143, %dma_start3A_145] : memref<3x1000xi32, #tpu.memory_space<vmem>> -> memref<1x1000xi32, #tpu.memory_space<vmem>>
    %dma_start3A_147 = tpu.memref_squeeze %dma_start3A_146 : memref<1x1000xi32, #tpu.memory_space<vmem>> -> memref<1000xi32, #tpu.memory_space<vmem>>
    %dma_start3A_148 = tpu.memref_slice %arg3[%add3A_142] : memref<800000xi32, #tpu.memory_space<hbm>> -> memref<1000xi32, #tpu.memory_space<hbm>>
    %dma_start3A_149 = tpu.memref_slice %arg15[%dma_start3A_144] : memref<3x!tpu.dma_semaphore, #tpu.memory_space<semaphore_mem>> -> memref<1x!tpu.dma_semaphore, #tpu.memory_space<semaphore_mem>>
    %dma_start3A_150 = tpu.memref_squeeze %dma_start3A_149 : memref<1x!tpu.dma_semaphore, #tpu.memory_space<semaphore_mem>> -> memref<!tpu.dma_semaphore, #tpu.memory_space<semaphore_mem>>
    %dma_start3A_151 = arith.constant 0 : i32
    %dma_start3A_152 = tpu.memref_slice %arg10[%dma_start3A_143, %dma_start3A_151] : memref<3x1000xi32, #tpu.memory_space<vmem>> -> memref<1x1000xi32, #tpu.memory_space<vmem>>
    %dma_start3A_153 = tpu.memref_squeeze %dma_start3A_152 : memref<1x1000xi32, #tpu.memory_space<vmem>> -> memref<1000xi32, #tpu.memory_space<vmem>>
    %dma_start3A_154 = tpu.memref_slice %arg3[%add3A_142] : memref<800000xi32, #tpu.memory_space<hbm>> -> memref<1000xi32, #tpu.memory_space<hbm>>
    tpu.enqueue_dma source(%dma_start3A_154 : memref<1000xi32, #tpu.memory_space<hbm>>) target(%dma_start3A_153 : memref<1000xi32, #tpu.memory_space<vmem>>) target_semaphore(%dma_start3A_150 : memref<!tpu.dma_semaphore, #tpu.memory_space<semaphore_mem>>)
    %add3A_155 = arith.constant 1000 : i32
    %add3A_156 = arith.addi %add3A, %add3A_155 : i32
    %dma_start3A_157 = arith.constant 1 : i32
    %dma_start3A_158 = arith.constant 1 : i32
    %dma_start3A_159 = arith.constant 0 : i32
    %dma_start3A_160 = tpu.memref_slice %arg9[%dma_start3A_157, %dma_start3A_159] : memref<3x1000xi32, #tpu.memory_space<vmem>> -> memref<1x1000xi32, #tpu.memory_space<vmem>>
    %dma_start3A_161 = tpu.memref_squeeze %dma_start3A_160 : memref<1x1000xi32, #tpu.memory_space<vmem>> -> memref<1000xi32, #tpu.memory_space<vmem>>
    %dma_start3A_162 = tpu.memref_slice %arg2[%add3A_156] : memref<800000xi32, #tpu.memory_space<hbm>> -> memref<1000xi32, #tpu.memory_space<hbm>>
    %dma_start3A_163 = tpu.memref_slice %arg15[%dma_start3A_158] : memref<3x!tpu.dma_semaphore, #tpu.memory_space<semaphore_mem>> -> memref<1x!tpu.dma_semaphore, #tpu.memory_space<semaphore_mem>>
    %dma_start3A_164 = tpu.memref_squeeze %dma_start3A_163 : memref<1x!tpu.dma_semaphore, #tpu.memory_space<semaphore_mem>> -> memref<!tpu.dma_semaphore, #tpu.memory_space<semaphore_mem>>
    %dma_start3A_165 = arith.constant 0 : i32
    %dma_start3A_166 = tpu.memref_slice %arg9[%dma_start3A_157, %dma_start3A_165] : memref<3x1000xi32, #tpu.memory_space<vmem>> -> memref<1x1000xi32, #tpu.memory_space<vmem>>
    %dma_start3A_167 = tpu.memref_squeeze %dma_start3A_166 : memref<1x1000xi32, #tpu.memory_space<vmem>> -> memref<1000xi32, #tpu.memory_space<vmem>>
    %dma_start3A_168 = tpu.memref_slice %arg2[%add3A_156] : memref<800000xi32, #tpu.memory_space<hbm>> -> memref<1000xi32, #tpu.memory_space<hbm>>
    tpu.enqueue_dma source(%dma_start3A_168 : memref<1000xi32, #tpu.memory_space<hbm>>) target(%dma_start3A_167 : memref<1000xi32, #tpu.memory_space<vmem>>) target_semaphore(%dma_start3A_164 : memref<!tpu.dma_semaphore, #tpu.memory_space<semaphore_mem>>)
    %add3A_169 = arith.constant 1000 : i32
    %add3A_170 = arith.addi %add3A, %add3A_169 : i32
    %dma_start3A_171 = arith.constant 1 : i32
    %dma_start3A_172 = arith.constant 1 : i32
    %dma_start3A_173 = arith.constant 0 : i32
    %dma_start3A_174 = tpu.memref_slice %arg10[%dma_start3A_171, %dma_start3A_173] : memref<3x1000xi32, #tpu.memory_space<vmem>> -> memref<1x1000xi32, #tpu.memory_space<vmem>>
    %dma_start3A_175 = tpu.memref_squeeze %dma_start3A_174 : memref<1x1000xi32, #tpu.memory_space<vmem>> -> memref<1000xi32, #tpu.memory_space<vmem>>
    %dma_start3A_176 = tpu.memref_slice %arg3[%add3A_170] : memref<800000xi32, #tpu.memory_space<hbm>> -> memref<1000xi32, #tpu.memory_space<hbm>>
    %dma_start3A_177 = tpu.memref_slice %arg15[%dma_start3A_172] : memref<3x!tpu.dma_semaphore, #tpu.memory_space<semaphore_mem>> -> memref<1x!tpu.dma_semaphore, #tpu.memory_space<semaphore_mem>>
    %dma_start3A_178 = tpu.memref_squeeze %dma_start3A_177 : memref<1x!tpu.dma_semaphore, #tpu.memory_space<semaphore_mem>> -> memref<!tpu.dma_semaphore, #tpu.memory_space<semaphore_mem>>
    %dma_start3A_179 = arith.constant 0 : i32
    %dma_start3A_180 = tpu.memref_slice %arg10[%dma_start3A_171, %dma_start3A_179] : memref<3x1000xi32, #tpu.memory_space<vmem>> -> memref<1x1000xi32, #tpu.memory_space<vmem>>
    %dma_start3A_181 = tpu.memref_squeeze %dma_start3A_180 : memref<1x1000xi32, #tpu.memory_space<vmem>> -> memref<1000xi32, #tpu.memory_space<vmem>>
    %dma_start3A_182 = tpu.memref_slice %arg3[%add3A_170] : memref<800000xi32, #tpu.memory_space<hbm>> -> memref<1000xi32, #tpu.memory_space<hbm>>
    tpu.enqueue_dma source(%dma_start3A_182 : memref<1000xi32, #tpu.memory_space<hbm>>) target(%dma_start3A_181 : memref<1000xi32, #tpu.memory_space<vmem>>) target_semaphore(%dma_start3A_178 : memref<!tpu.dma_semaphore, #tpu.memory_space<semaphore_mem>>)
    %add3A_183 = arith.constant 0 : i32
    %add3A_184 = arith.addi %add3A, %add3A_183 : i32
    %dma_wait3A_185 = arith.constant 0 : i32
    %dma_wait3A_186 = arith.constant 0 : i32
    %dma_wait3A_187 = arith.constant 0 : i32
    %dma_wait3A_188 = tpu.memref_slice %arg9[%dma_wait3A_185, %dma_wait3A_187] : memref<3x1000xi32, #tpu.memory_space<vmem>> -> memref<1x1000xi32, #tpu.memory_space<vmem>>
    %dma_wait3A_189 = tpu.memref_squeeze %dma_wait3A_188 : memref<1x1000xi32, #tpu.memory_space<vmem>> -> memref<1000xi32, #tpu.memory_space<vmem>>
    %dma_wait3A_190 = tpu.memref_slice %arg2[%add3A_184] : memref<800000xi32, #tpu.memory_space<hbm>> -> memref<1000xi32, #tpu.memory_space<hbm>>
    %dma_wait3A_191 = tpu.memref_slice %arg15[%dma_wait3A_186] : memref<3x!tpu.dma_semaphore, #tpu.memory_space<semaphore_mem>> -> memref<1x!tpu.dma_semaphore, #tpu.memory_space<semaphore_mem>>
    %dma_wait3A_192 = tpu.memref_squeeze %dma_wait3A_191 : memref<1x!tpu.dma_semaphore, #tpu.memory_space<semaphore_mem>> -> memref<!tpu.dma_semaphore, #tpu.memory_space<semaphore_mem>>
    %dma_wait3A_193 = arith.constant 0 : i32
    %dma_wait3A_194 = tpu.memref_slice %arg9[%dma_wait3A_185, %dma_wait3A_193] : memref<3x1000xi32, #tpu.memory_space<vmem>> -> memref<1x1000xi32, #tpu.memory_space<vmem>>
    %dma_wait3A_195 = tpu.memref_squeeze %dma_wait3A_194 : memref<1x1000xi32, #tpu.memory_space<vmem>> -> memref<1000xi32, #tpu.memory_space<vmem>>
    %dma_wait3A_196 = tpu.memref_slice %arg2[%add3A_184] : memref<800000xi32, #tpu.memory_space<hbm>> -> memref<1000xi32, #tpu.memory_space<hbm>>
    tpu.wait_dma2 semaphore(%dma_wait3A_192 : memref<!tpu.dma_semaphore, #tpu.memory_space<semaphore_mem>>) src(%dma_wait3A_196 : memref<1000xi32, #tpu.memory_space<hbm>>) dst(%dma_wait3A_195 : memref<1000xi32, #tpu.memory_space<vmem>>)
    %add3A_197 = arith.constant 0 : i32
    %add3A_198 = arith.addi %add3A, %add3A_197 : i32
    %dma_wait3A_199 = arith.constant 0 : i32
    %dma_wait3A_200 = arith.constant 0 : i32
    %dma_wait3A_201 = arith.constant 0 : i32
    %dma_wait3A_202 = tpu.memref_slice %arg10[%dma_wait3A_199, %dma_wait3A_201] : memref<3x1000xi32, #tpu.memory_space<vmem>> -> memref<1x1000xi32, #tpu.memory_space<vmem>>
    %dma_wait3A_203 = tpu.memref_squeeze %dma_wait3A_202 : memref<1x1000xi32, #tpu.memory_space<vmem>> -> memref<1000xi32, #tpu.memory_space<vmem>>
    %dma_wait3A_204 = tpu.memref_slice %arg3[%add3A_198] : memref<800000xi32, #tpu.memory_space<hbm>> -> memref<1000xi32, #tpu.memory_space<hbm>>
    %dma_wait3A_205 = tpu.memref_slice %arg15[%dma_wait3A_200] : memref<3x!tpu.dma_semaphore, #tpu.memory_space<semaphore_mem>> -> memref<1x!tpu.dma_semaphore, #tpu.memory_space<semaphore_mem>>
    %dma_wait3A_206 = tpu.memref_squeeze %dma_wait3A_205 : memref<1x!tpu.dma_semaphore, #tpu.memory_space<semaphore_mem>> -> memref<!tpu.dma_semaphore, #tpu.memory_space<semaphore_mem>>
    %dma_wait3A_207 = arith.constant 0 : i32
    %dma_wait3A_208 = tpu.memref_slice %arg10[%dma_wait3A_199, %dma_wait3A_207] : memref<3x1000xi32, #tpu.memory_space<vmem>> -> memref<1x1000xi32, #tpu.memory_space<vmem>>
    %dma_wait3A_209 = tpu.memref_squeeze %dma_wait3A_208 : memref<1x1000xi32, #tpu.memory_space<vmem>> -> memref<1000xi32, #tpu.memory_space<vmem>>
    %dma_wait3A_210 = tpu.memref_slice %arg3[%add3A_198] : memref<800000xi32, #tpu.memory_space<hbm>> -> memref<1000xi32, #tpu.memory_space<hbm>>
    tpu.wait_dma2 semaphore(%dma_wait3A_206 : memref<!tpu.dma_semaphore, #tpu.memory_space<semaphore_mem>>) src(%dma_wait3A_210 : memref<1000xi32, #tpu.memory_space<hbm>>) dst(%dma_wait3A_209 : memref<1000xi32, #tpu.memory_space<vmem>>)
    %dma_start3A_211 = arith.constant 0 : i32
    %dma_start3A_212 = arith.constant 0 : i32
    %dma_start3A_213 = arith.constant 0 : i32
    %dma_start3A_214 = arith.constant 0 : i32
    %dma_start3A_215 = arith.constant 0 : i32
    %dma_start3A_216 = tpu.memref_slice %arg11[%dma_start3A_212, %dma_start3A_214, %dma_start3A_215] : memref<2x1000x32xf32, #tpu.memory_space<vmem>> -> memref<1x1000x32xf32, #tpu.memory_space<vmem>>
    %dma_start3A_217 = tpu.memref_squeeze %dma_start3A_216 : memref<1x1000x32xf32, #tpu.memory_space<vmem>> -> memref<1000x32xf32, #tpu.memory_space<vmem>>
    %dma_start3A_218 = arith.constant 0 : i32
    %dma_start3A_219 = tpu.memref_slice %arg9[%dma_start3A_211, %dma_start3A_218] : memref<3x1000xi32, #tpu.memory_space<vmem>> -> memref<1x1000xi32, #tpu.memory_space<vmem>>
    %dma_start3A_220 = tpu.memref_squeeze %dma_start3A_219 : memref<1x1000xi32, #tpu.memory_space<vmem>> -> memref<1000xi32, #tpu.memory_space<vmem>>
    %dma_start3A_221 = arith.constant 0 : i32
    %dma_start3A_222 = arith.constant 0 : i32
    %dma_start3A_223 = tpu.memref_slice %arg5[%dma_start3A_221, %dma_start3A_222] : memref<50176x32xf32, #tpu.memory_space<hbm>> -> memref<50176x32xf32, #tpu.memory_space<hbm>>
    %dma_start3A_224 = tpu.memref_slice %arg13[%dma_start3A_213] : memref<2x!tpu.dma_semaphore, #tpu.memory_space<semaphore_mem>> -> memref<1x!tpu.dma_semaphore, #tpu.memory_space<semaphore_mem>>
    %dma_start3A_225 = tpu.memref_squeeze %dma_start3A_224 : memref<1x!tpu.dma_semaphore, #tpu.memory_space<semaphore_mem>> -> memref<!tpu.dma_semaphore, #tpu.memory_space<semaphore_mem>>
    tpu.enqueue_indirect_dma source(%dma_start3A_223 : memref<50176x32xf32, #tpu.memory_space<hbm>>) target(%dma_start3A_217 : memref<1000x32xf32, #tpu.memory_space<vmem>>) offsets(%dma_start3A_220 : memref<1000xi32, #tpu.memory_space<vmem>>) semaphore(%dma_start3A_225 : memref<!tpu.dma_semaphore, #tpu.memory_space<semaphore_mem>>)
    %scan3A_226 = arith.constant 0 : i32
    %scan3A_227 = arith.constant 0 : i32
    %scan3A_228 = arith.constant 25 : i32
    %scan3A_229 = arith.addi %scan3A_227, %scan3A_228 : i32
    %scan3A_230 = arith.constant 1 : i32
    scf.for %scan3A_251 = %scan3A_227 to %scan3A_229 step %scan3A_230  : i32 {
      %rem3A = arith.constant 2 : i32
      %rem3A_252 = arith.remsi %scan3A_251, %rem3A : i32
      %sub3A = arith.constant 1 : i32
      %sub3A_253 = arith.subi %sub3A, %rem3A_252 : i32
      %rem3A_254 = arith.constant 3 : i32
      %rem3A_255 = arith.remsi %scan3A_251, %rem3A_254 : i32
      %ge3A = arith.constant 1 : i32
      %ge3A_256 = arith.cmpi sge, %scan3A_251, %ge3A : i32
      %convert_element_type3A = arith.extui %ge3A_256 : i1 to i32
      %cond3A = arith.constant 0 : i32
      %cond3A_257 = arith.cmpi ne, %convert_element_type3A, %cond3A : i32
      scf.if %cond3A_257 {
        %add3A_288 = arith.constant 2 : i32
        %add3A_289 = arith.addi %scan3A_251, %add3A_288 : i32
        %rem3A_290 = arith.constant 3 : i32
        %rem3A_291 = arith.remsi %add3A_289, %rem3A_290 : i32
        %dma_wait3A_292 = arith.constant 0 : i32
        %dma_wait3A_293 = arith.constant 0 : i32
        %dma_wait3A_294 = tpu.memref_slice %arg11[%sub3A_253, %dma_wait3A_292, %dma_wait3A_293] : memref<2x1000x32xf32, #tpu.memory_space<vmem>> -> memref<1x1000x32xf32, #tpu.memory_space<vmem>>
        %dma_wait3A_295 = tpu.memref_squeeze %dma_wait3A_294 : memref<1x1000x32xf32, #tpu.memory_space<vmem>> -> memref<1000x32xf32, #tpu.memory_space<vmem>>
        %dma_wait3A_296 = arith.constant 0 : i32
        %dma_wait3A_297 = tpu.memref_slice %arg10[%rem3A_291, %dma_wait3A_296] : memref<3x1000xi32, #tpu.memory_space<vmem>> -> memref<1x1000xi32, #tpu.memory_space<vmem>>
        %dma_wait3A_298 = tpu.memref_squeeze %dma_wait3A_297 : memref<1x1000xi32, #tpu.memory_space<vmem>> -> memref<1000xi32, #tpu.memory_space<vmem>>
        %dma_wait3A_299 = arith.constant 0 : i32
        %dma_wait3A_300 = arith.constant 0 : i32
        %dma_wait3A_301 = tpu.memref_slice %arg12[%dma_wait3A_299, %dma_wait3A_300] : memref<25088x32xf32, #tpu.memory_space<vmem_shared>> -> memref<25088x32xf32, #tpu.memory_space<vmem_shared>>
        %dma_wait3A_302 = tpu.memref_slice %arg14[%sub3A_253] : memref<2x!tpu.dma_semaphore, #tpu.memory_space<semaphore_mem>> -> memref<1x!tpu.dma_semaphore, #tpu.memory_space<semaphore_mem>>
        %dma_wait3A_303 = tpu.memref_squeeze %dma_wait3A_302 : memref<1x!tpu.dma_semaphore, #tpu.memory_space<semaphore_mem>> -> memref<!tpu.dma_semaphore, #tpu.memory_space<semaphore_mem>>
        tpu.wait_indirect_dma semaphore(%dma_wait3A_303 : memref<!tpu.dma_semaphore, #tpu.memory_space<semaphore_mem>>) src(%dma_wait3A_295 : memref<1000x32xf32, #tpu.memory_space<vmem>>) dst(%dma_wait3A_301 : memref<25088x32xf32, #tpu.memory_space<vmem_shared>>)
      } else {
      }
      %add3A_258 = arith.constant 1 : i32
      %add3A_259 = arith.addi %scan3A_251, %add3A_258 : i32
      %lt3A = arith.constant 25 : i32
      %lt3A_260 = arith.cmpi slt, %add3A_259, %lt3A : i32
      %convert_element_type3A_261 = arith.extui %lt3A_260 : i1 to i32
      %cond3A_262 = arith.constant 0 : i32
      %cond3A_263 = arith.cmpi ne, %convert_element_type3A_261, %cond3A_262 : i32
      scf.if %cond3A_263 {
        %add3A_288 = arith.constant 1 : i32
        %add3A_289 = arith.addi %scan3A_251, %add3A_288 : i32
        %rem3A_290 = arith.constant 3 : i32
        %rem3A_291 = arith.remsi %add3A_289, %rem3A_290 : i32
        %add3A_292 = arith.constant 1 : i32
        %add3A_293 = arith.addi %scan3A_251, %add3A_292 : i32
        %mul3A_294 = arith.constant 1000 : i32
        %mul3A_295 = arith.muli %add3A_293, %mul3A_294 : i32
        %add3A_296 = arith.addi %add3A, %mul3A_295 : i32
        %dma_wait3A_297 = arith.constant 0 : i32
        %dma_wait3A_298 = tpu.memref_slice %arg9[%rem3A_291, %dma_wait3A_297] : memref<3x1000xi32, #tpu.memory_space<vmem>> -> memref<1x1000xi32, #tpu.memory_space<vmem>>
        %dma_wait3A_299 = tpu.memref_squeeze %dma_wait3A_298 : memref<1x1000xi32, #tpu.memory_space<vmem>> -> memref<1000xi32, #tpu.memory_space<vmem>>
        %dma_wait3A_300 = tpu.memref_slice %arg2[%add3A_296] : memref<800000xi32, #tpu.memory_space<hbm>> -> memref<1000xi32, #tpu.memory_space<hbm>>
        %dma_wait3A_301 = tpu.memref_slice %arg15[%rem3A_291] : memref<3x!tpu.dma_semaphore, #tpu.memory_space<semaphore_mem>> -> memref<1x!tpu.dma_semaphore, #tpu.memory_space<semaphore_mem>>
        %dma_wait3A_302 = tpu.memref_squeeze %dma_wait3A_301 : memref<1x!tpu.dma_semaphore, #tpu.memory_space<semaphore_mem>> -> memref<!tpu.dma_semaphore, #tpu.memory_space<semaphore_mem>>
        %dma_wait3A_303 = arith.constant 0 : i32
        %dma_wait3A_304 = tpu.memref_slice %arg9[%rem3A_291, %dma_wait3A_303] : memref<3x1000xi32, #tpu.memory_space<vmem>> -> memref<1x1000xi32, #tpu.memory_space<vmem>>
        %dma_wait3A_305 = tpu.memref_squeeze %dma_wait3A_304 : memref<1x1000xi32, #tpu.memory_space<vmem>> -> memref<1000xi32, #tpu.memory_space<vmem>>
        %dma_wait3A_306 = tpu.memref_slice %arg2[%add3A_296] : memref<800000xi32, #tpu.memory_space<hbm>> -> memref<1000xi32, #tpu.memory_space<hbm>>
        tpu.wait_dma2 semaphore(%dma_wait3A_302 : memref<!tpu.dma_semaphore, #tpu.memory_space<semaphore_mem>>) src(%dma_wait3A_306 : memref<1000xi32, #tpu.memory_space<hbm>>) dst(%dma_wait3A_305 : memref<1000xi32, #tpu.memory_space<vmem>>)
        %mul3A_307 = arith.constant 1000 : i32
        %mul3A_308 = arith.muli %add3A_293, %mul3A_307 : i32
        %add3A_309 = arith.addi %add3A, %mul3A_308 : i32
        %dma_wait3A_310 = arith.constant 0 : i32
        %dma_wait3A_311 = tpu.memref_slice %arg10[%rem3A_291, %dma_wait3A_310] : memref<3x1000xi32, #tpu.memory_space<vmem>> -> memref<1x1000xi32, #tpu.memory_space<vmem>>
        %dma_wait3A_312 = tpu.memref_squeeze %dma_wait3A_311 : memref<1x1000xi32, #tpu.memory_space<vmem>> -> memref<1000xi32, #tpu.memory_space<vmem>>
        %dma_wait3A_313 = tpu.memref_slice %arg3[%add3A_309] : memref<800000xi32, #tpu.memory_space<hbm>> -> memref<1000xi32, #tpu.memory_space<hbm>>
        %dma_wait3A_314 = tpu.memref_slice %arg15[%rem3A_291] : memref<3x!tpu.dma_semaphore, #tpu.memory_space<semaphore_mem>> -> memref<1x!tpu.dma_semaphore, #tpu.memory_space<semaphore_mem>>
        %dma_wait3A_315 = tpu.memref_squeeze %dma_wait3A_314 : memref<1x!tpu.dma_semaphore, #tpu.memory_space<semaphore_mem>> -> memref<!tpu.dma_semaphore, #tpu.memory_space<semaphore_mem>>
        %dma_wait3A_316 = arith.constant 0 : i32
        %dma_wait3A_317 = tpu.memref_slice %arg10[%rem3A_291, %dma_wait3A_316] : memref<3x1000xi32, #tpu.memory_space<vmem>> -> memref<1x1000xi32, #tpu.memory_space<vmem>>
        %dma_wait3A_318 = tpu.memref_squeeze %dma_wait3A_317 : memref<1x1000xi32, #tpu.memory_space<vmem>> -> memref<1000xi32, #tpu.memory_space<vmem>>
        %dma_wait3A_319 = tpu.memref_slice %arg3[%add3A_309] : memref<800000xi32, #tpu.memory_space<hbm>> -> memref<1000xi32, #tpu.memory_space<hbm>>
        tpu.wait_dma2 semaphore(%dma_wait3A_315 : memref<!tpu.dma_semaphore, #tpu.memory_space<semaphore_mem>>) src(%dma_wait3A_319 : memref<1000xi32, #tpu.memory_space<hbm>>) dst(%dma_wait3A_318 : memref<1000xi32, #tpu.memory_space<vmem>>)
        %dma_start3A_320 = arith.constant 0 : i32
        %dma_start3A_321 = arith.constant 0 : i32
        %dma_start3A_322 = tpu.memref_slice %arg11[%sub3A_253, %dma_start3A_320, %dma_start3A_321] : memref<2x1000x32xf32, #tpu.memory_space<vmem>> -> memref<1x1000x32xf32, #tpu.memory_space<vmem>>
        %dma_start3A_323 = tpu.memref_squeeze %dma_start3A_322 : memref<1x1000x32xf32, #tpu.memory_space<vmem>> -> memref<1000x32xf32, #tpu.memory_space<vmem>>
        %dma_start3A_324 = arith.constant 0 : i32
        %dma_start3A_325 = tpu.memref_slice %arg9[%rem3A_291, %dma_start3A_324] : memref<3x1000xi32, #tpu.memory_space<vmem>> -> memref<1x1000xi32, #tpu.memory_space<vmem>>
        %dma_start3A_326 = tpu.memref_squeeze %dma_start3A_325 : memref<1x1000xi32, #tpu.memory_space<vmem>> -> memref<1000xi32, #tpu.memory_space<vmem>>
        %dma_start3A_327 = arith.constant 0 : i32
        %dma_start3A_328 = arith.constant 0 : i32
        %dma_start3A_329 = tpu.memref_slice %arg5[%dma_start3A_327, %dma_start3A_328] : memref<50176x32xf32, #tpu.memory_space<hbm>> -> memref<50176x32xf32, #tpu.memory_space<hbm>>
        %dma_start3A_330 = tpu.memref_slice %arg13[%sub3A_253] : memref<2x!tpu.dma_semaphore, #tpu.memory_space<semaphore_mem>> -> memref<1x!tpu.dma_semaphore, #tpu.memory_space<semaphore_mem>>
        %dma_start3A_331 = tpu.memref_squeeze %dma_start3A_330 : memref<1x!tpu.dma_semaphore, #tpu.memory_space<semaphore_mem>> -> memref<!tpu.dma_semaphore, #tpu.memory_space<semaphore_mem>>
        tpu.enqueue_indirect_dma source(%dma_start3A_329 : memref<50176x32xf32, #tpu.memory_space<hbm>>) target(%dma_start3A_323 : memref<1000x32xf32, #tpu.memory_space<vmem>>) offsets(%dma_start3A_326 : memref<1000xi32, #tpu.memory_space<vmem>>) semaphore(%dma_start3A_331 : memref<!tpu.dma_semaphore, #tpu.memory_space<semaphore_mem>>)
        %add3A_332 = arith.constant 2 : i32
        %add3A_333 = arith.addi %scan3A_251, %add3A_332 : i32
        %lt3A_334 = arith.constant 25 : i32
        %lt3A_335 = arith.cmpi slt, %add3A_333, %lt3A_334 : i32
        %convert_element_type3A_336 = arith.extui %lt3A_335 : i1 to i32
        %cond3A_337 = arith.constant 0 : i32
        %cond3A_338 = arith.cmpi ne, %convert_element_type3A_336, %cond3A_337 : i32
        scf.if %cond3A_338 {
          %add3A_339 = arith.constant 2 : i32
          %add3A_340 = arith.addi %scan3A_251, %add3A_339 : i32
          %add3A_341 = arith.constant 2 : i32
          %add3A_342 = arith.addi %scan3A_251, %add3A_341 : i32
          %rem3A_343 = arith.constant 3 : i32
          %rem3A_344 = arith.remsi %add3A_342, %rem3A_343 : i32
          %mul3A_345 = arith.constant 1000 : i32
          %mul3A_346 = arith.muli %add3A_340, %mul3A_345 : i32
          %add3A_347 = arith.addi %add3A, %mul3A_346 : i32
          %dma_start3A_348 = arith.constant 0 : i32
          %dma_start3A_349 = tpu.memref_slice %arg9[%rem3A_344, %dma_start3A_348] : memref<3x1000xi32, #tpu.memory_space<vmem>> -> memref<1x1000xi32, #tpu.memory_space<vmem>>
          %dma_start3A_350 = tpu.memref_squeeze %dma_start3A_349 : memref<1x1000xi32, #tpu.memory_space<vmem>> -> memref<1000xi32, #tpu.memory_space<vmem>>
          %dma_start3A_351 = tpu.memref_slice %arg2[%add3A_347] : memref<800000xi32, #tpu.memory_space<hbm>> -> memref<1000xi32, #tpu.memory_space<hbm>>
          %dma_start3A_352 = tpu.memref_slice %arg15[%rem3A_344] : memref<3x!tpu.dma_semaphore, #tpu.memory_space<semaphore_mem>> -> memref<1x!tpu.dma_semaphore, #tpu.memory_space<semaphore_mem>>
          %dma_start3A_353 = tpu.memref_squeeze %dma_start3A_352 : memref<1x!tpu.dma_semaphore, #tpu.memory_space<semaphore_mem>> -> memref<!tpu.dma_semaphore, #tpu.memory_space<semaphore_mem>>
          %dma_start3A_354 = arith.constant 0 : i32
          %dma_start3A_355 = tpu.memref_slice %arg9[%rem3A_344, %dma_start3A_354] : memref<3x1000xi32, #tpu.memory_space<vmem>> -> memref<1x1000xi32, #tpu.memory_space<vmem>>
          %dma_start3A_356 = tpu.memref_squeeze %dma_start3A_355 : memref<1x1000xi32, #tpu.memory_space<vmem>> -> memref<1000xi32, #tpu.memory_space<vmem>>
          %dma_start3A_357 = tpu.memref_slice %arg2[%add3A_347] : memref<800000xi32, #tpu.memory_space<hbm>> -> memref<1000xi32, #tpu.memory_space<hbm>>
          tpu.enqueue_dma source(%dma_start3A_357 : memref<1000xi32, #tpu.memory_space<hbm>>) target(%dma_start3A_356 : memref<1000xi32, #tpu.memory_space<vmem>>) target_semaphore(%dma_start3A_353 : memref<!tpu.dma_semaphore, #tpu.memory_space<semaphore_mem>>)
          %mul3A_358 = arith.constant 1000 : i32
          %mul3A_359 = arith.muli %add3A_340, %mul3A_358 : i32
          %add3A_360 = arith.addi %add3A, %mul3A_359 : i32
          %dma_start3A_361 = arith.constant 0 : i32
          %dma_start3A_362 = tpu.memref_slice %arg10[%rem3A_344, %dma_start3A_361] : memref<3x1000xi32, #tpu.memory_space<vmem>> -> memref<1x1000xi32, #tpu.memory_space<vmem>>
          %dma_start3A_363 = tpu.memref_squeeze %dma_start3A_362 : memref<1x1000xi32, #tpu.memory_space<vmem>> -> memref<1000xi32, #tpu.memory_space<vmem>>
          %dma_start3A_364 = tpu.memref_slice %arg3[%add3A_360] : memref<800000xi32, #tpu.memory_space<hbm>> -> memref<1000xi32, #tpu.memory_space<hbm>>
          %dma_start3A_365 = tpu.memref_slice %arg15[%rem3A_344] : memref<3x!tpu.dma_semaphore, #tpu.memory_space<semaphore_mem>> -> memref<1x!tpu.dma_semaphore, #tpu.memory_space<semaphore_mem>>
          %dma_start3A_366 = tpu.memref_squeeze %dma_start3A_365 : memref<1x!tpu.dma_semaphore, #tpu.memory_space<semaphore_mem>> -> memref<!tpu.dma_semaphore, #tpu.memory_space<semaphore_mem>>
          %dma_start3A_367 = arith.constant 0 : i32
          %dma_start3A_368 = tpu.memref_slice %arg10[%rem3A_344, %dma_start3A_367] : memref<3x1000xi32, #tpu.memory_space<vmem>> -> memref<1x1000xi32, #tpu.memory_space<vmem>>
          %dma_start3A_369 = tpu.memref_squeeze %dma_start3A_368 : memref<1x1000xi32, #tpu.memory_space<vmem>> -> memref<1000xi32, #tpu.memory_space<vmem>>
          %dma_start3A_370 = tpu.memref_slice %arg3[%add3A_360] : memref<800000xi32, #tpu.memory_space<hbm>> -> memref<1000xi32, #tpu.memory_space<hbm>>
          tpu.enqueue_dma source(%dma_start3A_370 : memref<1000xi32, #tpu.memory_space<hbm>>) target(%dma_start3A_369 : memref<1000xi32, #tpu.memory_space<vmem>>) target_semaphore(%dma_start3A_366 : memref<!tpu.dma_semaphore, #tpu.memory_space<semaphore_mem>>)
        } else {
        }
      } else {
      }
      %dma_wait3A_264 = arith.constant 0 : i32
      %dma_wait3A_265 = arith.constant 0 : i32
      %dma_wait3A_266 = tpu.memref_slice %arg11[%rem3A_252, %dma_wait3A_264, %dma_wait3A_265] : memref<2x1000x32xf32, #tpu.memory_space<vmem>> -> memref<1x1000x32xf32, #tpu.memory_space<vmem>>
      %dma_wait3A_267 = tpu.memref_squeeze %dma_wait3A_266 : memref<1x1000x32xf32, #tpu.memory_space<vmem>> -> memref<1000x32xf32, #tpu.memory_space<vmem>>
      %dma_wait3A_268 = arith.constant 0 : i32
      %dma_wait3A_269 = tpu.memref_slice %arg9[%rem3A_255, %dma_wait3A_268] : memref<3x1000xi32, #tpu.memory_space<vmem>> -> memref<1x1000xi32, #tpu.memory_space<vmem>>
      %dma_wait3A_270 = tpu.memref_squeeze %dma_wait3A_269 : memref<1x1000xi32, #tpu.memory_space<vmem>> -> memref<1000xi32, #tpu.memory_space<vmem>>
      %dma_wait3A_271 = arith.constant 0 : i32
      %dma_wait3A_272 = arith.constant 0 : i32
      %dma_wait3A_273 = tpu.memref_slice %arg5[%dma_wait3A_271, %dma_wait3A_272] : memref<50176x32xf32, #tpu.memory_space<hbm>> -> memref<50176x32xf32, #tpu.memory_space<hbm>>
      %dma_wait3A_274 = tpu.memref_slice %arg13[%rem3A_252] : memref<2x!tpu.dma_semaphore, #tpu.memory_space<semaphore_mem>> -> memref<1x!tpu.dma_semaphore, #tpu.memory_space<semaphore_mem>>
      %dma_wait3A_275 = tpu.memref_squeeze %dma_wait3A_274 : memref<1x!tpu.dma_semaphore, #tpu.memory_space<semaphore_mem>> -> memref<!tpu.dma_semaphore, #tpu.memory_space<semaphore_mem>>
      tpu.wait_indirect_dma semaphore(%dma_wait3A_275 : memref<!tpu.dma_semaphore, #tpu.memory_space<semaphore_mem>>) src(%dma_wait3A_273 : memref<50176x32xf32, #tpu.memory_space<hbm>>) dst(%dma_wait3A_267 : memref<1000x32xf32, #tpu.memory_space<vmem>>)
      %dma_start3A_276 = arith.constant 0 : i32
      %dma_start3A_277 = arith.constant 0 : i32
      %dma_start3A_278 = tpu.memref_slice %arg11[%rem3A_252, %dma_start3A_276, %dma_start3A_277] : memref<2x1000x32xf32, #tpu.memory_space<vmem>> -> memref<1x1000x32xf32, #tpu.memory_space<vmem>>
      %dma_start3A_279 = tpu.memref_squeeze %dma_start3A_278 : memref<1x1000x32xf32, #tpu.memory_space<vmem>> -> memref<1000x32xf32, #tpu.memory_space<vmem>>
      %dma_start3A_280 = arith.constant 0 : i32
      %dma_start3A_281 = tpu.memref_slice %arg10[%rem3A_255, %dma_start3A_280] : memref<3x1000xi32, #tpu.memory_space<vmem>> -> memref<1x1000xi32, #tpu.memory_space<vmem>>
      %dma_start3A_282 = tpu.memref_squeeze %dma_start3A_281 : memref<1x1000xi32, #tpu.memory_space<vmem>> -> memref<1000xi32, #tpu.memory_space<vmem>>
      %dma_start3A_283 = arith.constant 0 : i32
      %dma_start3A_284 = arith.constant 0 : i32
      %dma_start3A_285 = tpu.memref_slice %arg12[%dma_start3A_283, %dma_start3A_284] : memref<25088x32xf32, #tpu.memory_space<vmem_shared>> -> memref<25088x32xf32, #tpu.memory_space<vmem_shared>>
      %dma_start3A_286 = tpu.memref_slice %arg14[%rem3A_252] : memref<2x!tpu.dma_semaphore, #tpu.memory_space<semaphore_mem>> -> memref<1x!tpu.dma_semaphore, #tpu.memory_space<semaphore_mem>>
      %dma_start3A_287 = tpu.memref_squeeze %dma_start3A_286 : memref<1x!tpu.dma_semaphore, #tpu.memory_space<semaphore_mem>> -> memref<!tpu.dma_semaphore, #tpu.memory_space<semaphore_mem>>
      tpu.enqueue_indirect_dma source(%dma_start3A_279 : memref<1000x32xf32, #tpu.memory_space<vmem>>) target(%dma_start3A_285 : memref<25088x32xf32, #tpu.memory_space<vmem_shared>>) offsets(%dma_start3A_282 : memref<1000xi32, #tpu.memory_space<vmem>>) semaphore(%dma_start3A_287 : memref<!tpu.dma_semaphore, #tpu.memory_space<semaphore_mem>>) {add = true}
    }
    %scan3A_231 = arith.constant 25 : i32
    %dma_wait3A_232 = arith.constant 0 : i32
    %dma_wait3A_233 = arith.constant 0 : i32
    %dma_wait3A_234 = arith.constant 0 : i32
    %dma_wait3A_235 = arith.constant 0 : i32
    %dma_wait3A_236 = arith.constant 0 : i32
    %dma_wait3A_237 = tpu.memref_slice %arg11[%dma_wait3A_232, %dma_wait3A_235, %dma_wait3A_236] : memref<2x1000x32xf32, #tpu.memory_space<vmem>> -> memref<1x1000x32xf32, #tpu.memory_space<vmem>>
    %dma_wait3A_238 = tpu.memref_squeeze %dma_wait3A_237 : memref<1x1000x32xf32, #tpu.memory_space<vmem>> -> memref<1000x32xf32, #tpu.memory_space<vmem>>
    %dma_wait3A_239 = arith.constant 0 : i32
    %dma_wait3A_240 = tpu.memref_slice %arg10[%dma_wait3A_233, %dma_wait3A_239] : memref<3x1000xi32, #tpu.memory_space<vmem>> -> memref<1x1000xi32, #tpu.memory_space<vmem>>
    %dma_wait3A_241 = tpu.memref_squeeze %dma_wait3A_240 : memref<1x1000xi32, #tpu.memory_space<vmem>> -> memref<1000xi32, #tpu.memory_space<vmem>>
    %dma_wait3A_242 = arith.constant 0 : i32
    %dma_wait3A_243 = arith.constant 0 : i32
    %dma_wait3A_244 = tpu.memref_slice %arg12[%dma_wait3A_242, %dma_wait3A_243] : memref<25088x32xf32, #tpu.memory_space<vmem_shared>> -> memref<25088x32xf32, #tpu.memory_space<vmem_shared>>
    %dma_wait3A_245 = tpu.memref_slice %arg14[%dma_wait3A_234] : memref<2x!tpu.dma_semaphore, #tpu.memory_space<semaphore_mem>> -> memref<1x!tpu.dma_semaphore, #tpu.memory_space<semaphore_mem>>
    %dma_wait3A_246 = tpu.memref_squeeze %dma_wait3A_245 : memref<1x!tpu.dma_semaphore, #tpu.memory_space<semaphore_mem>> -> memref<!tpu.dma_semaphore, #tpu.memory_space<semaphore_mem>>
    tpu.wait_indirect_dma semaphore(%dma_wait3A_246 : memref<!tpu.dma_semaphore, #tpu.memory_space<semaphore_mem>>) src(%dma_wait3A_238 : memref<1000x32xf32, #tpu.memory_space<vmem>>) dst(%dma_wait3A_244 : memref<25088x32xf32, #tpu.memory_space<vmem_shared>>)
    %barrier3A_247 = arith.constant 0 : index
    tpu.barrier barrier_id(%barrier3A_247)
    %mul3A_248 = arith.constant 25088 : i32
    %mul3A_249 = arith.muli %arg0, %mul3A_248 : i32
    %add3A_250 = arith.addi %mul3A_249, %mul3A_0 : i32
    "tpu.region"() ({
      %run_scoped3A = tpu.sem_alloc : memref<!tpu.dma_semaphore, #tpu.memory_space<semaphore_mem>>
      %dma_start3A_251 = arith.constant 0 : i32
      %dma_start3A_252 = tpu.memref_slice %arg8[%add3A_250, %dma_start3A_251] : memref<50176x32xf32, #tpu.memory_space<hbm>> -> memref<1568x32xf32, #tpu.memory_space<hbm>>
      %dma_start3A_253 = arith.constant 0 : i32
      %dma_start3A_254 = tpu.memref_slice %arg12[%mul3A_0, %dma_start3A_253] : memref<25088x32xf32, #tpu.memory_space<vmem_shared>> -> memref<1568x32xf32, #tpu.memory_space<vmem_shared>>
      tpu.enqueue_dma source(%dma_start3A_254 : memref<1568x32xf32, #tpu.memory_space<vmem_shared>>) target(%dma_start3A_252 : memref<1568x32xf32, #tpu.memory_space<hbm>>) target_semaphore(%run_scoped3A : memref<!tpu.dma_semaphore, #tpu.memory_space<semaphore_mem>>)
      %dma_wait3A_255 = arith.constant 0 : i32
      %dma_wait3A_256 = tpu.memref_slice %arg8[%add3A_250, %dma_wait3A_255] : memref<50176x32xf32, #tpu.memory_space<hbm>> -> memref<1568x32xf32, #tpu.memory_space<hbm>>
      %dma_wait3A_257 = arith.constant 0 : i32
      %dma_wait3A_258 = tpu.memref_slice %arg12[%mul3A_0, %dma_wait3A_257] : memref<25088x32xf32, #tpu.memory_space<vmem_shared>> -> memref<1568x32xf32, #tpu.memory_space<vmem_shared>>
      tpu.wait_dma2 semaphore(%run_scoped3A : memref<!tpu.dma_semaphore, #tpu.memory_space<semaphore_mem>>) src(%dma_wait3A_258 : memref<1568x32xf32, #tpu.memory_space<vmem_shared>>) dst(%dma_wait3A_256 : memref<1568x32xf32, #tpu.memory_space<hbm>>)
      tpu.yield
    }) : () -> ()
    return
  }
}

module attributes {stable_mosaic.version = 14 : i64} {
  func.func @_dense_body(%arg0: i32, %arg1: memref<3136x128xf32, #tpu.memory_space<vmem>>, %arg2: memref<3136x128xf32, #tpu.memory_space<vmem>>, %arg3: memref<3136x128xf32, #tpu.memory_space<vmem>>, %arg4: memref<3136x128xf32, #tpu.memory_space<vmem>>, %arg5: memref<128x128xf32, #tpu.memory_space<vmem>>, %arg6: memref<128x128xf32, #tpu.memory_space<vmem>>, %arg7: memref<128x128xf32, #tpu.memory_space<vmem>>, %arg8: memref<128x128xf32, #tpu.memory_space<vmem>>, %arg9: memref<128x128xf32, #tpu.memory_space<vmem>>, %arg10: memref<128x128xf32, #tpu.memory_space<vmem>>, %arg11: memref<128x128xf32, #tpu.memory_space<vmem>>, %arg12: memref<128x128xf32, #tpu.memory_space<vmem>>, %arg13: memref<128x128xf32, #tpu.memory_space<vmem>>, %arg14: memref<3136x128xf32, #tpu.memory_space<vmem>>, %arg15: memref<3136x128xf32, #tpu.memory_space<vmem>>) attributes {dimension_semantics = [#tpu.dimension_semantics<arbitrary>], iteration_bounds = array<i64: 4>, scalar_prefetch = 0 : i64, scratch_operands = 0 : i64, tpu.core_type = #tpu.core_type<tc>, window_params = [{transform_indices = @transform_0, window_bounds = array<i64: 3136, 128>}, {transform_indices = @transform_1, window_bounds = array<i64: 3136, 128>}, {transform_indices = @transform_2, window_bounds = array<i64: 3136, 128>}, {transform_indices = @transform_3, window_bounds = array<i64: 3136, 128>}, {pipeline_mode = #tpu.pipeline_mode<synchronous>, transform_indices = @transform_4, window_bounds = array<i64: 128, 128>}, {pipeline_mode = #tpu.pipeline_mode<synchronous>, transform_indices = @transform_5, window_bounds = array<i64: 128, 128>}, {pipeline_mode = #tpu.pipeline_mode<synchronous>, transform_indices = @transform_6, window_bounds = array<i64: 128, 128>}, {pipeline_mode = #tpu.pipeline_mode<synchronous>, transform_indices = @transform_7, window_bounds = array<i64: 128, 128>}, {pipeline_mode = #tpu.pipeline_mode<synchronous>, transform_indices = @transform_8, window_bounds = array<i64: 128, 128>}, {pipeline_mode = #tpu.pipeline_mode<synchronous>, transform_indices = @transform_9, window_bounds = array<i64: 128, 128>}, {pipeline_mode = #tpu.pipeline_mode<synchronous>, transform_indices = @transform_10, window_bounds = array<i64: 128, 128>}, {pipeline_mode = #tpu.pipeline_mode<synchronous>, transform_indices = @transform_11, window_bounds = array<i64: 128, 128>}, {pipeline_mode = #tpu.pipeline_mode<synchronous>, transform_indices = @transform_12, window_bounds = array<i64: 128, 128>}, {transform_indices = @transform_13, window_bounds = array<i64: 3136, 128>}, {transform_indices = @transform_14, window_bounds = array<i64: 3136, 128>}]} {
    %get3A = arith.constant 0 : index
    %get3A_0 = arith.constant 0 : index
    %get3A_1 = vector.load %arg1[%get3A, %get3A_0] : memref<3136x128xf32, #tpu.memory_space<vmem>>, vector<3136x128xf32>
    %get3A_2 = arith.constant 0 : index
    %get3A_3 = arith.constant 0 : index
    %get3A_4 = vector.load %arg2[%get3A_2, %get3A_3] : memref<3136x128xf32, #tpu.memory_space<vmem>>, vector<3136x128xf32>
    %get3A_5 = arith.constant 0 : index
    %get3A_6 = arith.constant 0 : index
    %get3A_7 = vector.load %arg3[%get3A_5, %get3A_6] : memref<3136x128xf32, #tpu.memory_space<vmem>>, vector<3136x128xf32>
    %get3A_8 = arith.constant 0 : index
    %get3A_9 = arith.constant 0 : index
    %get3A_10 = vector.load %arg4[%get3A_8, %get3A_9] : memref<3136x128xf32, #tpu.memory_space<vmem>>, vector<3136x128xf32>
    %add3A = arith.addf %get3A_1, %get3A_7 : vector<3136x128xf32>
    %add3A_11 = arith.addf %get3A_4, %get3A_10 : vector<3136x128xf32>
    %mul3A = arith.mulf %get3A_1, %get3A_7 : vector<3136x128xf32>
    %mul3A_12 = arith.mulf %get3A_4, %get3A_10 : vector<3136x128xf32>
    %get3A_13 = arith.constant 0 : index
    %get3A_14 = arith.constant 0 : index
    %get3A_15 = vector.load %arg5[%get3A_13, %get3A_14] : memref<128x128xf32, #tpu.memory_space<vmem>>, vector<128x128xf32>
    %dot_general3A = arith.constant dense<0.000000e+00> : vector<3136x128xf32>
    %dot_general3A_16 = tpu.matmul %add3A, %get3A_15, %dot_general3A {dimension_numbers = #tpu.dot_dimension_numbers<[1], [0], [0], [1], [0, 0, 1, 1], [], []>, transpose_lhs_hint = false} : vector<3136x128xf32>, vector<128x128xf32>, vector<3136x128xf32> -> vector<3136x128xf32>
    %get3A_17 = arith.constant 0 : index
    %get3A_18 = arith.constant 0 : index
    %get3A_19 = vector.load %arg6[%get3A_17, %get3A_18] : memref<128x128xf32, #tpu.memory_space<vmem>>, vector<128x128xf32>
    %dot_general3A_20 = arith.constant dense<0.000000e+00> : vector<3136x128xf32>
    %dot_general3A_21 = tpu.matmul %add3A_11, %get3A_19, %dot_general3A_20 {dimension_numbers = #tpu.dot_dimension_numbers<[1], [0], [0], [1], [0, 0, 1, 1], [], []>, transpose_lhs_hint = false} : vector<3136x128xf32>, vector<128x128xf32>, vector<3136x128xf32> -> vector<3136x128xf32>
    %add3A_22 = arith.addf %dot_general3A_16, %dot_general3A_21 : vector<3136x128xf32>
    %get3A_23 = arith.constant 0 : index
    %get3A_24 = arith.constant 0 : index
    %get3A_25 = vector.load %arg9[%get3A_23, %get3A_24] : memref<128x128xf32, #tpu.memory_space<vmem>>, vector<128x128xf32>
    %dot_general3A_26 = arith.constant dense<0.000000e+00> : vector<3136x128xf32>
    %dot_general3A_27 = tpu.matmul %mul3A, %get3A_25, %dot_general3A_26 {dimension_numbers = #tpu.dot_dimension_numbers<[1], [0], [0], [1], [0, 0, 1, 1], [], []>, transpose_lhs_hint = false} : vector<3136x128xf32>, vector<128x128xf32>, vector<3136x128xf32> -> vector<3136x128xf32>
    %add3A_28 = arith.addf %add3A_22, %dot_general3A_27 : vector<3136x128xf32>
    %get3A_29 = arith.constant 0 : index
    %get3A_30 = arith.constant 0 : index
    %get3A_31 = vector.load %arg10[%get3A_29, %get3A_30] : memref<128x128xf32, #tpu.memory_space<vmem>>, vector<128x128xf32>
    %dot_general3A_32 = arith.constant dense<0.000000e+00> : vector<3136x128xf32>
    %dot_general3A_33 = tpu.matmul %mul3A_12, %get3A_31, %dot_general3A_32 {dimension_numbers = #tpu.dot_dimension_numbers<[1], [0], [0], [1], [0, 0, 1, 1], [], []>, transpose_lhs_hint = false} : vector<3136x128xf32>, vector<128x128xf32>, vector<3136x128xf32> -> vector<3136x128xf32>
    %add3A_34 = arith.addf %add3A_28, %dot_general3A_33 : vector<3136x128xf32>
    %get3A_35 = arith.constant 0 : index
    %get3A_36 = arith.constant 0 : index
    %get3A_37 = vector.load %arg7[%get3A_35, %get3A_36] : memref<128x128xf32, #tpu.memory_space<vmem>>, vector<128x128xf32>
    %dot_general3A_38 = arith.constant dense<0.000000e+00> : vector<3136x128xf32>
    %dot_general3A_39 = tpu.matmul %add3A, %get3A_37, %dot_general3A_38 {dimension_numbers = #tpu.dot_dimension_numbers<[1], [0], [0], [1], [0, 0, 1, 1], [], []>, transpose_lhs_hint = false} : vector<3136x128xf32>, vector<128x128xf32>, vector<3136x128xf32> -> vector<3136x128xf32>
    %get3A_40 = arith.constant 0 : index
    %get3A_41 = arith.constant 0 : index
    %get3A_42 = vector.load %arg8[%get3A_40, %get3A_41] : memref<128x128xf32, #tpu.memory_space<vmem>>, vector<128x128xf32>
    %dot_general3A_43 = arith.constant dense<0.000000e+00> : vector<3136x128xf32>
    %dot_general3A_44 = tpu.matmul %add3A_11, %get3A_42, %dot_general3A_43 {dimension_numbers = #tpu.dot_dimension_numbers<[1], [0], [0], [1], [0, 0, 1, 1], [], []>, transpose_lhs_hint = false} : vector<3136x128xf32>, vector<128x128xf32>, vector<3136x128xf32> -> vector<3136x128xf32>
    %add3A_45 = arith.addf %dot_general3A_39, %dot_general3A_44 : vector<3136x128xf32>
    %get3A_46 = arith.constant 0 : index
    %get3A_47 = arith.constant 0 : index
    %get3A_48 = vector.load %arg11[%get3A_46, %get3A_47] : memref<128x128xf32, #tpu.memory_space<vmem>>, vector<128x128xf32>
    %dot_general3A_49 = arith.constant dense<0.000000e+00> : vector<3136x128xf32>
    %dot_general3A_50 = tpu.matmul %mul3A, %get3A_48, %dot_general3A_49 {dimension_numbers = #tpu.dot_dimension_numbers<[1], [0], [0], [1], [0, 0, 1, 1], [], []>, transpose_lhs_hint = false} : vector<3136x128xf32>, vector<128x128xf32>, vector<3136x128xf32> -> vector<3136x128xf32>
    %add3A_51 = arith.addf %add3A_45, %dot_general3A_50 : vector<3136x128xf32>
    %get3A_52 = arith.constant 0 : index
    %get3A_53 = arith.constant 0 : index
    %get3A_54 = vector.load %arg12[%get3A_52, %get3A_53] : memref<128x128xf32, #tpu.memory_space<vmem>>, vector<128x128xf32>
    %dot_general3A_55 = arith.constant dense<0.000000e+00> : vector<3136x128xf32>
    %dot_general3A_56 = tpu.matmul %mul3A_12, %get3A_54, %dot_general3A_55 {dimension_numbers = #tpu.dot_dimension_numbers<[1], [0], [0], [1], [0, 0, 1, 1], [], []>, transpose_lhs_hint = false} : vector<3136x128xf32>, vector<128x128xf32>, vector<3136x128xf32> -> vector<3136x128xf32>
    %add3A_57 = arith.addf %add3A_51, %dot_general3A_56 : vector<3136x128xf32>
    %gt3A = arith.constant 0.000000e+00 : f32
    %gt3A_58 = vector.broadcast %gt3A : f32 to vector<3136x128xf32>
    %gt3A_59 = arith.cmpf ogt, %add3A_34, %gt3A_58 : vector<3136x128xf32>
    %mul3A_60 = arith.constant 2.000000e-01 : f32
    %mul3A_61 = vector.broadcast %mul3A_60 : f32 to vector<3136x128xf32>
    %mul3A_62 = arith.mulf %mul3A_61, %add3A_34 : vector<3136x128xf32>
    %select_n3A = arith.select %gt3A_59, %add3A_34, %mul3A_62 : vector<3136x128xi1>, vector<3136x128xf32>
    %gt3A_63 = arith.constant 0.000000e+00 : f32
    %gt3A_64 = vector.broadcast %gt3A_63 : f32 to vector<3136x128xf32>
    %gt3A_65 = arith.cmpf ogt, %add3A_57, %gt3A_64 : vector<3136x128xf32>
    %mul3A_66 = arith.constant 2.000000e-01 : f32
    %mul3A_67 = vector.broadcast %mul3A_66 : f32 to vector<3136x128xf32>
    %mul3A_68 = arith.mulf %mul3A_67, %add3A_57 : vector<3136x128xf32>
    %select_n3A_69 = arith.select %gt3A_65, %add3A_57, %mul3A_68 : vector<3136x128xi1>, vector<3136x128xf32>
    %mul3A_70 = arith.mulf %select_n3A, %select_n3A : vector<3136x128xf32>
    %mul3A_71 = arith.mulf %select_n3A_69, %select_n3A_69 : vector<3136x128xf32>
    %add3A_72 = arith.addf %mul3A_70, %mul3A_71 : vector<3136x128xf32>
    %get3A_73 = arith.constant 0 : index
    %get3A_74 = arith.constant 0 : index
    %get3A_75 = vector.load %arg13[%get3A_73, %get3A_74] : memref<128x128xf32, #tpu.memory_space<vmem>>, vector<128x128xf32>
    %dot_general3A_76 = arith.constant dense<0.000000e+00> : vector<3136x128xf32>
    %dot_general3A_77 = tpu.matmul %add3A_72, %get3A_75, %dot_general3A_76 {dimension_numbers = #tpu.dot_dimension_numbers<[1], [0], [0], [1], [0, 0, 1, 1], [], []>, transpose_lhs_hint = false} : vector<3136x128xf32>, vector<128x128xf32>, vector<3136x128xf32> -> vector<3136x128xf32>
    %sqrt3A = math.sqrt %dot_general3A_77 : vector<3136x128xf32>
    %max3A = arith.constant 9.99999996E-13 : f32
    %max3A_78 = vector.broadcast %max3A : f32 to vector<3136x128xf32>
    %max3A_79 = arith.maximumf %sqrt3A, %max3A_78 : vector<3136x128xf32>
    %div3A = arith.constant 1.000000e+00 : f32
    %div3A_80 = vector.broadcast %div3A : f32 to vector<3136x128xf32>
    %div3A_81 = arith.divf %div3A_80, %max3A_79 : vector<3136x128xf32>
    %mul3A_82 = arith.mulf %select_n3A, %div3A_81 : vector<3136x128xf32>
    %swap3A = arith.constant 0 : index
    %swap3A_83 = arith.constant 0 : index
    %swap3A_84 = vector.load %arg14[%swap3A, %swap3A_83] : memref<3136x128xf32, #tpu.memory_space<vmem>>, vector<3136x128xf32>
    tpu.vector_store %arg14[%swap3A, %swap3A_83], %mul3A_82 {strides = array<i32>} : memref<3136x128xf32, #tpu.memory_space<vmem>>, vector<3136x128xf32>,
    %mul3A_85 = arith.mulf %select_n3A_69, %div3A_81 : vector<3136x128xf32>
    %swap3A_86 = arith.constant 0 : index
    %swap3A_87 = arith.constant 0 : index
    %swap3A_88 = vector.load %arg15[%swap3A_86, %swap3A_87] : memref<3136x128xf32, #tpu.memory_space<vmem>>, vector<3136x128xf32>
    tpu.vector_store %arg15[%swap3A_86, %swap3A_87], %mul3A_85 {strides = array<i32>} : memref<3136x128xf32, #tpu.memory_space<vmem>>, vector<3136x128xf32>,
    return
  }
  func.func @transform_0(%arg0: i32) -> (i32, i32) {
    %c0_i32 = arith.constant 0 : i32
    %c0_i32_0 = arith.constant 0 : i32
    return %arg0, %c0_i32 : i32, i32
  }
  func.func @transform_1(%arg0: i32) -> (i32, i32) {
    %c0_i32 = arith.constant 0 : i32
    %c0_i32_0 = arith.constant 0 : i32
    return %arg0, %c0_i32 : i32, i32
  }
  func.func @transform_2(%arg0: i32) -> (i32, i32) {
    %c0_i32 = arith.constant 0 : i32
    %c0_i32_0 = arith.constant 0 : i32
    return %arg0, %c0_i32 : i32, i32
  }
  func.func @transform_3(%arg0: i32) -> (i32, i32) {
    %c0_i32 = arith.constant 0 : i32
    %c0_i32_0 = arith.constant 0 : i32
    return %arg0, %c0_i32 : i32, i32
  }
  func.func @transform_4(%arg0: i32) -> (i32, i32) {
    %c0_i32 = arith.constant 0 : i32
    %c0_i32_0 = arith.constant 0 : i32
    %c0_i32_1 = arith.constant 0 : i32
    return %c0_i32, %c0_i32_0 : i32, i32
  }
  func.func @transform_5(%arg0: i32) -> (i32, i32) {
    %c0_i32 = arith.constant 0 : i32
    %c0_i32_0 = arith.constant 0 : i32
    %c0_i32_1 = arith.constant 0 : i32
    return %c0_i32, %c0_i32_0 : i32, i32
  }
  func.func @transform_6(%arg0: i32) -> (i32, i32) {
    %c0_i32 = arith.constant 0 : i32
    %c0_i32_0 = arith.constant 0 : i32
    %c0_i32_1 = arith.constant 0 : i32
    return %c0_i32, %c0_i32_0 : i32, i32
  }
  func.func @transform_7(%arg0: i32) -> (i32, i32) {
    %c0_i32 = arith.constant 0 : i32
    %c0_i32_0 = arith.constant 0 : i32
    %c0_i32_1 = arith.constant 0 : i32
    return %c0_i32, %c0_i32_0 : i32, i32
  }
  func.func @transform_8(%arg0: i32) -> (i32, i32) {
    %c0_i32 = arith.constant 0 : i32
    %c0_i32_0 = arith.constant 0 : i32
    %c0_i32_1 = arith.constant 0 : i32
    return %c0_i32, %c0_i32_0 : i32, i32
  }
  func.func @transform_9(%arg0: i32) -> (i32, i32) {
    %c0_i32 = arith.constant 0 : i32
    %c0_i32_0 = arith.constant 0 : i32
    %c0_i32_1 = arith.constant 0 : i32
    return %c0_i32, %c0_i32_0 : i32, i32
  }
  func.func @transform_10(%arg0: i32) -> (i32, i32) {
    %c0_i32 = arith.constant 0 : i32
    %c0_i32_0 = arith.constant 0 : i32
    %c0_i32_1 = arith.constant 0 : i32
    return %c0_i32, %c0_i32_0 : i32, i32
  }
  func.func @transform_11(%arg0: i32) -> (i32, i32) {
    %c0_i32 = arith.constant 0 : i32
    %c0_i32_0 = arith.constant 0 : i32
    %c0_i32_1 = arith.constant 0 : i32
    return %c0_i32, %c0_i32_0 : i32, i32
  }
  func.func @transform_12(%arg0: i32) -> (i32, i32) {
    %c0_i32 = arith.constant 0 : i32
    %c0_i32_0 = arith.constant 0 : i32
    %c0_i32_1 = arith.constant 0 : i32
    return %c0_i32, %c0_i32_0 : i32, i32
  }
  func.func @transform_13(%arg0: i32) -> (i32, i32) {
    %c0_i32 = arith.constant 0 : i32
    %c0_i32_0 = arith.constant 0 : i32
    return %arg0, %c0_i32 : i32, i32
  }
  func.func @transform_14(%arg0: i32) -> (i32, i32) {
    %c0_i32 = arith.constant 0 : i32
    %c0_i32_0 = arith.constant 0 : i32
    return %arg0, %c0_i32 : i32, i32
  }
}

module attributes {stable_mosaic.version = 14 : i64} {
  func.func @_xui_body(%arg0: i32, %arg1: memref<2048x256xf32, #tpu.memory_space<vmem>>, %arg2: memref<2048x256xf32, #tpu.memory_space<vmem>>, %arg3: memref<2048xf32, #tpu.memory_space<vmem>>) attributes {dimension_semantics = [#tpu.dimension_semantics<arbitrary>], iteration_bounds = array<i64: 8>, scalar_prefetch = 0 : i64, scratch_operands = 0 : i64, tpu.core_type = #tpu.core_type<tc>, window_params = [{transform_indices = @transform_0, window_bounds = array<i64: 2048, 256>}, {transform_indices = @transform_1, window_bounds = array<i64: 2048, 256>}, {transform_indices = @transform_2, window_bounds = array<i64: 2048>}]} {
    %get3A = arith.constant 0 : index
    %get3A_0 = arith.constant 0 : index
    %get3A_1 = vector.load %arg1[%get3A, %get3A_0] : memref<2048x256xf32, #tpu.memory_space<vmem>>, vector<2048x256xf32>
    %get3A_2 = arith.constant 0 : index
    %get3A_3 = arith.constant 0 : index
    %get3A_4 = vector.load %arg2[%get3A_2, %get3A_3] : memref<2048x256xf32, #tpu.memory_space<vmem>>, vector<2048x256xf32>
    %mul3A = arith.mulf %get3A_1, %get3A_4 : vector<2048x256xf32>
    %reduce_sum3A = arith.constant dense<0.000000e+00> : vector<2048xf32>
    %reduce_sum3A_5 = vector.multi_reduction <add>, %mul3A, %reduce_sum3A [1] : vector<2048x256xf32> to vector<2048xf32>
    %swap3A = arith.constant 0 : index
    %swap3A_6 = vector.load %arg3[%swap3A] : memref<2048xf32, #tpu.memory_space<vmem>>, vector<2048xf32>
    tpu.vector_store %arg3[%swap3A], %reduce_sum3A_5 {strides = array<i32>} : memref<2048xf32, #tpu.memory_space<vmem>>, vector<2048xf32>,
    return
  }
  func.func @transform_0(%arg0: i32) -> (i32, i32) {
    %c0_i32 = arith.constant 0 : i32
    %c0_i32_0 = arith.constant 0 : i32
    return %arg0, %c0_i32 : i32, i32
  }
  func.func @transform_1(%arg0: i32) -> (i32, i32) {
    %c0_i32 = arith.constant 0 : i32
    %c0_i32_0 = arith.constant 0 : i32
    return %arg0, %c0_i32 : i32, i32
  }
  func.func @transform_2(%arg0: i32) -> i32 {
    %c0_i32 = arith.constant 0 : i32
    return %arg0 : i32
  }
}

</mosaic_0001>

<sc_bundles>
// kernel: kernel.10.cloned.1.call-start
scs
__scs_entry_jumppad:
0x0: {  	(pc) =	sbr.rel $0x88, $3  }
0x1: {  	(tag) =	ssettag $0x0;
	lr =	simm.s32 $0x1  }
0x2: {  	[smem:$0x3F96] =	sst lr;
	_ =	strace $0xD0000000  }
0x3: {  	_ = 	snop  }
0x4: {  	_ = 	snop  }
0x5: {  	_ = 	snop  }
0x6: {  	_ = 	snop  }
0x7: {  	_ = 	snop  }
__scs_overlays_trampoline_lowered:
0x8: {  	[smem:$0x3FA5] =	sst s0  }
0x9: {  	[smem:$0x3FA6] =	sst s1  }
0xa: {  	[smem:$0x3FA7] =	sst s2  }
0xb: {  	[smem:$0x3FA8] =	sst s3  }
0xc: {  	[smem:$0x3FA9] =	sst s4  }
0xd: {  	[smem:$0x3FAA] =	sst s5  }
0xe: {  	[smem:$0x3FAB] =	sst s6  }
0xf: {  	[smem:$0x3FAC] =	sst s7  }
0x10: {  	[smem:$0x3FAD] =	sst s8  }
0x11: {  	[smem:$0x3FAE] =	sst s9;
	s0 =	simm.s32 @!p0 $0x0  }
0x12: {  	s1 =	sld [smem:$0x3F94];
	s0 =	simm.s32 @p0 $0x1  }
0x13: {  	[smem:$0x3FAF] =	sst s0;
	s0 =	simm.s32 @!p1 $0x0  }
0x14: {  	s2 =	sld [smem:$0x3F93];
	s0 =	simm.s32 @p1 $0x1  }
0x15: {  	[smem:$0x3FB0] =	sst s0;
	s0 =	simm.s32 @!p2 $0x0  }
0x16: {  	s3 =	sld [smem:$0x3FDB];
	s0 =	simm.s32 @p2 $0x1  }
0x17: {  	s4 =	simm.s32 $0x1BF5;
	[smem:$0x3FB2] =	sst s0  }
0x18: {  	s0 =	sld [smem:$0x3F95];
	_ =	swait.ge [sflag:s4], $0x0  }
0x19: {  	s7 =	sld [smem:$0x3F96]  }
0x1a: {  	s8 =	sadd.s32 $0xFFFFE003, lr  }
0x1b: {  	s9 =	sadd.s32 $0xFFFFFEF7, lr;
	s5 =	simm.s32 $0xFFFFFFFF;
	p2 =	slt.u32 s8, $0xFFFFF086  }
0x1c: {  	p1 =	slt.u32 s9, $0xF7A;
	s5 =	simm.s32 @!p2 $0x0  }
0x1d: {  	s5 =	simm.s32 @p1 $0x1;
	p0 =	seq.s32 s7, s2  }
0x1e: {  	s7 =	smul.u32 @!p0 $0xF7A, s2;
	p2 =	seq.s32 @!p0 s5, $0x0  }
0x1f: {  	s9 =	smul.u32 $0xF7A, s1;
	s8 =	simm.s32 @!p0 $0x1BF5;
	p2 =	por !p2, p0  }
0x20: {  	[sflag:s8] =	ssyncset.s32 @!p0 $0xFFFFF086;
	s6 =	sadd.s32 @!p0 s3, s7;
	s7 =	simm.s32 @!p0 $0x108  }
0x21: {  	s3 =	sadd.s32 s3, s9;
	s6 =	sadd.s32 @!p0 $0x88, s6;
	s7 =	simm.s32 @p2 $0x1082  }
0x22: {  	[simem:s7], [sflag:s8] =	dma.local @!p0 [hbm:s6], $0xF7A  }
0x23: {  	s9 =	sor.u32 $0xD0000000, s2;
	s6 =	simm.s32 $0x108;
	_ =	swait.ge @!p0 [sflag:s8], $0x0  }
0x24: {  	s3 =	sadd.s32 $0x88, s3;
	s6 =	simm.s32 @!p1 $0x1082;
	[sflag:s4] =	ssyncset.s32 $0xFFFFF086  }
0x25: {  	[simem:s6], [sflag:s4] =	dma.local [hbm:s3], $0xF7A  }
0x26: {  	[smem:$0x3F96] =	sst s1;
	(tag) =	ssettag s2;
	_ =	strace s9  }
0x27: {  	s1 =	sld [smem:$0x3FA6]  }
0x28: {  	s2 =	sld [smem:$0x3FA7]  }
0x29: {  	s4 =	sld [smem:$0x3FA9]  }
0x2a: {  	p0 =	seq.s32 s5, $0x0;
	s5 =	sld [smem:$0x3FAA]  }
0x2b: {  	s6 =	sld [smem:$0x3FAB]  }
0x2c: {  	s7 =	sld [smem:$0x3FAC]  }
0x2d: {  	s3 =	simm.s32 $0x108;
	s8 =	sld [smem:$0x3FAD]  }
0x2e: {  	s3 =	simm.s32 @!p0 $0x1082;
	s9 =	sld [smem:$0x3FAE]  }
0x2f: {  	lr =	sadd.s32 s0, s3;
	s0 =	sld [smem:$0x3FA5]  }
0x30: {  	s3 =	sld [smem:$0x3FA8]  }
0x31: {  	[smem:$0x3FB1] =	sst s10  }
0x32: {  	s10 =	sld [smem:$0x3FAF];
	_ =	sdelay $0x3  }
0x33: {  	p0 =	seq.s32 s10, $0x1;
	s10 =	sld [smem:$0x3FB1];
	_ =	sdelay $0x3  }
0x34: {  	[smem:$0x3FB1] =	sst s10  }
0x35: {  	s10 =	sld [smem:$0x3FB0];
	_ =	sdelay $0x3  }
0x36: {  	p1 =	seq.s32 s10, $0x1;
	s10 =	sld [smem:$0x3FB1];
	_ =	sdelay $0x3  }
0x37: {  	[smem:$0x3FB1] =	sst s10  }
0x38: {  	s10 =	sld [smem:$0x3FB2]  }
0x39: {  	_ = 	snop;
	(pc) =	sbr.ind lr, $3  }
0x3a: {  	_ = 	snop  }
0x3b: {  	_ = 	snop  }
0x3c: {  	p2 =	seq.s32 s10, $0x1;
	s10 =	sld [smem:$0x3FB1]  }
0x3d: {  	_ =	shalt  }
0x3e: {  	_ =	shalt  }
0x3f: {  	_ =	shalt  }
0x40: {  	_ =	shalt  }
0x41: {  	_ =	shalt  }
0x42: {  	_ =	shalt  }
0x43: {  	_ =	shalt  }
0x44: {  	_ =	shalt  }
0x45: {  	_ =	shalt  }
0x46: {  	_ =	shalt  }
0x47: {  	_ =	shalt  }
0x48: {  	_ =	shalt  }
0x49: {  	_ =	shalt  }
0x4a: {  	_ =	shalt  }
0x4b: {  	_ =	shalt  }
0x4c: {  	_ =	shalt  }
0x4d: {  	_ =	shalt  }
0x4e: {  	_ =	shalt  }
0x4f: {  	_ =	shalt  }
0x50: {  	_ =	shalt  }
0x51: {  	_ =	shalt  }
0x52: {  	_ =	shalt  }
0x53: {  	_ =	shalt  }
0x54: {  	_ =	shalt  }
0x55: {  	_ =	shalt  }
0x56: {  	_ =	shalt  }
0x57: {  	_ =	shalt  }
0x58: {  	_ =	shalt  }
0x59: {  	_ =	shalt  }
0x5a: {  	_ =	shalt  }
0x5b: {  	_ =	shalt  }
0x5c: {  	_ =	shalt  }
0x5d: {  	_ =	shalt  }
0x5e: {  	_ =	shalt  }
0x5f: {  	_ =	shalt  }
0x60: {  	_ =	shalt  }
0x61: {  	_ =	shalt  }
0x62: {  	_ =	shalt  }
0x63: {  	_ =	shalt  }
0x64: {  	_ =	shalt  }
0x65: {  	_ =	shalt  }
0x66: {  	_ =	shalt  }
0x67: {  	_ =	shalt  }
0x68: {  	_ =	shalt  }
0x69: {  	_ =	shalt  }
0x6a: {  	_ =	shalt  }
0x6b: {  	_ =	shalt  }
0x6c: {  	_ =	shalt  }
0x6d: {  	_ =	shalt  }
0x6e: {  	_ =	shalt  }
0x6f: {  	_ =	shalt  }
0x70: {  	_ =	shalt  }
0x71: {  	_ =	shalt  }
0x72: {  	_ =	shalt  }
0x73: {  	_ =	shalt  }
0x74: {  	_ =	shalt  }
0x75: {  	_ =	shalt  }
0x76: {  	_ =	shalt  }
0x77: {  	_ =	shalt  }
0x78: {  	_ =	shalt  }
0x79: {  	_ =	shalt  }
0x7a: {  	_ =	shalt  }
0x7b: {  	_ =	shalt  }
0x7c: {  	_ =	shalt  }
0x7d: {  	_ =	shalt  }
0x7e: {  	_ =	shalt  }
0x7f: {  	_ =	shalt  }
0x80: {  	_ =	shalt  }
0x81: {  	_ =	shalt  }
0x82: {  	_ =	shalt  }
0x83: {  	_ =	shalt  }
0x84: {  	_ =	shalt  }
0x85: {  	_ =	shalt  }
0x86: {  	_ =	shalt  }
0x87: {  	_ =	shalt  }
.Lfunc_end0:
.L_simem_size_0:
called_computation_lowered:
.L_overlay_start_0:
0x88: {  	s2 =	sld [smem:$0x3FD9]  }
0x89: {  	s3 =	sld [smem:$0x3FFE];
	_ =	sdelay $0x1  }
0x8a: {  	s1 =	srdreg.scid  }
0x8b: {  	s0 =	sand.u32 $0x1, s1  }
0x8c: {  	s14 =	sshll.u32 s0, $0xA;
	s2 =	sadd.s32 s3, s2  }
0x8d: {  	s2 =	sadd.s32 s2, s14  }
0x8e: {  	[smem:$0x3FBD] =	sst s2  }
0x8f: {  	_ = 	snop  }
0x90: {  	s2 =	sld [smem:$0x3FD0];
	_ =	sdelay $0x2  }
0x91: {  	s15 =	simm.s32 $0xA;
	s4 =	simm.s32 $0x10  }
0x92: {  	[smem:s4], [sflag:s15] =	dma.local [hbm:s2], $0x1  }
0x93: {  	_ =	swait.eq [sflag:s15], $0x1  }
0x94: {  	[sflag:s15] =	ssyncset.done $0x0  }
0x95: {  	s16 =	sld [smem:$0x11];
	[sflag:s15] =	ssyncadd.s32 $0xFFFFFFFF  }
0x96: {  	s17 =	sld [smem:$0x12];
	(tm) =	ssettm $0x1  }
0x97: {  	s18 =	sld [smem:$0x3FFB];
	_ =	sdelay $0x3  }
0x98: {  	_ =	strace s18  }
0x99: {  	s4 =	sld [smem:$0x3FFC];
	_ =	sdelay $0x3  }
0x9a: {  	_ =	strace s4  }
0x9b: {  	s4 =	sld [smem:$0x3FFD];
	_ =	sdelay $0x3  }
0x9c: {  	_ =	strace s4  }
0x9d: {  	_ =	strace $0x8FFFFFFF  }
0x9e: {  	s19 =	sld [smem:$0x3FDB];
	_ =	sdelay $0x1  }
0x9f: {  	s5 =	simm.s32 $_scs_section_size  }
0xa0: {  	s6 =	simm.s32 $_size__tile_overlayer_lowered;
	s7 =	simm.s32 $_tile_overlayer_lowered  }
0xa1: {  	s22 =	simm.s32 $0x1BFF;
	s21 =	sshll.u32 s7, $0x1;
	s4 =	sadd.s32 s5, s19  }
0xa2: {  	s8 =	simm.s32 $0x0;
	s20 =	sshll.u32 s6, $0x1;
	s6 =	sadd.s32 s21, s4  }
0xa3: {  	[timem:s8], [sflag:s22] =	dma.local [hbm:s6], s20  }
0xa4: {  	_ =	swait.ge [sflag:s22], s20  }
0xa5: {  	s5 =	ssub.s32 $0x0, s20;
	[sflag:s22] =	ssyncset.done $0x0  }
0xa6: {  	[sflag:s22] =	ssyncadd.s32 s5;
	_ =	sdelay $0x1  }
0xa7: {  	s23 =	simm.s32 $0x1B8B  }
0xa8: {  	_ =	swait.ge [sflag:s23], $0x1  }
0xa9: {  	[sflag:s23] =	ssyncset.done $0x0  }
0xaa: {  	s25 =	simm.s32 $0x1B8E;
	s24 =	sld [smem:$0x3FFE];
	[sflag:s23] =	ssyncadd.s32 $0xFFFFFFFF  }
0xab: {  	s26 =	simm.s32 $execute0_lowered;
	[smem:$0x3FD2] =	sst s25  }
0xac: {  	s6 =	sshll.u32 s26, $0x1;
	_ =	strace $0x80000046;
	[dreg:$0x1] =	wrdreg $0xFFFFFFFF  }
0xad: {  	s28 =	simm.s32 $_size_execute0_lowered;
	s4 =	sadd.s32 s4, s6;
	[dreg:$0x0] =	wrdreg $0x0  }
0xae: {  	s6 =	sshll.u32 s28, $0x1;
	[dreg:$0x2] =	wrdreg s4  }
0xaf: {  	[dreg:$0x3] =	wrdreg s6  }
0xb0: {  	[dreg:$0x4] =	wrdreg $0xC0  }
0xb1: {  	_ =	task [dreg:s8], $0x5FFFF  }
0xb2: {  	[dreg:$0x1] =	wrdreg $0xFFFFFFFF  }
0xb3: {  	[dreg:$0x0] =	wrdreg $0x60  }
0xb4: {  	[dreg:$0x2] =	wrdreg s24  }
0xb5: {  	[dreg:$0x3] =	wrdreg s17  }
0xb6: {  	[dreg:$0x4] =	wrdreg s16  }
0xb7: {  	[dreg:$0x5] =	wrdreg $0x111700  }
0xb8: {  	[dreg:$0x6] =	wrdreg $0x9  }
0xb9: {  	_ =	task.clear_ibuf [dreg:s8], $0x7FFFF;
	_ =	strace $0x90000046  }
0xba: {  	s29 =	simm.s32 $0x9;
	_ =	strace $0x80000048  }
0xbb: {  	_ =	swait.ge [sflag:s29], $0x1  }
0xbc: {  	[sflag:s29] =	ssyncadd.s32 $0xFFFFFFFF  }
0xbd: {  	_ =	strace $0x90000048  }
0xbe: {  	_ =	sfence  }
0xbf: {  	s30 =	sld [smem:$0x0];
	_ =	sdelay $0x2  }
0xc0: {  	s31 =	sshll.u32 s1, $0xD;
	s1 =	sshrl.u32 s1, $0x2  }
0xc1: {  	s3 =	sand.u32 $0x4000, s31;
	s1 =	sadd.s32 s1, s30  }
0xc2: {  	s0 =	sor.u32 s3, s0;
	s1 =	sshll.u32 s1, $0x11  }
0xc3: {  	s0 =	sor.u32 s1, s0  }
0xc4: {  	s0 =	sadd.s32 $0x8F2B, s0  }
0xc5: {  	[sflag:s0] =	ssyncadd.remote.s32 $0x1  }
0xc6: {  	_ =	sfence.sel $0xFFFF  }
0xc7: {  	[dreg:$0x0] =	wrdreg $0xFFFFFFFF;
	(pc) =	sbr.abs _section_cstart, $3  }
0xc8: {  	[dreg:$0x1] =	wrdreg $0xFFFFFFFF  }
0xc9: {  	_ =	task.clear_ibuf [dreg:s8], $0x2FFFF;
	_ =	strace $0x9FFFFFFF  }
0xca: {  	(tm) =	ssettm $0x7FFFFFFF  }
0xcb: {  	_ =	shalt  }
tec
execute0_lowered:
.L_overlay_start_1:
0x0: {  	(tag) =	ssettag $0x1  }
0x1: {  	s9 =	rddreg [dreg:$0x0]  }
0x2: {  	s1 =	rddreg [dreg:$0x1]  }
0x3: {  	s15 =	rddreg [dreg:$0x2]  }
0x4: {  	s3 =	rddreg [dreg:$0x3]  }
0x5: {  	s4 =	simm.s32 $0x0;
	s5 =	srdreg.scid;
	s0 =	stileid.u32  }
0x6: {  	s20 =	simm.s32 $0xBB8;
	s21 =	simm.s32 $0x3E8;
	s22 =	simm.s32 $0xFA0  }
0x7: {  	s23 =	simm.s32 $0x5;
	[smem:$0x7FF] =	sst s4;
	s11 =	smul.u32 $0x620, s0  }
0x8: {  	s10 =	sand.u32 $0x1, s5;
	s5 =	sadd.s32 $0x1FA00, s9;
	s24 =	smul.u32 $0x31000, s0  }
0x9: {  	s6 =	sadd.s32 $0x7200, s9;
	s7 =	sadd.s32 $0x38200, s9;
	s25 =	smul.u32 $0x61A8, s0  }
0xa: {  	s8 =	sadd.s32 $0x69200, s9;
	s28 =	sshll.u32 s0, $0x6;
	s12 =	smul.u32 $0x6200, s10  }
0xb: {  	_ =	strace $0x80000047;
	s13 =	smul.u32 $0x61A80, s10;
	s10 =	ssub.s32 $0x2, s10  }
0xc: {  	s26 =	sshrl.u32 s10, $0x1;
	s11 =	sadd.s32 s11, s12;
	s12 =	sshrl.u32 s24, $0x2  }
0xd: {  	s18 =	ssub.s32 s10, s26;
	s10 =	sor.u32 $0x1C08, s28;
	s24 =	simm.s32 $0x1770  }
0xe: {  	s26 =	simm.s32 $0x0;
	s16 =	sshll.u32 s11, $0x2;
	s19 =	sadd.s32 s12, s3  }
0xf: {  	s17 =	sadd.s32 s16, s9;
	s9 =	sadd.s32 s25, s13;
	s30 =	sadd.s32 s15, s16  }
.Ltmp0:
0x10: {  	s25 =	simm.s32 $0x3;
	s29 =	sshrl.u32 s9, $0x3;
	(pc) =	sbr.rel .LBB2_1-.Ltmp0, $4  }
0x11: {  	s13 =	sadd.s32 $0x3E8, s9;
	[dreg:$0x5] =	wrdreg s30;
	s31 =	sadd.s32 $0x6AC00, s17  }
0x12: {  	s17 =	smax.u32 s18, $0x1;
	s18 =	sshrl.u32 s19, $0x3;
	s19 =	simm.s32 $0x8  }
0x13: {  	s11 =	sadd.s32 s5, s29;
	s14 =	sshrl.u32 s13, $0x3;
	s12 =	sadd.s32 s6, s29  }
0x14: {  	[dreg:$0x6] =	wrdreg s31;
	s13 =	sadd.s32 s5, s14;
	s14 =	sadd.s32 s6, s14  }
.LBB2_9:
0x15: {  	_ =	swait.ge [sflag:s25], $0x7D00  }
0x16: {  	[sflag:s25] =	ssyncset.done $0x0  }
0x17: {  	s26 =	sadd.s32 $0x1, s26;
	[sflag:s25] =	ssyncadd.s32 $0xFFFF8300  }
0x18: {  	p0 =	sne.s32 s26, s17;
	[bflag:$0x0] =	sbarrier.arrive $0xFFFF  }
.Ltmp1:
0x19: {  	s0 =	rddreg [dreg:$0x6];
	(pc) =	sbr.rel @!p0 .LBB2_10-.Ltmp1, $4  }
0x1a: {  	[hbm:s0], [sflag:s10] =	dma.local [spmem:s18], $0x1880  }
0x1b: {  	_ =	swait.ge [sflag:s19], $0x1880  }
0x1c: {  	[sflag:s19] =	ssyncset.done $0x0  }
0x1d: {  	[sflag:s19] =	ssyncadd.s32 $0xFFFFE780  }
.LBB2_1:
0x1e: {  	[spmem:s18], [sflag:s10] =	dma.local [hbm:s8], $0x1880  }
0x1f: {  	_ =	swait.ge [sflag:s19], $0x1880  }
0x20: {  	[sflag:s19] =	ssyncset.done $0x0  }
0x21: {  	[sflag:s19] =	ssyncadd.s32 $0xFFFFE780  }
0x22: {  	[bflag:$0x0] =	sbarrier.arrive $0xFFFF  }
0x23: {  	[tilespmem:s4], [sflag:$0x5] =	stream.linear.gather [hbm4b:s11+s4], $0x3E8, $0x38;
	[tilespmem:$0x1D570] =	vst v63  }
0x24: {  	_ = 	snop  }
0x25: {  	[tilespmem:s20], [sflag:$0x5] =	stream.linear.gather [hbm4b:s12+s4], $0x3E8, $0x38;
	[tilespmem:$0x1D570] =	vst v63  }
0x26: {  	_ = 	snop  }
0x27: {  	[tilespmem:s21], [sflag:$0x6] =	stream.linear.gather [hbm4b:s13+s4], $0x3E8, $0x38;
	[tilespmem:$0x1D570] =	vst v63  }
0x28: {  	_ = 	snop  }
0x29: {  	[tilespmem:s22], [sflag:$0x6] =	stream.linear.gather [hbm4b:s14+s4], $0x3E8, $0x38;
	[tilespmem:$0x1D570] =	vst v63  }
0x2a: {  	_ =	swait.ge [sflag:s23], $0x3E8  }
0x2b: {  	[sflag:s23] =	ssyncset.done $0x0  }
.Ltmp2:
0x2c: {  	[sflag:s23] =	ssyncadd.s32 $0xFFFFFC18;
	(pc) =	sbr.rel .LBB2_2-.Ltmp2, $4  }
0x2d: {  	_ =	swait.ge [sflag:s23], $0x3E8  }
0x2e: {  	[sflag:s23] =	ssyncset.done $0x0  }
0x2f: {  	s29 =	simm.s32 $0x0;
	[sflag:s23] =	ssyncadd.s32 $0xFFFFFC18  }
0x30: {  	[tilespmem:s24], [sflag:$0x1] =	stream.indirect.gather [hbm4b:s1+s21], $0x20, s4, s21, $0xb8;
	[tilespmem:$0x1D570] =	vst v63  }
.LBB2_4:
0x31: {  	s0 =	smul.u32 $0xAB, s29;
	_ =	sdelay $0x1  }
0x32: {  	s0 =	sshrl.u32 s0, $0x9  }
0x33: {  	s0 =	sand.u32 $0x7F, s0  }
0x34: {  	s0 =	smul.u32 $0x3, s0;
	_ =	sdelay $0x1  }
0x35: {  	s0 =	ssub.s32 s29, s0  }
0x36: {  	s2 =	smul.u32 $0x1F400, s28;
	s0 =	sand.u32 $0xFF, s0  }
0x37: {  	p0 =	slt.u32 s30, $0x19;
	s0 =	smul.u32 $0xFA0, s0  }
.Ltmp3:
0x38: {  	s15 =	sadd.s32 $0x1, s28;
	(pc) =	sbr.rel @!p0 .LBB2_5-.Ltmp3, $4  }
0x39: {  	s31 =	sadd.s32 $0x3, s28;
	_ =	swait.ge [sflag:s15], $0x7D00;
	s2 =	sshrl.u32 s2, $0x2  }
0x3a: {  	[sflag:s15] =	ssyncset.done $0x0;
	s2 =	sadd.s32 $0x1770, s2;
	s0 =	sshrl.u32 s0, $0x2  }
0x3b: {  	[sflag:s15] =	ssyncadd.s32 $0xFFFF8300;
	s29 =	smov.u32 s30;
	s0 =	sadd.s32 $0xBB8, s0  }
0x3c: {  	[spmem:s3] =	stream.indirect.scatter.add.f32 [tilespmem:s2], [sflag:s31], $0x20, s0, s21, $0xb8;
	[tilespmem:$0x1D570] =	vst v63  }
.LBB2_2:
0x3d: {  	p0 =	seq.s32 s29, $0x0  }
0x3e: {  	p1 =	seq.s32 @!p0 s29, $0x18  }
0x3f: {  	s28 =	sand.u32 $0x1, s29;
	p1 =	por p0, !p1  }
.Ltmp4:
0x40: {  	s31 =	sxor.u32 $0x1, s28;
	(pc) =	sbr.rel @!p1 .LBB2_4-.Ltmp4, $4  }
0x41: {  	s30 =	sadd.s32 @!p0 $0x3, s31  }
0x42: {  	_ =	swait.ge @!p0 [sflag:s30], $0x7D00  }
0x43: {  	[sflag:s30] =	ssyncset.done @!p0 $0x0  }
0x44: {  	[sflag:s30] =	ssyncadd.s32 @!p0 $0xFFFF8300;
	s30 =	simm.s32 @!p0 $0x19  }
0x45: {  	s30 =	sadd.s32 @!p0 $0x1, s29  }
0x46: {  	s30 =	simm.s32 @p0 $0x1  }
0x47: {  	s0 =	smul.u32 $0xAB, s30;
	_ =	sdelay $0x1  }
0x48: {  	s0 =	sshrl.u32 s0, $0x9  }
0x49: {  	s0 =	sand.u32 $0x7F, s0  }
0x4a: {  	s0 =	smul.u32 $0x3, s0;
	_ =	sdelay $0x1  }
0x4b: {  	s0 =	ssub.s32 s30, s0  }
0x4c: {  	s0 =	sand.u32 $0xFF, s0  }
0x4d: {  	s2 =	sadd.s32 $0x5, s0  }
0x4e: {  	_ =	swait.ge [sflag:s2], $0x3E8  }
0x4f: {  	s15 =	smul.u32 $0x1F400, s31;
	[sflag:s2] =	ssyncset.done $0x0  }
0x50: {  	s31 =	sadd.s32 $0x1, s31;
	s0 =	smul.u32 $0xFA0, s0;
	[sflag:s2] =	ssyncadd.s32 $0xFFFFFC18  }
0x51: {  	p0 =	sgt.u32 s29, $0x16;
	s16 =	sshrl.u32 s15, $0x2;
	_ =	swait.ge [sflag:s2], $0x3E8  }
0x52: {  	s15 =	sadd.s32 @!p0 $0x2, s29;
	s0 =	sshrl.u32 s0, $0x2;
	[sflag:s2] =	ssyncset.done $0x0  }
0x53: {  	[sflag:s2] =	ssyncadd.s32 $0xFFFFFC18;
	s2 =	sadd.s32 $0x1770, s16;
	s16 =	smul.u32 @!p0 $0xAB, s15  }
0x54: {  	[tilespmem:s2], [sflag:s31] =	stream.indirect.gather [hbm4b:s1+s21], $0x20, s0, s21, $0xb8;
	[tilespmem:$0x1D570] =	vst v63  }
0x55: {  	s0 =	sshrl.u32 @!p0 s16, $0x9  }
0x56: {  	s0 =	sand.u32 @!p0 $0x7F, s0  }
0x57: {  	s0 =	smul.u32 @!p0 $0x3, s0;
	_ =	sdelay $0x1  }
0x58: {  	s2 =	smul.u32 @!p0 $0x3E8, s15;
	s0 =	ssub.s32 @!p0 s15, s0  }
0x59: {  	s0 =	sand.u32 @!p0 $0xFF, s0  }
0x5a: {  	s2 =	sadd.s32 @!p0 s9, s2;
	s15 =	smul.u32 @!p0 $0x3E8, s0  }
.Ltmp5:
0x5b: {  	s2 =	sshrl.u32 @!p0 s2, $0x3;
	(pc) =	sbr.rel .LBB2_4-.Ltmp5, $4  }
0x5c: {  	s31 =	simm.s32 @!p0 $0x0;
	s16 =	sadd.s32 @!p0 s5, s2;
	s0 =	sadd.s32 @!p0 $0x5, s0  }
0x5d: {  	[tilespmem:s15], [sflag:s0] =	stream.linear.gather @!p0 [hbm4b:s16+s31], $0x3E8, $0x38;
	[tilespmem:$0x1D570] =	vst v63  }
0x5e: {  	s2 =	sadd.s32 @!p0 s6, s2;
	s15 =	sadd.s32 @!p0 $0xBB8, s15  }
0x5f: {  	[tilespmem:s15], [sflag:s0] =	stream.linear.gather @!p0 [hbm4b:s2+s31], $0x3E8, $0x38;
	[tilespmem:$0x1D570] =	vst v63  }
.LBB2_5:
0x60: {  	_ =	swait.ge [sflag:s25], $0x7D00  }
0x61: {  	[sflag:s25] =	ssyncset.done $0x0  }
0x62: {  	[sflag:s25] =	ssyncadd.s32 $0xFFFF8300  }
0x63: {  	[bflag:$0x0] =	sbarrier.arrive $0xFFFF  }
0x64: {  	s0 =	rddreg [dreg:$0x5]  }
0x65: {  	[hbm:s0], [sflag:s10] =	dma.local [spmem:s18], $0x1880  }
0x66: {  	_ =	swait.ge [sflag:s19], $0x1880  }
0x67: {  	[sflag:s19] =	ssyncset.done $0x0  }
0x68: {  	[sflag:s19] =	ssyncadd.s32 $0xFFFFE780  }
0x69: {  	[spmem:s18], [sflag:s10] =	dma.local [hbm:s8], $0x1880  }
0x6a: {  	_ =	swait.ge [sflag:s19], $0x1880  }
0x6b: {  	[sflag:s19] =	ssyncset.done $0x0  }
0x6c: {  	[sflag:s19] =	ssyncadd.s32 $0xFFFFE780  }
0x6d: {  	s28 =	simm.s32 $0x0;
	[bflag:$0x0] =	sbarrier.arrive $0xFFFF  }
0x6e: {  	[tilespmem:s28], [sflag:$0x5] =	stream.linear.gather [hbm4b:s11+s28], $0x3E8, $0x38;
	[tilespmem:$0x1D570] =	vst v63  }
0x6f: {  	_ = 	snop  }
0x70: {  	[tilespmem:s20], [sflag:$0x5] =	stream.linear.gather [hbm4b:s12+s28], $0x3E8, $0x38;
	[tilespmem:$0x1D570] =	vst v63  }
0x71: {  	_ = 	snop  }
0x72: {  	[tilespmem:s21], [sflag:$0x6] =	stream.linear.gather [hbm4b:s13+s28], $0x3E8, $0x38;
	[tilespmem:$0x1D570] =	vst v63  }
0x73: {  	_ = 	snop  }
0x74: {  	[tilespmem:s22], [sflag:$0x6] =	stream.linear.gather [hbm4b:s14+s28], $0x3E8, $0x38;
	[tilespmem:$0x1D570] =	vst v63  }
0x75: {  	_ =	swait.ge [sflag:s23], $0x3E8  }
0x76: {  	[sflag:s23] =	ssyncset.done $0x0  }
.Ltmp6:
0x77: {  	[sflag:s23] =	ssyncadd.s32 $0xFFFFFC18;
	(pc) =	sbr.rel .LBB2_6-.Ltmp6, $4  }
0x78: {  	_ =	swait.ge [sflag:s23], $0x3E8  }
0x79: {  	[sflag:s23] =	ssyncset.done $0x0  }
0x7a: {  	[sflag:s23] =	ssyncadd.s32 $0xFFFFFC18  }
0x7b: {  	[tilespmem:s24], [sflag:$0x1] =	stream.indirect.gather [hbm4b:s7+s21], $0x20, s28, s21, $0xb8;
	[tilespmem:$0x1D570] =	vst v63  }
.LBB2_8:
0x7c: {  	s0 =	smul.u32 $0xAB, s28;
	_ =	sdelay $0x1  }
0x7d: {  	s0 =	sshrl.u32 s0, $0x9  }
0x7e: {  	s0 =	sand.u32 $0x7F, s0  }
0x7f: {  	s0 =	smul.u32 $0x3, s0;
	_ =	sdelay $0x1  }
0x80: {  	s0 =	ssub.s32 s28, s0  }
0x81: {  	s2 =	smul.u32 $0x1F400, s29;
	s0 =	sand.u32 $0xFF, s0  }
0x82: {  	p0 =	slt.u32 s30, $0x19;
	s0 =	smul.u32 $0xFA0, s0  }
.Ltmp7:
0x83: {  	s15 =	sadd.s32 $0x1, s29;
	(pc) =	sbr.rel @!p0 .LBB2_9-.Ltmp7, $4  }
0x84: {  	s31 =	sadd.s32 $0x3, s29;
	_ =	swait.ge [sflag:s15], $0x7D00;
	s2 =	sshrl.u32 s2, $0x2  }
0x85: {  	[sflag:s15] =	ssyncset.done $0x0;
	s2 =	sadd.s32 $0x1770, s2;
	s0 =	sshrl.u32 s0, $0x2  }
0x86: {  	[sflag:s15] =	ssyncadd.s32 $0xFFFF8300;
	s28 =	smov.u32 s30;
	s0 =	sadd.s32 $0xBB8, s0  }
0x87: {  	[spmem:s3] =	stream.indirect.scatter.add.f32 [tilespmem:s2], [sflag:s31], $0x20, s0, s21, $0xb8;
	[tilespmem:$0x1D570] =	vst v63  }
.LBB2_6:
0x88: {  	p0 =	seq.s32 s28, $0x0  }
0x89: {  	p1 =	seq.s32 @!p0 s28, $0x18  }
0x8a: {  	s29 =	sand.u32 $0x1, s28;
	p1 =	por p0, !p1  }
.Ltmp8:
0x8b: {  	s31 =	sxor.u32 $0x1, s29;
	(pc) =	sbr.rel @!p1 .LBB2_8-.Ltmp8, $4  }
0x8c: {  	s0 =	sadd.s32 @!p0 $0x3, s31  }
0x8d: {  	_ =	swait.ge @!p0 [sflag:s0], $0x7D00  }
0x8e: {  	[sflag:s0] =	ssyncset.done @!p0 $0x0  }
0x8f: {  	s30 =	simm.s32 @!p0 $0x19;
	[sflag:s0] =	ssyncadd.s32 @!p0 $0xFFFF8300  }
0x90: {  	s30 =	sadd.s32 @!p0 $0x1, s28  }
0x91: {  	s30 =	simm.s32 @p0 $0x1  }
0x92: {  	s0 =	smul.u32 $0xAB, s30;
	_ =	sdelay $0x1  }
0x93: {  	s0 =	sshrl.u32 s0, $0x9  }
0x94: {  	s0 =	sand.u32 $0x7F, s0  }
0x95: {  	s0 =	smul.u32 $0x3, s0;
	_ =	sdelay $0x1  }
0x96: {  	s0 =	ssub.s32 s30, s0  }
0x97: {  	s0 =	sand.u32 $0xFF, s0  }
0x98: {  	s2 =	sadd.s32 $0x5, s0  }
0x99: {  	_ =	swait.ge [sflag:s2], $0x3E8  }
0x9a: {  	[sflag:s2] =	ssyncset.done $0x0  }
0x9b: {  	s15 =	smul.u32 $0x1F400, s31;
	[sflag:s2] =	ssyncadd.s32 $0xFFFFFC18  }
0x9c: {  	s0 =	smul.u32 $0xFA0, s0;
	_ =	swait.ge [sflag:s2], $0x3E8  }
0x9d: {  	p0 =	sgt.u32 s28, $0x16;
	s16 =	sshrl.u32 s15, $0x2;
	[sflag:s2] =	ssyncset.done $0x0  }
0x9e: {  	s15 =	sadd.s32 @!p0 $0x2, s28;
	s0 =	sshrl.u32 s0, $0x2;
	[sflag:s2] =	ssyncadd.s32 $0xFFFFFC18  }
0x9f: {  	s2 =	sadd.s32 $0x1770, s16;
	s16 =	sadd.s32 $0x1, s31;
	s31 =	smul.u32 @!p0 $0xAB, s15  }
0xa0: {  	[tilespmem:s2], [sflag:s16] =	stream.indirect.gather [hbm4b:s7+s21], $0x20, s0, s21, $0xb8;
	[tilespmem:$0x1D570] =	vst v63  }
0xa1: {  	s0 =	sshrl.u32 @!p0 s31, $0x9  }
0xa2: {  	s0 =	sand.u32 @!p0 $0x7F, s0  }
0xa3: {  	s0 =	smul.u32 @!p0 $0x3, s0;
	_ =	sdelay $0x1  }
0xa4: {  	s2 =	smul.u32 @!p0 $0x3E8, s15;
	s0 =	ssub.s32 @!p0 s15, s0  }
0xa5: {  	s0 =	sand.u32 @!p0 $0xFF, s0  }
0xa6: {  	s2 =	sadd.s32 @!p0 s9, s2;
	s15 =	smul.u32 @!p0 $0x3E8, s0  }
.Ltmp9:
0xa7: {  	s2 =	sshrl.u32 @!p0 s2, $0x3;
	(pc) =	sbr.rel .LBB2_8-.Ltmp9, $4  }
0xa8: {  	s31 =	simm.s32 @!p0 $0x0;
	s16 =	sadd.s32 @!p0 s5, s2;
	s0 =	sadd.s32 @!p0 $0x5, s0  }
0xa9: {  	[tilespmem:s15], [sflag:s0] =	stream.linear.gather @!p0 [hbm4b:s16+s31], $0x3E8, $0x38;
	[tilespmem:$0x1D570] =	vst v63  }
0xaa: {  	s2 =	sadd.s32 @!p0 s6, s2;
	s15 =	sadd.s32 @!p0 $0xBB8, s15  }
0xab: {  	[tilespmem:s15], [sflag:s0] =	stream.linear.gather @!p0 [hbm4b:s2+s31], $0x3E8, $0x38;
	[tilespmem:$0x1D570] =	vst v63  }
.LBB2_10:
0xac: {  	_ =	sfence.sel $0x180000  }
0xad: {  	[bflag:$0x0] =	sbarrier.arrive $0xFFFF  }
0xae: {  	_ =	strace $0x90000047  }
0xaf: {  	s0 =	stileid.u32;
	[bflag:$0x2] =	sbarrier.arrive $0xFFFF  }
0xb0: {  	p0 =	sne.s32 s0, $0x0;
	s0 =	rddreg [dreg:$0x4]  }
0xb1: {  	s0 =	sadd.s32 @!p0 $0x100000, s0  }
0xb2: {  	[sflag:s0] =	ssyncadd.tile.s32 @!p0 $0x1;
	_ =	shalt  }
.Lfunc_end2:
_tile_overlayer_lowered:
.L_overlay_start_2:
0xb3: {  	(tag) =	ssettag $0x2  }
0xb4: {  	s0 =	rddreg [dreg:$0x0];
	s2 =	stileid.u32  }
0xb5: {  	s1 =	rddreg [dreg:$0x1];
	p0 =	sne.s32 s2, $0x0  }
0xb6: {  	s3 =	rddreg [dreg:$0x2];
	[bflag:$0x3] =	sbarrier.arrive $0xFFFF;
	s2 =	simm.s32 @!p0 $0x1C08  }
0xb7: {  	[timem:s3], [sflag:s2] =	dma.local @!p0 [hbm:s0], s1  }
0xb8: {  	s0 =	simm.s32 @!p0 $0x8  }
0xb9: {  	_ =	swait.ge @!p0 [sflag:s0], s1  }
0xba: {  	s1 =	ssub.s32 @!p0 $0x0, s1;
	[sflag:s0] =	ssyncset.done @!p0 $0x0  }
0xbb: {  	[sflag:s0] =	ssyncadd.s32 @!p0 s1  }
0xbc: {  	[bflag:$0x3] =	sbarrier.arrive $0xFFFF  }
0xbd: {  	_ =	shalt  }

// kernel: kernel.13.cloned.1.call-start
scs
__scs_entry_jumppad:
0x0: {  	(pc) =	sbr.rel $0x88, $3  }
0x1: {  	(tag) =	ssettag $0x0;
	lr =	simm.s32 $0x1  }
0x2: {  	[smem:$0x3F96] =	sst lr;
	_ =	strace $0xD0000000  }
0x3: {  	_ = 	snop  }
0x4: {  	_ = 	snop  }
0x5: {  	_ = 	snop  }
0x6: {  	_ = 	snop  }
0x7: {  	_ = 	snop  }
__scs_overlays_trampoline_lowered:
0x8: {  	[smem:$0x3FA5] =	sst s0  }
0x9: {  	[smem:$0x3FA6] =	sst s1  }
0xa: {  	[smem:$0x3FA7] =	sst s2  }
0xb: {  	[smem:$0x3FA8] =	sst s3  }
0xc: {  	[smem:$0x3FA9] =	sst s4  }
0xd: {  	[smem:$0x3FAA] =	sst s5  }
0xe: {  	[smem:$0x3FAB] =	sst s6  }
0xf: {  	[smem:$0x3FAC] =	sst s7  }
0x10: {  	[smem:$0x3FAD] =	sst s8  }
0x11: {  	[smem:$0x3FAE] =	sst s9;
	s0 =	simm.s32 @!p0 $0x0  }
0x12: {  	s1 =	sld [smem:$0x3F94];
	s0 =	simm.s32 @p0 $0x1  }
0x13: {  	[smem:$0x3FAF] =	sst s0;
	s0 =	simm.s32 @!p1 $0x0  }
0x14: {  	s2 =	sld [smem:$0x3F93];
	s0 =	simm.s32 @p1 $0x1  }
0x15: {  	[smem:$0x3FB0] =	sst s0;
	s0 =	simm.s32 @!p2 $0x0  }
0x16: {  	s3 =	sld [smem:$0x3FDB];
	s0 =	simm.s32 @p2 $0x1  }
0x17: {  	s4 =	simm.s32 $0x1BF5;
	[smem:$0x3FB2] =	sst s0  }
0x18: {  	s0 =	sld [smem:$0x3F95];
	_ =	swait.ge [sflag:s4], $0x0  }
0x19: {  	s7 =	sld [smem:$0x3F96]  }
0x1a: {  	s8 =	sadd.s32 $0xFFFFE003, lr  }
0x1b: {  	s9 =	sadd.s32 $0xFFFFFEF7, lr;
	s5 =	simm.s32 $0xFFFFFFFF;
	p2 =	slt.u32 s8, $0xFFFFF086  }
0x1c: {  	p1 =	slt.u32 s9, $0xF7A;
	s5 =	simm.s32 @!p2 $0x0  }
0x1d: {  	s5 =	simm.s32 @p1 $0x1;
	p0 =	seq.s32 s7, s2  }
0x1e: {  	s7 =	smul.u32 @!p0 $0xF7A, s2;
	p2 =	seq.s32 @!p0 s5, $0x0  }
0x1f: {  	s9 =	smul.u32 $0xF7A, s1;
	s8 =	simm.s32 @!p0 $0x1BF5;
	p2 =	por !p2, p0  }
0x20: {  	[sflag:s8] =	ssyncset.s32 @!p0 $0xFFFFF086;
	s6 =	sadd.s32 @!p0 s3, s7;
	s7 =	simm.s32 @!p0 $0x108  }
0x21: {  	s3 =	sadd.s32 s3, s9;
	s6 =	sadd.s32 @!p0 $0x88, s6;
	s7 =	simm.s32 @p2 $0x1082  }
0x22: {  	[simem:s7], [sflag:s8] =	dma.local @!p0 [hbm:s6], $0xF7A  }
0x23: {  	s9 =	sor.u32 $0xD0000000, s2;
	s6 =	simm.s32 $0x108;
	_ =	swait.ge @!p0 [sflag:s8], $0x0  }
0x24: {  	s3 =	sadd.s32 $0x88, s3;
	s6 =	simm.s32 @!p1 $0x1082;
	[sflag:s4] =	ssyncset.s32 $0xFFFFF086  }
0x25: {  	[simem:s6], [sflag:s4] =	dma.local [hbm:s3], $0xF7A  }
0x26: {  	[smem:$0x3F96] =	sst s1;
	(tag) =	ssettag s2;
	_ =	strace s9  }
0x27: {  	s1 =	sld [smem:$0x3FA6]  }
0x28: {  	s2 =	sld [smem:$0x3FA7]  }
0x29: {  	s4 =	sld [smem:$0x3FA9]  }
0x2a: {  	p0 =	seq.s32 s5, $0x0;
	s5 =	sld [smem:$0x3FAA]  }
0x2b: {  	s6 =	sld [smem:$0x3FAB]  }
0x2c: {  	s7 =	sld [smem:$0x3FAC]  }
0x2d: {  	s3 =	simm.s32 $0x108;
	s8 =	sld [smem:$0x3FAD]  }
0x2e: {  	s3 =	simm.s32 @!p0 $0x1082;
	s9 =	sld [smem:$0x3FAE]  }
0x2f: {  	lr =	sadd.s32 s0, s3;
	s0 =	sld [smem:$0x3FA5]  }
0x30: {  	s3 =	sld [smem:$0x3FA8]  }
0x31: {  	[smem:$0x3FB1] =	sst s10  }
0x32: {  	s10 =	sld [smem:$0x3FAF];
	_ =	sdelay $0x3  }
0x33: {  	p0 =	seq.s32 s10, $0x1;
	s10 =	sld [smem:$0x3FB1];
	_ =	sdelay $0x3  }
0x34: {  	[smem:$0x3FB1] =	sst s10  }
0x35: {  	s10 =	sld [smem:$0x3FB0];
	_ =	sdelay $0x3  }
0x36: {  	p1 =	seq.s32 s10, $0x1;
	s10 =	sld [smem:$0x3FB1];
	_ =	sdelay $0x3  }
0x37: {  	[smem:$0x3FB1] =	sst s10  }
0x38: {  	s10 =	sld [smem:$0x3FB2]  }
0x39: {  	_ = 	snop;
	(pc) =	sbr.ind lr, $3  }
0x3a: {  	_ = 	snop  }
0x3b: {  	_ = 	snop  }
0x3c: {  	p2 =	seq.s32 s10, $0x1;
	s10 =	sld [smem:$0x3FB1]  }
0x3d: {  	_ =	shalt  }
0x3e: {  	_ =	shalt  }
0x3f: {  	_ =	shalt  }
0x40: {  	_ =	shalt  }
0x41: {  	_ =	shalt  }
0x42: {  	_ =	shalt  }
0x43: {  	_ =	shalt  }
0x44: {  	_ =	shalt  }
0x45: {  	_ =	shalt  }
0x46: {  	_ =	shalt  }
0x47: {  	_ =	shalt  }
0x48: {  	_ =	shalt  }
0x49: {  	_ =	shalt  }
0x4a: {  	_ =	shalt  }
0x4b: {  	_ =	shalt  }
0x4c: {  	_ =	shalt  }
0x4d: {  	_ =	shalt  }
0x4e: {  	_ =	shalt  }
0x4f: {  	_ =	shalt  }
0x50: {  	_ =	shalt  }
0x51: {  	_ =	shalt  }
0x52: {  	_ =	shalt  }
0x53: {  	_ =	shalt  }
0x54: {  	_ =	shalt  }
0x55: {  	_ =	shalt  }
0x56: {  	_ =	shalt  }
0x57: {  	_ =	shalt  }
0x58: {  	_ =	shalt  }
0x59: {  	_ =	shalt  }
0x5a: {  	_ =	shalt  }
0x5b: {  	_ =	shalt  }
0x5c: {  	_ =	shalt  }
0x5d: {  	_ =	shalt  }
0x5e: {  	_ =	shalt  }
0x5f: {  	_ =	shalt  }
0x60: {  	_ =	shalt  }
0x61: {  	_ =	shalt  }
0x62: {  	_ =	shalt  }
0x63: {  	_ =	shalt  }
0x64: {  	_ =	shalt  }
0x65: {  	_ =	shalt  }
0x66: {  	_ =	shalt  }
0x67: {  	_ =	shalt  }
0x68: {  	_ =	shalt  }
0x69: {  	_ =	shalt  }
0x6a: {  	_ =	shalt  }
0x6b: {  	_ =	shalt  }
0x6c: {  	_ =	shalt  }
0x6d: {  	_ =	shalt  }
0x6e: {  	_ =	shalt  }
0x6f: {  	_ =	shalt  }
0x70: {  	_ =	shalt  }
0x71: {  	_ =	shalt  }
0x72: {  	_ =	shalt  }
0x73: {  	_ =	shalt  }
0x74: {  	_ =	shalt  }
0x75: {  	_ =	shalt  }
0x76: {  	_ =	shalt  }
0x77: {  	_ =	shalt  }
0x78: {  	_ =	shalt  }
0x79: {  	_ =	shalt  }
0x7a: {  	_ =	shalt  }
0x7b: {  	_ =	shalt  }
0x7c: {  	_ =	shalt  }
0x7d: {  	_ =	shalt  }
0x7e: {  	_ =	shalt  }
0x7f: {  	_ =	shalt  }
0x80: {  	_ =	shalt  }
0x81: {  	_ =	shalt  }
0x82: {  	_ =	shalt  }
0x83: {  	_ =	shalt  }
0x84: {  	_ =	shalt  }
0x85: {  	_ =	shalt  }
0x86: {  	_ =	shalt  }
0x87: {  	_ =	shalt  }
.Lfunc_end0:
.L_simem_size_0:
called_computation.1_lowered:
.L_overlay_start_0:
0x88: {  	s2 =	sld [smem:$0x3FD9]  }
0x89: {  	s3 =	sld [smem:$0x3FFE];
	_ =	sdelay $0x1  }
0x8a: {  	s1 =	srdreg.scid  }
0x8b: {  	s0 =	sand.u32 $0x1, s1  }
0x8c: {  	s14 =	sshll.u32 s0, $0xA;
	s2 =	sadd.s32 s3, s2  }
0x8d: {  	s2 =	sadd.s32 s2, s14  }
0x8e: {  	[smem:$0x3FBD] =	sst s2  }
0x8f: {  	_ = 	snop  }
0x90: {  	s2 =	sld [smem:$0x3FD0];
	_ =	sdelay $0x2  }
0x91: {  	s15 =	simm.s32 $0xA;
	s4 =	simm.s32 $0x10  }
0x92: {  	[smem:s4], [sflag:s15] =	dma.local [hbm:s2], $0x1  }
0x93: {  	_ =	swait.eq [sflag:s15], $0x1  }
0x94: {  	[sflag:s15] =	ssyncset.done $0x0  }
0x95: {  	[sflag:s15] =	ssyncadd.s32 $0xFFFFFFFF  }
0x96: {  	s16 =	sld [smem:$0x11];
	(tm) =	ssettm $0x1  }
0x97: {  	s17 =	sld [smem:$0x3FFB];
	_ =	sdelay $0x3  }
0x98: {  	_ =	strace s17  }
0x99: {  	s3 =	sld [smem:$0x3FFC];
	_ =	sdelay $0x3  }
0x9a: {  	_ =	strace s3  }
0x9b: {  	s3 =	sld [smem:$0x3FFD];
	_ =	sdelay $0x3  }
0x9c: {  	_ =	strace s3  }
0x9d: {  	_ =	strace $0x8FFFFFFF  }
0x9e: {  	s18 =	sld [smem:$0x3FDB];
	_ =	sdelay $0x1  }
0x9f: {  	s19 =	simm.s32 $_scs_section_size  }
0xa0: {  	s5 =	simm.s32 $_size__tile_overlayer_lowered;
	s6 =	simm.s32 $_tile_overlayer_lowered  }
0xa1: {  	s22 =	simm.s32 $0x1BFF;
	s21 =	sshll.u32 s6, $0x1;
	s3 =	sadd.s32 s19, s18  }
0xa2: {  	s7 =	simm.s32 $0x0;
	s20 =	sshll.u32 s5, $0x1;
	s5 =	sadd.s32 s21, s3  }
0xa3: {  	[timem:s7], [sflag:s22] =	dma.local [hbm:s5], s20  }
0xa4: {  	_ =	swait.ge [sflag:s22], s20  }
0xa5: {  	s4 =	ssub.s32 $0x0, s20;
	[sflag:s22] =	ssyncset.done $0x0  }
0xa6: {  	[sflag:s22] =	ssyncadd.s32 s4;
	_ =	sdelay $0x1  }
0xa7: {  	s23 =	simm.s32 $0x1B8B  }
0xa8: {  	_ =	swait.ge [sflag:s23], $0x1  }
0xa9: {  	[sflag:s23] =	ssyncset.done $0x0  }
0xaa: {  	s25 =	simm.s32 $0x1B8E;
	s24 =	sld [smem:$0x3FFE];
	[sflag:s23] =	ssyncadd.s32 $0xFFFFFFFF  }
0xab: {  	s26 =	simm.s32 $execute0_lowered;
	[smem:$0x3FD2] =	sst s25  }
0xac: {  	s5 =	sshll.u32 s26, $0x1;
	_ =	strace $0x80000049;
	[dreg:$0x1] =	wrdreg $0xFFFFFFFF  }
0xad: {  	s28 =	simm.s32 $_size_execute0_lowered;
	s3 =	sadd.s32 s3, s5;
	[dreg:$0x0] =	wrdreg $0x0  }
0xae: {  	s5 =	sshll.u32 s28, $0x1;
	[dreg:$0x2] =	wrdreg s3  }
0xaf: {  	[dreg:$0x3] =	wrdreg s5  }
0xb0: {  	[dreg:$0x4] =	wrdreg $0xC0  }
0xb1: {  	_ =	task [dreg:s7], $0x5FFFF  }
0xb2: {  	[dreg:$0x1] =	wrdreg $0xFFFFFFFF  }
0xb3: {  	[dreg:$0x0] =	wrdreg $0x60  }
0xb4: {  	[dreg:$0x2] =	wrdreg s24  }
0xb5: {  	[dreg:$0x3] =	wrdreg s16  }
0xb6: {  	[dreg:$0x4] =	wrdreg $0x111700  }
0xb7: {  	[dreg:$0x5] =	wrdreg $0x9  }
0xb8: {  	_ =	task.clear_ibuf [dreg:s7], $0x6FFFF;
	_ =	strace $0x90000049  }
0xb9: {  	s29 =	simm.s32 $0x9;
	_ =	strace $0x8000004B  }
0xba: {  	_ =	swait.ge [sflag:s29], $0x1  }
0xbb: {  	[sflag:s29] =	ssyncadd.s32 $0xFFFFFFFF  }
0xbc: {  	_ =	strace $0x9000004B  }
0xbd: {  	_ =	sfence  }
0xbe: {  	s30 =	sld [smem:$0x0];
	_ =	sdelay $0x2  }
0xbf: {  	s31 =	sshll.u32 s1, $0xD;
	s1 =	sshrl.u32 s1, $0x2  }
0xc0: {  	s3 =	sand.u32 $0x4000, s31;
	s1 =	sadd.s32 s1, s30  }
0xc1: {  	s0 =	sor.u32 s3, s0;
	s1 =	sshll.u32 s1, $0x11  }
0xc2: {  	s0 =	sor.u32 s1, s0  }
0xc3: {  	s0 =	sadd.s32 $0x8F2B, s0  }
0xc4: {  	[sflag:s0] =	ssyncadd.remote.s32 $0x1  }
0xc5: {  	_ =	sfence.sel $0xFFFF  }
0xc6: {  	[dreg:$0x0] =	wrdreg $0xFFFFFFFF;
	(pc) =	sbr.abs _section_cstart, $3  }
0xc7: {  	[dreg:$0x1] =	wrdreg $0xFFFFFFFF  }
0xc8: {  	_ =	task.clear_ibuf [dreg:s7], $0x2FFFF;
	_ =	strace $0x9FFFFFFF  }
0xc9: {  	(tm) =	ssettm $0x7FFFFFFF  }
tec
execute0_lowered:
.L_overlay_start_1:
0x0: {  	(tag) =	ssettag $0x1  }
0x1: {  	s9 =	rddreg [dreg:$0x0]  }
0x2: {  	s15 =	rddreg [dreg:$0x1]  }
0x3: {  	s1 =	rddreg [dreg:$0x2];
	s3 =	simm.s32 $0x0  }
0x4: {  	s4 =	srdreg.scid;
	s0 =	stileid.u32;
	s20 =	simm.s32 $0xBB8  }
0x5: {  	s21 =	simm.s32 $0x3E8;
	s22 =	simm.s32 $0xFA0;
	s23 =	simm.s32 $0x5  }
0x6: {  	[smem:$0x7FF] =	sst s3;
	s10 =	sand.u32 $0x1, s4;
	s11 =	smul.u32 $0x620, s0  }
0x7: {  	s4 =	sadd.s32 $0x1FA00, s9;
	s5 =	sadd.s32 $0x7200, s9;
	s24 =	smul.u32 $0x31000, s0  }
0x8: {  	s6 =	sadd.s32 $0x6AC00, s9;
	s7 =	sadd.s32 $0x9BC00, s9;
	s25 =	smul.u32 $0x61A8, s0  }
0x9: {  	s8 =	sadd.s32 $0x69200, s9;
	s28 =	sshll.u32 s0, $0x6;
	s12 =	smul.u32 $0x6200, s10  }
0xa: {  	_ =	strace $0x8000004A;
	s13 =	smul.u32 $0x61A80, s10;
	s10 =	ssub.s32 $0x2, s10  }
0xb: {  	s26 =	sshrl.u32 s10, $0x1;
	s11 =	sadd.s32 s11, s12;
	s12 =	sshrl.u32 s24, $0x2  }
0xc: {  	s18 =	ssub.s32 s10, s26;
	s10 =	sor.u32 $0x1C08, s28;
	s24 =	simm.s32 $0x1770  }
0xd: {  	s26 =	simm.s32 $0x0;
	s16 =	sshll.u32 s11, $0x2;
	s19 =	sadd.s32 s12, s1  }
0xe: {  	s17 =	sadd.s32 s16, s9;
	s9 =	sadd.s32 s25, s13;
	s30 =	sadd.s32 s15, s16  }
.Ltmp0:
0xf: {  	s25 =	simm.s32 $0x3;
	s29 =	sshrl.u32 s9, $0x3;
	(pc) =	sbr.rel .LBB2_1-.Ltmp0, $4  }
0x10: {  	s13 =	sadd.s32 $0x3E8, s9;
	[dreg:$0x4] =	wrdreg s30;
	s31 =	sadd.s32 $0xCCC00, s17  }
0x11: {  	s17 =	smax.u32 s18, $0x1;
	s18 =	sshrl.u32 s19, $0x3;
	s19 =	simm.s32 $0x8  }
0x12: {  	s11 =	sadd.s32 s4, s29;
	s14 =	sshrl.u32 s13, $0x3;
	s12 =	sadd.s32 s5, s29  }
0x13: {  	[dreg:$0x5] =	wrdreg s31;
	s13 =	sadd.s32 s4, s14;
	s14 =	sadd.s32 s5, s14  }
.LBB2_9:
0x14: {  	_ =	swait.ge [sflag:s25], $0x7D00  }
0x15: {  	[sflag:s25] =	ssyncset.done $0x0  }
0x16: {  	s26 =	sadd.s32 $0x1, s26;
	[sflag:s25] =	ssyncadd.s32 $0xFFFF8300  }
0x17: {  	p0 =	sne.s32 s26, s17;
	[bflag:$0x0] =	sbarrier.arrive $0xFFFF  }
.Ltmp1:
0x18: {  	s0 =	rddreg [dreg:$0x5];
	(pc) =	sbr.rel @!p0 .LBB2_10-.Ltmp1, $4  }
0x19: {  	[hbm:s0], [sflag:s10] =	dma.local [spmem:s18], $0x1880  }
0x1a: {  	_ =	swait.ge [sflag:s19], $0x1880  }
0x1b: {  	[sflag:s19] =	ssyncset.done $0x0  }
0x1c: {  	[sflag:s19] =	ssyncadd.s32 $0xFFFFE780  }
.LBB2_1:
0x1d: {  	[spmem:s18], [sflag:s10] =	dma.local [hbm:s8], $0x1880  }
0x1e: {  	_ =	swait.ge [sflag:s19], $0x1880  }
0x1f: {  	[sflag:s19] =	ssyncset.done $0x0  }
0x20: {  	[sflag:s19] =	ssyncadd.s32 $0xFFFFE780  }
0x21: {  	[bflag:$0x0] =	sbarrier.arrive $0xFFFF  }
0x22: {  	[tilespmem:s3], [sflag:$0x5] =	stream.linear.gather [hbm4b:s11+s3], $0x3E8, $0x38;
	[tilespmem:$0x1D570] =	vst v63  }
0x23: {  	_ = 	snop  }
0x24: {  	[tilespmem:s20], [sflag:$0x5] =	stream.linear.gather [hbm4b:s12+s3], $0x3E8, $0x38;
	[tilespmem:$0x1D570] =	vst v63  }
0x25: {  	_ = 	snop  }
0x26: {  	[tilespmem:s21], [sflag:$0x6] =	stream.linear.gather [hbm4b:s13+s3], $0x3E8, $0x38;
	[tilespmem:$0x1D570] =	vst v63  }
0x27: {  	_ = 	snop  }
0x28: {  	[tilespmem:s22], [sflag:$0x6] =	stream.linear.gather [hbm4b:s14+s3], $0x3E8, $0x38;
	[tilespmem:$0x1D570] =	vst v63  }
0x29: {  	_ =	swait.ge [sflag:s23], $0x3E8  }
0x2a: {  	[sflag:s23] =	ssyncset.done $0x0  }
.Ltmp2:
0x2b: {  	[sflag:s23] =	ssyncadd.s32 $0xFFFFFC18;
	(pc) =	sbr.rel .LBB2_2-.Ltmp2, $4  }
0x2c: {  	_ =	swait.ge [sflag:s23], $0x3E8  }
0x2d: {  	[sflag:s23] =	ssyncset.done $0x0  }
0x2e: {  	s29 =	simm.s32 $0x0;
	[sflag:s23] =	ssyncadd.s32 $0xFFFFFC18  }
0x2f: {  	[tilespmem:s24], [sflag:$0x1] =	stream.indirect.gather [hbm4b:s6+s21], $0x20, s3, s21, $0xb8;
	[tilespmem:$0x1D570] =	vst v63  }
.LBB2_4:
0x30: {  	s0 =	smul.u32 $0xAB, s29;
	_ =	sdelay $0x1  }
0x31: {  	s0 =	sshrl.u32 s0, $0x9  }
0x32: {  	s0 =	sand.u32 $0x7F, s0  }
0x33: {  	s0 =	smul.u32 $0x3, s0;
	_ =	sdelay $0x1  }
0x34: {  	s0 =	ssub.s32 s29, s0  }
0x35: {  	s2 =	smul.u32 $0x1F400, s28;
	s0 =	sand.u32 $0xFF, s0  }
0x36: {  	p0 =	slt.u32 s30, $0x19;
	s0 =	smul.u32 $0xFA0, s0  }
.Ltmp3:
0x37: {  	s15 =	sadd.s32 $0x1, s28;
	(pc) =	sbr.rel @!p0 .LBB2_5-.Ltmp3, $4  }
0x38: {  	s31 =	sadd.s32 $0x3, s28;
	_ =	swait.ge [sflag:s15], $0x7D00;
	s2 =	sshrl.u32 s2, $0x2  }
0x39: {  	[sflag:s15] =	ssyncset.done $0x0;
	s2 =	sadd.s32 $0x1770, s2;
	s0 =	sshrl.u32 s0, $0x2  }
0x3a: {  	[sflag:s15] =	ssyncadd.s32 $0xFFFF8300;
	s29 =	smov.u32 s30;
	s0 =	sadd.s32 $0xBB8, s0  }
0x3b: {  	[spmem:s1] =	stream.indirect.scatter.add.f32 [tilespmem:s2], [sflag:s31], $0x20, s0, s21, $0xb8;
	[tilespmem:$0x1D570] =	vst v63  }
.LBB2_2:
0x3c: {  	p0 =	seq.s32 s29, $0x0  }
0x3d: {  	p1 =	seq.s32 @!p0 s29, $0x18  }
0x3e: {  	s28 =	sand.u32 $0x1, s29;
	p1 =	por p0, !p1  }
.Ltmp4:
0x3f: {  	s31 =	sxor.u32 $0x1, s28;
	(pc) =	sbr.rel @!p1 .LBB2_4-.Ltmp4, $4  }
0x40: {  	s30 =	sadd.s32 @!p0 $0x3, s31  }
0x41: {  	_ =	swait.ge @!p0 [sflag:s30], $0x7D00  }
0x42: {  	[sflag:s30] =	ssyncset.done @!p0 $0x0  }
0x43: {  	[sflag:s30] =	ssyncadd.s32 @!p0 $0xFFFF8300;
	s30 =	simm.s32 @!p0 $0x19  }
0x44: {  	s30 =	sadd.s32 @!p0 $0x1, s29  }
0x45: {  	s30 =	simm.s32 @p0 $0x1  }
0x46: {  	s0 =	smul.u32 $0xAB, s30;
	_ =	sdelay $0x1  }
0x47: {  	s0 =	sshrl.u32 s0, $0x9  }
0x48: {  	s0 =	sand.u32 $0x7F, s0  }
0x49: {  	s0 =	smul.u32 $0x3, s0;
	_ =	sdelay $0x1  }
0x4a: {  	s0 =	ssub.s32 s30, s0  }
0x4b: {  	s0 =	sand.u32 $0xFF, s0  }
0x4c: {  	s2 =	sadd.s32 $0x5, s0  }
0x4d: {  	_ =	swait.ge [sflag:s2], $0x3E8  }
0x4e: {  	s15 =	smul.u32 $0x1F400, s31;
	[sflag:s2] =	ssyncset.done $0x0  }
0x4f: {  	s31 =	sadd.s32 $0x1, s31;
	s0 =	smul.u32 $0xFA0, s0;
	[sflag:s2] =	ssyncadd.s32 $0xFFFFFC18  }
0x50: {  	p0 =	sgt.u32 s29, $0x16;
	s16 =	sshrl.u32 s15, $0x2;
	_ =	swait.ge [sflag:s2], $0x3E8  }
0x51: {  	s15 =	sadd.s32 @!p0 $0x2, s29;
	s0 =	sshrl.u32 s0, $0x2;
	[sflag:s2] =	ssyncset.done $0x0  }
0x52: {  	[sflag:s2] =	ssyncadd.s32 $0xFFFFFC18;
	s2 =	sadd.s32 $0x1770, s16;
	s16 =	smul.u32 @!p0 $0xAB, s15  }
0x53: {  	[tilespmem:s2], [sflag:s31] =	stream.indirect.gather [hbm4b:s6+s21], $0x20, s0, s21, $0xb8;
	[tilespmem:$0x1D570] =	vst v63  }
0x54: {  	s0 =	sshrl.u32 @!p0 s16, $0x9  }
0x55: {  	s0 =	sand.u32 @!p0 $0x7F, s0  }
0x56: {  	s0 =	smul.u32 @!p0 $0x3, s0;
	_ =	sdelay $0x1  }
0x57: {  	s2 =	smul.u32 @!p0 $0x3E8, s15;
	s0 =	ssub.s32 @!p0 s15, s0  }
0x58: {  	s0 =	sand.u32 @!p0 $0xFF, s0  }
0x59: {  	s2 =	sadd.s32 @!p0 s9, s2;
	s15 =	smul.u32 @!p0 $0x3E8, s0  }
.Ltmp5:
0x5a: {  	s2 =	sshrl.u32 @!p0 s2, $0x3;
	(pc) =	sbr.rel .LBB2_4-.Ltmp5, $4  }
0x5b: {  	s31 =	simm.s32 @!p0 $0x0;
	s16 =	sadd.s32 @!p0 s4, s2;
	s0 =	sadd.s32 @!p0 $0x5, s0  }
0x5c: {  	[tilespmem:s15], [sflag:s0] =	stream.linear.gather @!p0 [hbm4b:s16+s31], $0x3E8, $0x38;
	[tilespmem:$0x1D570] =	vst v63  }
0x5d: {  	s2 =	sadd.s32 @!p0 s5, s2;
	s15 =	sadd.s32 @!p0 $0xBB8, s15  }
0x5e: {  	[tilespmem:s15], [sflag:s0] =	stream.linear.gather @!p0 [hbm4b:s2+s31], $0x3E8, $0x38;
	[tilespmem:$0x1D570] =	vst v63  }
.LBB2_5:
0x5f: {  	_ =	swait.ge [sflag:s25], $0x7D00  }
0x60: {  	[sflag:s25] =	ssyncset.done $0x0  }
0x61: {  	[sflag:s25] =	ssyncadd.s32 $0xFFFF8300  }
0x62: {  	[bflag:$0x0] =	sbarrier.arrive $0xFFFF  }
0x63: {  	s0 =	rddreg [dreg:$0x4]  }
0x64: {  	[hbm:s0], [sflag:s10] =	dma.local [spmem:s18], $0x1880  }
0x65: {  	_ =	swait.ge [sflag:s19], $0x1880  }
0x66: {  	[sflag:s19] =	ssyncset.done $0x0  }
0x67: {  	[sflag:s19] =	ssyncadd.s32 $0xFFFFE780  }
0x68: {  	[spmem:s18], [sflag:s10] =	dma.local [hbm:s8], $0x1880  }
0x69: {  	_ =	swait.ge [sflag:s19], $0x1880  }
0x6a: {  	[sflag:s19] =	ssyncset.done $0x0  }
0x6b: {  	[sflag:s19] =	ssyncadd.s32 $0xFFFFE780  }
0x6c: {  	s28 =	simm.s32 $0x0;
	[bflag:$0x0] =	sbarrier.arrive $0xFFFF  }
0x6d: {  	[tilespmem:s28], [sflag:$0x5] =	stream.linear.gather [hbm4b:s11+s28], $0x3E8, $0x38;
	[tilespmem:$0x1D570] =	vst v63  }
0x6e: {  	_ = 	snop  }
0x6f: {  	[tilespmem:s20], [sflag:$0x5] =	stream.linear.gather [hbm4b:s12+s28], $0x3E8, $0x38;
	[tilespmem:$0x1D570] =	vst v63  }
0x70: {  	_ = 	snop  }
0x71: {  	[tilespmem:s21], [sflag:$0x6] =	stream.linear.gather [hbm4b:s13+s28], $0x3E8, $0x38;
	[tilespmem:$0x1D570] =	vst v63  }
0x72: {  	_ = 	snop  }
0x73: {  	[tilespmem:s22], [sflag:$0x6] =	stream.linear.gather [hbm4b:s14+s28], $0x3E8, $0x38;
	[tilespmem:$0x1D570] =	vst v63  }
0x74: {  	_ =	swait.ge [sflag:s23], $0x3E8  }
0x75: {  	[sflag:s23] =	ssyncset.done $0x0  }
.Ltmp6:
0x76: {  	[sflag:s23] =	ssyncadd.s32 $0xFFFFFC18;
	(pc) =	sbr.rel .LBB2_6-.Ltmp6, $4  }
0x77: {  	_ =	swait.ge [sflag:s23], $0x3E8  }
0x78: {  	[sflag:s23] =	ssyncset.done $0x0  }
0x79: {  	[sflag:s23] =	ssyncadd.s32 $0xFFFFFC18  }
0x7a: {  	[tilespmem:s24], [sflag:$0x1] =	stream.indirect.gather [hbm4b:s7+s21], $0x20, s28, s21, $0xb8;
	[tilespmem:$0x1D570] =	vst v63  }
.LBB2_8:
0x7b: {  	s0 =	smul.u32 $0xAB, s28;
	_ =	sdelay $0x1  }
0x7c: {  	s0 =	sshrl.u32 s0, $0x9  }
0x7d: {  	s0 =	sand.u32 $0x7F, s0  }
0x7e: {  	s0 =	smul.u32 $0x3, s0;
	_ =	sdelay $0x1  }
0x7f: {  	s0 =	ssub.s32 s28, s0  }
0x80: {  	s2 =	smul.u32 $0x1F400, s29;
	s0 =	sand.u32 $0xFF, s0  }
0x81: {  	p0 =	slt.u32 s30, $0x19;
	s0 =	smul.u32 $0xFA0, s0  }
.Ltmp7:
0x82: {  	s15 =	sadd.s32 $0x1, s29;
	(pc) =	sbr.rel @!p0 .LBB2_9-.Ltmp7, $4  }
0x83: {  	s31 =	sadd.s32 $0x3, s29;
	_ =	swait.ge [sflag:s15], $0x7D00;
	s2 =	sshrl.u32 s2, $0x2  }
0x84: {  	[sflag:s15] =	ssyncset.done $0x0;
	s2 =	sadd.s32 $0x1770, s2;
	s0 =	sshrl.u32 s0, $0x2  }
0x85: {  	[sflag:s15] =	ssyncadd.s32 $0xFFFF8300;
	s28 =	smov.u32 s30;
	s0 =	sadd.s32 $0xBB8, s0  }
0x86: {  	[spmem:s1] =	stream.indirect.scatter.add.f32 [tilespmem:s2], [sflag:s31], $0x20, s0, s21, $0xb8;
	[tilespmem:$0x1D570] =	vst v63  }
.LBB2_6:
0x87: {  	p0 =	seq.s32 s28, $0x0  }
0x88: {  	p1 =	seq.s32 @!p0 s28, $0x18  }
0x89: {  	s29 =	sand.u32 $0x1, s28;
	p1 =	por p0, !p1  }
.Ltmp8:
0x8a: {  	s31 =	sxor.u32 $0x1, s29;
	(pc) =	sbr.rel @!p1 .LBB2_8-.Ltmp8, $4  }
0x8b: {  	s0 =	sadd.s32 @!p0 $0x3, s31  }
0x8c: {  	_ =	swait.ge @!p0 [sflag:s0], $0x7D00  }
0x8d: {  	[sflag:s0] =	ssyncset.done @!p0 $0x0  }
0x8e: {  	s30 =	simm.s32 @!p0 $0x19;
	[sflag:s0] =	ssyncadd.s32 @!p0 $0xFFFF8300  }
0x8f: {  	s30 =	sadd.s32 @!p0 $0x1, s28  }
0x90: {  	s30 =	simm.s32 @p0 $0x1  }
0x91: {  	s0 =	smul.u32 $0xAB, s30;
	_ =	sdelay $0x1  }
0x92: {  	s0 =	sshrl.u32 s0, $0x9  }
0x93: {  	s0 =	sand.u32 $0x7F, s0  }
0x94: {  	s0 =	smul.u32 $0x3, s0;
	_ =	sdelay $0x1  }
0x95: {  	s0 =	ssub.s32 s30, s0  }
0x96: {  	s0 =	sand.u32 $0xFF, s0  }
0x97: {  	s2 =	sadd.s32 $0x5, s0  }
0x98: {  	_ =	swait.ge [sflag:s2], $0x3E8  }
0x99: {  	[sflag:s2] =	ssyncset.done $0x0  }
0x9a: {  	s15 =	smul.u32 $0x1F400, s31;
	[sflag:s2] =	ssyncadd.s32 $0xFFFFFC18  }
0x9b: {  	s0 =	smul.u32 $0xFA0, s0;
	_ =	swait.ge [sflag:s2], $0x3E8  }
0x9c: {  	p0 =	sgt.u32 s28, $0x16;
	s16 =	sshrl.u32 s15, $0x2;
	[sflag:s2] =	ssyncset.done $0x0  }
0x9d: {  	s15 =	sadd.s32 @!p0 $0x2, s28;
	s0 =	sshrl.u32 s0, $0x2;
	[sflag:s2] =	ssyncadd.s32 $0xFFFFFC18  }
0x9e: {  	s2 =	sadd.s32 $0x1770, s16;
	s16 =	sadd.s32 $0x1, s31;
	s31 =	smul.u32 @!p0 $0xAB, s15  }
0x9f: {  	[tilespmem:s2], [sflag:s16] =	stream.indirect.gather [hbm4b:s7+s21], $0x20, s0, s21, $0xb8;
	[tilespmem:$0x1D570] =	vst v63  }
0xa0: {  	s0 =	sshrl.u32 @!p0 s31, $0x9  }
0xa1: {  	s0 =	sand.u32 @!p0 $0x7F, s0  }
0xa2: {  	s0 =	smul.u32 @!p0 $0x3, s0;
	_ =	sdelay $0x1  }
0xa3: {  	s2 =	smul.u32 @!p0 $0x3E8, s15;
	s0 =	ssub.s32 @!p0 s15, s0  }
0xa4: {  	s0 =	sand.u32 @!p0 $0xFF, s0  }
0xa5: {  	s2 =	sadd.s32 @!p0 s9, s2;
	s15 =	smul.u32 @!p0 $0x3E8, s0  }
.Ltmp9:
0xa6: {  	s2 =	sshrl.u32 @!p0 s2, $0x3;
	(pc) =	sbr.rel .LBB2_8-.Ltmp9, $4  }
0xa7: {  	s31 =	simm.s32 @!p0 $0x0;
	s16 =	sadd.s32 @!p0 s4, s2;
	s0 =	sadd.s32 @!p0 $0x5, s0  }
0xa8: {  	[tilespmem:s15], [sflag:s0] =	stream.linear.gather @!p0 [hbm4b:s16+s31], $0x3E8, $0x38;
	[tilespmem:$0x1D570] =	vst v63  }
0xa9: {  	s2 =	sadd.s32 @!p0 s5, s2;
	s15 =	sadd.s32 @!p0 $0xBB8, s15  }
0xaa: {  	[tilespmem:s15], [sflag:s0] =	stream.linear.gather @!p0 [hbm4b:s2+s31], $0x3E8, $0x38;
	[tilespmem:$0x1D570] =	vst v63  }
.LBB2_10:
0xab: {  	_ =	sfence.sel $0x180000  }
0xac: {  	[bflag:$0x0] =	sbarrier.arrive $0xFFFF  }
0xad: {  	_ =	strace $0x9000004A  }
0xae: {  	s0 =	stileid.u32;
	[bflag:$0x2] =	sbarrier.arrive $0xFFFF  }
0xaf: {  	p0 =	sne.s32 s0, $0x0;
	s0 =	rddreg [dreg:$0x3]  }
0xb0: {  	s0 =	sadd.s32 @!p0 $0x100000, s0  }
0xb1: {  	[sflag:s0] =	ssyncadd.tile.s32 @!p0 $0x1;
	_ =	shalt  }
.Lfunc_end2:
_tile_overlayer_lowered:
.L_overlay_start_2:
0xb2: {  	(tag) =	ssettag $0x2  }
0xb3: {  	s0 =	rddreg [dreg:$0x0];
	s2 =	stileid.u32  }
0xb4: {  	s1 =	rddreg [dreg:$0x1];
	p0 =	sne.s32 s2, $0x0  }
0xb5: {  	s3 =	rddreg [dreg:$0x2];
	[bflag:$0x3] =	sbarrier.arrive $0xFFFF;
	s2 =	simm.s32 @!p0 $0x1C08  }
0xb6: {  	[timem:s3], [sflag:s2] =	dma.local @!p0 [hbm:s0], s1  }
0xb7: {  	s0 =	simm.s32 @!p0 $0x8  }
0xb8: {  	_ =	swait.ge @!p0 [sflag:s0], s1  }
0xb9: {  	s1 =	ssub.s32 @!p0 $0x0, s1;
	[sflag:s0] =	ssyncset.done @!p0 $0x0  }
0xba: {  	[sflag:s0] =	ssyncadd.s32 @!p0 s1  }
0xbb: {  	[bflag:$0x3] =	sbarrier.arrive $0xFFFF  }
0xbc: {  	_ =	shalt  }

// kernel: kernel.16.cloned.1.call-start
scs
__scs_entry_jumppad:
0x0: {  	(pc) =	sbr.rel $0x88, $3  }
0x1: {  	(tag) =	ssettag $0x0;
	lr =	simm.s32 $0x1  }
0x2: {  	[smem:$0x3F96] =	sst lr;
	_ =	strace $0xD0000000  }
0x3: {  	_ = 	snop  }
0x4: {  	_ = 	snop  }
0x5: {  	_ = 	snop  }
0x6: {  	_ = 	snop  }
0x7: {  	_ = 	snop  }
__scs_overlays_trampoline_lowered:
0x8: {  	[smem:$0x3FA5] =	sst s0  }
0x9: {  	[smem:$0x3FA6] =	sst s1  }
0xa: {  	[smem:$0x3FA7] =	sst s2  }
0xb: {  	[smem:$0x3FA8] =	sst s3  }
0xc: {  	[smem:$0x3FA9] =	sst s4  }
0xd: {  	[smem:$0x3FAA] =	sst s5  }
0xe: {  	[smem:$0x3FAB] =	sst s6  }
0xf: {  	[smem:$0x3FAC] =	sst s7  }
0x10: {  	[smem:$0x3FAD] =	sst s8  }
0x11: {  	[smem:$0x3FAE] =	sst s9;
	s0 =	simm.s32 @!p0 $0x0  }
0x12: {  	s1 =	sld [smem:$0x3F94];
	s0 =	simm.s32 @p0 $0x1  }
0x13: {  	[smem:$0x3FAF] =	sst s0;
	s0 =	simm.s32 @!p1 $0x0  }
0x14: {  	s2 =	sld [smem:$0x3F93];
	s0 =	simm.s32 @p1 $0x1  }
0x15: {  	[smem:$0x3FB0] =	sst s0;
	s0 =	simm.s32 @!p2 $0x0  }
0x16: {  	s3 =	sld [smem:$0x3FDB];
	s0 =	simm.s32 @p2 $0x1  }
0x17: {  	s4 =	simm.s32 $0x1BF5;
	[smem:$0x3FB2] =	sst s0  }
0x18: {  	s0 =	sld [smem:$0x3F95];
	_ =	swait.ge [sflag:s4], $0x0  }
0x19: {  	s7 =	sld [smem:$0x3F96]  }
0x1a: {  	s8 =	sadd.s32 $0xFFFFE003, lr  }
0x1b: {  	s9 =	sadd.s32 $0xFFFFFEF7, lr;
	s5 =	simm.s32 $0xFFFFFFFF;
	p2 =	slt.u32 s8, $0xFFFFF086  }
0x1c: {  	p1 =	slt.u32 s9, $0xF7A;
	s5 =	simm.s32 @!p2 $0x0  }
0x1d: {  	s5 =	simm.s32 @p1 $0x1;
	p0 =	seq.s32 s7, s2  }
0x1e: {  	s7 =	smul.u32 @!p0 $0xF7A, s2;
	p2 =	seq.s32 @!p0 s5, $0x0  }
0x1f: {  	s9 =	smul.u32 $0xF7A, s1;
	s8 =	simm.s32 @!p0 $0x1BF5;
	p2 =	por !p2, p0  }
0x20: {  	[sflag:s8] =	ssyncset.s32 @!p0 $0xFFFFF086;
	s6 =	sadd.s32 @!p0 s3, s7;
	s7 =	simm.s32 @!p0 $0x108  }
0x21: {  	s3 =	sadd.s32 s3, s9;
	s6 =	sadd.s32 @!p0 $0x88, s6;
	s7 =	simm.s32 @p2 $0x1082  }
0x22: {  	[simem:s7], [sflag:s8] =	dma.local @!p0 [hbm:s6], $0xF7A  }
0x23: {  	s9 =	sor.u32 $0xD0000000, s2;
	s6 =	simm.s32 $0x108;
	_ =	swait.ge @!p0 [sflag:s8], $0x0  }
0x24: {  	s3 =	sadd.s32 $0x88, s3;
	s6 =	simm.s32 @!p1 $0x1082;
	[sflag:s4] =	ssyncset.s32 $0xFFFFF086  }
0x25: {  	[simem:s6], [sflag:s4] =	dma.local [hbm:s3], $0xF7A  }
0x26: {  	[smem:$0x3F96] =	sst s1;
	(tag) =	ssettag s2;
	_ =	strace s9  }
0x27: {  	s1 =	sld [smem:$0x3FA6]  }
0x28: {  	s2 =	sld [smem:$0x3FA7]  }
0x29: {  	s4 =	sld [smem:$0x3FA9]  }
0x2a: {  	p0 =	seq.s32 s5, $0x0;
	s5 =	sld [smem:$0x3FAA]  }
0x2b: {  	s6 =	sld [smem:$0x3FAB]  }
0x2c: {  	s7 =	sld [smem:$0x3FAC]  }
0x2d: {  	s3 =	simm.s32 $0x108;
	s8 =	sld [smem:$0x3FAD]  }
0x2e: {  	s3 =	simm.s32 @!p0 $0x1082;
	s9 =	sld [smem:$0x3FAE]  }
0x2f: {  	lr =	sadd.s32 s0, s3;
	s0 =	sld [smem:$0x3FA5]  }
0x30: {  	s3 =	sld [smem:$0x3FA8]  }
0x31: {  	[smem:$0x3FB1] =	sst s10  }
0x32: {  	s10 =	sld [smem:$0x3FAF];
	_ =	sdelay $0x3  }
0x33: {  	p0 =	seq.s32 s10, $0x1;
	s10 =	sld [smem:$0x3FB1];
	_ =	sdelay $0x3  }
0x34: {  	[smem:$0x3FB1] =	sst s10  }
0x35: {  	s10 =	sld [smem:$0x3FB0];
	_ =	sdelay $0x3  }
0x36: {  	p1 =	seq.s32 s10, $0x1;
	s10 =	sld [smem:$0x3FB1];
	_ =	sdelay $0x3  }
0x37: {  	[smem:$0x3FB1] =	sst s10  }
0x38: {  	s10 =	sld [smem:$0x3FB2]  }
0x39: {  	_ = 	snop;
	(pc) =	sbr.ind lr, $3  }
0x3a: {  	_ = 	snop  }
0x3b: {  	_ = 	snop  }
0x3c: {  	p2 =	seq.s32 s10, $0x1;
	s10 =	sld [smem:$0x3FB1]  }
0x3d: {  	_ =	shalt  }
0x3e: {  	_ =	shalt  }
0x3f: {  	_ =	shalt  }
0x40: {  	_ =	shalt  }
0x41: {  	_ =	shalt  }
0x42: {  	_ =	shalt  }
0x43: {  	_ =	shalt  }
0x44: {  	_ =	shalt  }
0x45: {  	_ =	shalt  }
0x46: {  	_ =	shalt  }
0x47: {  	_ =	shalt  }
0x48: {  	_ =	shalt  }
0x49: {  	_ =	shalt  }
0x4a: {  	_ =	shalt  }
0x4b: {  	_ =	shalt  }
0x4c: {  	_ =	shalt  }
0x4d: {  	_ =	shalt  }
0x4e: {  	_ =	shalt  }
0x4f: {  	_ =	shalt  }
0x50: {  	_ =	shalt  }
0x51: {  	_ =	shalt  }
0x52: {  	_ =	shalt  }
0x53: {  	_ =	shalt  }
0x54: {  	_ =	shalt  }
0x55: {  	_ =	shalt  }
0x56: {  	_ =	shalt  }
0x57: {  	_ =	shalt  }
0x58: {  	_ =	shalt  }
0x59: {  	_ =	shalt  }
0x5a: {  	_ =	shalt  }
0x5b: {  	_ =	shalt  }
0x5c: {  	_ =	shalt  }
0x5d: {  	_ =	shalt  }
0x5e: {  	_ =	shalt  }
0x5f: {  	_ =	shalt  }
0x60: {  	_ =	shalt  }
0x61: {  	_ =	shalt  }
0x62: {  	_ =	shalt  }
0x63: {  	_ =	shalt  }
0x64: {  	_ =	shalt  }
0x65: {  	_ =	shalt  }
0x66: {  	_ =	shalt  }
0x67: {  	_ =	shalt  }
0x68: {  	_ =	shalt  }
0x69: {  	_ =	shalt  }
0x6a: {  	_ =	shalt  }
0x6b: {  	_ =	shalt  }
0x6c: {  	_ =	shalt  }
0x6d: {  	_ =	shalt  }
0x6e: {  	_ =	shalt  }
0x6f: {  	_ =	shalt  }
0x70: {  	_ =	shalt  }
0x71: {  	_ =	shalt  }
0x72: {  	_ =	shalt  }
0x73: {  	_ =	shalt  }
0x74: {  	_ =	shalt  }
0x75: {  	_ =	shalt  }
0x76: {  	_ =	shalt  }
0x77: {  	_ =	shalt  }
0x78: {  	_ =	shalt  }
0x79: {  	_ =	shalt  }
0x7a: {  	_ =	shalt  }
0x7b: {  	_ =	shalt  }
0x7c: {  	_ =	shalt  }
0x7d: {  	_ =	shalt  }
0x7e: {  	_ =	shalt  }
0x7f: {  	_ =	shalt  }
0x80: {  	_ =	shalt  }
0x81: {  	_ =	shalt  }
0x82: {  	_ =	shalt  }
0x83: {  	_ =	shalt  }
0x84: {  	_ =	shalt  }
0x85: {  	_ =	shalt  }
0x86: {  	_ =	shalt  }
0x87: {  	_ =	shalt  }
.Lfunc_end0:
.L_simem_size_0:
called_computation.2_lowered:
.L_overlay_start_0:
0x88: {  	s2 =	sld [smem:$0x3FD9]  }
0x89: {  	s3 =	sld [smem:$0x3FFE];
	_ =	sdelay $0x1  }
0x8a: {  	s1 =	srdreg.scid  }
0x8b: {  	s0 =	sand.u32 $0x1, s1  }
0x8c: {  	s14 =	sshll.u32 s0, $0xA;
	s2 =	sadd.s32 s3, s2  }
0x8d: {  	s2 =	sadd.s32 s2, s14  }
0x8e: {  	[smem:$0x3FBD] =	sst s2  }
0x8f: {  	_ = 	snop  }
0x90: {  	s2 =	sld [smem:$0x3FD0];
	_ =	sdelay $0x2  }
0x91: {  	s15 =	simm.s32 $0xA;
	s4 =	simm.s32 $0x10  }
0x92: {  	[smem:s4], [sflag:s15] =	dma.local [hbm:s2], $0x1  }
0x93: {  	_ =	swait.eq [sflag:s15], $0x1  }
0x94: {  	[sflag:s15] =	ssyncset.done $0x0  }
0x95: {  	[sflag:s15] =	ssyncadd.s32 $0xFFFFFFFF  }
0x96: {  	s16 =	sld [smem:$0x11];
	(tm) =	ssettm $0x1  }
0x97: {  	s17 =	sld [smem:$0x3FFB];
	_ =	sdelay $0x3  }
0x98: {  	_ =	strace s17  }
0x99: {  	s3 =	sld [smem:$0x3FFC];
	_ =	sdelay $0x3  }
0x9a: {  	_ =	strace s3  }
0x9b: {  	s3 =	sld [smem:$0x3FFD];
	_ =	sdelay $0x3  }
0x9c: {  	_ =	strace s3  }
0x9d: {  	_ =	strace $0x8FFFFFFF  }
0x9e: {  	s18 =	sld [smem:$0x3FDB];
	_ =	sdelay $0x1  }
0x9f: {  	s19 =	simm.s32 $_scs_section_size  }
0xa0: {  	s5 =	simm.s32 $_size__tile_overlayer_lowered;
	s6 =	simm.s32 $_tile_overlayer_lowered  }
0xa1: {  	s22 =	simm.s32 $0x1BFF;
	s21 =	sshll.u32 s6, $0x1;
	s3 =	sadd.s32 s19, s18  }
0xa2: {  	s7 =	simm.s32 $0x0;
	s20 =	sshll.u32 s5, $0x1;
	s5 =	sadd.s32 s21, s3  }
0xa3: {  	[timem:s7], [sflag:s22] =	dma.local [hbm:s5], s20  }
0xa4: {  	_ =	swait.ge [sflag:s22], s20  }
0xa5: {  	s4 =	ssub.s32 $0x0, s20;
	[sflag:s22] =	ssyncset.done $0x0  }
0xa6: {  	[sflag:s22] =	ssyncadd.s32 s4;
	_ =	sdelay $0x1  }
0xa7: {  	s23 =	simm.s32 $0x1B8B  }
0xa8: {  	_ =	swait.ge [sflag:s23], $0x1  }
0xa9: {  	[sflag:s23] =	ssyncset.done $0x0  }
0xaa: {  	s25 =	simm.s32 $0x1B8E;
	s24 =	sld [smem:$0x3FFE];
	[sflag:s23] =	ssyncadd.s32 $0xFFFFFFFF  }
0xab: {  	s26 =	simm.s32 $execute0_lowered;
	[smem:$0x3FD2] =	sst s25  }
0xac: {  	s5 =	sshll.u32 s26, $0x1;
	_ =	strace $0x8000004C;
	[dreg:$0x1] =	wrdreg $0xFFFFFFFF  }
0xad: {  	s28 =	simm.s32 $_size_execute0_lowered;
	s3 =	sadd.s32 s3, s5;
	[dreg:$0x0] =	wrdreg $0x0  }
0xae: {  	s5 =	sshll.u32 s28, $0x1;
	[dreg:$0x2] =	wrdreg s3  }
0xaf: {  	[dreg:$0x3] =	wrdreg s5  }
0xb0: {  	[dreg:$0x4] =	wrdreg $0xC0  }
0xb1: {  	_ =	task [dreg:s7], $0x5FFFF  }
0xb2: {  	[dreg:$0x1] =	wrdreg $0xFFFFFFFF  }
0xb3: {  	[dreg:$0x0] =	wrdreg $0x60  }
0xb4: {  	[dreg:$0x2] =	wrdreg s24  }
0xb5: {  	[dreg:$0x3] =	wrdreg s16  }
0xb6: {  	[dreg:$0x4] =	wrdreg $0x111700  }
0xb7: {  	[dreg:$0x5] =	wrdreg $0x9  }
0xb8: {  	_ =	task.clear_ibuf [dreg:s7], $0x6FFFF;
	_ =	strace $0x9000004C  }
0xb9: {  	s29 =	simm.s32 $0x9;
	_ =	strace $0x8000004E  }
0xba: {  	_ =	swait.ge [sflag:s29], $0x1  }
0xbb: {  	[sflag:s29] =	ssyncadd.s32 $0xFFFFFFFF  }
0xbc: {  	_ =	strace $0x9000004E  }
0xbd: {  	_ =	sfence  }
0xbe: {  	s30 =	sld [smem:$0x0];
	_ =	sdelay $0x2  }
0xbf: {  	s31 =	sshll.u32 s1, $0xD;
	s1 =	sshrl.u32 s1, $0x2  }
0xc0: {  	s3 =	sand.u32 $0x4000, s31;
	s1 =	sadd.s32 s1, s30  }
0xc1: {  	s0 =	sor.u32 s3, s0;
	s1 =	sshll.u32 s1, $0x11  }
0xc2: {  	s0 =	sor.u32 s1, s0  }
0xc3: {  	s0 =	sadd.s32 $0x8F2B, s0  }
0xc4: {  	[sflag:s0] =	ssyncadd.remote.s32 $0x1  }
0xc5: {  	_ =	sfence.sel $0xFFFF  }
0xc6: {  	[dreg:$0x0] =	wrdreg $0xFFFFFFFF;
	(pc) =	sbr.abs _section_cstart, $3  }
0xc7: {  	[dreg:$0x1] =	wrdreg $0xFFFFFFFF  }
0xc8: {  	_ =	task.clear_ibuf [dreg:s7], $0x2FFFF;
	_ =	strace $0x9FFFFFFF  }
0xc9: {  	(tm) =	ssettm $0x7FFFFFFF  }
tec
execute0_lowered:
.L_overlay_start_1:
0x0: {  	(tag) =	ssettag $0x1  }
0x1: {  	s9 =	rddreg [dreg:$0x0]  }
0x2: {  	s15 =	rddreg [dreg:$0x1]  }
0x3: {  	s1 =	rddreg [dreg:$0x2];
	s3 =	simm.s32 $0x0  }
0x4: {  	s4 =	srdreg.scid;
	s0 =	stileid.u32;
	s20 =	simm.s32 $0xBB8  }
0x5: {  	s21 =	simm.s32 $0x3E8;
	s22 =	simm.s32 $0xFA0;
	s23 =	simm.s32 $0x5  }
0x6: {  	[smem:$0x7FF] =	sst s3;
	s10 =	sand.u32 $0x1, s4;
	s11 =	smul.u32 $0x620, s0  }
0x7: {  	s4 =	sadd.s32 $0x1FA00, s9;
	s5 =	sadd.s32 $0x7200, s9;
	s24 =	smul.u32 $0x31000, s0  }
0x8: {  	s6 =	sadd.s32 $0xCCC00, s9;
	s7 =	sadd.s32 $0xFDC00, s9;
	s25 =	smul.u32 $0x61A8, s0  }
0x9: {  	s8 =	sadd.s32 $0x69200, s9;
	s28 =	sshll.u32 s0, $0x6;
	s12 =	smul.u32 $0x6200, s10  }
0xa: {  	_ =	strace $0x8000004D;
	s13 =	smul.u32 $0x61A80, s10;
	s10 =	ssub.s32 $0x2, s10  }
0xb: {  	s26 =	sshrl.u32 s10, $0x1;
	s11 =	sadd.s32 s11, s12;
	s12 =	sshrl.u32 s24, $0x2  }
0xc: {  	s18 =	ssub.s32 s10, s26;
	s10 =	sor.u32 $0x1C08, s28;
	s24 =	simm.s32 $0x1770  }
0xd: {  	s26 =	simm.s32 $0x0;
	s16 =	sshll.u32 s11, $0x2;
	s19 =	sadd.s32 s12, s1  }
0xe: {  	s17 =	sadd.s32 s16, s9;
	s9 =	sadd.s32 s25, s13;
	s30 =	sadd.s32 s15, s16  }
.Ltmp0:
0xf: {  	s25 =	simm.s32 $0x3;
	s29 =	sshrl.u32 s9, $0x3;
	(pc) =	sbr.rel .LBB2_1-.Ltmp0, $4  }
0x10: {  	s13 =	sadd.s32 $0x3E8, s9;
	[dreg:$0x4] =	wrdreg s30;
	s31 =	sadd.s32 $0x12EC00, s17  }
0x11: {  	s17 =	smax.u32 s18, $0x1;
	s18 =	sshrl.u32 s19, $0x3;
	s19 =	simm.s32 $0x8  }
0x12: {  	s11 =	sadd.s32 s4, s29;
	s14 =	sshrl.u32 s13, $0x3;
	s12 =	sadd.s32 s5, s29  }
0x13: {  	[dreg:$0x5] =	wrdreg s31;
	s13 =	sadd.s32 s4, s14;
	s14 =	sadd.s32 s5, s14  }
.LBB2_9:
0x14: {  	_ =	swait.ge [sflag:s25], $0x7D00  }
0x15: {  	[sflag:s25] =	ssyncset.done $0x0  }
0x16: {  	s26 =	sadd.s32 $0x1, s26;
	[sflag:s25] =	ssyncadd.s32 $0xFFFF8300  }
0x17: {  	p0 =	sne.s32 s26, s17;
	[bflag:$0x0] =	sbarrier.arrive $0xFFFF  }
.Ltmp1:
0x18: {  	s0 =	rddreg [dreg:$0x5];
	(pc) =	sbr.rel @!p0 .LBB2_10-.Ltmp1, $4  }
0x19: {  	[hbm:s0], [sflag:s10] =	dma.local [spmem:s18], $0x1880  }
0x1a: {  	_ =	swait.ge [sflag:s19], $0x1880  }
0x1b: {  	[sflag:s19] =	ssyncset.done $0x0  }
0x1c: {  	[sflag:s19] =	ssyncadd.s32 $0xFFFFE780  }
.LBB2_1:
0x1d: {  	[spmem:s18], [sflag:s10] =	dma.local [hbm:s8], $0x1880  }
0x1e: {  	_ =	swait.ge [sflag:s19], $0x1880  }
0x1f: {  	[sflag:s19] =	ssyncset.done $0x0  }
0x20: {  	[sflag:s19] =	ssyncadd.s32 $0xFFFFE780  }
0x21: {  	[bflag:$0x0] =	sbarrier.arrive $0xFFFF  }
0x22: {  	[tilespmem:s3], [sflag:$0x5] =	stream.linear.gather [hbm4b:s11+s3], $0x3E8, $0x38;
	[tilespmem:$0x1D570] =	vst v63  }
0x23: {  	_ = 	snop  }
0x24: {  	[tilespmem:s20], [sflag:$0x5] =	stream.linear.gather [hbm4b:s12+s3], $0x3E8, $0x38;
	[tilespmem:$0x1D570] =	vst v63  }
0x25: {  	_ = 	snop  }
0x26: {  	[tilespmem:s21], [sflag:$0x6] =	stream.linear.gather [hbm4b:s13+s3], $0x3E8, $0x38;
	[tilespmem:$0x1D570] =	vst v63  }
0x27: {  	_ = 	snop  }
0x28: {  	[tilespmem:s22], [sflag:$0x6] =	stream.linear.gather [hbm4b:s14+s3], $0x3E8, $0x38;
	[tilespmem:$0x1D570] =	vst v63  }
0x29: {  	_ =	swait.ge [sflag:s23], $0x3E8  }
0x2a: {  	[sflag:s23] =	ssyncset.done $0x0  }
.Ltmp2:
0x2b: {  	[sflag:s23] =	ssyncadd.s32 $0xFFFFFC18;
	(pc) =	sbr.rel .LBB2_2-.Ltmp2, $4  }
0x2c: {  	_ =	swait.ge [sflag:s23], $0x3E8  }
0x2d: {  	[sflag:s23] =	ssyncset.done $0x0  }
0x2e: {  	s29 =	simm.s32 $0x0;
	[sflag:s23] =	ssyncadd.s32 $0xFFFFFC18  }
0x2f: {  	[tilespmem:s24], [sflag:$0x1] =	stream.indirect.gather [hbm4b:s6+s21], $0x20, s3, s21, $0xb8;
	[tilespmem:$0x1D570] =	vst v63  }
.LBB2_4:
0x30: {  	s0 =	smul.u32 $0xAB, s29;
	_ =	sdelay $0x1  }
0x31: {  	s0 =	sshrl.u32 s0, $0x9  }
0x32: {  	s0 =	sand.u32 $0x7F, s0  }
0x33: {  	s0 =	smul.u32 $0x3, s0;
	_ =	sdelay $0x1  }
0x34: {  	s0 =	ssub.s32 s29, s0  }
0x35: {  	s2 =	smul.u32 $0x1F400, s28;
	s0 =	sand.u32 $0xFF, s0  }
0x36: {  	p0 =	slt.u32 s30, $0x19;
	s0 =	smul.u32 $0xFA0, s0  }
.Ltmp3:
0x37: {  	s15 =	sadd.s32 $0x1, s28;
	(pc) =	sbr.rel @!p0 .LBB2_5-.Ltmp3, $4  }
0x38: {  	s31 =	sadd.s32 $0x3, s28;
	_ =	swait.ge [sflag:s15], $0x7D00;
	s2 =	sshrl.u32 s2, $0x2  }
0x39: {  	[sflag:s15] =	ssyncset.done $0x0;
	s2 =	sadd.s32 $0x1770, s2;
	s0 =	sshrl.u32 s0, $0x2  }
0x3a: {  	[sflag:s15] =	ssyncadd.s32 $0xFFFF8300;
	s29 =	smov.u32 s30;
	s0 =	sadd.s32 $0xBB8, s0  }
0x3b: {  	[spmem:s1] =	stream.indirect.scatter.add.f32 [tilespmem:s2], [sflag:s31], $0x20, s0, s21, $0xb8;
	[tilespmem:$0x1D570] =	vst v63  }
.LBB2_2:
0x3c: {  	p0 =	seq.s32 s29, $0x0  }
0x3d: {  	p1 =	seq.s32 @!p0 s29, $0x18  }
0x3e: {  	s28 =	sand.u32 $0x1, s29;
	p1 =	por p0, !p1  }
.Ltmp4:
0x3f: {  	s31 =	sxor.u32 $0x1, s28;
	(pc) =	sbr.rel @!p1 .LBB2_4-.Ltmp4, $4  }
0x40: {  	s30 =	sadd.s32 @!p0 $0x3, s31  }
0x41: {  	_ =	swait.ge @!p0 [sflag:s30], $0x7D00  }
0x42: {  	[sflag:s30] =	ssyncset.done @!p0 $0x0  }
0x43: {  	[sflag:s30] =	ssyncadd.s32 @!p0 $0xFFFF8300;
	s30 =	simm.s32 @!p0 $0x19  }
0x44: {  	s30 =	sadd.s32 @!p0 $0x1, s29  }
0x45: {  	s30 =	simm.s32 @p0 $0x1  }
0x46: {  	s0 =	smul.u32 $0xAB, s30;
	_ =	sdelay $0x1  }
0x47: {  	s0 =	sshrl.u32 s0, $0x9  }
0x48: {  	s0 =	sand.u32 $0x7F, s0  }
0x49: {  	s0 =	smul.u32 $0x3, s0;
	_ =	sdelay $0x1  }
0x4a: {  	s0 =	ssub.s32 s30, s0  }
0x4b: {  	s0 =	sand.u32 $0xFF, s0  }
0x4c: {  	s2 =	sadd.s32 $0x5, s0  }
0x4d: {  	_ =	swait.ge [sflag:s2], $0x3E8  }
0x4e: {  	s15 =	smul.u32 $0x1F400, s31;
	[sflag:s2] =	ssyncset.done $0x0  }
0x4f: {  	s31 =	sadd.s32 $0x1, s31;
	s0 =	smul.u32 $0xFA0, s0;
	[sflag:s2] =	ssyncadd.s32 $0xFFFFFC18  }
0x50: {  	p0 =	sgt.u32 s29, $0x16;
	s16 =	sshrl.u32 s15, $0x2;
	_ =	swait.ge [sflag:s2], $0x3E8  }
0x51: {  	s15 =	sadd.s32 @!p0 $0x2, s29;
	s0 =	sshrl.u32 s0, $0x2;
	[sflag:s2] =	ssyncset.done $0x0  }
0x52: {  	[sflag:s2] =	ssyncadd.s32 $0xFFFFFC18;
	s2 =	sadd.s32 $0x1770, s16;
	s16 =	smul.u32 @!p0 $0xAB, s15  }
0x53: {  	[tilespmem:s2], [sflag:s31] =	stream.indirect.gather [hbm4b:s6+s21], $0x20, s0, s21, $0xb8;
	[tilespmem:$0x1D570] =	vst v63  }
0x54: {  	s0 =	sshrl.u32 @!p0 s16, $0x9  }
0x55: {  	s0 =	sand.u32 @!p0 $0x7F, s0  }
0x56: {  	s0 =	smul.u32 @!p0 $0x3, s0;
	_ =	sdelay $0x1  }
0x57: {  	s2 =	smul.u32 @!p0 $0x3E8, s15;
	s0 =	ssub.s32 @!p0 s15, s0  }
0x58: {  	s0 =	sand.u32 @!p0 $0xFF, s0  }
0x59: {  	s2 =	sadd.s32 @!p0 s9, s2;
	s15 =	smul.u32 @!p0 $0x3E8, s0  }
.Ltmp5:
0x5a: {  	s2 =	sshrl.u32 @!p0 s2, $0x3;
	(pc) =	sbr.rel .LBB2_4-.Ltmp5, $4  }
0x5b: {  	s31 =	simm.s32 @!p0 $0x0;
	s16 =	sadd.s32 @!p0 s4, s2;
	s0 =	sadd.s32 @!p0 $0x5, s0  }
0x5c: {  	[tilespmem:s15], [sflag:s0] =	stream.linear.gather @!p0 [hbm4b:s16+s31], $0x3E8, $0x38;
	[tilespmem:$0x1D570] =	vst v63  }
0x5d: {  	s2 =	sadd.s32 @!p0 s5, s2;
	s15 =	sadd.s32 @!p0 $0xBB8, s15  }
0x5e: {  	[tilespmem:s15], [sflag:s0] =	stream.linear.gather @!p0 [hbm4b:s2+s31], $0x3E8, $0x38;
	[tilespmem:$0x1D570] =	vst v63  }
.LBB2_5:
0x5f: {  	_ =	swait.ge [sflag:s25], $0x7D00  }
0x60: {  	[sflag:s25] =	ssyncset.done $0x0  }
0x61: {  	[sflag:s25] =	ssyncadd.s32 $0xFFFF8300  }
0x62: {  	[bflag:$0x0] =	sbarrier.arrive $0xFFFF  }
0x63: {  	s0 =	rddreg [dreg:$0x4]  }
0x64: {  	[hbm:s0], [sflag:s10] =	dma.local [spmem:s18], $0x1880  }
0x65: {  	_ =	swait.ge [sflag:s19], $0x1880  }
0x66: {  	[sflag:s19] =	ssyncset.done $0x0  }
0x67: {  	[sflag:s19] =	ssyncadd.s32 $0xFFFFE780  }
0x68: {  	[spmem:s18], [sflag:s10] =	dma.local [hbm:s8], $0x1880  }
0x69: {  	_ =	swait.ge [sflag:s19], $0x1880  }
0x6a: {  	[sflag:s19] =	ssyncset.done $0x0  }
0x6b: {  	[sflag:s19] =	ssyncadd.s32 $0xFFFFE780  }
0x6c: {  	s28 =	simm.s32 $0x0;
	[bflag:$0x0] =	sbarrier.arrive $0xFFFF  }
0x6d: {  	[tilespmem:s28], [sflag:$0x5] =	stream.linear.gather [hbm4b:s11+s28], $0x3E8, $0x38;
	[tilespmem:$0x1D570] =	vst v63  }
0x6e: {  	_ = 	snop  }
0x6f: {  	[tilespmem:s20], [sflag:$0x5] =	stream.linear.gather [hbm4b:s12+s28], $0x3E8, $0x38;
	[tilespmem:$0x1D570] =	vst v63  }
0x70: {  	_ = 	snop  }
0x71: {  	[tilespmem:s21], [sflag:$0x6] =	stream.linear.gather [hbm4b:s13+s28], $0x3E8, $0x38;
	[tilespmem:$0x1D570] =	vst v63  }
0x72: {  	_ = 	snop  }
0x73: {  	[tilespmem:s22], [sflag:$0x6] =	stream.linear.gather [hbm4b:s14+s28], $0x3E8, $0x38;
	[tilespmem:$0x1D570] =	vst v63  }
0x74: {  	_ =	swait.ge [sflag:s23], $0x3E8  }
0x75: {  	[sflag:s23] =	ssyncset.done $0x0  }
.Ltmp6:
0x76: {  	[sflag:s23] =	ssyncadd.s32 $0xFFFFFC18;
	(pc) =	sbr.rel .LBB2_6-.Ltmp6, $4  }
0x77: {  	_ =	swait.ge [sflag:s23], $0x3E8  }
0x78: {  	[sflag:s23] =	ssyncset.done $0x0  }
0x79: {  	[sflag:s23] =	ssyncadd.s32 $0xFFFFFC18  }
0x7a: {  	[tilespmem:s24], [sflag:$0x1] =	stream.indirect.gather [hbm4b:s7+s21], $0x20, s28, s21, $0xb8;
	[tilespmem:$0x1D570] =	vst v63  }
.LBB2_8:
0x7b: {  	s0 =	smul.u32 $0xAB, s28;
	_ =	sdelay $0x1  }
0x7c: {  	s0 =	sshrl.u32 s0, $0x9  }
0x7d: {  	s0 =	sand.u32 $0x7F, s0  }
0x7e: {  	s0 =	smul.u32 $0x3, s0;
	_ =	sdelay $0x1  }
0x7f: {  	s0 =	ssub.s32 s28, s0  }
0x80: {  	s2 =	smul.u32 $0x1F400, s29;
	s0 =	sand.u32 $0xFF, s0  }
0x81: {  	p0 =	slt.u32 s30, $0x19;
	s0 =	smul.u32 $0xFA0, s0  }
.Ltmp7:
0x82: {  	s15 =	sadd.s32 $0x1, s29;
	(pc) =	sbr.rel @!p0 .LBB2_9-.Ltmp7, $4  }
0x83: {  	s31 =	sadd.s32 $0x3, s29;
	_ =	swait.ge [sflag:s15], $0x7D00;
	s2 =	sshrl.u32 s2, $0x2  }
0x84: {  	[sflag:s15] =	ssyncset.done $0x0;
	s2 =	sadd.s32 $0x1770, s2;
	s0 =	sshrl.u32 s0, $0x2  }
0x85: {  	[sflag:s15] =	ssyncadd.s32 $0xFFFF8300;
	s28 =	smov.u32 s30;
	s0 =	sadd.s32 $0xBB8, s0  }
0x86: {  	[spmem:s1] =	stream.indirect.scatter.add.f32 [tilespmem:s2], [sflag:s31], $0x20, s0, s21, $0xb8;
	[tilespmem:$0x1D570] =	vst v63  }
.LBB2_6:
0x87: {  	p0 =	seq.s32 s28, $0x0  }
0x88: {  	p1 =	seq.s32 @!p0 s28, $0x18  }
0x89: {  	s29 =	sand.u32 $0x1, s28;
	p1 =	por p0, !p1  }
.Ltmp8:
0x8a: {  	s31 =	sxor.u32 $0x1, s29;
	(pc) =	sbr.rel @!p1 .LBB2_8-.Ltmp8, $4  }
0x8b: {  	s0 =	sadd.s32 @!p0 $0x3, s31  }
0x8c: {  	_ =	swait.ge @!p0 [sflag:s0], $0x7D00  }
0x8d: {  	[sflag:s0] =	ssyncset.done @!p0 $0x0  }
0x8e: {  	s30 =	simm.s32 @!p0 $0x19;
	[sflag:s0] =	ssyncadd.s32 @!p0 $0xFFFF8300  }
0x8f: {  	s30 =	sadd.s32 @!p0 $0x1, s28  }
0x90: {  	s30 =	simm.s32 @p0 $0x1  }
0x91: {  	s0 =	smul.u32 $0xAB, s30;
	_ =	sdelay $0x1  }
0x92: {  	s0 =	sshrl.u32 s0, $0x9  }
0x93: {  	s0 =	sand.u32 $0x7F, s0  }
0x94: {  	s0 =	smul.u32 $0x3, s0;
	_ =	sdelay $0x1  }
0x95: {  	s0 =	ssub.s32 s30, s0  }
0x96: {  	s0 =	sand.u32 $0xFF, s0  }
0x97: {  	s2 =	sadd.s32 $0x5, s0  }
0x98: {  	_ =	swait.ge [sflag:s2], $0x3E8  }
0x99: {  	[sflag:s2] =	ssyncset.done $0x0  }
0x9a: {  	s15 =	smul.u32 $0x1F400, s31;
	[sflag:s2] =	ssyncadd.s32 $0xFFFFFC18  }
0x9b: {  	s0 =	smul.u32 $0xFA0, s0;
	_ =	swait.ge [sflag:s2], $0x3E8  }
0x9c: {  	p0 =	sgt.u32 s28, $0x16;
	s16 =	sshrl.u32 s15, $0x2;
	[sflag:s2] =	ssyncset.done $0x0  }
0x9d: {  	s15 =	sadd.s32 @!p0 $0x2, s28;
	s0 =	sshrl.u32 s0, $0x2;
	[sflag:s2] =	ssyncadd.s32 $0xFFFFFC18  }
0x9e: {  	s2 =	sadd.s32 $0x1770, s16;
	s16 =	sadd.s32 $0x1, s31;
	s31 =	smul.u32 @!p0 $0xAB, s15  }
0x9f: {  	[tilespmem:s2], [sflag:s16] =	stream.indirect.gather [hbm4b:s7+s21], $0x20, s0, s21, $0xb8;
	[tilespmem:$0x1D570] =	vst v63  }
0xa0: {  	s0 =	sshrl.u32 @!p0 s31, $0x9  }
0xa1: {  	s0 =	sand.u32 @!p0 $0x7F, s0  }
0xa2: {  	s0 =	smul.u32 @!p0 $0x3, s0;
	_ =	sdelay $0x1  }
0xa3: {  	s2 =	smul.u32 @!p0 $0x3E8, s15;
	s0 =	ssub.s32 @!p0 s15, s0  }
0xa4: {  	s0 =	sand.u32 @!p0 $0xFF, s0  }
0xa5: {  	s2 =	sadd.s32 @!p0 s9, s2;
	s15 =	smul.u32 @!p0 $0x3E8, s0  }
.Ltmp9:
0xa6: {  	s2 =	sshrl.u32 @!p0 s2, $0x3;
	(pc) =	sbr.rel .LBB2_8-.Ltmp9, $4  }
0xa7: {  	s31 =	simm.s32 @!p0 $0x0;
	s16 =	sadd.s32 @!p0 s4, s2;
	s0 =	sadd.s32 @!p0 $0x5, s0  }
0xa8: {  	[tilespmem:s15], [sflag:s0] =	stream.linear.gather @!p0 [hbm4b:s16+s31], $0x3E8, $0x38;
	[tilespmem:$0x1D570] =	vst v63  }
0xa9: {  	s2 =	sadd.s32 @!p0 s5, s2;
	s15 =	sadd.s32 @!p0 $0xBB8, s15  }
0xaa: {  	[tilespmem:s15], [sflag:s0] =	stream.linear.gather @!p0 [hbm4b:s2+s31], $0x3E8, $0x38;
	[tilespmem:$0x1D570] =	vst v63  }
.LBB2_10:
0xab: {  	_ =	sfence.sel $0x180000  }
0xac: {  	[bflag:$0x0] =	sbarrier.arrive $0xFFFF  }
0xad: {  	_ =	strace $0x9000004D  }
0xae: {  	s0 =	stileid.u32;
	[bflag:$0x2] =	sbarrier.arrive $0xFFFF  }
0xaf: {  	p0 =	sne.s32 s0, $0x0;
	s0 =	rddreg [dreg:$0x3]  }
0xb0: {  	s0 =	sadd.s32 @!p0 $0x100000, s0  }
0xb1: {  	[sflag:s0] =	ssyncadd.tile.s32 @!p0 $0x1;
	_ =	shalt  }
.Lfunc_end2:
_tile_overlayer_lowered:
.L_overlay_start_2:
0xb2: {  	(tag) =	ssettag $0x2  }
0xb3: {  	s0 =	rddreg [dreg:$0x0];
	s2 =	stileid.u32  }
0xb4: {  	s1 =	rddreg [dreg:$0x1];
	p0 =	sne.s32 s2, $0x0  }
0xb5: {  	s3 =	rddreg [dreg:$0x2];
	[bflag:$0x3] =	sbarrier.arrive $0xFFFF;
	s2 =	simm.s32 @!p0 $0x1C08  }
0xb6: {  	[timem:s3], [sflag:s2] =	dma.local @!p0 [hbm:s0], s1  }
0xb7: {  	s0 =	simm.s32 @!p0 $0x8  }
0xb8: {  	_ =	swait.ge @!p0 [sflag:s0], s1  }
0xb9: {  	s1 =	ssub.s32 @!p0 $0x0, s1;
	[sflag:s0] =	ssyncset.done @!p0 $0x0  }
0xba: {  	[sflag:s0] =	ssyncadd.s32 @!p0 s1  }
0xbb: {  	[bflag:$0x3] =	sbarrier.arrive $0xFFFF  }
0xbc: {  	_ =	shalt  }

// kernel: kernel.19.cloned.1.call-start
scs
__scs_entry_jumppad:
0x0: {  	(pc) =	sbr.rel $0x88, $3  }
0x1: {  	(tag) =	ssettag $0x0;
	lr =	simm.s32 $0x1  }
0x2: {  	[smem:$0x3F96] =	sst lr;
	_ =	strace $0xD0000000  }
0x3: {  	_ = 	snop  }
0x4: {  	_ = 	snop  }
0x5: {  	_ = 	snop  }
0x6: {  	_ = 	snop  }
0x7: {  	_ = 	snop  }
__scs_overlays_trampoline_lowered:
0x8: {  	[smem:$0x3FA5] =	sst s0  }
0x9: {  	[smem:$0x3FA6] =	sst s1  }
0xa: {  	[smem:$0x3FA7] =	sst s2  }
0xb: {  	[smem:$0x3FA8] =	sst s3  }
0xc: {  	[smem:$0x3FA9] =	sst s4  }
0xd: {  	[smem:$0x3FAA] =	sst s5  }
0xe: {  	[smem:$0x3FAB] =	sst s6  }
0xf: {  	[smem:$0x3FAC] =	sst s7  }
0x10: {  	[smem:$0x3FAD] =	sst s8  }
0x11: {  	[smem:$0x3FAE] =	sst s9;
	s0 =	simm.s32 @!p0 $0x0  }
0x12: {  	s1 =	sld [smem:$0x3F94];
	s0 =	simm.s32 @p0 $0x1  }
0x13: {  	[smem:$0x3FAF] =	sst s0;
	s0 =	simm.s32 @!p1 $0x0  }
0x14: {  	s2 =	sld [smem:$0x3F93];
	s0 =	simm.s32 @p1 $0x1  }
0x15: {  	[smem:$0x3FB0] =	sst s0;
	s0 =	simm.s32 @!p2 $0x0  }
0x16: {  	s3 =	sld [smem:$0x3FDB];
	s0 =	simm.s32 @p2 $0x1  }
0x17: {  	s4 =	simm.s32 $0x1BF5;
	[smem:$0x3FB2] =	sst s0  }
0x18: {  	s0 =	sld [smem:$0x3F95];
	_ =	swait.ge [sflag:s4], $0x0  }
0x19: {  	s7 =	sld [smem:$0x3F96]  }
0x1a: {  	s8 =	sadd.s32 $0xFFFFE003, lr  }
0x1b: {  	s9 =	sadd.s32 $0xFFFFFEF7, lr;
	s5 =	simm.s32 $0xFFFFFFFF;
	p2 =	slt.u32 s8, $0xFFFFF086  }
0x1c: {  	p1 =	slt.u32 s9, $0xF7A;
	s5 =	simm.s32 @!p2 $0x0  }
0x1d: {  	s5 =	simm.s32 @p1 $0x1;
	p0 =	seq.s32 s7, s2  }
0x1e: {  	s7 =	smul.u32 @!p0 $0xF7A, s2;
	p2 =	seq.s32 @!p0 s5, $0x0  }
0x1f: {  	s9 =	smul.u32 $0xF7A, s1;
	s8 =	simm.s32 @!p0 $0x1BF5;
	p2 =	por !p2, p0  }
0x20: {  	[sflag:s8] =	ssyncset.s32 @!p0 $0xFFFFF086;
	s6 =	sadd.s32 @!p0 s3, s7;
	s7 =	simm.s32 @!p0 $0x108  }
0x21: {  	s3 =	sadd.s32 s3, s9;
	s6 =	sadd.s32 @!p0 $0x88, s6;
	s7 =	simm.s32 @p2 $0x1082  }
0x22: {  	[simem:s7], [sflag:s8] =	dma.local @!p0 [hbm:s6], $0xF7A  }
0x23: {  	s9 =	sor.u32 $0xD0000000, s2;
	s6 =	simm.s32 $0x108;
	_ =	swait.ge @!p0 [sflag:s8], $0x0  }
0x24: {  	s3 =	sadd.s32 $0x88, s3;
	s6 =	simm.s32 @!p1 $0x1082;
	[sflag:s4] =	ssyncset.s32 $0xFFFFF086  }
0x25: {  	[simem:s6], [sflag:s4] =	dma.local [hbm:s3], $0xF7A  }
0x26: {  	[smem:$0x3F96] =	sst s1;
	(tag) =	ssettag s2;
	_ =	strace s9  }
0x27: {  	s1 =	sld [smem:$0x3FA6]  }
0x28: {  	s2 =	sld [smem:$0x3FA7]  }
0x29: {  	s4 =	sld [smem:$0x3FA9]  }
0x2a: {  	p0 =	seq.s32 s5, $0x0;
	s5 =	sld [smem:$0x3FAA]  }
0x2b: {  	s6 =	sld [smem:$0x3FAB]  }
0x2c: {  	s7 =	sld [smem:$0x3FAC]  }
0x2d: {  	s3 =	simm.s32 $0x108;
	s8 =	sld [smem:$0x3FAD]  }
0x2e: {  	s3 =	simm.s32 @!p0 $0x1082;
	s9 =	sld [smem:$0x3FAE]  }
0x2f: {  	lr =	sadd.s32 s0, s3;
	s0 =	sld [smem:$0x3FA5]  }
0x30: {  	s3 =	sld [smem:$0x3FA8]  }
0x31: {  	[smem:$0x3FB1] =	sst s10  }
0x32: {  	s10 =	sld [smem:$0x3FAF];
	_ =	sdelay $0x3  }
0x33: {  	p0 =	seq.s32 s10, $0x1;
	s10 =	sld [smem:$0x3FB1];
	_ =	sdelay $0x3  }
0x34: {  	[smem:$0x3FB1] =	sst s10  }
0x35: {  	s10 =	sld [smem:$0x3FB0];
	_ =	sdelay $0x3  }
0x36: {  	p1 =	seq.s32 s10, $0x1;
	s10 =	sld [smem:$0x3FB1];
	_ =	sdelay $0x3  }
0x37: {  	[smem:$0x3FB1] =	sst s10  }
0x38: {  	s10 =	sld [smem:$0x3FB2]  }
0x39: {  	_ = 	snop;
	(pc) =	sbr.ind lr, $3  }
0x3a: {  	_ = 	snop  }
0x3b: {  	_ = 	snop  }
0x3c: {  	p2 =	seq.s32 s10, $0x1;
	s10 =	sld [smem:$0x3FB1]  }
0x3d: {  	_ =	shalt  }
0x3e: {  	_ =	shalt  }
0x3f: {  	_ =	shalt  }
0x40: {  	_ =	shalt  }
0x41: {  	_ =	shalt  }
0x42: {  	_ =	shalt  }
0x43: {  	_ =	shalt  }
0x44: {  	_ =	shalt  }
0x45: {  	_ =	shalt  }
0x46: {  	_ =	shalt  }
0x47: {  	_ =	shalt  }
0x48: {  	_ =	shalt  }
0x49: {  	_ =	shalt  }
0x4a: {  	_ =	shalt  }
0x4b: {  	_ =	shalt  }
0x4c: {  	_ =	shalt  }
0x4d: {  	_ =	shalt  }
0x4e: {  	_ =	shalt  }
0x4f: {  	_ =	shalt  }
0x50: {  	_ =	shalt  }
0x51: {  	_ =	shalt  }
0x52: {  	_ =	shalt  }
0x53: {  	_ =	shalt  }
0x54: {  	_ =	shalt  }
0x55: {  	_ =	shalt  }
0x56: {  	_ =	shalt  }
0x57: {  	_ =	shalt  }
0x58: {  	_ =	shalt  }
0x59: {  	_ =	shalt  }
0x5a: {  	_ =	shalt  }
0x5b: {  	_ =	shalt  }
0x5c: {  	_ =	shalt  }
0x5d: {  	_ =	shalt  }
0x5e: {  	_ =	shalt  }
0x5f: {  	_ =	shalt  }
0x60: {  	_ =	shalt  }
0x61: {  	_ =	shalt  }
0x62: {  	_ =	shalt  }
0x63: {  	_ =	shalt  }
0x64: {  	_ =	shalt  }
0x65: {  	_ =	shalt  }
0x66: {  	_ =	shalt  }
0x67: {  	_ =	shalt  }
0x68: {  	_ =	shalt  }
0x69: {  	_ =	shalt  }
0x6a: {  	_ =	shalt  }
0x6b: {  	_ =	shalt  }
0x6c: {  	_ =	shalt  }
0x6d: {  	_ =	shalt  }
0x6e: {  	_ =	shalt  }
0x6f: {  	_ =	shalt  }
0x70: {  	_ =	shalt  }
0x71: {  	_ =	shalt  }
0x72: {  	_ =	shalt  }
0x73: {  	_ =	shalt  }
0x74: {  	_ =	shalt  }
0x75: {  	_ =	shalt  }
0x76: {  	_ =	shalt  }
0x77: {  	_ =	shalt  }
0x78: {  	_ =	shalt  }
0x79: {  	_ =	shalt  }
0x7a: {  	_ =	shalt  }
0x7b: {  	_ =	shalt  }
0x7c: {  	_ =	shalt  }
0x7d: {  	_ =	shalt  }
0x7e: {  	_ =	shalt  }
0x7f: {  	_ =	shalt  }
0x80: {  	_ =	shalt  }
0x81: {  	_ =	shalt  }
0x82: {  	_ =	shalt  }
0x83: {  	_ =	shalt  }
0x84: {  	_ =	shalt  }
0x85: {  	_ =	shalt  }
0x86: {  	_ =	shalt  }
0x87: {  	_ =	shalt  }
.Lfunc_end0:
.L_simem_size_0:
called_computation.3_lowered:
.L_overlay_start_0:
0x88: {  	s2 =	sld [smem:$0x3FD9]  }
0x89: {  	s3 =	sld [smem:$0x3FFE];
	_ =	sdelay $0x1  }
0x8a: {  	s1 =	srdreg.scid  }
0x8b: {  	s0 =	sand.u32 $0x1, s1  }
0x8c: {  	s14 =	sshll.u32 s0, $0xA;
	s2 =	sadd.s32 s3, s2  }
0x8d: {  	s2 =	sadd.s32 s2, s14  }
0x8e: {  	[smem:$0x3FBD] =	sst s2  }
0x8f: {  	_ = 	snop  }
0x90: {  	s2 =	sld [smem:$0x3FD0];
	_ =	sdelay $0x2  }
0x91: {  	s4 =	simm.s32 $0xA;
	s5 =	simm.s32 $0x10;
	s15 =	sld [smem:$0x3FC6]  }
0x92: {  	[smem:s5], [sflag:s4] =	dma.local [hbm:s2], $0x1  }
0x93: {  	_ =	swait.eq [sflag:s4], $0x1  }
0x94: {  	s16 =	sld [smem:$0x10];
	[sflag:s4] =	ssyncset.done $0x0  }
0x95: {  	s17 =	sld [smem:$0x11];
	[sflag:s4] =	ssyncadd.s32 $0xFFFFFFFF  }
0x96: {  	s18 =	sld [smem:$0x12];
	(tm) =	ssettm $0x1  }
0x97: {  	s6 =	sld [smem:$0x3FFB];
	_ =	sdelay $0x3  }
0x98: {  	_ =	strace s6  }
0x99: {  	s6 =	sld [smem:$0x3FFC];
	_ =	sdelay $0x3  }
0x9a: {  	_ =	strace s6  }
0x9b: {  	s6 =	sld [smem:$0x3FFD];
	_ =	sdelay $0x3  }
0x9c: {  	_ =	strace s6  }
0x9d: {  	_ =	strace $0x8FFFFFFF  }
0x9e: {  	s19 =	sld [smem:$0x3FDB];
	_ =	sdelay $0x1  }
0x9f: {  	s7 =	simm.s32 $_scs_section_size  }
0xa0: {  	s8 =	simm.s32 $_size__tile_overlayer_lowered;
	s9 =	simm.s32 $_tile_overlayer_lowered  }
0xa1: {  	s22 =	simm.s32 $0x1BFF;
	s21 =	sshll.u32 s9, $0x1;
	s6 =	sadd.s32 s7, s19  }
0xa2: {  	s10 =	simm.s32 $0x0;
	s20 =	sshll.u32 s8, $0x1;
	s8 =	sadd.s32 s21, s6  }
0xa3: {  	[timem:s10], [sflag:s22] =	dma.local [hbm:s8], s20  }
0xa4: {  	_ =	swait.ge [sflag:s22], s20  }
0xa5: {  	s7 =	ssub.s32 $0x0, s20;
	[sflag:s22] =	ssyncset.done $0x0  }
0xa6: {  	[sflag:s22] =	ssyncadd.s32 s7;
	_ =	sdelay $0x1  }
0xa7: {  	s23 =	simm.s32 $0x1B8B  }
0xa8: {  	_ =	swait.ge [sflag:s23], $0x1  }
0xa9: {  	[sflag:s23] =	ssyncset.done $0x0  }
0xaa: {  	s25 =	simm.s32 $0x1B8E;
	s24 =	sld [smem:$0x3FFE];
	[sflag:s23] =	ssyncadd.s32 $0xFFFFFFFF  }
0xab: {  	s26 =	simm.s32 $execute0_lowered;
	[smem:$0x3FD2] =	sst s25  }
0xac: {  	s8 =	sshll.u32 s26, $0x1;
	_ =	strace $0x8000004F;
	[dreg:$0x1] =	wrdreg $0xFFFFFFFF  }
0xad: {  	s28 =	simm.s32 $_size_execute0_lowered;
	s6 =	sadd.s32 s6, s8;
	[dreg:$0x0] =	wrdreg $0x0  }
0xae: {  	s8 =	sshll.u32 s28, $0x1;
	[dreg:$0x2] =	wrdreg s6  }
0xaf: {  	[dreg:$0x3] =	wrdreg s8  }
0xb0: {  	[dreg:$0x4] =	wrdreg $0xC0  }
0xb1: {  	_ =	task [dreg:s10], $0x5FFFF  }
0xb2: {  	[dreg:$0x1] =	wrdreg $0xFFFFFFFF  }
0xb3: {  	[dreg:$0x0] =	wrdreg $0x60  }
0xb4: {  	[dreg:$0x2] =	wrdreg s18  }
0xb5: {  	[dreg:$0x3] =	wrdreg s24  }
0xb6: {  	[dreg:$0x4] =	wrdreg s15  }
0xb7: {  	[dreg:$0x5] =	wrdreg s16  }
0xb8: {  	[dreg:$0x6] =	wrdreg s17  }
0xb9: {  	[dreg:$0x7] =	wrdreg $0x9  }
0xba: {  	_ =	task.clear_ibuf [dreg:s10], $0x8FFFF;
	_ =	strace $0x9000004F  }
0xbb: {  	s29 =	simm.s32 $0x9;
	_ =	strace $0x80000051  }
0xbc: {  	_ =	swait.ge [sflag:s29], $0x1  }
0xbd: {  	[sflag:s29] =	ssyncadd.s32 $0xFFFFFFFF  }
0xbe: {  	_ =	strace $0x90000051  }
0xbf: {  	_ =	sfence  }
0xc0: {  	s30 =	sld [smem:$0x0];
	_ =	sdelay $0x2  }
0xc1: {  	s31 =	sshll.u32 s1, $0xD;
	s1 =	sshrl.u32 s1, $0x2  }
0xc2: {  	s3 =	sand.u32 $0x4000, s31;
	s1 =	sadd.s32 s1, s30  }
0xc3: {  	s0 =	sor.u32 s3, s0;
	s1 =	sshll.u32 s1, $0x11  }
0xc4: {  	s0 =	sor.u32 s1, s0  }
0xc5: {  	s0 =	sadd.s32 $0x8F2B, s0  }
0xc6: {  	[sflag:s0] =	ssyncadd.remote.s32 $0x1  }
0xc7: {  	_ =	sfence.sel $0xFFFF  }
0xc8: {  	[dreg:$0x0] =	wrdreg $0xFFFFFFFF;
	(pc) =	sbr.abs _section_cstart, $3  }
0xc9: {  	[dreg:$0x1] =	wrdreg $0xFFFFFFFF  }
0xca: {  	_ =	task.clear_ibuf [dreg:s10], $0x2FFFF;
	_ =	strace $0x9FFFFFFF  }
0xcb: {  	(tm) =	ssettm $0x7FFFFFFF  }
tec
execute0_lowered:
.L_overlay_start_1:
0x0: {  	(tag) =	ssettag $0x1  }
0x1: {  	s1 =	rddreg [dreg:$0x0];
	s2 =	srdreg.scid  }
0x2: {  	s23 =	rddreg [dreg:$0x1];
	s3 =	stileid.u32;
	s31 =	sand.u32 $0x1, s2  }
0x3: {  	s0 =	rddreg [dreg:$0x2];
	s10 =	sshll.u32 s3, $0xA;
	s5 =	sshll.u32 s31, $0x9  }
0x4: {  	s4 =	rddreg [dreg:$0x3];
	s3 =	simm.s32 $0x0;
	s2 =	sor.u32 s5, s10  }
0x5: {  	[smem:$0x7FF] =	sst s3;
	s5 =	sshrl.u32 s2, $0x3  }
0x6: {  	s22 =	rddreg [dreg:$0x4];
	_ =	strace $0x80000050;
	s0 =	sadd.s32 s0, s5  }
0x7: {  	s28 =	sshll.u32 s2, $0x5;
	s11 =	sadd.s32 s4, s5;
	[dreg:$0x6] =	wrdreg s0  }
0x8: {  	s12 =	sadd.s32 s22, s28;
	s24 =	sor.u32 $0x4, s28;
	[dreg:$0x7] =	wrdreg s11  }
0x9: {  	[dreg:$0x8] =	wrdreg s12;
	s13 =	sadd.s32 s22, s24  }
0xa: {  	s25 =	sor.u32 $0x8, s28;
	[dreg:$0x9] =	wrdreg s13  }
0xb: {  	s26 =	sor.u32 $0xC, s28;
	s14 =	sadd.s32 s22, s25;
	s15 =	rddreg [dreg:$0x6]  }
0xc: {  	s16 =	sadd.s32 s22, s26;
	[dreg:$0xa] =	wrdreg s14  }
0xd: {  	s4 =	simm.s32 $0x3;
	[dreg:$0xb] =	wrdreg s16  }
0xe: {  	[tilespmem:s3], [sflag:$0x3] =	stream.linear.gather [hbm4b:s15+s3], $0x200, $0x38;
	[tilespmem:$0x8400] =	vst v63  }
0xf: {  	_ =	swait.ge [sflag:s4], $0x200  }
0x10: {  	[sflag:s4] =	ssyncset.done $0x0  }
0x11: {  	s5 =	simm.s32 $0x200;
	s17 =	rddreg [dreg:$0x7];
	[sflag:s4] =	ssyncadd.s32 $0xFFFFFE00  }
0x12: {  	[tilespmem:s5], [sflag:$0x3] =	stream.linear.gather [hbm4b:s17+s3], $0x200, $0x38;
	[tilespmem:$0x8400] =	vst v63  }
0x13: {  	_ =	swait.ge [sflag:s4], $0x200  }
0x14: {  	[sflag:s4] =	ssyncset.done $0x0  }
0x15: {  	s6 =	simm.s32 $0x400;
	[sflag:s4] =	ssyncadd.s32 $0xFFFFFE00  }
0x16: {  	[tilespmem:s6], [sflag:$0x1] =	stream.indirect.gather [hbm4b:s1+s5], $0x20, s3, s5, $0xb8;
	[tilespmem:$0x8400] =	vst v63  }
0x17: {  	s8 =	simm.s32 $0x4400;
	s9 =	simm.s32 $0x1;
	s7 =	sadd.s32 $0x38200, s23  }
0x18: {  	[tilespmem:s8], [sflag:$0x2] =	stream.indirect.gather [hbm4b:s7+s5], $0x20, s3, s5, $0xb8;
	[tilespmem:$0x8400] =	vst v63  }
0x19: {  	_ =	swait.ge [sflag:s9], $0x4000  }
0x1a: {  	s10 =	simm.s32 $0x20;
	[sflag:s9] =	ssyncset.done $0x0  }
0x1b: {  	s11 =	simm.s32 $0x100;
	s18 =	rddreg [dreg:$0x8];
	[sflag:s9] =	ssyncadd.s32 $0xFFFFC000  }
0x1c: {  	[hbm4b:s18+s10] =	stream.strided.scatter [tilespmem:s6], [sflag:$0x3], $0x4000, s11, s10, $0x38;
	[tilespmem:$0x8400] =	vst v63  }
0x1d: {  	_ =	swait.ge [sflag:s4], $0x4000  }
0x1e: {  	[sflag:s4] =	ssyncset.done $0x0  }
0x1f: {  	s12 =	sadd.s32 $0x6AC00, s23;
	s13 =	simm.s32 $0x2;
	[sflag:s4] =	ssyncadd.s32 $0xFFFFC000  }
0x20: {  	[tilespmem:s6], [sflag:$0x1] =	stream.indirect.gather [hbm4b:s12+s5], $0x20, s3, s5, $0xb8;
	[tilespmem:$0x8400] =	vst v63  }
0x21: {  	_ =	swait.ge [sflag:s13], $0x4000  }
0x22: {  	[sflag:s13] =	ssyncset.done $0x0  }
0x23: {  	s19 =	rddreg [dreg:$0x9];
	[sflag:s13] =	ssyncadd.s32 $0xFFFFC000  }
0x24: {  	[hbm4b:s19+s10] =	stream.strided.scatter [tilespmem:s8], [sflag:$0x3], $0x4000, s11, s10, $0x38;
	[tilespmem:$0x8400] =	vst v63  }
0x25: {  	_ =	swait.ge [sflag:s4], $0x4000  }
0x26: {  	[sflag:s4] =	ssyncset.done $0x0  }
0x27: {  	s14 =	sadd.s32 $0x9BC00, s23;
	[sflag:s4] =	ssyncadd.s32 $0xFFFFC000  }
0x28: {  	[tilespmem:s8], [sflag:$0x2] =	stream.indirect.gather [hbm4b:s14+s5], $0x20, s3, s5, $0xb8;
	[tilespmem:$0x8400] =	vst v63  }
0x29: {  	_ =	swait.ge [sflag:s9], $0x4000  }
0x2a: {  	[sflag:s9] =	ssyncset.done $0x0  }
0x2b: {  	s20 =	rddreg [dreg:$0xa];
	[sflag:s9] =	ssyncadd.s32 $0xFFFFC000  }
0x2c: {  	[hbm4b:s20+s10] =	stream.strided.scatter [tilespmem:s6], [sflag:$0x3], $0x4000, s11, s10, $0x38;
	[tilespmem:$0x8400] =	vst v63  }
0x2d: {  	_ =	swait.ge [sflag:s4], $0x4000  }
0x2e: {  	[sflag:s4] =	ssyncset.done $0x0  }
0x2f: {  	s15 =	sadd.s32 $0xCCC00, s23;
	[sflag:s4] =	ssyncadd.s32 $0xFFFFC000  }
0x30: {  	[tilespmem:s6], [sflag:$0x1] =	stream.indirect.gather [hbm4b:s15+s5], $0x20, s3, s5, $0xb8;
	[tilespmem:$0x8400] =	vst v63  }
0x31: {  	_ =	swait.ge [sflag:s13], $0x4000  }
0x32: {  	[sflag:s13] =	ssyncset.done $0x0  }
0x33: {  	s21 =	rddreg [dreg:$0xb];
	[sflag:s13] =	ssyncadd.s32 $0xFFFFC000  }
0x34: {  	[hbm4b:s21+s10] =	stream.strided.scatter [tilespmem:s8], [sflag:$0x3], $0x4000, s11, s10, $0x38;
	[tilespmem:$0x8400] =	vst v63  }
0x35: {  	_ =	swait.ge [sflag:s4], $0x4000  }
0x36: {  	[sflag:s4] =	ssyncset.done $0x0  }
0x37: {  	s16 =	sadd.s32 $0xFDC00, s23;
	[sflag:s4] =	ssyncadd.s32 $0xFFFFC000  }
0x38: {  	[tilespmem:s8], [sflag:$0x2] =	stream.indirect.gather [hbm4b:s16+s5], $0x20, s3, s5, $0xb8;
	[tilespmem:$0x8400] =	vst v63  }
0x39: {  	_ =	swait.ge [sflag:s9], $0x4000  }
0x3a: {  	s29 =	sor.u32 $0x10, s28;
	[sflag:s9] =	ssyncset.done $0x0  }
0x3b: {  	s17 =	sadd.s32 s22, s29;
	[sflag:s9] =	ssyncadd.s32 $0xFFFFC000  }
0x3c: {  	[hbm4b:s17+s10] =	stream.strided.scatter [tilespmem:s6], [sflag:$0x3], $0x4000, s11, s10, $0x38;
	[tilespmem:$0x8400] =	vst v63  }
0x3d: {  	_ =	swait.ge [sflag:s4], $0x4000  }
0x3e: {  	[sflag:s4] =	ssyncset.done $0x0  }
0x3f: {  	s18 =	sadd.s32 $0x12EC00, s23;
	[sflag:s4] =	ssyncadd.s32 $0xFFFFC000  }
0x40: {  	[tilespmem:s6], [sflag:$0x1] =	stream.indirect.gather [hbm4b:s18+s5], $0x20, s3, s5, $0xb8;
	[tilespmem:$0x8400] =	vst v63  }
0x41: {  	_ =	swait.ge [sflag:s13], $0x4000  }
0x42: {  	s30 =	sor.u32 $0x14, s28;
	[sflag:s13] =	ssyncset.done $0x0  }
0x43: {  	s19 =	sadd.s32 s22, s30;
	[sflag:s13] =	ssyncadd.s32 $0xFFFFC000  }
0x44: {  	[hbm4b:s19+s10] =	stream.strided.scatter [tilespmem:s8], [sflag:$0x3], $0x4000, s11, s10, $0x38;
	[tilespmem:$0x8400] =	vst v63  }
0x45: {  	_ =	swait.ge [sflag:s4], $0x4000  }
0x46: {  	[sflag:s4] =	ssyncset.done $0x0  }
0x47: {  	s20 =	sadd.s32 $0x15FC00, s23;
	[sflag:s4] =	ssyncadd.s32 $0xFFFFC000  }
0x48: {  	[tilespmem:s8], [sflag:$0x2] =	stream.indirect.gather [hbm4b:s20+s5], $0x20, s3, s5, $0xb8;
	[tilespmem:$0x8400] =	vst v63  }
0x49: {  	_ =	swait.ge [sflag:s9], $0x4000  }
0x4a: {  	s2 =	sor.u32 $0x18, s28;
	[sflag:s9] =	ssyncset.done $0x0  }
0x4b: {  	s21 =	sadd.s32 s22, s2;
	[sflag:s9] =	ssyncadd.s32 $0xFFFFC000  }
0x4c: {  	[hbm4b:s21+s10] =	stream.strided.scatter [tilespmem:s6], [sflag:$0x3], $0x4000, s11, s10, $0x38;
	[tilespmem:$0x8400] =	vst v63  }
0x4d: {  	_ =	swait.ge [sflag:s4], $0x4000  }
0x4e: {  	[sflag:s4] =	ssyncset.done $0x0  }
0x4f: {  	[sflag:s4] =	ssyncadd.s32 $0xFFFFC000  }
0x50: {  	[tilespmem:s6], [sflag:$0x1] =	stream.indirect.gather [hbm4b:s1+s5], $0x20, s5, s5, $0xb8;
	[tilespmem:$0x8400] =	vst v63  }
0x51: {  	_ =	swait.ge [sflag:s13], $0x4000  }
0x52: {  	s0 =	sor.u32 $0x1C, s28;
	[sflag:s13] =	ssyncset.done $0x0  }
0x53: {  	s22 =	sadd.s32 s22, s0;
	[dreg:$0xc] =	wrdreg s0;
	[sflag:s13] =	ssyncadd.s32 $0xFFFFC000  }
0x54: {  	[hbm4b:s22+s10] =	stream.strided.scatter [tilespmem:s8], [sflag:$0x3], $0x4000, s11, s10, $0x38;
	[tilespmem:$0x8400] =	vst v63  }
0x55: {  	_ =	swait.ge [sflag:s4], $0x4000  }
0x56: {  	[sflag:s4] =	ssyncset.done $0x0  }
0x57: {  	[sflag:s4] =	ssyncadd.s32 $0xFFFFC000  }
0x58: {  	[tilespmem:s8], [sflag:$0x2] =	stream.indirect.gather [hbm4b:s7+s5], $0x20, s5, s5, $0xb8;
	[tilespmem:$0x8400] =	vst v63  }
0x59: {  	_ =	swait.ge [sflag:s9], $0x4000  }
0x5a: {  	s0 =	sadd.s32 $0x190C00, s23;
	[sflag:s9] =	ssyncset.done $0x0  }
0x5b: {  	s23 =	sadd.s32 s0, s28;
	[sflag:s9] =	ssyncadd.s32 $0xFFFFC000  }
0x5c: {  	[hbm4b:s23+s10] =	stream.strided.scatter [tilespmem:s6], [sflag:$0x3], $0x4000, s11, s10, $0x38;
	[tilespmem:$0x8400] =	vst v63  }
0x5d: {  	_ =	swait.ge [sflag:s4], $0x4000  }
0x5e: {  	[sflag:s4] =	ssyncset.done $0x0  }
0x5f: {  	[sflag:s4] =	ssyncadd.s32 $0xFFFFC000  }
0x60: {  	[tilespmem:s6], [sflag:$0x1] =	stream.indirect.gather [hbm4b:s12+s5], $0x20, s5, s5, $0xb8;
	[tilespmem:$0x8400] =	vst v63  }
0x61: {  	_ =	swait.ge [sflag:s13], $0x4000  }
0x62: {  	[sflag:s13] =	ssyncset.done $0x0  }
0x63: {  	s24 =	sadd.s32 s0, s24;
	[sflag:s13] =	ssyncadd.s32 $0xFFFFC000  }
0x64: {  	[hbm4b:s24+s10] =	stream.strided.scatter [tilespmem:s8], [sflag:$0x3], $0x4000, s11, s10, $0x38;
	[tilespmem:$0x8400] =	vst v63  }
0x65: {  	_ =	swait.ge [sflag:s4], $0x4000  }
0x66: {  	[sflag:s4] =	ssyncset.done $0x0  }
0x67: {  	[sflag:s4] =	ssyncadd.s32 $0xFFFFC000  }
0x68: {  	[tilespmem:s8], [sflag:$0x2] =	stream.indirect.gather [hbm4b:s14+s5], $0x20, s5, s5, $0xb8;
	[tilespmem:$0x8400] =	vst v63  }
0x69: {  	_ =	swait.ge [sflag:s9], $0x4000  }
0x6a: {  	[sflag:s9] =	ssyncset.done $0x0  }
0x6b: {  	s25 =	sadd.s32 s0, s25;
	[sflag:s9] =	ssyncadd.s32 $0xFFFFC000  }
0x6c: {  	[hbm4b:s25+s10] =	stream.strided.scatter [tilespmem:s6], [sflag:$0x3], $0x4000, s11, s10, $0x38;
	[tilespmem:$0x8400] =	vst v63  }
0x6d: {  	_ =	swait.ge [sflag:s4], $0x4000  }
0x6e: {  	[sflag:s4] =	ssyncset.done $0x0  }
0x6f: {  	[sflag:s4] =	ssyncadd.s32 $0xFFFFC000  }
0x70: {  	[tilespmem:s6], [sflag:$0x1] =	stream.indirect.gather [hbm4b:s15+s5], $0x20, s5, s5, $0xb8;
	[tilespmem:$0x8400] =	vst v63  }
0x71: {  	_ =	swait.ge [sflag:s13], $0x4000  }
0x72: {  	[sflag:s13] =	ssyncset.done $0x0  }
0x73: {  	s26 =	sadd.s32 s0, s26;
	[sflag:s13] =	ssyncadd.s32 $0xFFFFC000  }
0x74: {  	[hbm4b:s26+s10] =	stream.strided.scatter [tilespmem:s8], [sflag:$0x3], $0x4000, s11, s10, $0x38;
	[tilespmem:$0x8400] =	vst v63  }
0x75: {  	_ =	swait.ge [sflag:s4], $0x4000  }
0x76: {  	[sflag:s4] =	ssyncset.done $0x0  }
0x77: {  	[sflag:s4] =	ssyncadd.s32 $0xFFFFC000  }
0x78: {  	[tilespmem:s8], [sflag:$0x2] =	stream.indirect.gather [hbm4b:s16+s5], $0x20, s5, s5, $0xb8;
	[tilespmem:$0x8400] =	vst v63  }
0x79: {  	_ =	swait.ge [sflag:s9], $0x4000  }
0x7a: {  	[sflag:s9] =	ssyncset.done $0x0  }
0x7b: {  	s28 =	sadd.s32 s0, s29;
	[sflag:s9] =	ssyncadd.s32 $0xFFFFC000  }
0x7c: {  	[hbm4b:s28+s10] =	stream.strided.scatter [tilespmem:s6], [sflag:$0x3], $0x4000, s11, s10, $0x38;
	[tilespmem:$0x8400] =	vst v63  }
0x7d: {  	_ =	swait.ge [sflag:s4], $0x4000  }
0x7e: {  	[sflag:s4] =	ssyncset.done $0x0  }
0x7f: {  	[sflag:s4] =	ssyncadd.s32 $0xFFFFC000  }
0x80: {  	[tilespmem:s6], [sflag:$0x1] =	stream.indirect.gather [hbm4b:s18+s5], $0x20, s5, s5, $0xb8;
	[tilespmem:$0x8400] =	vst v63  }
0x81: {  	_ =	swait.ge [sflag:s13], $0x4000  }
0x82: {  	[sflag:s13] =	ssyncset.done $0x0  }
0x83: {  	s29 =	sadd.s32 s0, s30;
	[sflag:s13] =	ssyncadd.s32 $0xFFFFC000  }
0x84: {  	[hbm4b:s29+s10] =	stream.strided.scatter [tilespmem:s8], [sflag:$0x3], $0x4000, s11, s10, $0x38;
	[tilespmem:$0x8400] =	vst v63  }
0x85: {  	_ =	swait.ge [sflag:s4], $0x4000  }
0x86: {  	[sflag:s4] =	ssyncset.done $0x0  }
0x87: {  	[sflag:s4] =	ssyncadd.s32 $0xFFFFC000  }
0x88: {  	[tilespmem:s8], [sflag:$0x2] =	stream.indirect.gather [hbm4b:s20+s5], $0x20, s5, s5, $0xb8;
	[tilespmem:$0x8400] =	vst v63  }
0x89: {  	_ =	swait.ge [sflag:s9], $0x4000  }
0x8a: {  	s30 =	sadd.s32 s0, s2;
	s2 =	ssub.s32 $0x2, s31;
	[sflag:s9] =	ssyncset.done $0x0  }
0x8b: {  	s31 =	sshrl.u32 s2, $0x1;
	[sflag:s9] =	ssyncadd.s32 $0xFFFFC000  }
0x8c: {  	[hbm4b:s30+s10] =	stream.strided.scatter [tilespmem:s6], [sflag:$0x3], $0x4000, s11, s10, $0x38;
	[tilespmem:$0x8400] =	vst v63  }
0x8d: {  	s2 =	ssub.s32 s2, s31;
	_ =	swait.ge [sflag:s4], $0x4000  }
0x8e: {  	s2 =	smax.u32 s2, $0x1;
	[sflag:s4] =	ssyncset.done $0x0  }
0x8f: {  	p0 =	sne.s32 s2, $0x1;
	[sflag:s4] =	ssyncadd.s32 $0xFFFFC000  }
.Ltmp0:
0x90: {  	_ =	swait.ge [sflag:s13], $0x4000;
	(pc) =	sbr.rel @!p0 .LBB2_2-.Ltmp0, $4  }
0x91: {  	[sflag:s13] =	ssyncset.done $0x0;
	s31 =	rddreg [dreg:$0xc]  }
0x92: {  	s31 =	sadd.s32 s0, s31;
	[sflag:s13] =	ssyncadd.s32 $0xFFFFC000  }
0x93: {  	[hbm4b:s31+s10] =	stream.strided.scatter [tilespmem:s8], [sflag:$0x3], $0x4000, s11, s10, $0x38;
	[tilespmem:$0x8400] =	vst v63  }
0x94: {  	s2 =	sadd.s32 $0xFFFFFFFF, s2;
	_ =	swait.ge [sflag:s4], $0x4000  }
.LBB2_1:
0x95: {  	[sflag:s4] =	ssyncset.done $0x0  }
0x96: {  	s0 =	rddreg [dreg:$0x6];
	[sflag:s4] =	ssyncadd.s32 $0xFFFFC000  }
0x97: {  	[tilespmem:s3], [sflag:$0x3] =	stream.linear.gather [hbm4b:s0+s3], $0x200, $0x38;
	[tilespmem:$0x8400] =	vst v63  }
0x98: {  	_ =	swait.ge [sflag:s4], $0x200  }
0x99: {  	[sflag:s4] =	ssyncset.done $0x0  }
0x9a: {  	s0 =	rddreg [dreg:$0x7];
	[sflag:s4] =	ssyncadd.s32 $0xFFFFFE00  }
0x9b: {  	[tilespmem:s5], [sflag:$0x3] =	stream.linear.gather [hbm4b:s0+s3], $0x200, $0x38;
	[tilespmem:$0x8400] =	vst v63  }
0x9c: {  	_ =	swait.ge [sflag:s4], $0x200  }
0x9d: {  	[sflag:s4] =	ssyncset.done $0x0  }
0x9e: {  	[sflag:s4] =	ssyncadd.s32 $0xFFFFFE00  }
0x9f: {  	[tilespmem:s6], [sflag:$0x1] =	stream.indirect.gather [hbm4b:s1+s5], $0x20, s3, s5, $0xb8;
	[tilespmem:$0x8400] =	vst v63  }
0xa0: {  	_ = 	snop  }
0xa1: {  	[tilespmem:s8], [sflag:$0x2] =	stream.indirect.gather [hbm4b:s7+s5], $0x20, s3, s5, $0xb8;
	[tilespmem:$0x8400] =	vst v63  }
0xa2: {  	_ =	swait.ge [sflag:s9], $0x4000  }
0xa3: {  	[sflag:s9] =	ssyncset.done $0x0  }
0xa4: {  	s0 =	rddreg [dreg:$0x8];
	[sflag:s9] =	ssyncadd.s32 $0xFFFFC000  }
0xa5: {  	[hbm4b:s0+s10] =	stream.strided.scatter [tilespmem:s6], [sflag:$0x3], $0x4000, s11, s10, $0x38;
	[tilespmem:$0x8400] =	vst v63  }
0xa6: {  	_ =	swait.ge [sflag:s4], $0x4000  }
0xa7: {  	[sflag:s4] =	ssyncset.done $0x0  }
0xa8: {  	[sflag:s4] =	ssyncadd.s32 $0xFFFFC000  }
0xa9: {  	[tilespmem:s6], [sflag:$0x1] =	stream.indirect.gather [hbm4b:s12+s5], $0x20, s3, s5, $0xb8;
	[tilespmem:$0x8400] =	vst v63  }
0xaa: {  	_ =	swait.ge [sflag:s13], $0x4000  }
0xab: {  	[sflag:s13] =	ssyncset.done $0x0  }
0xac: {  	s0 =	rddreg [dreg:$0x9];
	[sflag:s13] =	ssyncadd.s32 $0xFFFFC000  }
0xad: {  	[hbm4b:s0+s10] =	stream.strided.scatter [tilespmem:s8], [sflag:$0x3], $0x4000, s11, s10, $0x38;
	[tilespmem:$0x8400] =	vst v63  }
0xae: {  	_ =	swait.ge [sflag:s4], $0x4000  }
0xaf: {  	[sflag:s4] =	ssyncset.done $0x0  }
0xb0: {  	[sflag:s4] =	ssyncadd.s32 $0xFFFFC000  }
0xb1: {  	[tilespmem:s8], [sflag:$0x2] =	stream.indirect.gather [hbm4b:s14+s5], $0x20, s3, s5, $0xb8;
	[tilespmem:$0x8400] =	vst v63  }
0xb2: {  	_ =	swait.ge [sflag:s9], $0x4000  }
0xb3: {  	[sflag:s9] =	ssyncset.done $0x0  }
0xb4: {  	s0 =	rddreg [dreg:$0xa];
	[sflag:s9] =	ssyncadd.s32 $0xFFFFC000  }
0xb5: {  	[hbm4b:s0+s10] =	stream.strided.scatter [tilespmem:s6], [sflag:$0x3], $0x4000, s11, s10, $0x38;
	[tilespmem:$0x8400] =	vst v63  }
0xb6: {  	_ =	swait.ge [sflag:s4], $0x4000  }
0xb7: {  	[sflag:s4] =	ssyncset.done $0x0  }
0xb8: {  	[sflag:s4] =	ssyncadd.s32 $0xFFFFC000  }
0xb9: {  	[tilespmem:s6], [sflag:$0x1] =	stream.indirect.gather [hbm4b:s15+s5], $0x20, s3, s5, $0xb8;
	[tilespmem:$0x8400] =	vst v63  }
0xba: {  	_ =	swait.ge [sflag:s13], $0x4000  }
0xbb: {  	[sflag:s13] =	ssyncset.done $0x0  }
0xbc: {  	s0 =	rddreg [dreg:$0xb];
	[sflag:s13] =	ssyncadd.s32 $0xFFFFC000  }
0xbd: {  	[hbm4b:s0+s10] =	stream.strided.scatter [tilespmem:s8], [sflag:$0x3], $0x4000, s11, s10, $0x38;
	[tilespmem:$0x8400] =	vst v63  }
0xbe: {  	_ =	swait.ge [sflag:s4], $0x4000  }
0xbf: {  	[sflag:s4] =	ssyncset.done $0x0  }
0xc0: {  	[sflag:s4] =	ssyncadd.s32 $0xFFFFC000  }
0xc1: {  	[tilespmem:s8], [sflag:$0x2] =	stream.indirect.gather [hbm4b:s16+s5], $0x20, s3, s5, $0xb8;
	[tilespmem:$0x8400] =	vst v63  }
0xc2: {  	_ =	swait.ge [sflag:s9], $0x4000  }
0xc3: {  	[sflag:s9] =	ssyncset.done $0x0  }
0xc4: {  	[sflag:s9] =	ssyncadd.s32 $0xFFFFC000  }
0xc5: {  	[hbm4b:s17+s10] =	stream.strided.scatter [tilespmem:s6], [sflag:$0x3], $0x4000, s11, s10, $0x38;
	[tilespmem:$0x8400] =	vst v63  }
0xc6: {  	_ =	swait.ge [sflag:s4], $0x4000  }
0xc7: {  	[sflag:s4] =	ssyncset.done $0x0  }
0xc8: {  	[sflag:s4] =	ssyncadd.s32 $0xFFFFC000  }
0xc9: {  	[tilespmem:s6], [sflag:$0x1] =	stream.indirect.gather [hbm4b:s18+s5], $0x20, s3, s5, $0xb8;
	[tilespmem:$0x8400] =	vst v63  }
0xca: {  	_ =	swait.ge [sflag:s13], $0x4000  }
0xcb: {  	[sflag:s13] =	ssyncset.done $0x0  }
0xcc: {  	[sflag:s13] =	ssyncadd.s32 $0xFFFFC000  }
0xcd: {  	[hbm4b:s19+s10] =	stream.strided.scatter [tilespmem:s8], [sflag:$0x3], $0x4000, s11, s10, $0x38;
	[tilespmem:$0x8400] =	vst v63  }
0xce: {  	_ =	swait.ge [sflag:s4], $0x4000  }
0xcf: {  	[sflag:s4] =	ssyncset.done $0x0  }
0xd0: {  	[sflag:s4] =	ssyncadd.s32 $0xFFFFC000  }
0xd1: {  	[tilespmem:s8], [sflag:$0x2] =	stream.indirect.gather [hbm4b:s20+s5], $0x20, s3, s5, $0xb8;
	[tilespmem:$0x8400] =	vst v63  }
0xd2: {  	_ =	swait.ge [sflag:s9], $0x4000  }
0xd3: {  	[sflag:s9] =	ssyncset.done $0x0  }
0xd4: {  	[sflag:s9] =	ssyncadd.s32 $0xFFFFC000  }
0xd5: {  	[hbm4b:s21+s10] =	stream.strided.scatter [tilespmem:s6], [sflag:$0x3], $0x4000, s11, s10, $0x38;
	[tilespmem:$0x8400] =	vst v63  }
0xd6: {  	_ =	swait.ge [sflag:s4], $0x4000  }
0xd7: {  	[sflag:s4] =	ssyncset.done $0x0  }
0xd8: {  	[sflag:s4] =	ssyncadd.s32 $0xFFFFC000  }
0xd9: {  	[tilespmem:s6], [sflag:$0x1] =	stream.indirect.gather [hbm4b:s1+s5], $0x20, s5, s5, $0xb8;
	[tilespmem:$0x8400] =	vst v63  }
0xda: {  	_ =	swait.ge [sflag:s13], $0x4000  }
0xdb: {  	[sflag:s13] =	ssyncset.done $0x0  }
0xdc: {  	[sflag:s13] =	ssyncadd.s32 $0xFFFFC000  }
0xdd: {  	[hbm4b:s22+s10] =	stream.strided.scatter [tilespmem:s8], [sflag:$0x3], $0x4000, s11, s10, $0x38;
	[tilespmem:$0x8400] =	vst v63  }
0xde: {  	_ =	swait.ge [sflag:s4], $0x4000  }
0xdf: {  	[sflag:s4] =	ssyncset.done $0x0  }
0xe0: {  	[sflag:s4] =	ssyncadd.s32 $0xFFFFC000  }
0xe1: {  	[tilespmem:s8], [sflag:$0x2] =	stream.indirect.gather [hbm4b:s7+s5], $0x20, s5, s5, $0xb8;
	[tilespmem:$0x8400] =	vst v63  }
0xe2: {  	_ =	swait.ge [sflag:s9], $0x4000  }
0xe3: {  	[sflag:s9] =	ssyncset.done $0x0  }
0xe4: {  	[sflag:s9] =	ssyncadd.s32 $0xFFFFC000  }
0xe5: {  	[hbm4b:s23+s10] =	stream.strided.scatter [tilespmem:s6], [sflag:$0x3], $0x4000, s11, s10, $0x38;
	[tilespmem:$0x8400] =	vst v63  }
0xe6: {  	_ =	swait.ge [sflag:s4], $0x4000  }
0xe7: {  	[sflag:s4] =	ssyncset.done $0x0  }
0xe8: {  	[sflag:s4] =	ssyncadd.s32 $0xFFFFC000  }
0xe9: {  	[tilespmem:s6], [sflag:$0x1] =	stream.indirect.gather [hbm4b:s12+s5], $0x20, s5, s5, $0xb8;
	[tilespmem:$0x8400] =	vst v63  }
0xea: {  	_ =	swait.ge [sflag:s13], $0x4000  }
0xeb: {  	[sflag:s13] =	ssyncset.done $0x0  }
0xec: {  	[sflag:s13] =	ssyncadd.s32 $0xFFFFC000  }
0xed: {  	[hbm4b:s24+s10] =	stream.strided.scatter [tilespmem:s8], [sflag:$0x3], $0x4000, s11, s10, $0x38;
	[tilespmem:$0x8400] =	vst v63  }
0xee: {  	_ =	swait.ge [sflag:s4], $0x4000  }
0xef: {  	[sflag:s4] =	ssyncset.done $0x0  }
0xf0: {  	[sflag:s4] =	ssyncadd.s32 $0xFFFFC000  }
0xf1: {  	[tilespmem:s8], [sflag:$0x2] =	stream.indirect.gather [hbm4b:s14+s5], $0x20, s5, s5, $0xb8;
	[tilespmem:$0x8400] =	vst v63  }
0xf2: {  	_ =	swait.ge [sflag:s9], $0x4000  }
0xf3: {  	[sflag:s9] =	ssyncset.done $0x0  }
0xf4: {  	[sflag:s9] =	ssyncadd.s32 $0xFFFFC000  }
0xf5: {  	[hbm4b:s25+s10] =	stream.strided.scatter [tilespmem:s6], [sflag:$0x3], $0x4000, s11, s10, $0x38;
	[tilespmem:$0x8400] =	vst v63  }
0xf6: {  	_ =	swait.ge [sflag:s4], $0x4000  }
0xf7: {  	[sflag:s4] =	ssyncset.done $0x0  }
0xf8: {  	[sflag:s4] =	ssyncadd.s32 $0xFFFFC000  }
0xf9: {  	[tilespmem:s6], [sflag:$0x1] =	stream.indirect.gather [hbm4b:s15+s5], $0x20, s5, s5, $0xb8;
	[tilespmem:$0x8400] =	vst v63  }
0xfa: {  	_ =	swait.ge [sflag:s13], $0x4000  }
0xfb: {  	[sflag:s13] =	ssyncset.done $0x0  }
0xfc: {  	[sflag:s13] =	ssyncadd.s32 $0xFFFFC000  }
0xfd: {  	[hbm4b:s26+s10] =	stream.strided.scatter [tilespmem:s8], [sflag:$0x3], $0x4000, s11, s10, $0x38;
	[tilespmem:$0x8400] =	vst v63  }
0xfe: {  	_ =	swait.ge [sflag:s4], $0x4000  }
0xff: {  	[sflag:s4] =	ssyncset.done $0x0  }
0x100: {  	[sflag:s4] =	ssyncadd.s32 $0xFFFFC000  }
0x101: {  	[tilespmem:s8], [sflag:$0x2] =	stream.indirect.gather [hbm4b:s16+s5], $0x20, s5, s5, $0xb8;
	[tilespmem:$0x8400] =	vst v63  }
0x102: {  	_ =	swait.ge [sflag:s9], $0x4000  }
0x103: {  	[sflag:s9] =	ssyncset.done $0x0  }
0x104: {  	[sflag:s9] =	ssyncadd.s32 $0xFFFFC000  }
0x105: {  	[hbm4b:s28+s10] =	stream.strided.scatter [tilespmem:s6], [sflag:$0x3], $0x4000, s11, s10, $0x38;
	[tilespmem:$0x8400] =	vst v63  }
0x106: {  	_ =	swait.ge [sflag:s4], $0x4000  }
0x107: {  	[sflag:s4] =	ssyncset.done $0x0  }
0x108: {  	[sflag:s4] =	ssyncadd.s32 $0xFFFFC000  }
0x109: {  	[tilespmem:s6], [sflag:$0x1] =	stream.indirect.gather [hbm4b:s18+s5], $0x20, s5, s5, $0xb8;
	[tilespmem:$0x8400] =	vst v63  }
0x10a: {  	_ =	swait.ge [sflag:s13], $0x4000  }
0x10b: {  	[sflag:s13] =	ssyncset.done $0x0  }
0x10c: {  	[sflag:s13] =	ssyncadd.s32 $0xFFFFC000  }
0x10d: {  	[hbm4b:s29+s10] =	stream.strided.scatter [tilespmem:s8], [sflag:$0x3], $0x4000, s11, s10, $0x38;
	[tilespmem:$0x8400] =	vst v63  }
0x10e: {  	_ =	swait.ge [sflag:s4], $0x4000  }
0x10f: {  	[sflag:s4] =	ssyncset.done $0x0  }
0x110: {  	[sflag:s4] =	ssyncadd.s32 $0xFFFFC000  }
0x111: {  	[tilespmem:s8], [sflag:$0x2] =	stream.indirect.gather [hbm4b:s20+s5], $0x20, s5, s5, $0xb8;
	[tilespmem:$0x8400] =	vst v63  }
0x112: {  	_ =	swait.ge [sflag:s9], $0x4000  }
0x113: {  	[sflag:s9] =	ssyncset.done $0x0  }
0x114: {  	[sflag:s9] =	ssyncadd.s32 $0xFFFFC000  }
0x115: {  	[hbm4b:s30+s10] =	stream.strided.scatter [tilespmem:s6], [sflag:$0x3], $0x4000, s11, s10, $0x38;
	[tilespmem:$0x8400] =	vst v63  }
0x116: {  	_ =	swait.ge [sflag:s4], $0x4000  }
0x117: {  	[sflag:s4] =	ssyncset.done $0x0  }
0x118: {  	p0 =	sne.s32 s2, $0x1;
	[sflag:s4] =	ssyncadd.s32 $0xFFFFC000  }
.Ltmp1:
0x119: {  	_ =	swait.ge [sflag:s13], $0x4000;
	(pc) =	sbr.rel @p0 .LBB2_1-.Ltmp1, $4  }
0x11a: {  	[sflag:s13] =	ssyncset.done $0x0  }
0x11b: {  	[sflag:s13] =	ssyncadd.s32 $0xFFFFC000  }
0x11c: {  	[hbm4b:s31+s10] =	stream.strided.scatter [tilespmem:s8], [sflag:$0x3], $0x4000, s11, s10, $0x38;
	[tilespmem:$0x8400] =	vst v63  }
0x11d: {  	s2 =	sadd.s32 $0xFFFFFFFF, s2;
	_ =	swait.ge [sflag:s4], $0x4000  }
.LBB2_2:
0x11e: {  	[sflag:s4] =	ssyncset.done $0x0  }
0x11f: {  	[sflag:s4] =	ssyncadd.s32 $0xFFFFC000  }
0x120: {  	_ =	sfence.sel $0x180000  }
0x121: {  	[bflag:$0x0] =	sbarrier.arrive $0xFFFF  }
0x122: {  	_ =	strace $0x90000050  }
0x123: {  	s0 =	stileid.u32;
	[bflag:$0x2] =	sbarrier.arrive $0xFFFF  }
0x124: {  	p0 =	sne.s32 s0, $0x0;
	s0 =	rddreg [dreg:$0x5]  }
0x125: {  	s0 =	sadd.s32 @!p0 $0x100000, s0  }
0x126: {  	[sflag:s0] =	ssyncadd.tile.s32 @!p0 $0x1;
	_ =	shalt  }
.Lfunc_end2:
_tile_overlayer_lowered:
.L_overlay_start_2:
0x127: {  	(tag) =	ssettag $0x2  }
0x128: {  	s0 =	rddreg [dreg:$0x0];
	s2 =	stileid.u32  }
0x129: {  	s1 =	rddreg [dreg:$0x1];
	p0 =	sne.s32 s2, $0x0  }
0x12a: {  	s3 =	rddreg [dreg:$0x2];
	[bflag:$0x3] =	sbarrier.arrive $0xFFFF;
	s2 =	simm.s32 @!p0 $0x1C03  }
0x12b: {  	[timem:s3], [sflag:s2] =	dma.local @!p0 [hbm:s0], s1  }
0x12c: {  	s0 =	simm.s32 @!p0 $0x3  }
0x12d: {  	_ =	swait.ge @!p0 [sflag:s0], s1  }
0x12e: {  	s1 =	ssub.s32 @!p0 $0x0, s1;
	[sflag:s0] =	ssyncset.done @!p0 $0x0  }
0x12f: {  	[sflag:s0] =	ssyncadd.s32 @!p0 s1  }
0x130: {  	[bflag:$0x3] =	sbarrier.arrive $0xFFFF  }
0x131: {  	_ =	shalt  }

</sc_bundles>
